<compile_context>
chip_gen: v7x
topology: tpu7x:2x2x1
jax: 0.10.2.dev20260603
libtpu: 0.0.44.dev20260713+nightly
codegen_flags: <defaults>
</compile_context>

<pallas_src>
import functools

import jax
import jax.numpy as jnp
from jax import lax
from jax.experimental import pallas as pl
from jax.experimental.pallas import tpu as pltpu
from jax.experimental.pallas import tpu_sc as plsc

_B, _P, _T = 32, 6375, 10
_L = 16
_PP = 6384
_NCH = _PP // _L
_NC, _NS = 2, 16
_LN2 = 0.6931471805599453


def _fastlog(x):
    b = lax.bitcast_convert_type(x, jnp.int32)
    e = jnp.right_shift(b, 23) - 127
    m = lax.bitcast_convert_type(
        jnp.bitwise_or(jnp.bitwise_and(b, 0x007FFFFF), 0x3F800000), jnp.float32)
    big = m > 1.3333334
    m = jnp.where(big, m * 0.5, m)
    e = (e + jnp.where(big, 1, 0)).astype(jnp.float32)
    s = (m - 1.0) / (m + 1.0)
    s2 = s * s
    p = 2.0 * s * (1.0 + s2 * (0.33333333 + s2 * (0.2 + s2 * 0.14285714)))
    return e * _LN2 + p


def _sc_body(pri_h, loc_h, conf_h, tgt_h, out_h,
             pri_v, loc_v, conf_v, tgt_v, bto_v, bti_v, rb_v, o_v, sem):
    wid = lax.axis_index("s") * _NC + lax.axis_index("c")
    cp_loc = pltpu.async_copy(loc_h.at[wid], loc_v, sem)
    cp_conf = pltpu.async_copy(conf_h.at[wid], conf_v, sem)
    pltpu.sync_copy(pri_h, pri_v)
    pltpu.sync_copy(tgt_h.at[wid], tgt_v.at[pl.ds(0, 5)])

    iota = lax.iota(jnp.int32, _L)

    tx1v, ty1v, tx2v, ty2v = (tgt_v[1, :], tgt_v[2, :], tgt_v[3, :], tgt_v[4, :])
    tgt_v[5, :] = (tx2v - tx1v) * (ty2v - ty1v)

    def bc(row, t):
        return plsc.load_gather(
            tgt_v, [jnp.full((_L,), row, jnp.int32), jnp.full((_L,), t, jnp.int32)])

    tb = [(bc(1, t), bc(2, t), bc(3, t), bc(4, t), bc(5, t)) for t in range(_T)]

    def chunk1(c, carry):
        maxs, idxs = carry
        base = c * _L
        cx = pri_v[0, pl.ds(base, _L)]
        cy = pri_v[1, pl.ds(base, _L)]
        w = pri_v[2, pl.ds(base, _L)]
        h = pri_v[3, pl.ds(base, _L)]
        x1 = cx - 0.5 * w
        y1 = cy - 0.5 * h
        x2 = cx + 0.5 * w
        y2 = cy + 0.5 * h
        pa = w * h
        bto = jnp.full((_L,), -1.0, jnp.float32)
        bti = jnp.zeros((_L,), jnp.int32)
        maxs2, idxs2 = [], []
        for t in range(_T):
            tx1, ty1, tx2, ty2, ta = tb[t]
            iw = jnp.maximum(jnp.minimum(tx2, x2) - jnp.maximum(tx1, x1), 0.0)
            ih = jnp.maximum(jnp.minimum(ty2, y2) - jnp.maximum(ty1, y1), 0.0)
            inter = iw * ih
            ov = inter / (ta + pa - inter)
            g = ov > bto
            bti = jnp.where(g, t, bti)
            bto = jnp.maximum(bto, ov)
            g2 = ov > maxs[t]
            idxs2.append(jnp.where(g2, base + iota, idxs[t]))
            maxs2.append(jnp.maximum(maxs[t], ov))
        bto_v[pl.ds(base, _L)] = bto
        bti_v[pl.ds(base, _L)] = bti
        return tuple(maxs2), tuple(idxs2)

    init = (tuple(jnp.full((_L,), -2.0, jnp.float32) for _ in range(_T)),
            tuple(jnp.zeros((_L,), jnp.int32) for _ in range(_T)))
    maxs, idxs = lax.fori_loop(0, _NCH, chunk1, init, unroll=3)

    bps = []
    for t in range(_T):
        m = jnp.max(maxs[t])
        bps.append(jnp.min(jnp.where(maxs[t] == m, idxs[t], jnp.int32(2**30))))
    bps_vec = jnp.zeros((_L,), jnp.int32)
    for t in range(_T):
        bps_vec = jnp.where(iota == t, bps[t], bps_vec)
    eff = jnp.zeros((_L,), jnp.int32)
    for t in range(_T):
        eff = jnp.where(bps_vec == bps[t], t, eff)
    lane_ok = iota < _T
    plsc.store_scatter(bto_v, [bps_vec], jnp.full((_L,), 2.0, jnp.float32),
                       mask=lane_ok)
    plsc.store_scatter(bti_v, [bps_vec], eff, mask=lane_ok)
    cp_loc.wait()
    cp_conf.wait()

    def chunk2(c, carry):
        sl1a, cepa, npa = carry
        base = c * _L
        valid = (base + iota) < _P
        bto = bto_v[pl.ds(base, _L)]
        posv = jnp.logical_and(bto >= 0.5, valid)
        c0 = conf_v[0, pl.ds(base, _L)]
        c1 = conf_v[1, pl.ds(base, _L)]
        dd = c1 - c0
        sp = _fastlog(1.0 + jnp.exp(-jnp.abs(dd)))
        r = jnp.maximum(dd, 0.0) + sp
        rb = jnp.where(posv, 0, lax.bitcast_convert_type(r, jnp.int32))
        rb_v[pl.ds(base, _L)] = jnp.where(valid, rb, -1)
        npa = npa + jnp.where(posv, 1.0, 0.0)

        def with_pos(ops):
            acc, cepa = ops
            bti = bti_v[pl.ds(base, _L)]
            mx1 = plsc.load_gather(tgt_v, [jnp.full((_L,), 1, jnp.int32), bti])
            my1 = plsc.load_gather(tgt_v, [jnp.full((_L,), 2, jnp.int32), bti])
            mx2 = plsc.load_gather(tgt_v, [jnp.full((_L,), 3, jnp.int32), bti])
            my2 = plsc.load_gather(tgt_v, [jnp.full((_L,), 4, jnp.int32), bti])
            cx = pri_v[0, pl.ds(base, _L)]
            cy = pri_v[1, pl.ds(base, _L)]
            w = pri_v[2, pl.ds(base, _L)]
            h = pri_v[3, pl.ds(base, _L)]
            g0 = ((mx1 + mx2) * 0.5 - cx) / (0.1 * w)
            g1 = ((my1 + my2) * 0.5 - cy) / (0.1 * h)
            g2 = _fastlog((mx2 - mx1) / w) / 0.2
            g3 = _fastlog((my2 - my1) / h) / 0.2
            for j, g in enumerate((g0, g1, g2, g3)):
                d = loc_v[j, pl.ds(base, _L)] - g
                ad = jnp.abs(d)
                e = jnp.where(ad < 1.0, 0.5 * d * d, ad - 0.5)
                acc = acc + jnp.where(posv, e, 0.0)
            cep = jnp.maximum(-dd, 0.0) + sp
            return acc, cepa + jnp.where(posv, cep, 0.0)

        sl1a, cepa = lax.cond(jnp.any(posv), with_pos, lambda o: o, (sl1a, cepa))
        return sl1a, cepa, npa

    z = jnp.zeros((_L,), jnp.float32)
    sl1a, cepa, npa = lax.fori_loop(0, _NCH, chunk2, (z, z, z), unroll=3)
    lsum = jnp.sum(sl1a)
    cepsum = jnp.sum(cepa)
    np_s = jnp.sum(npa)
    k = jnp.clip(3 * np_s.astype(jnp.int32), 2, _P - 1)

    def bs(i, lohi):
        lo, hi = lohi
        mid = lo + jnp.right_shift(hi - lo + 1, 1)

        def cnt_chunk(c, a):
            return a + plsc.all_reduce_population_count(rb_v[pl.ds(c * _L, _L)] >= mid)

        cnt = jnp.max(lax.fori_loop(0, _NCH, cnt_chunk, jnp.zeros((_L,), jnp.int32), unroll=7))
        take = cnt >= k
        return jnp.where(take, mid, lo), jnp.where(take, hi, mid - 1)

    lo, _ = lax.fori_loop(0, 31, bs, (jnp.int32(0), jnp.int32(0x7F000000)))

    def chunk3(c, carry):
        ca, sa = carry
        rb = rb_v[pl.ds(c * _L, _L)]
        gt = rb > lo
        ca = ca + jnp.where(gt, 1, 0)
        sa = sa + jnp.where(gt, lax.bitcast_convert_type(rb, jnp.float32), 0.0)
        return ca, sa

    ca, sa = lax.fori_loop(0, _NCH, chunk3,
                           (jnp.zeros((_L,), jnp.int32), jnp.zeros((_L,), jnp.float32)),
                           unroll=7)
    c_gt = jnp.sum(ca)
    s_gt = jnp.sum(sa)
    tf = lax.bitcast_convert_type(lo, jnp.float32)
    tpos = lo > 0
    negsum = s_gt + jnp.where(tpos, (k - c_gt).astype(jnp.float32) * tf, 0.0)
    nb = np_s + jnp.where(tpos, k, c_gt).astype(jnp.float32)

    outv = jnp.where(iota == 0, lsum,
                     jnp.where(iota == 1, cepsum + negsum,
                               jnp.where(iota == 2, nb, 0.0)))
    o_v[...] = outv
    pltpu.sync_copy(o_v, out_h.at[wid])


@jax.jit
def kernel(arm_loc, arm_conf, odm_loc, odm_conf, priors, targets):
    del odm_loc, odm_conf
    pad = _PP - _P
    pri_t = jnp.concatenate(
        [priors.T, jnp.broadcast_to(jnp.array([-100.0, -100.0, 0.01, 0.01],
                                              jnp.float32)[:, None], (4, pad))], axis=1)
    tgt_t = jnp.pad(targets.transpose(0, 2, 1), ((0, 0), (0, 0), (0, _L - _T)))

    kern = functools.partial(
        pl.kernel,
        out_type=jax.ShapeDtypeStruct((_B, _L), jnp.float32),
        mesh=plsc.VectorSubcoreMesh(core_axis_name="c", subcore_axis_name="s",
                                    num_cores=_NC, num_subcores=_NS),
        scratch_types=[
            pltpu.VMEM((4, _PP), jnp.float32),
            pltpu.VMEM((4, _PP), jnp.float32),
            pltpu.VMEM((2, _PP), jnp.float32),
            pltpu.VMEM((6, _L), jnp.float32),
            pltpu.VMEM((_PP,), jnp.float32),
            pltpu.VMEM((_PP,), jnp.int32),
            pltpu.VMEM((_PP,), jnp.int32),
            pltpu.VMEM((_L,), jnp.float32),
            pltpu.SemaphoreType.DMA,
        ],
        compiler_params=pltpu.CompilerParams(needs_layout_passes=False,
                                            disable_bounds_checks=True),
    )(_sc_body)
    loc_t = jnp.pad(arm_loc.transpose(0, 2, 1), ((0, 0), (0, 0), (0, pad)))
    conf_t = jnp.pad(arm_conf.transpose(0, 2, 1), ((0, 0), (0, 0), (0, pad)))
    parts = kern(pri_t, loc_t, conf_t, tgt_t)
    n = jnp.sum(parts[:, 2])
    return jnp.sum(parts[:, 0]) / n, jnp.sum(parts[:, 1]) / n

# --- scband reference (transcript-rebuilt; emitter-appended) ---
"""Pipeline reference for scband-refine-multi-box-loss-7507602834089 (READ-ONLY COPY).

The authoritative reference and input builder live on the scoring server;
editing this copy changes nothing except your own understanding.
"""

import jax, jax.numpy as jnp
import numpy as np
from jax.scipy.special import logsumexp

THRESHOLD = 0.5
NEG_RATIO = 3
VARIANCES = (0.1, 0.2)


def point_form(p):
    return jnp.concatenate([p[:, :2] - p[:, 2:] / 2.0, p[:, :2] + p[:, 2:] / 2.0], axis=1)


def jaccard(a, b):
    max_xy = jnp.minimum(a[:, None, 2:], b[None, :, 2:])
    min_xy = jnp.maximum(a[:, None, :2], b[None, :, :2])
    inter = jnp.clip(max_xy - min_xy, 0.0, None)
    inter = inter[..., 0] * inter[..., 1]
    area_a = ((a[:, 2] - a[:, 0]) * (a[:, 3] - a[:, 1]))[:, None]
    area_b = ((b[:, 2] - b[:, 0]) * (b[:, 3] - b[:, 1]))[None, :]
    return inter / (area_a + area_b - inter)


def encode(matched, priors, variances):
    g_cxcy = (matched[:, :2] + matched[:, 2:]) / 2.0 - priors[:, :2]
    g_cxcy = g_cxcy / (variances[0] * priors[:, 2:])
    g_wh = jnp.log((matched[:, 2:] - matched[:, :2]) / priors[:, 2:]) / variances[1]
    return jnp.concatenate([g_cxcy, g_wh], axis=1)


def match_one(truths, labels, priors):
    pri_xyxy = point_form(priors)
    overlaps = jaccard(truths, pri_xyxy)
    best_prior_idx = jnp.argmax(overlaps, axis=1)
    best_truth_overlap = jnp.max(overlaps, axis=0)
    best_truth_idx = jnp.argmax(overlaps, axis=0)
    best_truth_overlap = best_truth_overlap.at[best_prior_idx].set(2.0)
    best_truth_idx = best_truth_idx.at[best_prior_idx].set(jnp.arange(truths.shape[0]))
    matches = truths[best_truth_idx]
    conf = labels[best_truth_idx]
    conf = jnp.where(best_truth_overlap < THRESHOLD, 0.0, conf)
    loc = encode(matches, priors, VARIANCES)
    return loc, conf


def _forward(arm_loc, arm_conf, odm_loc, odm_conf, priors, targets):
    # is_solve_odm=False: use ARM branch, num_classes=2
    priors = jax.lax.stop_gradient(priors)
    targets = jax.lax.stop_gradient(targets)
    loc_data, conf_data = arm_loc, arm_conf
    B = loc_data.shape[0]
    P = priors.shape[0]
    num_classes = 2
    truths = targets[:, :, 1:]
    labels = (targets[:, :, 0] > 0).astype(jnp.float32)
    encode_loc, encode_conf = jax.vmap(lambda t, l: match_one(t, l, priors))(truths, labels)
    # encode_conf[encode_conf > 0] = 1 (already 0/1 from boolean labels)
    encode_conf = jnp.where(encode_conf > 0, 1.0, 0.0)
    pos = encode_conf > 0
    # localization smooth-L1 over positives, sum reduction
    diff = loc_data - encode_loc
    ad = jnp.abs(diff)
    sl1 = jnp.where(ad < 1.0, 0.5 * diff * diff, ad - 0.5)
    loss_l = jnp.sum(sl1 * pos[..., None].astype(loc_data.dtype))
    # hard negative mining
    batch_conf = conf_data.reshape(-1, num_classes)
    tgt_flat = encode_conf.astype(jnp.int32).reshape(-1)
    conf_logP = logsumexp(batch_conf, axis=1) - jnp.take_along_axis(batch_conf, tgt_flat[:, None], axis=1)[:, 0]
    conf_logP = jnp.where(pos.reshape(-1), 0.0, conf_logP)
    conf_logP = conf_logP.reshape(B, -1)
    index = jnp.argsort(-conf_logP, axis=1)
    index_rank = jnp.argsort(index, axis=1)
    num_pos = jnp.sum(pos.astype(jnp.int32), axis=1, keepdims=True)
    num_neg = jnp.clip(NEG_RATIO * num_pos, 2, P - 1)
    neg = index_rank < num_neg
    sel = jnp.logical_or(pos, neg)
    # cross entropy (sum) over selected pos+neg entries
    ce = logsumexp(conf_data, axis=2) - jnp.take_along_axis(conf_data, encode_conf.astype(jnp.int32)[..., None], axis=2)[..., 0]
    loss_c = jnp.sum(ce * sel.astype(conf_data.dtype))
    N = jnp.sum(sel).astype(jnp.float32)
    return loss_l / N, loss_c / N


def setup_inputs(seed: int = 0) -> dict:
    key = jax.random.key(seed)
    ks = jax.random.split(key, 8)
    B, P, T = 32, 6375, 10
    arm_loc = jax.random.normal(ks[0], (B, P, 4), jnp.float32)
    arm_conf = jax.random.normal(ks[1], (B, P, 2), jnp.float32)
    odm_loc = jax.random.normal(ks[2], (B, P, 4), jnp.float32)
    odm_conf = jax.random.normal(ks[3], (B, P, 2), jnp.float32)
    # priors in center-size form (cx, cy, w, h), all positive
    pcxy = jax.random.uniform(ks[4], (P, 2), minval=0.05, maxval=0.95)
    pwh = jax.random.uniform(ks[5], (P, 2), minval=0.05, maxval=0.5)
    priors = jnp.concatenate([pcxy, pwh], axis=1).astype(jnp.float32)
    # targets: [label, x1, y1, x2, y2] with valid boxes and labels >= 1
    tcxy = jax.random.uniform(ks[6], (B, T, 2), minval=0.2, maxval=0.8)
    twh = jax.random.uniform(ks[7], (B, T, 2), minval=0.05, maxval=0.3)
    x1y1 = tcxy - twh / 2.0
    x2y2 = tcxy + twh / 2.0
    labels = jnp.ones((B, T, 1), jnp.float32)
    targets = jnp.concatenate([labels, x1y1, x2y2], axis=2).astype(jnp.float32)
    return {"arm_loc": arm_loc, "arm_conf": arm_conf, "odm_loc": odm_loc, "odm_conf": odm_conf, "priors": priors, "targets": targets}


def reference(arm_loc, arm_conf, odm_loc, odm_conf, priors, targets):
    return _forward(arm_loc, arm_conf, odm_loc, odm_conf, priors, targets)

if __name__ == "__main__":
    import jax
    _d = setup_inputs()
    print(jax.jit(kernel)(*tuple(_d.values())))

</pallas_src>

<mosaic_0001>
#map = affine_map<(d0, d1) -> (0, 0)>
#map1 = affine_map<(d0, d1) -> (0, 0, 0)>
module attributes {stable_mosaic.version = 14 : i64} {
  func.func @_sc_body(%arg0: i32, %arg1: i32, %arg2: memref<4x6384xf32, #tpu.memory_space<hbm>>, %arg3: memref<32x4x6384xf32, #tpu.memory_space<hbm>>, %arg4: memref<32x2x6384xf32, #tpu.memory_space<hbm>>, %arg5: memref<32x5x16xf32, #tpu.memory_space<hbm>>, %arg6: memref<32x16xf32, #tpu.memory_space<hbm>>, %arg7: memref<4x6384xf32, #tpu.memory_space<vmem>>, %arg8: memref<4x6384xf32, #tpu.memory_space<vmem>>, %arg9: memref<2x6384xf32, #tpu.memory_space<vmem>>, %arg10: memref<6x16xf32, #tpu.memory_space<vmem>>, %arg11: memref<6384xf32, #tpu.memory_space<vmem>>, %arg12: memref<6384xi32, #tpu.memory_space<vmem>>, %arg13: memref<6384xi32, #tpu.memory_space<vmem>>, %arg14: memref<16xf32, #tpu.memory_space<vmem>>, %arg15: memref<!tpu.dma_semaphore, #tpu.memory_space<semaphore_mem>>) attributes {dimension_semantics = [#tpu.dimension_semantics<core_parallel>, #tpu.dimension_semantics<subcore_parallel>], iteration_bounds = array<i64: 2, 16>, scalar_prefetch = 0 : i64, scratch_operands = 9 : i64, tpu.core_type = #tpu.core_type<sc_vector_subcore>, window_params = [{transform_indices = #map}, {transform_indices = #map1}, {transform_indices = #map1}, {transform_indices = #map1}, {transform_indices = #map}]} {
    %mul3A = arith.constant 2 : i32
    %mul3A_0 = arith.muli %arg1, %mul3A : i32
    %add3A = arith.addi %mul3A_0, %arg0 : i32
    %dma_start3A = arith.constant 0 : i32
    %dma_start3A_1 = arith.constant 0 : i32
    %dma_start3A_2 = tpu.memref_slice %arg3[%add3A, %dma_start3A, %dma_start3A_1] : memref<32x4x6384xf32, #tpu.memory_space<hbm>> -> memref<1x4x6384xf32, #tpu.memory_space<hbm>>
    %dma_start3A_3 = tpu.memref_squeeze %dma_start3A_2 : memref<1x4x6384xf32, #tpu.memory_space<hbm>> -> memref<4x6384xf32, #tpu.memory_space<hbm>>
    %dma_start3A_4 = arith.constant 0 : i32
    %dma_start3A_5 = arith.constant 0 : i32
    %dma_start3A_6 = tpu.memref_slice %arg3[%add3A, %dma_start3A_4, %dma_start3A_5] : memref<32x4x6384xf32, #tpu.memory_space<hbm>> -> memref<1x4x6384xf32, #tpu.memory_space<hbm>>
    %dma_start3A_7 = tpu.memref_squeeze %dma_start3A_6 : memref<1x4x6384xf32, #tpu.memory_space<hbm>> -> memref<4x6384xf32, #tpu.memory_space<hbm>>
    tpu.enqueue_dma source(%dma_start3A_7 : memref<4x6384xf32, #tpu.memory_space<hbm>>) target(%arg8 : memref<4x6384xf32, #tpu.memory_space<vmem>>) target_semaphore(%arg15 : memref<!tpu.dma_semaphore, #tpu.memory_space<semaphore_mem>>)
    %dma_start3A_8 = arith.constant 0 : i32
    %dma_start3A_9 = arith.constant 0 : i32
    %dma_start3A_10 = tpu.memref_slice %arg4[%add3A, %dma_start3A_8, %dma_start3A_9] : memref<32x2x6384xf32, #tpu.memory_space<hbm>> -> memref<1x2x6384xf32, #tpu.memory_space<hbm>>
    %dma_start3A_11 = tpu.memref_squeeze %dma_start3A_10 : memref<1x2x6384xf32, #tpu.memory_space<hbm>> -> memref<2x6384xf32, #tpu.memory_space<hbm>>
    %dma_start3A_12 = arith.constant 0 : i32
    %dma_start3A_13 = arith.constant 0 : i32
    %dma_start3A_14 = tpu.memref_slice %arg4[%add3A, %dma_start3A_12, %dma_start3A_13] : memref<32x2x6384xf32, #tpu.memory_space<hbm>> -> memref<1x2x6384xf32, #tpu.memory_space<hbm>>
    %dma_start3A_15 = tpu.memref_squeeze %dma_start3A_14 : memref<1x2x6384xf32, #tpu.memory_space<hbm>> -> memref<2x6384xf32, #tpu.memory_space<hbm>>
    tpu.enqueue_dma source(%dma_start3A_15 : memref<2x6384xf32, #tpu.memory_space<hbm>>) target(%arg9 : memref<2x6384xf32, #tpu.memory_space<vmem>>) target_semaphore(%arg15 : memref<!tpu.dma_semaphore, #tpu.memory_space<semaphore_mem>>)
    "tpu.region"() ({
      %run_scoped3A = tpu.sem_alloc : memref<!tpu.dma_semaphore, #tpu.memory_space<semaphore_mem>>
      tpu.enqueue_dma source(%arg2 : memref<4x6384xf32, #tpu.memory_space<hbm>>) target(%arg7 : memref<4x6384xf32, #tpu.memory_space<vmem>>) target_semaphore(%run_scoped3A : memref<!tpu.dma_semaphore, #tpu.memory_space<semaphore_mem>>)
      tpu.wait_dma2 semaphore(%run_scoped3A : memref<!tpu.dma_semaphore, #tpu.memory_space<semaphore_mem>>) src(%arg2 : memref<4x6384xf32, #tpu.memory_space<hbm>>) dst(%arg7 : memref<4x6384xf32, #tpu.memory_space<vmem>>)
      tpu.yield
    }) : () -> ()
    "tpu.region"() ({
      %run_scoped3A = tpu.sem_alloc : memref<!tpu.dma_semaphore, #tpu.memory_space<semaphore_mem>>
      %dma_start3A_696 = arith.constant 0 : i32
      %dma_start3A_697 = arith.constant 0 : i32
      %dma_start3A_698 = tpu.memref_slice %arg10[%dma_start3A_696, %dma_start3A_697] : memref<6x16xf32, #tpu.memory_space<vmem>> -> memref<5x16xf32, #tpu.memory_space<vmem>>
      %dma_start3A_699 = arith.constant 0 : i32
      %dma_start3A_700 = arith.constant 0 : i32
      %dma_start3A_701 = tpu.memref_slice %arg5[%add3A, %dma_start3A_699, %dma_start3A_700] : memref<32x5x16xf32, #tpu.memory_space<hbm>> -> memref<1x5x16xf32, #tpu.memory_space<hbm>>
      %dma_start3A_702 = tpu.memref_squeeze %dma_start3A_701 : memref<1x5x16xf32, #tpu.memory_space<hbm>> -> memref<5x16xf32, #tpu.memory_space<hbm>>
      %dma_start3A_703 = arith.constant 0 : i32
      %dma_start3A_704 = arith.constant 0 : i32
      %dma_start3A_705 = tpu.memref_slice %arg10[%dma_start3A_703, %dma_start3A_704] : memref<6x16xf32, #tpu.memory_space<vmem>> -> memref<5x16xf32, #tpu.memory_space<vmem>>
      %dma_start3A_706 = arith.constant 0 : i32
      %dma_start3A_707 = arith.constant 0 : i32
      %dma_start3A_708 = tpu.memref_slice %arg5[%add3A, %dma_start3A_706, %dma_start3A_707] : memref<32x5x16xf32, #tpu.memory_space<hbm>> -> memref<1x5x16xf32, #tpu.memory_space<hbm>>
      %dma_start3A_709 = tpu.memref_squeeze %dma_start3A_708 : memref<1x5x16xf32, #tpu.memory_space<hbm>> -> memref<5x16xf32, #tpu.memory_space<hbm>>
      tpu.enqueue_dma source(%dma_start3A_709 : memref<5x16xf32, #tpu.memory_space<hbm>>) target(%dma_start3A_705 : memref<5x16xf32, #tpu.memory_space<vmem>>) target_semaphore(%run_scoped3A : memref<!tpu.dma_semaphore, #tpu.memory_space<semaphore_mem>>)
      %dma_wait3A_710 = arith.constant 0 : i32
      %dma_wait3A_711 = arith.constant 0 : i32
      %dma_wait3A_712 = tpu.memref_slice %arg10[%dma_wait3A_710, %dma_wait3A_711] : memref<6x16xf32, #tpu.memory_space<vmem>> -> memref<5x16xf32, #tpu.memory_space<vmem>>
      %dma_wait3A_713 = arith.constant 0 : i32
      %dma_wait3A_714 = arith.constant 0 : i32
      %dma_wait3A_715 = tpu.memref_slice %arg5[%add3A, %dma_wait3A_713, %dma_wait3A_714] : memref<32x5x16xf32, #tpu.memory_space<hbm>> -> memref<1x5x16xf32, #tpu.memory_space<hbm>>
      %dma_wait3A_716 = tpu.memref_squeeze %dma_wait3A_715 : memref<1x5x16xf32, #tpu.memory_space<hbm>> -> memref<5x16xf32, #tpu.memory_space<hbm>>
      %dma_wait3A_717 = arith.constant 0 : i32
      %dma_wait3A_718 = arith.constant 0 : i32
      %dma_wait3A_719 = tpu.memref_slice %arg10[%dma_wait3A_717, %dma_wait3A_718] : memref<6x16xf32, #tpu.memory_space<vmem>> -> memref<5x16xf32, #tpu.memory_space<vmem>>
      %dma_wait3A_720 = arith.constant 0 : i32
      %dma_wait3A_721 = arith.constant 0 : i32
      %dma_wait3A_722 = tpu.memref_slice %arg5[%add3A, %dma_wait3A_720, %dma_wait3A_721] : memref<32x5x16xf32, #tpu.memory_space<hbm>> -> memref<1x5x16xf32, #tpu.memory_space<hbm>>
      %dma_wait3A_723 = tpu.memref_squeeze %dma_wait3A_722 : memref<1x5x16xf32, #tpu.memory_space<hbm>> -> memref<5x16xf32, #tpu.memory_space<hbm>>
      tpu.wait_dma2 semaphore(%run_scoped3A : memref<!tpu.dma_semaphore, #tpu.memory_space<semaphore_mem>>) src(%dma_wait3A_723 : memref<5x16xf32, #tpu.memory_space<hbm>>) dst(%dma_wait3A_719 : memref<5x16xf32, #tpu.memory_space<vmem>>)
      tpu.yield
    }) : () -> ()
    %iota3A = tpu.iota {dimensions = array<i32: 0>} : vector<16xi32>
    %get3A = arith.constant 1 : i32
    %get3A_16 = arith.index_cast %get3A : i32 to index
    %get3A_17 = arith.constant 0 : index
    %get3A_18 = tpu.vector_load %arg10[%get3A_16, %get3A_17] {strides = array<i32>} : memref<6x16xf32, #tpu.memory_space<vmem>>, vector<16xf32>,
    %get3A_19 = arith.constant 2 : i32
    %get3A_20 = arith.index_cast %get3A_19 : i32 to index
    %get3A_21 = arith.constant 0 : index
    %get3A_22 = tpu.vector_load %arg10[%get3A_20, %get3A_21] {strides = array<i32>} : memref<6x16xf32, #tpu.memory_space<vmem>>, vector<16xf32>,
    %get3A_23 = arith.constant 3 : i32
    %get3A_24 = arith.index_cast %get3A_23 : i32 to index
    %get3A_25 = arith.constant 0 : index
    %get3A_26 = tpu.vector_load %arg10[%get3A_24, %get3A_25] {strides = array<i32>} : memref<6x16xf32, #tpu.memory_space<vmem>>, vector<16xf32>,
    %get3A_27 = arith.constant 4 : i32
    %get3A_28 = arith.index_cast %get3A_27 : i32 to index
    %get3A_29 = arith.constant 0 : index
    %get3A_30 = tpu.vector_load %arg10[%get3A_28, %get3A_29] {strides = array<i32>} : memref<6x16xf32, #tpu.memory_space<vmem>>, vector<16xf32>,
    %sub3A = arith.subf %get3A_26, %get3A_18 : vector<16xf32>
    %sub3A_31 = arith.subf %get3A_30, %get3A_22 : vector<16xf32>
    %mul3A_32 = arith.mulf %sub3A, %sub3A_31 : vector<16xf32>
    %swap3A = arith.constant 5 : i32
    %swap3A_33 = arith.index_cast %swap3A : i32 to index
    %swap3A_34 = arith.constant 0 : index
    %swap3A_35 = tpu.vector_load %arg10[%swap3A_33, %swap3A_34] {strides = array<i32>} : memref<6x16xf32, #tpu.memory_space<vmem>>, vector<16xf32>,
    tpu.vector_store %arg10[%swap3A_33, %swap3A_34], %mul3A_32 {strides = array<i32>} : memref<6x16xf32, #tpu.memory_space<vmem>>, vector<16xf32>,
    %broadcast_in_dim3A = arith.constant 1 : i32
    %broadcast_in_dim3A_36 = vector.broadcast %broadcast_in_dim3A : i32 to vector<16xi32>
    %broadcast_in_dim3A_37 = arith.constant 0 : i32
    %broadcast_in_dim3A_38 = vector.broadcast %broadcast_in_dim3A_37 : i32 to vector<16xi32>
    %gather3A = tpu.vector_load_idx %arg10[%broadcast_in_dim3A_36, %broadcast_in_dim3A_38] : memref<6x16xf32, #tpu.memory_space<vmem>>[vector<16xi32>, vector<16xi32>], vector<16xf32>,
    %broadcast_in_dim3A_39 = arith.constant 2 : i32
    %broadcast_in_dim3A_40 = vector.broadcast %broadcast_in_dim3A_39 : i32 to vector<16xi32>
    %broadcast_in_dim3A_41 = arith.constant 0 : i32
    %broadcast_in_dim3A_42 = vector.broadcast %broadcast_in_dim3A_41 : i32 to vector<16xi32>
    %gather3A_43 = tpu.vector_load_idx %arg10[%broadcast_in_dim3A_40, %broadcast_in_dim3A_42] : memref<6x16xf32, #tpu.memory_space<vmem>>[vector<16xi32>, vector<16xi32>], vector<16xf32>,
    %broadcast_in_dim3A_44 = arith.constant 3 : i32
    %broadcast_in_dim3A_45 = vector.broadcast %broadcast_in_dim3A_44 : i32 to vector<16xi32>
    %broadcast_in_dim3A_46 = arith.constant 0 : i32
    %broadcast_in_dim3A_47 = vector.broadcast %broadcast_in_dim3A_46 : i32 to vector<16xi32>
    %gather3A_48 = tpu.vector_load_idx %arg10[%broadcast_in_dim3A_45, %broadcast_in_dim3A_47] : memref<6x16xf32, #tpu.memory_space<vmem>>[vector<16xi32>, vector<16xi32>], vector<16xf32>,
    %broadcast_in_dim3A_49 = arith.constant 4 : i32
    %broadcast_in_dim3A_50 = vector.broadcast %broadcast_in_dim3A_49 : i32 to vector<16xi32>
    %broadcast_in_dim3A_51 = arith.constant 0 : i32
    %broadcast_in_dim3A_52 = vector.broadcast %broadcast_in_dim3A_51 : i32 to vector<16xi32>
    %gather3A_53 = tpu.vector_load_idx %arg10[%broadcast_in_dim3A_50, %broadcast_in_dim3A_52] : memref<6x16xf32, #tpu.memory_space<vmem>>[vector<16xi32>, vector<16xi32>], vector<16xf32>,
    %broadcast_in_dim3A_54 = arith.constant 5 : i32
    %broadcast_in_dim3A_55 = vector.broadcast %broadcast_in_dim3A_54 : i32 to vector<16xi32>
    %broadcast_in_dim3A_56 = arith.constant 0 : i32
    %broadcast_in_dim3A_57 = vector.broadcast %broadcast_in_dim3A_56 : i32 to vector<16xi32>
    %gather3A_58 = tpu.vector_load_idx %arg10[%broadcast_in_dim3A_55, %broadcast_in_dim3A_57] : memref<6x16xf32, #tpu.memory_space<vmem>>[vector<16xi32>, vector<16xi32>], vector<16xf32>,
    %broadcast_in_dim3A_59 = arith.constant 1 : i32
    %broadcast_in_dim3A_60 = vector.broadcast %broadcast_in_dim3A_59 : i32 to vector<16xi32>
    %broadcast_in_dim3A_61 = arith.constant 1 : i32
    %broadcast_in_dim3A_62 = vector.broadcast %broadcast_in_dim3A_61 : i32 to vector<16xi32>
    %gather3A_63 = tpu.vector_load_idx %arg10[%broadcast_in_dim3A_60, %broadcast_in_dim3A_62] : memref<6x16xf32, #tpu.memory_space<vmem>>[vector<16xi32>, vector<16xi32>], vector<16xf32>,
    %broadcast_in_dim3A_64 = arith.constant 2 : i32
    %broadcast_in_dim3A_65 = vector.broadcast %broadcast_in_dim3A_64 : i32 to vector<16xi32>
    %broadcast_in_dim3A_66 = arith.constant 1 : i32
    %broadcast_in_dim3A_67 = vector.broadcast %broadcast_in_dim3A_66 : i32 to vector<16xi32>
    %gather3A_68 = tpu.vector_load_idx %arg10[%broadcast_in_dim3A_65, %broadcast_in_dim3A_67] : memref<6x16xf32, #tpu.memory_space<vmem>>[vector<16xi32>, vector<16xi32>], vector<16xf32>,
    %broadcast_in_dim3A_69 = arith.constant 3 : i32
    %broadcast_in_dim3A_70 = vector.broadcast %broadcast_in_dim3A_69 : i32 to vector<16xi32>
    %broadcast_in_dim3A_71 = arith.constant 1 : i32
    %broadcast_in_dim3A_72 = vector.broadcast %broadcast_in_dim3A_71 : i32 to vector<16xi32>
    %gather3A_73 = tpu.vector_load_idx %arg10[%broadcast_in_dim3A_70, %broadcast_in_dim3A_72] : memref<6x16xf32, #tpu.memory_space<vmem>>[vector<16xi32>, vector<16xi32>], vector<16xf32>,
    %broadcast_in_dim3A_74 = arith.constant 4 : i32
    %broadcast_in_dim3A_75 = vector.broadcast %broadcast_in_dim3A_74 : i32 to vector<16xi32>
    %broadcast_in_dim3A_76 = arith.constant 1 : i32
    %broadcast_in_dim3A_77 = vector.broadcast %broadcast_in_dim3A_76 : i32 to vector<16xi32>
    %gather3A_78 = tpu.vector_load_idx %arg10[%broadcast_in_dim3A_75, %broadcast_in_dim3A_77] : memref<6x16xf32, #tpu.memory_space<vmem>>[vector<16xi32>, vector<16xi32>], vector<16xf32>,
    %broadcast_in_dim3A_79 = arith.constant 5 : i32
    %broadcast_in_dim3A_80 = vector.broadcast %broadcast_in_dim3A_79 : i32 to vector<16xi32>
    %broadcast_in_dim3A_81 = arith.constant 1 : i32
    %broadcast_in_dim3A_82 = vector.broadcast %broadcast_in_dim3A_81 : i32 to vector<16xi32>
    %gather3A_83 = tpu.vector_load_idx %arg10[%broadcast_in_dim3A_80, %broadcast_in_dim3A_82] : memref<6x16xf32, #tpu.memory_space<vmem>>[vector<16xi32>, vector<16xi32>], vector<16xf32>,
    %broadcast_in_dim3A_84 = arith.constant 1 : i32
    %broadcast_in_dim3A_85 = vector.broadcast %broadcast_in_dim3A_84 : i32 to vector<16xi32>
    %broadcast_in_dim3A_86 = arith.constant 2 : i32
    %broadcast_in_dim3A_87 = vector.broadcast %broadcast_in_dim3A_86 : i32 to vector<16xi32>
    %gather3A_88 = tpu.vector_load_idx %arg10[%broadcast_in_dim3A_85, %broadcast_in_dim3A_87] : memref<6x16xf32, #tpu.memory_space<vmem>>[vector<16xi32>, vector<16xi32>], vector<16xf32>,
    %broadcast_in_dim3A_89 = arith.constant 2 : i32
    %broadcast_in_dim3A_90 = vector.broadcast %broadcast_in_dim3A_89 : i32 to vector<16xi32>
    %broadcast_in_dim3A_91 = arith.constant 2 : i32
    %broadcast_in_dim3A_92 = vector.broadcast %broadcast_in_dim3A_91 : i32 to vector<16xi32>
    %gather3A_93 = tpu.vector_load_idx %arg10[%broadcast_in_dim3A_90, %broadcast_in_dim3A_92] : memref<6x16xf32, #tpu.memory_space<vmem>>[vector<16xi32>, vector<16xi32>], vector<16xf32>,
    %broadcast_in_dim3A_94 = arith.constant 3 : i32
    %broadcast_in_dim3A_95 = vector.broadcast %broadcast_in_dim3A_94 : i32 to vector<16xi32>
    %broadcast_in_dim3A_96 = arith.constant 2 : i32
    %broadcast_in_dim3A_97 = vector.broadcast %broadcast_in_dim3A_96 : i32 to vector<16xi32>
    %gather3A_98 = tpu.vector_load_idx %arg10[%broadcast_in_dim3A_95, %broadcast_in_dim3A_97] : memref<6x16xf32, #tpu.memory_space<vmem>>[vector<16xi32>, vector<16xi32>], vector<16xf32>,
    %broadcast_in_dim3A_99 = arith.constant 4 : i32
    %broadcast_in_dim3A_100 = vector.broadcast %broadcast_in_dim3A_99 : i32 to vector<16xi32>
    %broadcast_in_dim3A_101 = arith.constant 2 : i32
    %broadcast_in_dim3A_102 = vector.broadcast %broadcast_in_dim3A_101 : i32 to vector<16xi32>
    %gather3A_103 = tpu.vector_load_idx %arg10[%broadcast_in_dim3A_100, %broadcast_in_dim3A_102] : memref<6x16xf32, #tpu.memory_space<vmem>>[vector<16xi32>, vector<16xi32>], vector<16xf32>,
    %broadcast_in_dim3A_104 = arith.constant 5 : i32
    %broadcast_in_dim3A_105 = vector.broadcast %broadcast_in_dim3A_104 : i32 to vector<16xi32>
    %broadcast_in_dim3A_106 = arith.constant 2 : i32
    %broadcast_in_dim3A_107 = vector.broadcast %broadcast_in_dim3A_106 : i32 to vector<16xi32>
    %gather3A_108 = tpu.vector_load_idx %arg10[%broadcast_in_dim3A_105, %broadcast_in_dim3A_107] : memref<6x16xf32, #tpu.memory_space<vmem>>[vector<16xi32>, vector<16xi32>], vector<16xf32>,
    %broadcast_in_dim3A_109 = arith.constant 1 : i32
    %broadcast_in_dim3A_110 = vector.broadcast %broadcast_in_dim3A_109 : i32 to vector<16xi32>
    %broadcast_in_dim3A_111 = arith.constant 3 : i32
    %broadcast_in_dim3A_112 = vector.broadcast %broadcast_in_dim3A_111 : i32 to vector<16xi32>
    %gather3A_113 = tpu.vector_load_idx %arg10[%broadcast_in_dim3A_110, %broadcast_in_dim3A_112] : memref<6x16xf32, #tpu.memory_space<vmem>>[vector<16xi32>, vector<16xi32>], vector<16xf32>,
    %broadcast_in_dim3A_114 = arith.constant 2 : i32
    %broadcast_in_dim3A_115 = vector.broadcast %broadcast_in_dim3A_114 : i32 to vector<16xi32>
    %broadcast_in_dim3A_116 = arith.constant 3 : i32
    %broadcast_in_dim3A_117 = vector.broadcast %broadcast_in_dim3A_116 : i32 to vector<16xi32>
    %gather3A_118 = tpu.vector_load_idx %arg10[%broadcast_in_dim3A_115, %broadcast_in_dim3A_117] : memref<6x16xf32, #tpu.memory_space<vmem>>[vector<16xi32>, vector<16xi32>], vector<16xf32>,
    %broadcast_in_dim3A_119 = arith.constant 3 : i32
    %broadcast_in_dim3A_120 = vector.broadcast %broadcast_in_dim3A_119 : i32 to vector<16xi32>
    %broadcast_in_dim3A_121 = arith.constant 3 : i32
    %broadcast_in_dim3A_122 = vector.broadcast %broadcast_in_dim3A_121 : i32 to vector<16xi32>
    %gather3A_123 = tpu.vector_load_idx %arg10[%broadcast_in_dim3A_120, %broadcast_in_dim3A_122] : memref<6x16xf32, #tpu.memory_space<vmem>>[vector<16xi32>, vector<16xi32>], vector<16xf32>,
    %broadcast_in_dim3A_124 = arith.constant 4 : i32
    %broadcast_in_dim3A_125 = vector.broadcast %broadcast_in_dim3A_124 : i32 to vector<16xi32>
    %broadcast_in_dim3A_126 = arith.constant 3 : i32
    %broadcast_in_dim3A_127 = vector.broadcast %broadcast_in_dim3A_126 : i32 to vector<16xi32>
    %gather3A_128 = tpu.vector_load_idx %arg10[%broadcast_in_dim3A_125, %broadcast_in_dim3A_127] : memref<6x16xf32, #tpu.memory_space<vmem>>[vector<16xi32>, vector<16xi32>], vector<16xf32>,
    %broadcast_in_dim3A_129 = arith.constant 5 : i32
    %broadcast_in_dim3A_130 = vector.broadcast %broadcast_in_dim3A_129 : i32 to vector<16xi32>
    %broadcast_in_dim3A_131 = arith.constant 3 : i32
    %broadcast_in_dim3A_132 = vector.broadcast %broadcast_in_dim3A_131 : i32 to vector<16xi32>
    %gather3A_133 = tpu.vector_load_idx %arg10[%broadcast_in_dim3A_130, %broadcast_in_dim3A_132] : memref<6x16xf32, #tpu.memory_space<vmem>>[vector<16xi32>, vector<16xi32>], vector<16xf32>,
    %broadcast_in_dim3A_134 = arith.constant 1 : i32
    %broadcast_in_dim3A_135 = vector.broadcast %broadcast_in_dim3A_134 : i32 to vector<16xi32>
    %broadcast_in_dim3A_136 = arith.constant 4 : i32
    %broadcast_in_dim3A_137 = vector.broadcast %broadcast_in_dim3A_136 : i32 to vector<16xi32>
    %gather3A_138 = tpu.vector_load_idx %arg10[%broadcast_in_dim3A_135, %broadcast_in_dim3A_137] : memref<6x16xf32, #tpu.memory_space<vmem>>[vector<16xi32>, vector<16xi32>], vector<16xf32>,
    %broadcast_in_dim3A_139 = arith.constant 2 : i32
    %broadcast_in_dim3A_140 = vector.broadcast %broadcast_in_dim3A_139 : i32 to vector<16xi32>
    %broadcast_in_dim3A_141 = arith.constant 4 : i32
    %broadcast_in_dim3A_142 = vector.broadcast %broadcast_in_dim3A_141 : i32 to vector<16xi32>
    %gather3A_143 = tpu.vector_load_idx %arg10[%broadcast_in_dim3A_140, %broadcast_in_dim3A_142] : memref<6x16xf32, #tpu.memory_space<vmem>>[vector<16xi32>, vector<16xi32>], vector<16xf32>,
    %broadcast_in_dim3A_144 = arith.constant 3 : i32
    %broadcast_in_dim3A_145 = vector.broadcast %broadcast_in_dim3A_144 : i32 to vector<16xi32>
    %broadcast_in_dim3A_146 = arith.constant 4 : i32
    %broadcast_in_dim3A_147 = vector.broadcast %broadcast_in_dim3A_146 : i32 to vector<16xi32>
    %gather3A_148 = tpu.vector_load_idx %arg10[%broadcast_in_dim3A_145, %broadcast_in_dim3A_147] : memref<6x16xf32, #tpu.memory_space<vmem>>[vector<16xi32>, vector<16xi32>], vector<16xf32>,
    %broadcast_in_dim3A_149 = arith.constant 4 : i32
    %broadcast_in_dim3A_150 = vector.broadcast %broadcast_in_dim3A_149 : i32 to vector<16xi32>
    %broadcast_in_dim3A_151 = arith.constant 4 : i32
    %broadcast_in_dim3A_152 = vector.broadcast %broadcast_in_dim3A_151 : i32 to vector<16xi32>
    %gather3A_153 = tpu.vector_load_idx %arg10[%broadcast_in_dim3A_150, %broadcast_in_dim3A_152] : memref<6x16xf32, #tpu.memory_space<vmem>>[vector<16xi32>, vector<16xi32>], vector<16xf32>,
    %broadcast_in_dim3A_154 = arith.constant 5 : i32
    %broadcast_in_dim3A_155 = vector.broadcast %broadcast_in_dim3A_154 : i32 to vector<16xi32>
    %broadcast_in_dim3A_156 = arith.constant 4 : i32
    %broadcast_in_dim3A_157 = vector.broadcast %broadcast_in_dim3A_156 : i32 to vector<16xi32>
    %gather3A_158 = tpu.vector_load_idx %arg10[%broadcast_in_dim3A_155, %broadcast_in_dim3A_157] : memref<6x16xf32, #tpu.memory_space<vmem>>[vector<16xi32>, vector<16xi32>], vector<16xf32>,
    %broadcast_in_dim3A_159 = arith.constant 1 : i32
    %broadcast_in_dim3A_160 = vector.broadcast %broadcast_in_dim3A_159 : i32 to vector<16xi32>
    %broadcast_in_dim3A_161 = arith.constant 5 : i32
    %broadcast_in_dim3A_162 = vector.broadcast %broadcast_in_dim3A_161 : i32 to vector<16xi32>
    %gather3A_163 = tpu.vector_load_idx %arg10[%broadcast_in_dim3A_160, %broadcast_in_dim3A_162] : memref<6x16xf32, #tpu.memory_space<vmem>>[vector<16xi32>, vector<16xi32>], vector<16xf32>,
    %broadcast_in_dim3A_164 = arith.constant 2 : i32
    %broadcast_in_dim3A_165 = vector.broadcast %broadcast_in_dim3A_164 : i32 to vector<16xi32>
    %broadcast_in_dim3A_166 = arith.constant 5 : i32
    %broadcast_in_dim3A_167 = vector.broadcast %broadcast_in_dim3A_166 : i32 to vector<16xi32>
    %gather3A_168 = tpu.vector_load_idx %arg10[%broadcast_in_dim3A_165, %broadcast_in_dim3A_167] : memref<6x16xf32, #tpu.memory_space<vmem>>[vector<16xi32>, vector<16xi32>], vector<16xf32>,
    %broadcast_in_dim3A_169 = arith.constant 3 : i32
    %broadcast_in_dim3A_170 = vector.broadcast %broadcast_in_dim3A_169 : i32 to vector<16xi32>
    %broadcast_in_dim3A_171 = arith.constant 5 : i32
    %broadcast_in_dim3A_172 = vector.broadcast %broadcast_in_dim3A_171 : i32 to vector<16xi32>
    %gather3A_173 = tpu.vector_load_idx %arg10[%broadcast_in_dim3A_170, %broadcast_in_dim3A_172] : memref<6x16xf32, #tpu.memory_space<vmem>>[vector<16xi32>, vector<16xi32>], vector<16xf32>,
    %broadcast_in_dim3A_174 = arith.constant 4 : i32
    %broadcast_in_dim3A_175 = vector.broadcast %broadcast_in_dim3A_174 : i32 to vector<16xi32>
    %broadcast_in_dim3A_176 = arith.constant 5 : i32
    %broadcast_in_dim3A_177 = vector.broadcast %broadcast_in_dim3A_176 : i32 to vector<16xi32>
    %gather3A_178 = tpu.vector_load_idx %arg10[%broadcast_in_dim3A_175, %broadcast_in_dim3A_177] : memref<6x16xf32, #tpu.memory_space<vmem>>[vector<16xi32>, vector<16xi32>], vector<16xf32>,
    %broadcast_in_dim3A_179 = arith.constant 5 : i32
    %broadcast_in_dim3A_180 = vector.broadcast %broadcast_in_dim3A_179 : i32 to vector<16xi32>
    %broadcast_in_dim3A_181 = arith.constant 5 : i32
    %broadcast_in_dim3A_182 = vector.broadcast %broadcast_in_dim3A_181 : i32 to vector<16xi32>
    %gather3A_183 = tpu.vector_load_idx %arg10[%broadcast_in_dim3A_180, %broadcast_in_dim3A_182] : memref<6x16xf32, #tpu.memory_space<vmem>>[vector<16xi32>, vector<16xi32>], vector<16xf32>,
    %broadcast_in_dim3A_184 = arith.constant 1 : i32
    %broadcast_in_dim3A_185 = vector.broadcast %broadcast_in_dim3A_184 : i32 to vector<16xi32>
    %broadcast_in_dim3A_186 = arith.constant 6 : i32
    %broadcast_in_dim3A_187 = vector.broadcast %broadcast_in_dim3A_186 : i32 to vector<16xi32>
    %gather3A_188 = tpu.vector_load_idx %arg10[%broadcast_in_dim3A_185, %broadcast_in_dim3A_187] : memref<6x16xf32, #tpu.memory_space<vmem>>[vector<16xi32>, vector<16xi32>], vector<16xf32>,
    %broadcast_in_dim3A_189 = arith.constant 2 : i32
    %broadcast_in_dim3A_190 = vector.broadcast %broadcast_in_dim3A_189 : i32 to vector<16xi32>
    %broadcast_in_dim3A_191 = arith.constant 6 : i32
    %broadcast_in_dim3A_192 = vector.broadcast %broadcast_in_dim3A_191 : i32 to vector<16xi32>
    %gather3A_193 = tpu.vector_load_idx %arg10[%broadcast_in_dim3A_190, %broadcast_in_dim3A_192] : memref<6x16xf32, #tpu.memory_space<vmem>>[vector<16xi32>, vector<16xi32>], vector<16xf32>,
    %broadcast_in_dim3A_194 = arith.constant 3 : i32
    %broadcast_in_dim3A_195 = vector.broadcast %broadcast_in_dim3A_194 : i32 to vector<16xi32>
    %broadcast_in_dim3A_196 = arith.constant 6 : i32
    %broadcast_in_dim3A_197 = vector.broadcast %broadcast_in_dim3A_196 : i32 to vector<16xi32>
    %gather3A_198 = tpu.vector_load_idx %arg10[%broadcast_in_dim3A_195, %broadcast_in_dim3A_197] : memref<6x16xf32, #tpu.memory_space<vmem>>[vector<16xi32>, vector<16xi32>], vector<16xf32>,
    %broadcast_in_dim3A_199 = arith.constant 4 : i32
    %broadcast_in_dim3A_200 = vector.broadcast %broadcast_in_dim3A_199 : i32 to vector<16xi32>
    %broadcast_in_dim3A_201 = arith.constant 6 : i32
    %broadcast_in_dim3A_202 = vector.broadcast %broadcast_in_dim3A_201 : i32 to vector<16xi32>
    %gather3A_203 = tpu.vector_load_idx %arg10[%broadcast_in_dim3A_200, %broadcast_in_dim3A_202] : memref<6x16xf32, #tpu.memory_space<vmem>>[vector<16xi32>, vector<16xi32>], vector<16xf32>,
    %broadcast_in_dim3A_204 = arith.constant 5 : i32
    %broadcast_in_dim3A_205 = vector.broadcast %broadcast_in_dim3A_204 : i32 to vector<16xi32>
    %broadcast_in_dim3A_206 = arith.constant 6 : i32
    %broadcast_in_dim3A_207 = vector.broadcast %broadcast_in_dim3A_206 : i32 to vector<16xi32>
    %gather3A_208 = tpu.vector_load_idx %arg10[%broadcast_in_dim3A_205, %broadcast_in_dim3A_207] : memref<6x16xf32, #tpu.memory_space<vmem>>[vector<16xi32>, vector<16xi32>], vector<16xf32>,
    %broadcast_in_dim3A_209 = arith.constant 1 : i32
    %broadcast_in_dim3A_210 = vector.broadcast %broadcast_in_dim3A_209 : i32 to vector<16xi32>
    %broadcast_in_dim3A_211 = arith.constant 7 : i32
    %broadcast_in_dim3A_212 = vector.broadcast %broadcast_in_dim3A_211 : i32 to vector<16xi32>
    %gather3A_213 = tpu.vector_load_idx %arg10[%broadcast_in_dim3A_210, %broadcast_in_dim3A_212] : memref<6x16xf32, #tpu.memory_space<vmem>>[vector<16xi32>, vector<16xi32>], vector<16xf32>,
    %broadcast_in_dim3A_214 = arith.constant 2 : i32
    %broadcast_in_dim3A_215 = vector.broadcast %broadcast_in_dim3A_214 : i32 to vector<16xi32>
    %broadcast_in_dim3A_216 = arith.constant 7 : i32
    %broadcast_in_dim3A_217 = vector.broadcast %broadcast_in_dim3A_216 : i32 to vector<16xi32>
    %gather3A_218 = tpu.vector_load_idx %arg10[%broadcast_in_dim3A_215, %broadcast_in_dim3A_217] : memref<6x16xf32, #tpu.memory_space<vmem>>[vector<16xi32>, vector<16xi32>], vector<16xf32>,
    %broadcast_in_dim3A_219 = arith.constant 3 : i32
    %broadcast_in_dim3A_220 = vector.broadcast %broadcast_in_dim3A_219 : i32 to vector<16xi32>
    %broadcast_in_dim3A_221 = arith.constant 7 : i32
    %broadcast_in_dim3A_222 = vector.broadcast %broadcast_in_dim3A_221 : i32 to vector<16xi32>
    %gather3A_223 = tpu.vector_load_idx %arg10[%broadcast_in_dim3A_220, %broadcast_in_dim3A_222] : memref<6x16xf32, #tpu.memory_space<vmem>>[vector<16xi32>, vector<16xi32>], vector<16xf32>,
    %broadcast_in_dim3A_224 = arith.constant 4 : i32
    %broadcast_in_dim3A_225 = vector.broadcast %broadcast_in_dim3A_224 : i32 to vector<16xi32>
    %broadcast_in_dim3A_226 = arith.constant 7 : i32
    %broadcast_in_dim3A_227 = vector.broadcast %broadcast_in_dim3A_226 : i32 to vector<16xi32>
    %gather3A_228 = tpu.vector_load_idx %arg10[%broadcast_in_dim3A_225, %broadcast_in_dim3A_227] : memref<6x16xf32, #tpu.memory_space<vmem>>[vector<16xi32>, vector<16xi32>], vector<16xf32>,
    %broadcast_in_dim3A_229 = arith.constant 5 : i32
    %broadcast_in_dim3A_230 = vector.broadcast %broadcast_in_dim3A_229 : i32 to vector<16xi32>
    %broadcast_in_dim3A_231 = arith.constant 7 : i32
    %broadcast_in_dim3A_232 = vector.broadcast %broadcast_in_dim3A_231 : i32 to vector<16xi32>
    %gather3A_233 = tpu.vector_load_idx %arg10[%broadcast_in_dim3A_230, %broadcast_in_dim3A_232] : memref<6x16xf32, #tpu.memory_space<vmem>>[vector<16xi32>, vector<16xi32>], vector<16xf32>,
    %broadcast_in_dim3A_234 = arith.constant 1 : i32
    %broadcast_in_dim3A_235 = vector.broadcast %broadcast_in_dim3A_234 : i32 to vector<16xi32>
    %broadcast_in_dim3A_236 = arith.constant 8 : i32
    %broadcast_in_dim3A_237 = vector.broadcast %broadcast_in_dim3A_236 : i32 to vector<16xi32>
    %gather3A_238 = tpu.vector_load_idx %arg10[%broadcast_in_dim3A_235, %broadcast_in_dim3A_237] : memref<6x16xf32, #tpu.memory_space<vmem>>[vector<16xi32>, vector<16xi32>], vector<16xf32>,
    %broadcast_in_dim3A_239 = arith.constant 2 : i32
    %broadcast_in_dim3A_240 = vector.broadcast %broadcast_in_dim3A_239 : i32 to vector<16xi32>
    %broadcast_in_dim3A_241 = arith.constant 8 : i32
    %broadcast_in_dim3A_242 = vector.broadcast %broadcast_in_dim3A_241 : i32 to vector<16xi32>
    %gather3A_243 = tpu.vector_load_idx %arg10[%broadcast_in_dim3A_240, %broadcast_in_dim3A_242] : memref<6x16xf32, #tpu.memory_space<vmem>>[vector<16xi32>, vector<16xi32>], vector<16xf32>,
    %broadcast_in_dim3A_244 = arith.constant 3 : i32
    %broadcast_in_dim3A_245 = vector.broadcast %broadcast_in_dim3A_244 : i32 to vector<16xi32>
    %broadcast_in_dim3A_246 = arith.constant 8 : i32
    %broadcast_in_dim3A_247 = vector.broadcast %broadcast_in_dim3A_246 : i32 to vector<16xi32>
    %gather3A_248 = tpu.vector_load_idx %arg10[%broadcast_in_dim3A_245, %broadcast_in_dim3A_247] : memref<6x16xf32, #tpu.memory_space<vmem>>[vector<16xi32>, vector<16xi32>], vector<16xf32>,
    %broadcast_in_dim3A_249 = arith.constant 4 : i32
    %broadcast_in_dim3A_250 = vector.broadcast %broadcast_in_dim3A_249 : i32 to vector<16xi32>
    %broadcast_in_dim3A_251 = arith.constant 8 : i32
    %broadcast_in_dim3A_252 = vector.broadcast %broadcast_in_dim3A_251 : i32 to vector<16xi32>
    %gather3A_253 = tpu.vector_load_idx %arg10[%broadcast_in_dim3A_250, %broadcast_in_dim3A_252] : memref<6x16xf32, #tpu.memory_space<vmem>>[vector<16xi32>, vector<16xi32>], vector<16xf32>,
    %broadcast_in_dim3A_254 = arith.constant 5 : i32
    %broadcast_in_dim3A_255 = vector.broadcast %broadcast_in_dim3A_254 : i32 to vector<16xi32>
    %broadcast_in_dim3A_256 = arith.constant 8 : i32
    %broadcast_in_dim3A_257 = vector.broadcast %broadcast_in_dim3A_256 : i32 to vector<16xi32>
    %gather3A_258 = tpu.vector_load_idx %arg10[%broadcast_in_dim3A_255, %broadcast_in_dim3A_257] : memref<6x16xf32, #tpu.memory_space<vmem>>[vector<16xi32>, vector<16xi32>], vector<16xf32>,
    %broadcast_in_dim3A_259 = arith.constant 1 : i32
    %broadcast_in_dim3A_260 = vector.broadcast %broadcast_in_dim3A_259 : i32 to vector<16xi32>
    %broadcast_in_dim3A_261 = arith.constant 9 : i32
    %broadcast_in_dim3A_262 = vector.broadcast %broadcast_in_dim3A_261 : i32 to vector<16xi32>
    %gather3A_263 = tpu.vector_load_idx %arg10[%broadcast_in_dim3A_260, %broadcast_in_dim3A_262] : memref<6x16xf32, #tpu.memory_space<vmem>>[vector<16xi32>, vector<16xi32>], vector<16xf32>,
    %broadcast_in_dim3A_264 = arith.constant 2 : i32
    %broadcast_in_dim3A_265 = vector.broadcast %broadcast_in_dim3A_264 : i32 to vector<16xi32>
    %broadcast_in_dim3A_266 = arith.constant 9 : i32
    %broadcast_in_dim3A_267 = vector.broadcast %broadcast_in_dim3A_266 : i32 to vector<16xi32>
    %gather3A_268 = tpu.vector_load_idx %arg10[%broadcast_in_dim3A_265, %broadcast_in_dim3A_267] : memref<6x16xf32, #tpu.memory_space<vmem>>[vector<16xi32>, vector<16xi32>], vector<16xf32>,
    %broadcast_in_dim3A_269 = arith.constant 3 : i32
    %broadcast_in_dim3A_270 = vector.broadcast %broadcast_in_dim3A_269 : i32 to vector<16xi32>
    %broadcast_in_dim3A_271 = arith.constant 9 : i32
    %broadcast_in_dim3A_272 = vector.broadcast %broadcast_in_dim3A_271 : i32 to vector<16xi32>
    %gather3A_273 = tpu.vector_load_idx %arg10[%broadcast_in_dim3A_270, %broadcast_in_dim3A_272] : memref<6x16xf32, #tpu.memory_space<vmem>>[vector<16xi32>, vector<16xi32>], vector<16xf32>,
    %broadcast_in_dim3A_274 = arith.constant 4 : i32
    %broadcast_in_dim3A_275 = vector.broadcast %broadcast_in_dim3A_274 : i32 to vector<16xi32>
    %broadcast_in_dim3A_276 = arith.constant 9 : i32
    %broadcast_in_dim3A_277 = vector.broadcast %broadcast_in_dim3A_276 : i32 to vector<16xi32>
    %gather3A_278 = tpu.vector_load_idx %arg10[%broadcast_in_dim3A_275, %broadcast_in_dim3A_277] : memref<6x16xf32, #tpu.memory_space<vmem>>[vector<16xi32>, vector<16xi32>], vector<16xf32>,
    %broadcast_in_dim3A_279 = arith.constant 5 : i32
    %broadcast_in_dim3A_280 = vector.broadcast %broadcast_in_dim3A_279 : i32 to vector<16xi32>
    %broadcast_in_dim3A_281 = arith.constant 9 : i32
    %broadcast_in_dim3A_282 = vector.broadcast %broadcast_in_dim3A_281 : i32 to vector<16xi32>
    %gather3A_283 = tpu.vector_load_idx %arg10[%broadcast_in_dim3A_280, %broadcast_in_dim3A_282] : memref<6x16xf32, #tpu.memory_space<vmem>>[vector<16xi32>, vector<16xi32>], vector<16xf32>,
    %broadcast_in_dim3A_284 = arith.constant -2.000000e+00 : f32
    %broadcast_in_dim3A_285 = vector.broadcast %broadcast_in_dim3A_284 : f32 to vector<16xf32>
    %broadcast_in_dim3A_286 = arith.constant -2.000000e+00 : f32
    %broadcast_in_dim3A_287 = vector.broadcast %broadcast_in_dim3A_286 : f32 to vector<16xf32>
    %broadcast_in_dim3A_288 = arith.constant -2.000000e+00 : f32
    %broadcast_in_dim3A_289 = vector.broadcast %broadcast_in_dim3A_288 : f32 to vector<16xf32>
    %broadcast_in_dim3A_290 = arith.constant -2.000000e+00 : f32
    %broadcast_in_dim3A_291 = vector.broadcast %broadcast_in_dim3A_290 : f32 to vector<16xf32>
    %broadcast_in_dim3A_292 = arith.constant -2.000000e+00 : f32
    %broadcast_in_dim3A_293 = vector.broadcast %broadcast_in_dim3A_292 : f32 to vector<16xf32>
    %broadcast_in_dim3A_294 = arith.constant -2.000000e+00 : f32
    %broadcast_in_dim3A_295 = vector.broadcast %broadcast_in_dim3A_294 : f32 to vector<16xf32>
    %broadcast_in_dim3A_296 = arith.constant -2.000000e+00 : f32
    %broadcast_in_dim3A_297 = vector.broadcast %broadcast_in_dim3A_296 : f32 to vector<16xf32>
    %broadcast_in_dim3A_298 = arith.constant -2.000000e+00 : f32
    %broadcast_in_dim3A_299 = vector.broadcast %broadcast_in_dim3A_298 : f32 to vector<16xf32>
    %broadcast_in_dim3A_300 = arith.constant -2.000000e+00 : f32
    %broadcast_in_dim3A_301 = vector.broadcast %broadcast_in_dim3A_300 : f32 to vector<16xf32>
    %broadcast_in_dim3A_302 = arith.constant -2.000000e+00 : f32
    %broadcast_in_dim3A_303 = vector.broadcast %broadcast_in_dim3A_302 : f32 to vector<16xf32>
    %broadcast_in_dim3A_304 = arith.constant 0 : i32
    %broadcast_in_dim3A_305 = vector.broadcast %broadcast_in_dim3A_304 : i32 to vector<16xi32>
    %broadcast_in_dim3A_306 = arith.constant 0 : i32
    %broadcast_in_dim3A_307 = vector.broadcast %broadcast_in_dim3A_306 : i32 to vector<16xi32>
    %broadcast_in_dim3A_308 = arith.constant 0 : i32
    %broadcast_in_dim3A_309 = vector.broadcast %broadcast_in_dim3A_308 : i32 to vector<16xi32>
    %broadcast_in_dim3A_310 = arith.constant 0 : i32
    %broadcast_in_dim3A_311 = vector.broadcast %broadcast_in_dim3A_310 : i32 to vector<16xi32>
    %broadcast_in_dim3A_312 = arith.constant 0 : i32
    %broadcast_in_dim3A_313 = vector.broadcast %broadcast_in_dim3A_312 : i32 to vector<16xi32>
    %broadcast_in_dim3A_314 = arith.constant 0 : i32
    %broadcast_in_dim3A_315 = vector.broadcast %broadcast_in_dim3A_314 : i32 to vector<16xi32>
    %broadcast_in_dim3A_316 = arith.constant 0 : i32
    %broadcast_in_dim3A_317 = vector.broadcast %broadcast_in_dim3A_316 : i32 to vector<16xi32>
    %broadcast_in_dim3A_318 = arith.constant 0 : i32
    %broadcast_in_dim3A_319 = vector.broadcast %broadcast_in_dim3A_318 : i32 to vector<16xi32>
    %broadcast_in_dim3A_320 = arith.constant 0 : i32
    %broadcast_in_dim3A_321 = vector.broadcast %broadcast_in_dim3A_320 : i32 to vector<16xi32>
    %broadcast_in_dim3A_322 = arith.constant 0 : i32
    %broadcast_in_dim3A_323 = vector.broadcast %broadcast_in_dim3A_322 : i32 to vector<16xi32>
    %scan3A = arith.constant 0 : i32
    %scan3A_324 = arith.constant 399 : i32
    %scan3A_325 = arith.addi %scan3A, %scan3A_324 : i32
    %scan3A_326 = arith.constant 3 : i32
    %scan3A_327:20 = scf.for %scan3A_696 = %scan3A to %scan3A_325 step %scan3A_326 iter_args(%scan3A_697 = %broadcast_in_dim3A_285, %scan3A_698 = %broadcast_in_dim3A_287, %scan3A_699 = %broadcast_in_dim3A_289, %scan3A_700 = %broadcast_in_dim3A_291, %scan3A_701 = %broadcast_in_dim3A_293, %scan3A_702 = %broadcast_in_dim3A_295, %scan3A_703 = %broadcast_in_dim3A_297, %scan3A_704 = %broadcast_in_dim3A_299, %scan3A_705 = %broadcast_in_dim3A_301, %scan3A_706 = %broadcast_in_dim3A_303, %scan3A_707 = %broadcast_in_dim3A_305, %scan3A_708 = %broadcast_in_dim3A_307, %scan3A_709 = %broadcast_in_dim3A_309, %scan3A_710 = %broadcast_in_dim3A_311, %scan3A_711 = %broadcast_in_dim3A_313, %scan3A_712 = %broadcast_in_dim3A_315, %scan3A_713 = %broadcast_in_dim3A_317, %scan3A_714 = %broadcast_in_dim3A_319, %scan3A_715 = %broadcast_in_dim3A_321, %scan3A_716 = %broadcast_in_dim3A_323) -> (vector<16xf32>, vector<16xf32>, vector<16xf32>, vector<16xf32>, vector<16xf32>, vector<16xf32>, vector<16xf32>, vector<16xf32>, vector<16xf32>, vector<16xf32>, vector<16xi32>, vector<16xi32>, vector<16xi32>, vector<16xi32>, vector<16xi32>, vector<16xi32>, vector<16xi32>, vector<16xi32>, vector<16xi32>, vector<16xi32>)  : i32 {
      %mul3A_717 = arith.constant 16 : i32
      %mul3A_718 = arith.muli %scan3A_696, %mul3A_717 : i32
      %get3A_719 = arith.constant 0 : i32
      %get3A_720 = arith.index_cast %get3A_719 : i32 to index
      %get3A_721 = arith.index_cast %mul3A_718 : i32 to index
      %get3A_722 = tpu.vector_load %arg7[%get3A_720, %get3A_721] {strides = array<i32>} : memref<4x6384xf32, #tpu.memory_space<vmem>>, vector<16xf32>,
      %get3A_723 = arith.constant 1 : i32
      %get3A_724 = arith.index_cast %get3A_723 : i32 to index
      %get3A_725 = arith.index_cast %mul3A_718 : i32 to index
      %get3A_726 = tpu.vector_load %arg7[%get3A_724, %get3A_725] {strides = array<i32>} : memref<4x6384xf32, #tpu.memory_space<vmem>>, vector<16xf32>,
      %get3A_727 = arith.constant 2 : i32
      %get3A_728 = arith.index_cast %get3A_727 : i32 to index
      %get3A_729 = arith.index_cast %mul3A_718 : i32 to index
      %get3A_730 = tpu.vector_load %arg7[%get3A_728, %get3A_729] {strides = array<i32>} : memref<4x6384xf32, #tpu.memory_space<vmem>>, vector<16xf32>,
      %get3A_731 = arith.constant 3 : i32
      %get3A_732 = arith.index_cast %get3A_731 : i32 to index
      %get3A_733 = arith.index_cast %mul3A_718 : i32 to index
      %get3A_734 = tpu.vector_load %arg7[%get3A_732, %get3A_733] {strides = array<i32>} : memref<4x6384xf32, #tpu.memory_space<vmem>>, vector<16xf32>,
      %mul3A_735 = arith.constant 5.000000e-01 : f32
      %mul3A_736 = vector.broadcast %mul3A_735 : f32 to vector<16xf32>
      %mul3A_737 = arith.mulf %mul3A_736, %get3A_730 : vector<16xf32>
      %sub3A_738 = arith.subf %get3A_722, %mul3A_737 : vector<16xf32>
      %mul3A_739 = arith.constant 5.000000e-01 : f32
      %mul3A_740 = vector.broadcast %mul3A_739 : f32 to vector<16xf32>
      %mul3A_741 = arith.mulf %mul3A_740, %get3A_734 : vector<16xf32>
      %sub3A_742 = arith.subf %get3A_726, %mul3A_741 : vector<16xf32>
      %mul3A_743 = arith.constant 5.000000e-01 : f32
      %mul3A_744 = vector.broadcast %mul3A_743 : f32 to vector<16xf32>
      %mul3A_745 = arith.mulf %mul3A_744, %get3A_730 : vector<16xf32>
      %add3A_746 = arith.addf %get3A_722, %mul3A_745 : vector<16xf32>
      %mul3A_747 = arith.constant 5.000000e-01 : f32
      %mul3A_748 = vector.broadcast %mul3A_747 : f32 to vector<16xf32>
      %mul3A_749 = arith.mulf %mul3A_748, %get3A_734 : vector<16xf32>
      %add3A_750 = arith.addf %get3A_726, %mul3A_749 : vector<16xf32>
      %mul3A_751 = arith.mulf %get3A_730, %get3A_734 : vector<16xf32>
      %broadcast_in_dim3A_752 = arith.constant -1.000000e+00 : f32
      %broadcast_in_dim3A_753 = vector.broadcast %broadcast_in_dim3A_752 : f32 to vector<16xf32>
      %broadcast_in_dim3A_754 = arith.constant 0 : i32
      %broadcast_in_dim3A_755 = vector.broadcast %broadcast_in_dim3A_754 : i32 to vector<16xi32>
      %min3A_756 = arith.minimumf %gather3A_48, %add3A_746 : vector<16xf32>
      %max3A_757 = arith.maximumf %gather3A, %sub3A_738 : vector<16xf32>
      %sub3A_758 = arith.subf %min3A_756, %max3A_757 : vector<16xf32>
      %max3A_759 = arith.constant 0.000000e+00 : f32
      %max3A_760 = vector.broadcast %max3A_759 : f32 to vector<16xf32>
      %max3A_761 = arith.maximumf %sub3A_758, %max3A_760 : vector<16xf32>
      %min3A_762 = arith.minimumf %gather3A_53, %add3A_750 : vector<16xf32>
      %max3A_763 = arith.maximumf %gather3A_43, %sub3A_742 : vector<16xf32>
      %sub3A_764 = arith.subf %min3A_762, %max3A_763 : vector<16xf32>
      %max3A_765 = arith.constant 0.000000e+00 : f32
      %max3A_766 = vector.broadcast %max3A_765 : f32 to vector<16xf32>
      %max3A_767 = arith.maximumf %sub3A_764, %max3A_766 : vector<16xf32>
      %mul3A_768 = arith.mulf %max3A_761, %max3A_767 : vector<16xf32>
      %add3A_769 = arith.addf %gather3A_58, %mul3A_751 : vector<16xf32>
      %sub3A_770 = arith.subf %add3A_769, %mul3A_768 : vector<16xf32>
      %div3A = arith.divf %mul3A_768, %sub3A_770 : vector<16xf32>
      %gt3A_771 = arith.cmpf ogt, %div3A, %broadcast_in_dim3A_753 : vector<16xf32>
      %jit3A_772 = arith.constant 0 : i32
      %broadcast_in_dim3A_773 = vector.broadcast %jit3A_772 : i32 to vector<16xi32>
      %select_n3A_774 = arith.select %gt3A_771, %broadcast_in_dim3A_773, %broadcast_in_dim3A_755 : vector<16xi1>, vector<16xi32>
      %max3A_775 = arith.maximumf %broadcast_in_dim3A_753, %div3A : vector<16xf32>
      %gt3A_776 = arith.cmpf ogt, %div3A, %scan3A_697 : vector<16xf32>
      %add3A_777 = vector.broadcast %mul3A_718 : i32 to vector<16xi32>
      %add3A_778 = arith.addi %add3A_777, %iota3A : vector<16xi32>
      %select_n3A_779 = arith.select %gt3A_776, %add3A_778, %scan3A_707 : vector<16xi1>, vector<16xi32>
      %max3A_780 = arith.maximumf %scan3A_697, %div3A : vector<16xf32>
      %min3A_781 = arith.minimumf %gather3A_73, %add3A_746 : vector<16xf32>
      %max3A_782 = arith.maximumf %gather3A_63, %sub3A_738 : vector<16xf32>
      %sub3A_783 = arith.subf %min3A_781, %max3A_782 : vector<16xf32>
      %max3A_784 = arith.constant 0.000000e+00 : f32
      %max3A_785 = vector.broadcast %max3A_784 : f32 to vector<16xf32>
      %max3A_786 = arith.maximumf %sub3A_783, %max3A_785 : vector<16xf32>
      %min3A_787 = arith.minimumf %gather3A_78, %add3A_750 : vector<16xf32>
      %max3A_788 = arith.maximumf %gather3A_68, %sub3A_742 : vector<16xf32>
      %sub3A_789 = arith.subf %min3A_787, %max3A_788 : vector<16xf32>
      %max3A_790 = arith.constant 0.000000e+00 : f32
      %max3A_791 = vector.broadcast %max3A_790 : f32 to vector<16xf32>
      %max3A_792 = arith.maximumf %sub3A_789, %max3A_791 : vector<16xf32>
      %mul3A_793 = arith.mulf %max3A_786, %max3A_792 : vector<16xf32>
      %add3A_794 = arith.addf %gather3A_83, %mul3A_751 : vector<16xf32>
      %sub3A_795 = arith.subf %add3A_794, %mul3A_793 : vector<16xf32>
      %div3A_796 = arith.divf %mul3A_793, %sub3A_795 : vector<16xf32>
      %gt3A_797 = arith.cmpf ogt, %div3A_796, %max3A_775 : vector<16xf32>
      %jit3A_798 = arith.constant 1 : i32
      %broadcast_in_dim3A_799 = vector.broadcast %jit3A_798 : i32 to vector<16xi32>
      %select_n3A_800 = arith.select %gt3A_797, %broadcast_in_dim3A_799, %select_n3A_774 : vector<16xi1>, vector<16xi32>
      %max3A_801 = arith.maximumf %max3A_775, %div3A_796 : vector<16xf32>
      %gt3A_802 = arith.cmpf ogt, %div3A_796, %scan3A_698 : vector<16xf32>
      %add3A_803 = vector.broadcast %mul3A_718 : i32 to vector<16xi32>
      %add3A_804 = arith.addi %add3A_803, %iota3A : vector<16xi32>
      %select_n3A_805 = arith.select %gt3A_802, %add3A_804, %scan3A_708 : vector<16xi1>, vector<16xi32>
      %max3A_806 = arith.maximumf %scan3A_698, %div3A_796 : vector<16xf32>
      %min3A_807 = arith.minimumf %gather3A_98, %add3A_746 : vector<16xf32>
      %max3A_808 = arith.maximumf %gather3A_88, %sub3A_738 : vector<16xf32>
      %sub3A_809 = arith.subf %min3A_807, %max3A_808 : vector<16xf32>
      %max3A_810 = arith.constant 0.000000e+00 : f32
      %max3A_811 = vector.broadcast %max3A_810 : f32 to vector<16xf32>
      %max3A_812 = arith.maximumf %sub3A_809, %max3A_811 : vector<16xf32>
      %min3A_813 = arith.minimumf %gather3A_103, %add3A_750 : vector<16xf32>
      %max3A_814 = arith.maximumf %gather3A_93, %sub3A_742 : vector<16xf32>
      %sub3A_815 = arith.subf %min3A_813, %max3A_814 : vector<16xf32>
      %max3A_816 = arith.constant 0.000000e+00 : f32
      %max3A_817 = vector.broadcast %max3A_816 : f32 to vector<16xf32>
      %max3A_818 = arith.maximumf %sub3A_815, %max3A_817 : vector<16xf32>
      %mul3A_819 = arith.mulf %max3A_812, %max3A_818 : vector<16xf32>
      %add3A_820 = arith.addf %gather3A_108, %mul3A_751 : vector<16xf32>
      %sub3A_821 = arith.subf %add3A_820, %mul3A_819 : vector<16xf32>
      %div3A_822 = arith.divf %mul3A_819, %sub3A_821 : vector<16xf32>
      %gt3A_823 = arith.cmpf ogt, %div3A_822, %max3A_801 : vector<16xf32>
      %jit3A_824 = arith.constant 2 : i32
      %broadcast_in_dim3A_825 = vector.broadcast %jit3A_824 : i32 to vector<16xi32>
      %select_n3A_826 = arith.select %gt3A_823, %broadcast_in_dim3A_825, %select_n3A_800 : vector<16xi1>, vector<16xi32>
      %max3A_827 = arith.maximumf %max3A_801, %div3A_822 : vector<16xf32>
      %gt3A_828 = arith.cmpf ogt, %div3A_822, %scan3A_699 : vector<16xf32>
      %add3A_829 = vector.broadcast %mul3A_718 : i32 to vector<16xi32>
      %add3A_830 = arith.addi %add3A_829, %iota3A : vector<16xi32>
      %select_n3A_831 = arith.select %gt3A_828, %add3A_830, %scan3A_709 : vector<16xi1>, vector<16xi32>
      %max3A_832 = arith.maximumf %scan3A_699, %div3A_822 : vector<16xf32>
      %min3A_833 = arith.minimumf %gather3A_123, %add3A_746 : vector<16xf32>
      %max3A_834 = arith.maximumf %gather3A_113, %sub3A_738 : vector<16xf32>
      %sub3A_835 = arith.subf %min3A_833, %max3A_834 : vector<16xf32>
      %max3A_836 = arith.constant 0.000000e+00 : f32
      %max3A_837 = vector.broadcast %max3A_836 : f32 to vector<16xf32>
      %max3A_838 = arith.maximumf %sub3A_835, %max3A_837 : vector<16xf32>
      %min3A_839 = arith.minimumf %gather3A_128, %add3A_750 : vector<16xf32>
      %max3A_840 = arith.maximumf %gather3A_118, %sub3A_742 : vector<16xf32>
      %sub3A_841 = arith.subf %min3A_839, %max3A_840 : vector<16xf32>
      %max3A_842 = arith.constant 0.000000e+00 : f32
      %max3A_843 = vector.broadcast %max3A_842 : f32 to vector<16xf32>
      %max3A_844 = arith.maximumf %sub3A_841, %max3A_843 : vector<16xf32>
      %mul3A_845 = arith.mulf %max3A_838, %max3A_844 : vector<16xf32>
      %add3A_846 = arith.addf %gather3A_133, %mul3A_751 : vector<16xf32>
      %sub3A_847 = arith.subf %add3A_846, %mul3A_845 : vector<16xf32>
      %div3A_848 = arith.divf %mul3A_845, %sub3A_847 : vector<16xf32>
      %gt3A_849 = arith.cmpf ogt, %div3A_848, %max3A_827 : vector<16xf32>
      %jit3A_850 = arith.constant 3 : i32
      %broadcast_in_dim3A_851 = vector.broadcast %jit3A_850 : i32 to vector<16xi32>
      %select_n3A_852 = arith.select %gt3A_849, %broadcast_in_dim3A_851, %select_n3A_826 : vector<16xi1>, vector<16xi32>
      %max3A_853 = arith.maximumf %max3A_827, %div3A_848 : vector<16xf32>
      %gt3A_854 = arith.cmpf ogt, %div3A_848, %scan3A_700 : vector<16xf32>
      %add3A_855 = vector.broadcast %mul3A_718 : i32 to vector<16xi32>
      %add3A_856 = arith.addi %add3A_855, %iota3A : vector<16xi32>
      %select_n3A_857 = arith.select %gt3A_854, %add3A_856, %scan3A_710 : vector<16xi1>, vector<16xi32>
      %max3A_858 = arith.maximumf %scan3A_700, %div3A_848 : vector<16xf32>
      %min3A_859 = arith.minimumf %gather3A_148, %add3A_746 : vector<16xf32>
      %max3A_860 = arith.maximumf %gather3A_138, %sub3A_738 : vector<16xf32>
      %sub3A_861 = arith.subf %min3A_859, %max3A_860 : vector<16xf32>
      %max3A_862 = arith.constant 0.000000e+00 : f32
      %max3A_863 = vector.broadcast %max3A_862 : f32 to vector<16xf32>
      %max3A_864 = arith.maximumf %sub3A_861, %max3A_863 : vector<16xf32>
      %min3A_865 = arith.minimumf %gather3A_153, %add3A_750 : vector<16xf32>
      %max3A_866 = arith.maximumf %gather3A_143, %sub3A_742 : vector<16xf32>
      %sub3A_867 = arith.subf %min3A_865, %max3A_866 : vector<16xf32>
      %max3A_868 = arith.constant 0.000000e+00 : f32
      %max3A_869 = vector.broadcast %max3A_868 : f32 to vector<16xf32>
      %max3A_870 = arith.maximumf %sub3A_867, %max3A_869 : vector<16xf32>
      %mul3A_871 = arith.mulf %max3A_864, %max3A_870 : vector<16xf32>
      %add3A_872 = arith.addf %gather3A_158, %mul3A_751 : vector<16xf32>
      %sub3A_873 = arith.subf %add3A_872, %mul3A_871 : vector<16xf32>
      %div3A_874 = arith.divf %mul3A_871, %sub3A_873 : vector<16xf32>
      %gt3A_875 = arith.cmpf ogt, %div3A_874, %max3A_853 : vector<16xf32>
      %jit3A_876 = arith.constant 4 : i32
      %broadcast_in_dim3A_877 = vector.broadcast %jit3A_876 : i32 to vector<16xi32>
      %select_n3A_878 = arith.select %gt3A_875, %broadcast_in_dim3A_877, %select_n3A_852 : vector<16xi1>, vector<16xi32>
      %max3A_879 = arith.maximumf %max3A_853, %div3A_874 : vector<16xf32>
      %gt3A_880 = arith.cmpf ogt, %div3A_874, %scan3A_701 : vector<16xf32>
      %add3A_881 = vector.broadcast %mul3A_718 : i32 to vector<16xi32>
      %add3A_882 = arith.addi %add3A_881, %iota3A : vector<16xi32>
      %select_n3A_883 = arith.select %gt3A_880, %add3A_882, %scan3A_711 : vector<16xi1>, vector<16xi32>
      %max3A_884 = arith.maximumf %scan3A_701, %div3A_874 : vector<16xf32>
      %min3A_885 = arith.minimumf %gather3A_173, %add3A_746 : vector<16xf32>
      %max3A_886 = arith.maximumf %gather3A_163, %sub3A_738 : vector<16xf32>
      %sub3A_887 = arith.subf %min3A_885, %max3A_886 : vector<16xf32>
      %max3A_888 = arith.constant 0.000000e+00 : f32
      %max3A_889 = vector.broadcast %max3A_888 : f32 to vector<16xf32>
      %max3A_890 = arith.maximumf %sub3A_887, %max3A_889 : vector<16xf32>
      %min3A_891 = arith.minimumf %gather3A_178, %add3A_750 : vector<16xf32>
      %max3A_892 = arith.maximumf %gather3A_168, %sub3A_742 : vector<16xf32>
      %sub3A_893 = arith.subf %min3A_891, %max3A_892 : vector<16xf32>
      %max3A_894 = arith.constant 0.000000e+00 : f32
      %max3A_895 = vector.broadcast %max3A_894 : f32 to vector<16xf32>
      %max3A_896 = arith.maximumf %sub3A_893, %max3A_895 : vector<16xf32>
      %mul3A_897 = arith.mulf %max3A_890, %max3A_896 : vector<16xf32>
      %add3A_898 = arith.addf %gather3A_183, %mul3A_751 : vector<16xf32>
      %sub3A_899 = arith.subf %add3A_898, %mul3A_897 : vector<16xf32>
      %div3A_900 = arith.divf %mul3A_897, %sub3A_899 : vector<16xf32>
      %gt3A_901 = arith.cmpf ogt, %div3A_900, %max3A_879 : vector<16xf32>
      %jit3A_902 = arith.constant 5 : i32
      %broadcast_in_dim3A_903 = vector.broadcast %jit3A_902 : i32 to vector<16xi32>
      %select_n3A_904 = arith.select %gt3A_901, %broadcast_in_dim3A_903, %select_n3A_878 : vector<16xi1>, vector<16xi32>
      %max3A_905 = arith.maximumf %max3A_879, %div3A_900 : vector<16xf32>
      %gt3A_906 = arith.cmpf ogt, %div3A_900, %scan3A_702 : vector<16xf32>
      %add3A_907 = vector.broadcast %mul3A_718 : i32 to vector<16xi32>
      %add3A_908 = arith.addi %add3A_907, %iota3A : vector<16xi32>
      %select_n3A_909 = arith.select %gt3A_906, %add3A_908, %scan3A_712 : vector<16xi1>, vector<16xi32>
      %max3A_910 = arith.maximumf %scan3A_702, %div3A_900 : vector<16xf32>
      %min3A_911 = arith.minimumf %gather3A_198, %add3A_746 : vector<16xf32>
      %max3A_912 = arith.maximumf %gather3A_188, %sub3A_738 : vector<16xf32>
      %sub3A_913 = arith.subf %min3A_911, %max3A_912 : vector<16xf32>
      %max3A_914 = arith.constant 0.000000e+00 : f32
      %max3A_915 = vector.broadcast %max3A_914 : f32 to vector<16xf32>
      %max3A_916 = arith.maximumf %sub3A_913, %max3A_915 : vector<16xf32>
      %min3A_917 = arith.minimumf %gather3A_203, %add3A_750 : vector<16xf32>
      %max3A_918 = arith.maximumf %gather3A_193, %sub3A_742 : vector<16xf32>
      %sub3A_919 = arith.subf %min3A_917, %max3A_918 : vector<16xf32>
      %max3A_920 = arith.constant 0.000000e+00 : f32
      %max3A_921 = vector.broadcast %max3A_920 : f32 to vector<16xf32>
      %max3A_922 = arith.maximumf %sub3A_919, %max3A_921 : vector<16xf32>
      %mul3A_923 = arith.mulf %max3A_916, %max3A_922 : vector<16xf32>
      %add3A_924 = arith.addf %gather3A_208, %mul3A_751 : vector<16xf32>
      %sub3A_925 = arith.subf %add3A_924, %mul3A_923 : vector<16xf32>
      %div3A_926 = arith.divf %mul3A_923, %sub3A_925 : vector<16xf32>
      %gt3A_927 = arith.cmpf ogt, %div3A_926, %max3A_905 : vector<16xf32>
      %jit3A_928 = arith.constant 6 : i32
      %broadcast_in_dim3A_929 = vector.broadcast %jit3A_928 : i32 to vector<16xi32>
      %select_n3A_930 = arith.select %gt3A_927, %broadcast_in_dim3A_929, %select_n3A_904 : vector<16xi1>, vector<16xi32>
      %max3A_931 = arith.maximumf %max3A_905, %div3A_926 : vector<16xf32>
      %gt3A_932 = arith.cmpf ogt, %div3A_926, %scan3A_703 : vector<16xf32>
      %add3A_933 = vector.broadcast %mul3A_718 : i32 to vector<16xi32>
      %add3A_934 = arith.addi %add3A_933, %iota3A : vector<16xi32>
      %select_n3A_935 = arith.select %gt3A_932, %add3A_934, %scan3A_713 : vector<16xi1>, vector<16xi32>
      %max3A_936 = arith.maximumf %scan3A_703, %div3A_926 : vector<16xf32>
      %min3A_937 = arith.minimumf %gather3A_223, %add3A_746 : vector<16xf32>
      %max3A_938 = arith.maximumf %gather3A_213, %sub3A_738 : vector<16xf32>
      %sub3A_939 = arith.subf %min3A_937, %max3A_938 : vector<16xf32>
      %max3A_940 = arith.constant 0.000000e+00 : f32
      %max3A_941 = vector.broadcast %max3A_940 : f32 to vector<16xf32>
      %max3A_942 = arith.maximumf %sub3A_939, %max3A_941 : vector<16xf32>
      %min3A_943 = arith.minimumf %gather3A_228, %add3A_750 : vector<16xf32>
      %max3A_944 = arith.maximumf %gather3A_218, %sub3A_742 : vector<16xf32>
      %sub3A_945 = arith.subf %min3A_943, %max3A_944 : vector<16xf32>
      %max3A_946 = arith.constant 0.000000e+00 : f32
      %max3A_947 = vector.broadcast %max3A_946 : f32 to vector<16xf32>
      %max3A_948 = arith.maximumf %sub3A_945, %max3A_947 : vector<16xf32>
      %mul3A_949 = arith.mulf %max3A_942, %max3A_948 : vector<16xf32>
      %add3A_950 = arith.addf %gather3A_233, %mul3A_751 : vector<16xf32>
      %sub3A_951 = arith.subf %add3A_950, %mul3A_949 : vector<16xf32>
      %div3A_952 = arith.divf %mul3A_949, %sub3A_951 : vector<16xf32>
      %gt3A_953 = arith.cmpf ogt, %div3A_952, %max3A_931 : vector<16xf32>
      %jit3A_954 = arith.constant 7 : i32
      %broadcast_in_dim3A_955 = vector.broadcast %jit3A_954 : i32 to vector<16xi32>
      %select_n3A_956 = arith.select %gt3A_953, %broadcast_in_dim3A_955, %select_n3A_930 : vector<16xi1>, vector<16xi32>
      %max3A_957 = arith.maximumf %max3A_931, %div3A_952 : vector<16xf32>
      %gt3A_958 = arith.cmpf ogt, %div3A_952, %scan3A_704 : vector<16xf32>
      %add3A_959 = vector.broadcast %mul3A_718 : i32 to vector<16xi32>
      %add3A_960 = arith.addi %add3A_959, %iota3A : vector<16xi32>
      %select_n3A_961 = arith.select %gt3A_958, %add3A_960, %scan3A_714 : vector<16xi1>, vector<16xi32>
      %max3A_962 = arith.maximumf %scan3A_704, %div3A_952 : vector<16xf32>
      %min3A_963 = arith.minimumf %gather3A_248, %add3A_746 : vector<16xf32>
      %max3A_964 = arith.maximumf %gather3A_238, %sub3A_738 : vector<16xf32>
      %sub3A_965 = arith.subf %min3A_963, %max3A_964 : vector<16xf32>
      %max3A_966 = arith.constant 0.000000e+00 : f32
      %max3A_967 = vector.broadcast %max3A_966 : f32 to vector<16xf32>
      %max3A_968 = arith.maximumf %sub3A_965, %max3A_967 : vector<16xf32>
      %min3A_969 = arith.minimumf %gather3A_253, %add3A_750 : vector<16xf32>
      %max3A_970 = arith.maximumf %gather3A_243, %sub3A_742 : vector<16xf32>
      %sub3A_971 = arith.subf %min3A_969, %max3A_970 : vector<16xf32>
      %max3A_972 = arith.constant 0.000000e+00 : f32
      %max3A_973 = vector.broadcast %max3A_972 : f32 to vector<16xf32>
      %max3A_974 = arith.maximumf %sub3A_971, %max3A_973 : vector<16xf32>
      %mul3A_975 = arith.mulf %max3A_968, %max3A_974 : vector<16xf32>
      %add3A_976 = arith.addf %gather3A_258, %mul3A_751 : vector<16xf32>
      %sub3A_977 = arith.subf %add3A_976, %mul3A_975 : vector<16xf32>
      %div3A_978 = arith.divf %mul3A_975, %sub3A_977 : vector<16xf32>
      %gt3A_979 = arith.cmpf ogt, %div3A_978, %max3A_957 : vector<16xf32>
      %jit3A_980 = arith.constant 8 : i32
      %broadcast_in_dim3A_981 = vector.broadcast %jit3A_980 : i32 to vector<16xi32>
      %select_n3A_982 = arith.select %gt3A_979, %broadcast_in_dim3A_981, %select_n3A_956 : vector<16xi1>, vector<16xi32>
      %max3A_983 = arith.maximumf %max3A_957, %div3A_978 : vector<16xf32>
      %gt3A_984 = arith.cmpf ogt, %div3A_978, %scan3A_705 : vector<16xf32>
      %add3A_985 = vector.broadcast %mul3A_718 : i32 to vector<16xi32>
      %add3A_986 = arith.addi %add3A_985, %iota3A : vector<16xi32>
      %select_n3A_987 = arith.select %gt3A_984, %add3A_986, %scan3A_715 : vector<16xi1>, vector<16xi32>
      %max3A_988 = arith.maximumf %scan3A_705, %div3A_978 : vector<16xf32>
      %min3A_989 = arith.minimumf %gather3A_273, %add3A_746 : vector<16xf32>
      %max3A_990 = arith.maximumf %gather3A_263, %sub3A_738 : vector<16xf32>
      %sub3A_991 = arith.subf %min3A_989, %max3A_990 : vector<16xf32>
      %max3A_992 = arith.constant 0.000000e+00 : f32
      %max3A_993 = vector.broadcast %max3A_992 : f32 to vector<16xf32>
      %max3A_994 = arith.maximumf %sub3A_991, %max3A_993 : vector<16xf32>
      %min3A_995 = arith.minimumf %gather3A_278, %add3A_750 : vector<16xf32>
      %max3A_996 = arith.maximumf %gather3A_268, %sub3A_742 : vector<16xf32>
      %sub3A_997 = arith.subf %min3A_995, %max3A_996 : vector<16xf32>
      %max3A_998 = arith.constant 0.000000e+00 : f32
      %max3A_999 = vector.broadcast %max3A_998 : f32 to vector<16xf32>
      %max3A_1000 = arith.maximumf %sub3A_997, %max3A_999 : vector<16xf32>
      %mul3A_1001 = arith.mulf %max3A_994, %max3A_1000 : vector<16xf32>
      %add3A_1002 = arith.addf %gather3A_283, %mul3A_751 : vector<16xf32>
      %sub3A_1003 = arith.subf %add3A_1002, %mul3A_1001 : vector<16xf32>
      %div3A_1004 = arith.divf %mul3A_1001, %sub3A_1003 : vector<16xf32>
      %gt3A_1005 = arith.cmpf ogt, %div3A_1004, %max3A_983 : vector<16xf32>
      %jit3A_1006 = arith.constant 9 : i32
      %broadcast_in_dim3A_1007 = vector.broadcast %jit3A_1006 : i32 to vector<16xi32>
      %select_n3A_1008 = arith.select %gt3A_1005, %broadcast_in_dim3A_1007, %select_n3A_982 : vector<16xi1>, vector<16xi32>
      %max3A_1009 = arith.maximumf %max3A_983, %div3A_1004 : vector<16xf32>
      %gt3A_1010 = arith.cmpf ogt, %div3A_1004, %scan3A_706 : vector<16xf32>
      %add3A_1011 = vector.broadcast %mul3A_718 : i32 to vector<16xi32>
      %add3A_1012 = arith.addi %add3A_1011, %iota3A : vector<16xi32>
      %select_n3A_1013 = arith.select %gt3A_1010, %add3A_1012, %scan3A_716 : vector<16xi1>, vector<16xi32>
      %max3A_1014 = arith.maximumf %scan3A_706, %div3A_1004 : vector<16xf32>
      %swap3A_1015 = arith.index_cast %mul3A_718 : i32 to index
      %swap3A_1016 = tpu.vector_load %arg11[%swap3A_1015] {strides = array<i32>} : memref<6384xf32, #tpu.memory_space<vmem>>, vector<16xf32>,
      tpu.vector_store %arg11[%swap3A_1015], %max3A_1009 {strides = array<i32>} : memref<6384xf32, #tpu.memory_space<vmem>>, vector<16xf32>,
      %swap3A_1017 = arith.index_cast %mul3A_718 : i32 to index
      %swap3A_1018 = tpu.vector_load %arg12[%swap3A_1017] {strides = array<i32>} : memref<6384xi32, #tpu.memory_space<vmem>>, vector<16xi32>,
      tpu.vector_store %arg12[%swap3A_1017], %select_n3A_1008 {strides = array<i32>} : memref<6384xi32, #tpu.memory_space<vmem>>, vector<16xi32>,
      %scan3A_1019 = arith.constant 1 : i32
      %scan3A_1020 = arith.addi %scan3A_696, %scan3A_1019 : i32
      %mul3A_1021 = arith.constant 16 : i32
      %mul3A_1022 = arith.muli %scan3A_1020, %mul3A_1021 : i32
      %get3A_1023 = arith.constant 0 : i32
      %get3A_1024 = arith.index_cast %get3A_1023 : i32 to index
      %get3A_1025 = arith.index_cast %mul3A_1022 : i32 to index
      %get3A_1026 = tpu.vector_load %arg7[%get3A_1024, %get3A_1025] {strides = array<i32>} : memref<4x6384xf32, #tpu.memory_space<vmem>>, vector<16xf32>,
      %get3A_1027 = arith.constant 1 : i32
      %get3A_1028 = arith.index_cast %get3A_1027 : i32 to index
      %get3A_1029 = arith.index_cast %mul3A_1022 : i32 to index
      %get3A_1030 = tpu.vector_load %arg7[%get3A_1028, %get3A_1029] {strides = array<i32>} : memref<4x6384xf32, #tpu.memory_space<vmem>>, vector<16xf32>,
      %get3A_1031 = arith.constant 2 : i32
      %get3A_1032 = arith.index_cast %get3A_1031 : i32 to index
      %get3A_1033 = arith.index_cast %mul3A_1022 : i32 to index
      %get3A_1034 = tpu.vector_load %arg7[%get3A_1032, %get3A_1033] {strides = array<i32>} : memref<4x6384xf32, #tpu.memory_space<vmem>>, vector<16xf32>,
      %get3A_1035 = arith.constant 3 : i32
      %get3A_1036 = arith.index_cast %get3A_1035 : i32 to index
      %get3A_1037 = arith.index_cast %mul3A_1022 : i32 to index
      %get3A_1038 = tpu.vector_load %arg7[%get3A_1036, %get3A_1037] {strides = array<i32>} : memref<4x6384xf32, #tpu.memory_space<vmem>>, vector<16xf32>,
      %mul3A_1039 = arith.constant 5.000000e-01 : f32
      %mul3A_1040 = vector.broadcast %mul3A_1039 : f32 to vector<16xf32>
      %mul3A_1041 = arith.mulf %mul3A_1040, %get3A_1034 : vector<16xf32>
      %sub3A_1042 = arith.subf %get3A_1026, %mul3A_1041 : vector<16xf32>
      %mul3A_1043 = arith.constant 5.000000e-01 : f32
      %mul3A_1044 = vector.broadcast %mul3A_1043 : f32 to vector<16xf32>
      %mul3A_1045 = arith.mulf %mul3A_1044, %get3A_1038 : vector<16xf32>
      %sub3A_1046 = arith.subf %get3A_1030, %mul3A_1045 : vector<16xf32>
      %mul3A_1047 = arith.constant 5.000000e-01 : f32
      %mul3A_1048 = vector.broadcast %mul3A_1047 : f32 to vector<16xf32>
      %mul3A_1049 = arith.mulf %mul3A_1048, %get3A_1034 : vector<16xf32>
      %add3A_1050 = arith.addf %get3A_1026, %mul3A_1049 : vector<16xf32>
      %mul3A_1051 = arith.constant 5.000000e-01 : f32
      %mul3A_1052 = vector.broadcast %mul3A_1051 : f32 to vector<16xf32>
      %mul3A_1053 = arith.mulf %mul3A_1052, %get3A_1038 : vector<16xf32>
      %add3A_1054 = arith.addf %get3A_1030, %mul3A_1053 : vector<16xf32>
      %mul3A_1055 = arith.mulf %get3A_1034, %get3A_1038 : vector<16xf32>
      %broadcast_in_dim3A_1056 = arith.constant -1.000000e+00 : f32
      %broadcast_in_dim3A_1057 = vector.broadcast %broadcast_in_dim3A_1056 : f32 to vector<16xf32>
      %broadcast_in_dim3A_1058 = arith.constant 0 : i32
      %broadcast_in_dim3A_1059 = vector.broadcast %broadcast_in_dim3A_1058 : i32 to vector<16xi32>
      %min3A_1060 = arith.minimumf %gather3A_48, %add3A_1050 : vector<16xf32>
      %max3A_1061 = arith.maximumf %gather3A, %sub3A_1042 : vector<16xf32>
      %sub3A_1062 = arith.subf %min3A_1060, %max3A_1061 : vector<16xf32>
      %max3A_1063 = arith.constant 0.000000e+00 : f32
      %max3A_1064 = vector.broadcast %max3A_1063 : f32 to vector<16xf32>
      %max3A_1065 = arith.maximumf %sub3A_1062, %max3A_1064 : vector<16xf32>
      %min3A_1066 = arith.minimumf %gather3A_53, %add3A_1054 : vector<16xf32>
      %max3A_1067 = arith.maximumf %gather3A_43, %sub3A_1046 : vector<16xf32>
      %sub3A_1068 = arith.subf %min3A_1066, %max3A_1067 : vector<16xf32>
      %max3A_1069 = arith.constant 0.000000e+00 : f32
      %max3A_1070 = vector.broadcast %max3A_1069 : f32 to vector<16xf32>
      %max3A_1071 = arith.maximumf %sub3A_1068, %max3A_1070 : vector<16xf32>
      %mul3A_1072 = arith.mulf %max3A_1065, %max3A_1071 : vector<16xf32>
      %add3A_1073 = arith.addf %gather3A_58, %mul3A_1055 : vector<16xf32>
      %sub3A_1074 = arith.subf %add3A_1073, %mul3A_1072 : vector<16xf32>
      %div3A_1075 = arith.divf %mul3A_1072, %sub3A_1074 : vector<16xf32>
      %gt3A_1076 = arith.cmpf ogt, %div3A_1075, %broadcast_in_dim3A_1057 : vector<16xf32>
      %jit3A_1077 = arith.constant 0 : i32
      %broadcast_in_dim3A_1078 = vector.broadcast %jit3A_1077 : i32 to vector<16xi32>
      %select_n3A_1079 = arith.select %gt3A_1076, %broadcast_in_dim3A_1078, %broadcast_in_dim3A_1059 : vector<16xi1>, vector<16xi32>
      %max3A_1080 = arith.maximumf %broadcast_in_dim3A_1057, %div3A_1075 : vector<16xf32>
      %gt3A_1081 = arith.cmpf ogt, %div3A_1075, %max3A_780 : vector<16xf32>
      %add3A_1082 = vector.broadcast %mul3A_1022 : i32 to vector<16xi32>
      %add3A_1083 = arith.addi %add3A_1082, %iota3A : vector<16xi32>
      %select_n3A_1084 = arith.select %gt3A_1081, %add3A_1083, %select_n3A_779 : vector<16xi1>, vector<16xi32>
      %max3A_1085 = arith.maximumf %max3A_780, %div3A_1075 : vector<16xf32>
      %min3A_1086 = arith.minimumf %gather3A_73, %add3A_1050 : vector<16xf32>
      %max3A_1087 = arith.maximumf %gather3A_63, %sub3A_1042 : vector<16xf32>
      %sub3A_1088 = arith.subf %min3A_1086, %max3A_1087 : vector<16xf32>
      %max3A_1089 = arith.constant 0.000000e+00 : f32
      %max3A_1090 = vector.broadcast %max3A_1089 : f32 to vector<16xf32>
      %max3A_1091 = arith.maximumf %sub3A_1088, %max3A_1090 : vector<16xf32>
      %min3A_1092 = arith.minimumf %gather3A_78, %add3A_1054 : vector<16xf32>
      %max3A_1093 = arith.maximumf %gather3A_68, %sub3A_1046 : vector<16xf32>
      %sub3A_1094 = arith.subf %min3A_1092, %max3A_1093 : vector<16xf32>
      %max3A_1095 = arith.constant 0.000000e+00 : f32
      %max3A_1096 = vector.broadcast %max3A_1095 : f32 to vector<16xf32>
      %max3A_1097 = arith.maximumf %sub3A_1094, %max3A_1096 : vector<16xf32>
      %mul3A_1098 = arith.mulf %max3A_1091, %max3A_1097 : vector<16xf32>
      %add3A_1099 = arith.addf %gather3A_83, %mul3A_1055 : vector<16xf32>
      %sub3A_1100 = arith.subf %add3A_1099, %mul3A_1098 : vector<16xf32>
      %div3A_1101 = arith.divf %mul3A_1098, %sub3A_1100 : vector<16xf32>
      %gt3A_1102 = arith.cmpf ogt, %div3A_1101, %max3A_1080 : vector<16xf32>
      %jit3A_1103 = arith.constant 1 : i32
      %broadcast_in_dim3A_1104 = vector.broadcast %jit3A_1103 : i32 to vector<16xi32>
      %select_n3A_1105 = arith.select %gt3A_1102, %broadcast_in_dim3A_1104, %select_n3A_1079 : vector<16xi1>, vector<16xi32>
      %max3A_1106 = arith.maximumf %max3A_1080, %div3A_1101 : vector<16xf32>
      %gt3A_1107 = arith.cmpf ogt, %div3A_1101, %max3A_806 : vector<16xf32>
      %add3A_1108 = vector.broadcast %mul3A_1022 : i32 to vector<16xi32>
      %add3A_1109 = arith.addi %add3A_1108, %iota3A : vector<16xi32>
      %select_n3A_1110 = arith.select %gt3A_1107, %add3A_1109, %select_n3A_805 : vector<16xi1>, vector<16xi32>
      %max3A_1111 = arith.maximumf %max3A_806, %div3A_1101 : vector<16xf32>
      %min3A_1112 = arith.minimumf %gather3A_98, %add3A_1050 : vector<16xf32>
      %max3A_1113 = arith.maximumf %gather3A_88, %sub3A_1042 : vector<16xf32>
      %sub3A_1114 = arith.subf %min3A_1112, %max3A_1113 : vector<16xf32>
      %max3A_1115 = arith.constant 0.000000e+00 : f32
      %max3A_1116 = vector.broadcast %max3A_1115 : f32 to vector<16xf32>
      %max3A_1117 = arith.maximumf %sub3A_1114, %max3A_1116 : vector<16xf32>
      %min3A_1118 = arith.minimumf %gather3A_103, %add3A_1054 : vector<16xf32>
      %max3A_1119 = arith.maximumf %gather3A_93, %sub3A_1046 : vector<16xf32>
      %sub3A_1120 = arith.subf %min3A_1118, %max3A_1119 : vector<16xf32>
      %max3A_1121 = arith.constant 0.000000e+00 : f32
      %max3A_1122 = vector.broadcast %max3A_1121 : f32 to vector<16xf32>
      %max3A_1123 = arith.maximumf %sub3A_1120, %max3A_1122 : vector<16xf32>
      %mul3A_1124 = arith.mulf %max3A_1117, %max3A_1123 : vector<16xf32>
      %add3A_1125 = arith.addf %gather3A_108, %mul3A_1055 : vector<16xf32>
      %sub3A_1126 = arith.subf %add3A_1125, %mul3A_1124 : vector<16xf32>
      %div3A_1127 = arith.divf %mul3A_1124, %sub3A_1126 : vector<16xf32>
      %gt3A_1128 = arith.cmpf ogt, %div3A_1127, %max3A_1106 : vector<16xf32>
      %jit3A_1129 = arith.constant 2 : i32
      %broadcast_in_dim3A_1130 = vector.broadcast %jit3A_1129 : i32 to vector<16xi32>
      %select_n3A_1131 = arith.select %gt3A_1128, %broadcast_in_dim3A_1130, %select_n3A_1105 : vector<16xi1>, vector<16xi32>
      %max3A_1132 = arith.maximumf %max3A_1106, %div3A_1127 : vector<16xf32>
      %gt3A_1133 = arith.cmpf ogt, %div3A_1127, %max3A_832 : vector<16xf32>
      %add3A_1134 = vector.broadcast %mul3A_1022 : i32 to vector<16xi32>
      %add3A_1135 = arith.addi %add3A_1134, %iota3A : vector<16xi32>
      %select_n3A_1136 = arith.select %gt3A_1133, %add3A_1135, %select_n3A_831 : vector<16xi1>, vector<16xi32>
      %max3A_1137 = arith.maximumf %max3A_832, %div3A_1127 : vector<16xf32>
      %min3A_1138 = arith.minimumf %gather3A_123, %add3A_1050 : vector<16xf32>
      %max3A_1139 = arith.maximumf %gather3A_113, %sub3A_1042 : vector<16xf32>
      %sub3A_1140 = arith.subf %min3A_1138, %max3A_1139 : vector<16xf32>
      %max3A_1141 = arith.constant 0.000000e+00 : f32
      %max3A_1142 = vector.broadcast %max3A_1141 : f32 to vector<16xf32>
      %max3A_1143 = arith.maximumf %sub3A_1140, %max3A_1142 : vector<16xf32>
      %min3A_1144 = arith.minimumf %gather3A_128, %add3A_1054 : vector<16xf32>
      %max3A_1145 = arith.maximumf %gather3A_118, %sub3A_1046 : vector<16xf32>
      %sub3A_1146 = arith.subf %min3A_1144, %max3A_1145 : vector<16xf32>
      %max3A_1147 = arith.constant 0.000000e+00 : f32
      %max3A_1148 = vector.broadcast %max3A_1147 : f32 to vector<16xf32>
      %max3A_1149 = arith.maximumf %sub3A_1146, %max3A_1148 : vector<16xf32>
      %mul3A_1150 = arith.mulf %max3A_1143, %max3A_1149 : vector<16xf32>
      %add3A_1151 = arith.addf %gather3A_133, %mul3A_1055 : vector<16xf32>
      %sub3A_1152 = arith.subf %add3A_1151, %mul3A_1150 : vector<16xf32>
      %div3A_1153 = arith.divf %mul3A_1150, %sub3A_1152 : vector<16xf32>
      %gt3A_1154 = arith.cmpf ogt, %div3A_1153, %max3A_1132 : vector<16xf32>
      %jit3A_1155 = arith.constant 3 : i32
      %broadcast_in_dim3A_1156 = vector.broadcast %jit3A_1155 : i32 to vector<16xi32>
      %select_n3A_1157 = arith.select %gt3A_1154, %broadcast_in_dim3A_1156, %select_n3A_1131 : vector<16xi1>, vector<16xi32>
      %max3A_1158 = arith.maximumf %max3A_1132, %div3A_1153 : vector<16xf32>
      %gt3A_1159 = arith.cmpf ogt, %div3A_1153, %max3A_858 : vector<16xf32>
      %add3A_1160 = vector.broadcast %mul3A_1022 : i32 to vector<16xi32>
      %add3A_1161 = arith.addi %add3A_1160, %iota3A : vector<16xi32>
      %select_n3A_1162 = arith.select %gt3A_1159, %add3A_1161, %select_n3A_857 : vector<16xi1>, vector<16xi32>
      %max3A_1163 = arith.maximumf %max3A_858, %div3A_1153 : vector<16xf32>
      %min3A_1164 = arith.minimumf %gather3A_148, %add3A_1050 : vector<16xf32>
      %max3A_1165 = arith.maximumf %gather3A_138, %sub3A_1042 : vector<16xf32>
      %sub3A_1166 = arith.subf %min3A_1164, %max3A_1165 : vector<16xf32>
      %max3A_1167 = arith.constant 0.000000e+00 : f32
      %max3A_1168 = vector.broadcast %max3A_1167 : f32 to vector<16xf32>
      %max3A_1169 = arith.maximumf %sub3A_1166, %max3A_1168 : vector<16xf32>
      %min3A_1170 = arith.minimumf %gather3A_153, %add3A_1054 : vector<16xf32>
      %max3A_1171 = arith.maximumf %gather3A_143, %sub3A_1046 : vector<16xf32>
      %sub3A_1172 = arith.subf %min3A_1170, %max3A_1171 : vector<16xf32>
      %max3A_1173 = arith.constant 0.000000e+00 : f32
      %max3A_1174 = vector.broadcast %max3A_1173 : f32 to vector<16xf32>
      %max3A_1175 = arith.maximumf %sub3A_1172, %max3A_1174 : vector<16xf32>
      %mul3A_1176 = arith.mulf %max3A_1169, %max3A_1175 : vector<16xf32>
      %add3A_1177 = arith.addf %gather3A_158, %mul3A_1055 : vector<16xf32>
      %sub3A_1178 = arith.subf %add3A_1177, %mul3A_1176 : vector<16xf32>
      %div3A_1179 = arith.divf %mul3A_1176, %sub3A_1178 : vector<16xf32>
      %gt3A_1180 = arith.cmpf ogt, %div3A_1179, %max3A_1158 : vector<16xf32>
      %jit3A_1181 = arith.constant 4 : i32
      %broadcast_in_dim3A_1182 = vector.broadcast %jit3A_1181 : i32 to vector<16xi32>
      %select_n3A_1183 = arith.select %gt3A_1180, %broadcast_in_dim3A_1182, %select_n3A_1157 : vector<16xi1>, vector<16xi32>
      %max3A_1184 = arith.maximumf %max3A_1158, %div3A_1179 : vector<16xf32>
      %gt3A_1185 = arith.cmpf ogt, %div3A_1179, %max3A_884 : vector<16xf32>
      %add3A_1186 = vector.broadcast %mul3A_1022 : i32 to vector<16xi32>
      %add3A_1187 = arith.addi %add3A_1186, %iota3A : vector<16xi32>
      %select_n3A_1188 = arith.select %gt3A_1185, %add3A_1187, %select_n3A_883 : vector<16xi1>, vector<16xi32>
      %max3A_1189 = arith.maximumf %max3A_884, %div3A_1179 : vector<16xf32>
      %min3A_1190 = arith.minimumf %gather3A_173, %add3A_1050 : vector<16xf32>
      %max3A_1191 = arith.maximumf %gather3A_163, %sub3A_1042 : vector<16xf32>
      %sub3A_1192 = arith.subf %min3A_1190, %max3A_1191 : vector<16xf32>
      %max3A_1193 = arith.constant 0.000000e+00 : f32
      %max3A_1194 = vector.broadcast %max3A_1193 : f32 to vector<16xf32>
      %max3A_1195 = arith.maximumf %sub3A_1192, %max3A_1194 : vector<16xf32>
      %min3A_1196 = arith.minimumf %gather3A_178, %add3A_1054 : vector<16xf32>
      %max3A_1197 = arith.maximumf %gather3A_168, %sub3A_1046 : vector<16xf32>
      %sub3A_1198 = arith.subf %min3A_1196, %max3A_1197 : vector<16xf32>
      %max3A_1199 = arith.constant 0.000000e+00 : f32
      %max3A_1200 = vector.broadcast %max3A_1199 : f32 to vector<16xf32>
      %max3A_1201 = arith.maximumf %sub3A_1198, %max3A_1200 : vector<16xf32>
      %mul3A_1202 = arith.mulf %max3A_1195, %max3A_1201 : vector<16xf32>
      %add3A_1203 = arith.addf %gather3A_183, %mul3A_1055 : vector<16xf32>
      %sub3A_1204 = arith.subf %add3A_1203, %mul3A_1202 : vector<16xf32>
      %div3A_1205 = arith.divf %mul3A_1202, %sub3A_1204 : vector<16xf32>
      %gt3A_1206 = arith.cmpf ogt, %div3A_1205, %max3A_1184 : vector<16xf32>
      %jit3A_1207 = arith.constant 5 : i32
      %broadcast_in_dim3A_1208 = vector.broadcast %jit3A_1207 : i32 to vector<16xi32>
      %select_n3A_1209 = arith.select %gt3A_1206, %broadcast_in_dim3A_1208, %select_n3A_1183 : vector<16xi1>, vector<16xi32>
      %max3A_1210 = arith.maximumf %max3A_1184, %div3A_1205 : vector<16xf32>
      %gt3A_1211 = arith.cmpf ogt, %div3A_1205, %max3A_910 : vector<16xf32>
      %add3A_1212 = vector.broadcast %mul3A_1022 : i32 to vector<16xi32>
      %add3A_1213 = arith.addi %add3A_1212, %iota3A : vector<16xi32>
      %select_n3A_1214 = arith.select %gt3A_1211, %add3A_1213, %select_n3A_909 : vector<16xi1>, vector<16xi32>
      %max3A_1215 = arith.maximumf %max3A_910, %div3A_1205 : vector<16xf32>
      %min3A_1216 = arith.minimumf %gather3A_198, %add3A_1050 : vector<16xf32>
      %max3A_1217 = arith.maximumf %gather3A_188, %sub3A_1042 : vector<16xf32>
      %sub3A_1218 = arith.subf %min3A_1216, %max3A_1217 : vector<16xf32>
      %max3A_1219 = arith.constant 0.000000e+00 : f32
      %max3A_1220 = vector.broadcast %max3A_1219 : f32 to vector<16xf32>
      %max3A_1221 = arith.maximumf %sub3A_1218, %max3A_1220 : vector<16xf32>
      %min3A_1222 = arith.minimumf %gather3A_203, %add3A_1054 : vector<16xf32>
      %max3A_1223 = arith.maximumf %gather3A_193, %sub3A_1046 : vector<16xf32>
      %sub3A_1224 = arith.subf %min3A_1222, %max3A_1223 : vector<16xf32>
      %max3A_1225 = arith.constant 0.000000e+00 : f32
      %max3A_1226 = vector.broadcast %max3A_1225 : f32 to vector<16xf32>
      %max3A_1227 = arith.maximumf %sub3A_1224, %max3A_1226 : vector<16xf32>
      %mul3A_1228 = arith.mulf %max3A_1221, %max3A_1227 : vector<16xf32>
      %add3A_1229 = arith.addf %gather3A_208, %mul3A_1055 : vector<16xf32>
      %sub3A_1230 = arith.subf %add3A_1229, %mul3A_1228 : vector<16xf32>
      %div3A_1231 = arith.divf %mul3A_1228, %sub3A_1230 : vector<16xf32>
      %gt3A_1232 = arith.cmpf ogt, %div3A_1231, %max3A_1210 : vector<16xf32>
      %jit3A_1233 = arith.constant 6 : i32
      %broadcast_in_dim3A_1234 = vector.broadcast %jit3A_1233 : i32 to vector<16xi32>
      %select_n3A_1235 = arith.select %gt3A_1232, %broadcast_in_dim3A_1234, %select_n3A_1209 : vector<16xi1>, vector<16xi32>
      %max3A_1236 = arith.maximumf %max3A_1210, %div3A_1231 : vector<16xf32>
      %gt3A_1237 = arith.cmpf ogt, %div3A_1231, %max3A_936 : vector<16xf32>
      %add3A_1238 = vector.broadcast %mul3A_1022 : i32 to vector<16xi32>
      %add3A_1239 = arith.addi %add3A_1238, %iota3A : vector<16xi32>
      %select_n3A_1240 = arith.select %gt3A_1237, %add3A_1239, %select_n3A_935 : vector<16xi1>, vector<16xi32>
      %max3A_1241 = arith.maximumf %max3A_936, %div3A_1231 : vector<16xf32>
      %min3A_1242 = arith.minimumf %gather3A_223, %add3A_1050 : vector<16xf32>
      %max3A_1243 = arith.maximumf %gather3A_213, %sub3A_1042 : vector<16xf32>
      %sub3A_1244 = arith.subf %min3A_1242, %max3A_1243 : vector<16xf32>
      %max3A_1245 = arith.constant 0.000000e+00 : f32
      %max3A_1246 = vector.broadcast %max3A_1245 : f32 to vector<16xf32>
      %max3A_1247 = arith.maximumf %sub3A_1244, %max3A_1246 : vector<16xf32>
      %min3A_1248 = arith.minimumf %gather3A_228, %add3A_1054 : vector<16xf32>
      %max3A_1249 = arith.maximumf %gather3A_218, %sub3A_1046 : vector<16xf32>
      %sub3A_1250 = arith.subf %min3A_1248, %max3A_1249 : vector<16xf32>
      %max3A_1251 = arith.constant 0.000000e+00 : f32
      %max3A_1252 = vector.broadcast %max3A_1251 : f32 to vector<16xf32>
      %max3A_1253 = arith.maximumf %sub3A_1250, %max3A_1252 : vector<16xf32>
      %mul3A_1254 = arith.mulf %max3A_1247, %max3A_1253 : vector<16xf32>
      %add3A_1255 = arith.addf %gather3A_233, %mul3A_1055 : vector<16xf32>
      %sub3A_1256 = arith.subf %add3A_1255, %mul3A_1254 : vector<16xf32>
      %div3A_1257 = arith.divf %mul3A_1254, %sub3A_1256 : vector<16xf32>
      %gt3A_1258 = arith.cmpf ogt, %div3A_1257, %max3A_1236 : vector<16xf32>
      %jit3A_1259 = arith.constant 7 : i32
      %broadcast_in_dim3A_1260 = vector.broadcast %jit3A_1259 : i32 to vector<16xi32>
      %select_n3A_1261 = arith.select %gt3A_1258, %broadcast_in_dim3A_1260, %select_n3A_1235 : vector<16xi1>, vector<16xi32>
      %max3A_1262 = arith.maximumf %max3A_1236, %div3A_1257 : vector<16xf32>
      %gt3A_1263 = arith.cmpf ogt, %div3A_1257, %max3A_962 : vector<16xf32>
      %add3A_1264 = vector.broadcast %mul3A_1022 : i32 to vector<16xi32>
      %add3A_1265 = arith.addi %add3A_1264, %iota3A : vector<16xi32>
      %select_n3A_1266 = arith.select %gt3A_1263, %add3A_1265, %select_n3A_961 : vector<16xi1>, vector<16xi32>
      %max3A_1267 = arith.maximumf %max3A_962, %div3A_1257 : vector<16xf32>
      %min3A_1268 = arith.minimumf %gather3A_248, %add3A_1050 : vector<16xf32>
      %max3A_1269 = arith.maximumf %gather3A_238, %sub3A_1042 : vector<16xf32>
      %sub3A_1270 = arith.subf %min3A_1268, %max3A_1269 : vector<16xf32>
      %max3A_1271 = arith.constant 0.000000e+00 : f32
      %max3A_1272 = vector.broadcast %max3A_1271 : f32 to vector<16xf32>
      %max3A_1273 = arith.maximumf %sub3A_1270, %max3A_1272 : vector<16xf32>
      %min3A_1274 = arith.minimumf %gather3A_253, %add3A_1054 : vector<16xf32>
      %max3A_1275 = arith.maximumf %gather3A_243, %sub3A_1046 : vector<16xf32>
      %sub3A_1276 = arith.subf %min3A_1274, %max3A_1275 : vector<16xf32>
      %max3A_1277 = arith.constant 0.000000e+00 : f32
      %max3A_1278 = vector.broadcast %max3A_1277 : f32 to vector<16xf32>
      %max3A_1279 = arith.maximumf %sub3A_1276, %max3A_1278 : vector<16xf32>
      %mul3A_1280 = arith.mulf %max3A_1273, %max3A_1279 : vector<16xf32>
      %add3A_1281 = arith.addf %gather3A_258, %mul3A_1055 : vector<16xf32>
      %sub3A_1282 = arith.subf %add3A_1281, %mul3A_1280 : vector<16xf32>
      %div3A_1283 = arith.divf %mul3A_1280, %sub3A_1282 : vector<16xf32>
      %gt3A_1284 = arith.cmpf ogt, %div3A_1283, %max3A_1262 : vector<16xf32>
      %jit3A_1285 = arith.constant 8 : i32
      %broadcast_in_dim3A_1286 = vector.broadcast %jit3A_1285 : i32 to vector<16xi32>
      %select_n3A_1287 = arith.select %gt3A_1284, %broadcast_in_dim3A_1286, %select_n3A_1261 : vector<16xi1>, vector<16xi32>
      %max3A_1288 = arith.maximumf %max3A_1262, %div3A_1283 : vector<16xf32>
      %gt3A_1289 = arith.cmpf ogt, %div3A_1283, %max3A_988 : vector<16xf32>
      %add3A_1290 = vector.broadcast %mul3A_1022 : i32 to vector<16xi32>
      %add3A_1291 = arith.addi %add3A_1290, %iota3A : vector<16xi32>
      %select_n3A_1292 = arith.select %gt3A_1289, %add3A_1291, %select_n3A_987 : vector<16xi1>, vector<16xi32>
      %max3A_1293 = arith.maximumf %max3A_988, %div3A_1283 : vector<16xf32>
      %min3A_1294 = arith.minimumf %gather3A_273, %add3A_1050 : vector<16xf32>
      %max3A_1295 = arith.maximumf %gather3A_263, %sub3A_1042 : vector<16xf32>
      %sub3A_1296 = arith.subf %min3A_1294, %max3A_1295 : vector<16xf32>
      %max3A_1297 = arith.constant 0.000000e+00 : f32
      %max3A_1298 = vector.broadcast %max3A_1297 : f32 to vector<16xf32>
      %max3A_1299 = arith.maximumf %sub3A_1296, %max3A_1298 : vector<16xf32>
      %min3A_1300 = arith.minimumf %gather3A_278, %add3A_1054 : vector<16xf32>
      %max3A_1301 = arith.maximumf %gather3A_268, %sub3A_1046 : vector<16xf32>
      %sub3A_1302 = arith.subf %min3A_1300, %max3A_1301 : vector<16xf32>
      %max3A_1303 = arith.constant 0.000000e+00 : f32
      %max3A_1304 = vector.broadcast %max3A_1303 : f32 to vector<16xf32>
      %max3A_1305 = arith.maximumf %sub3A_1302, %max3A_1304 : vector<16xf32>
      %mul3A_1306 = arith.mulf %max3A_1299, %max3A_1305 : vector<16xf32>
      %add3A_1307 = arith.addf %gather3A_283, %mul3A_1055 : vector<16xf32>
      %sub3A_1308 = arith.subf %add3A_1307, %mul3A_1306 : vector<16xf32>
      %div3A_1309 = arith.divf %mul3A_1306, %sub3A_1308 : vector<16xf32>
      %gt3A_1310 = arith.cmpf ogt, %div3A_1309, %max3A_1288 : vector<16xf32>
      %jit3A_1311 = arith.constant 9 : i32
      %broadcast_in_dim3A_1312 = vector.broadcast %jit3A_1311 : i32 to vector<16xi32>
      %select_n3A_1313 = arith.select %gt3A_1310, %broadcast_in_dim3A_1312, %select_n3A_1287 : vector<16xi1>, vector<16xi32>
      %max3A_1314 = arith.maximumf %max3A_1288, %div3A_1309 : vector<16xf32>
      %gt3A_1315 = arith.cmpf ogt, %div3A_1309, %max3A_1014 : vector<16xf32>
      %add3A_1316 = vector.broadcast %mul3A_1022 : i32 to vector<16xi32>
      %add3A_1317 = arith.addi %add3A_1316, %iota3A : vector<16xi32>
      %select_n3A_1318 = arith.select %gt3A_1315, %add3A_1317, %select_n3A_1013 : vector<16xi1>, vector<16xi32>
      %max3A_1319 = arith.maximumf %max3A_1014, %div3A_1309 : vector<16xf32>
      %swap3A_1320 = arith.index_cast %mul3A_1022 : i32 to index
      %swap3A_1321 = tpu.vector_load %arg11[%swap3A_1320] {strides = array<i32>} : memref<6384xf32, #tpu.memory_space<vmem>>, vector<16xf32>,
      tpu.vector_store %arg11[%swap3A_1320], %max3A_1314 {strides = array<i32>} : memref<6384xf32, #tpu.memory_space<vmem>>, vector<16xf32>,
      %swap3A_1322 = arith.index_cast %mul3A_1022 : i32 to index
      %swap3A_1323 = tpu.vector_load %arg12[%swap3A_1322] {strides = array<i32>} : memref<6384xi32, #tpu.memory_space<vmem>>, vector<16xi32>,
      tpu.vector_store %arg12[%swap3A_1322], %select_n3A_1313 {strides = array<i32>} : memref<6384xi32, #tpu.memory_space<vmem>>, vector<16xi32>,
      %scan3A_1324 = arith.constant 2 : i32
      %scan3A_1325 = arith.addi %scan3A_696, %scan3A_1324 : i32
      %mul3A_1326 = arith.constant 16 : i32
      %mul3A_1327 = arith.muli %scan3A_1325, %mul3A_1326 : i32
      %get3A_1328 = arith.constant 0 : i32
      %get3A_1329 = arith.index_cast %get3A_1328 : i32 to index
      %get3A_1330 = arith.index_cast %mul3A_1327 : i32 to index
      %get3A_1331 = tpu.vector_load %arg7[%get3A_1329, %get3A_1330] {strides = array<i32>} : memref<4x6384xf32, #tpu.memory_space<vmem>>, vector<16xf32>,
      %get3A_1332 = arith.constant 1 : i32
      %get3A_1333 = arith.index_cast %get3A_1332 : i32 to index
      %get3A_1334 = arith.index_cast %mul3A_1327 : i32 to index
      %get3A_1335 = tpu.vector_load %arg7[%get3A_1333, %get3A_1334] {strides = array<i32>} : memref<4x6384xf32, #tpu.memory_space<vmem>>, vector<16xf32>,
      %get3A_1336 = arith.constant 2 : i32
      %get3A_1337 = arith.index_cast %get3A_1336 : i32 to index
      %get3A_1338 = arith.index_cast %mul3A_1327 : i32 to index
      %get3A_1339 = tpu.vector_load %arg7[%get3A_1337, %get3A_1338] {strides = array<i32>} : memref<4x6384xf32, #tpu.memory_space<vmem>>, vector<16xf32>,
      %get3A_1340 = arith.constant 3 : i32
      %get3A_1341 = arith.index_cast %get3A_1340 : i32 to index
      %get3A_1342 = arith.index_cast %mul3A_1327 : i32 to index
      %get3A_1343 = tpu.vector_load %arg7[%get3A_1341, %get3A_1342] {strides = array<i32>} : memref<4x6384xf32, #tpu.memory_space<vmem>>, vector<16xf32>,
      %mul3A_1344 = arith.constant 5.000000e-01 : f32
      %mul3A_1345 = vector.broadcast %mul3A_1344 : f32 to vector<16xf32>
      %mul3A_1346 = arith.mulf %mul3A_1345, %get3A_1339 : vector<16xf32>
      %sub3A_1347 = arith.subf %get3A_1331, %mul3A_1346 : vector<16xf32>
      %mul3A_1348 = arith.constant 5.000000e-01 : f32
      %mul3A_1349 = vector.broadcast %mul3A_1348 : f32 to vector<16xf32>
      %mul3A_1350 = arith.mulf %mul3A_1349, %get3A_1343 : vector<16xf32>
      %sub3A_1351 = arith.subf %get3A_1335, %mul3A_1350 : vector<16xf32>
      %mul3A_1352 = arith.constant 5.000000e-01 : f32
      %mul3A_1353 = vector.broadcast %mul3A_1352 : f32 to vector<16xf32>
      %mul3A_1354 = arith.mulf %mul3A_1353, %get3A_1339 : vector<16xf32>
      %add3A_1355 = arith.addf %get3A_1331, %mul3A_1354 : vector<16xf32>
      %mul3A_1356 = arith.constant 5.000000e-01 : f32
      %mul3A_1357 = vector.broadcast %mul3A_1356 : f32 to vector<16xf32>
      %mul3A_1358 = arith.mulf %mul3A_1357, %get3A_1343 : vector<16xf32>
      %add3A_1359 = arith.addf %get3A_1335, %mul3A_1358 : vector<16xf32>
      %mul3A_1360 = arith.mulf %get3A_1339, %get3A_1343 : vector<16xf32>
      %broadcast_in_dim3A_1361 = arith.constant -1.000000e+00 : f32
      %broadcast_in_dim3A_1362 = vector.broadcast %broadcast_in_dim3A_1361 : f32 to vector<16xf32>
      %broadcast_in_dim3A_1363 = arith.constant 0 : i32
      %broadcast_in_dim3A_1364 = vector.broadcast %broadcast_in_dim3A_1363 : i32 to vector<16xi32>
      %min3A_1365 = arith.minimumf %gather3A_48, %add3A_1355 : vector<16xf32>
      %max3A_1366 = arith.maximumf %gather3A, %sub3A_1347 : vector<16xf32>
      %sub3A_1367 = arith.subf %min3A_1365, %max3A_1366 : vector<16xf32>
      %max3A_1368 = arith.constant 0.000000e+00 : f32
      %max3A_1369 = vector.broadcast %max3A_1368 : f32 to vector<16xf32>
      %max3A_1370 = arith.maximumf %sub3A_1367, %max3A_1369 : vector<16xf32>
      %min3A_1371 = arith.minimumf %gather3A_53, %add3A_1359 : vector<16xf32>
      %max3A_1372 = arith.maximumf %gather3A_43, %sub3A_1351 : vector<16xf32>
      %sub3A_1373 = arith.subf %min3A_1371, %max3A_1372 : vector<16xf32>
      %max3A_1374 = arith.constant 0.000000e+00 : f32
      %max3A_1375 = vector.broadcast %max3A_1374 : f32 to vector<16xf32>
      %max3A_1376 = arith.maximumf %sub3A_1373, %max3A_1375 : vector<16xf32>
      %mul3A_1377 = arith.mulf %max3A_1370, %max3A_1376 : vector<16xf32>
      %add3A_1378 = arith.addf %gather3A_58, %mul3A_1360 : vector<16xf32>
      %sub3A_1379 = arith.subf %add3A_1378, %mul3A_1377 : vector<16xf32>
      %div3A_1380 = arith.divf %mul3A_1377, %sub3A_1379 : vector<16xf32>
      %gt3A_1381 = arith.cmpf ogt, %div3A_1380, %broadcast_in_dim3A_1362 : vector<16xf32>
      %jit3A_1382 = arith.constant 0 : i32
      %broadcast_in_dim3A_1383 = vector.broadcast %jit3A_1382 : i32 to vector<16xi32>
      %select_n3A_1384 = arith.select %gt3A_1381, %broadcast_in_dim3A_1383, %broadcast_in_dim3A_1364 : vector<16xi1>, vector<16xi32>
      %max3A_1385 = arith.maximumf %broadcast_in_dim3A_1362, %div3A_1380 : vector<16xf32>
      %gt3A_1386 = arith.cmpf ogt, %div3A_1380, %max3A_1085 : vector<16xf32>
      %add3A_1387 = vector.broadcast %mul3A_1327 : i32 to vector<16xi32>
      %add3A_1388 = arith.addi %add3A_1387, %iota3A : vector<16xi32>
      %select_n3A_1389 = arith.select %gt3A_1386, %add3A_1388, %select_n3A_1084 : vector<16xi1>, vector<16xi32>
      %max3A_1390 = arith.maximumf %max3A_1085, %div3A_1380 : vector<16xf32>
      %min3A_1391 = arith.minimumf %gather3A_73, %add3A_1355 : vector<16xf32>
      %max3A_1392 = arith.maximumf %gather3A_63, %sub3A_1347 : vector<16xf32>
      %sub3A_1393 = arith.subf %min3A_1391, %max3A_1392 : vector<16xf32>
      %max3A_1394 = arith.constant 0.000000e+00 : f32
      %max3A_1395 = vector.broadcast %max3A_1394 : f32 to vector<16xf32>
      %max3A_1396 = arith.maximumf %sub3A_1393, %max3A_1395 : vector<16xf32>
      %min3A_1397 = arith.minimumf %gather3A_78, %add3A_1359 : vector<16xf32>
      %max3A_1398 = arith.maximumf %gather3A_68, %sub3A_1351 : vector<16xf32>
      %sub3A_1399 = arith.subf %min3A_1397, %max3A_1398 : vector<16xf32>
      %max3A_1400 = arith.constant 0.000000e+00 : f32
      %max3A_1401 = vector.broadcast %max3A_1400 : f32 to vector<16xf32>
      %max3A_1402 = arith.maximumf %sub3A_1399, %max3A_1401 : vector<16xf32>
      %mul3A_1403 = arith.mulf %max3A_1396, %max3A_1402 : vector<16xf32>
      %add3A_1404 = arith.addf %gather3A_83, %mul3A_1360 : vector<16xf32>
      %sub3A_1405 = arith.subf %add3A_1404, %mul3A_1403 : vector<16xf32>
      %div3A_1406 = arith.divf %mul3A_1403, %sub3A_1405 : vector<16xf32>
      %gt3A_1407 = arith.cmpf ogt, %div3A_1406, %max3A_1385 : vector<16xf32>
      %jit3A_1408 = arith.constant 1 : i32
      %broadcast_in_dim3A_1409 = vector.broadcast %jit3A_1408 : i32 to vector<16xi32>
      %select_n3A_1410 = arith.select %gt3A_1407, %broadcast_in_dim3A_1409, %select_n3A_1384 : vector<16xi1>, vector<16xi32>
      %max3A_1411 = arith.maximumf %max3A_1385, %div3A_1406 : vector<16xf32>
      %gt3A_1412 = arith.cmpf ogt, %div3A_1406, %max3A_1111 : vector<16xf32>
      %add3A_1413 = vector.broadcast %mul3A_1327 : i32 to vector<16xi32>
      %add3A_1414 = arith.addi %add3A_1413, %iota3A : vector<16xi32>
      %select_n3A_1415 = arith.select %gt3A_1412, %add3A_1414, %select_n3A_1110 : vector<16xi1>, vector<16xi32>
      %max3A_1416 = arith.maximumf %max3A_1111, %div3A_1406 : vector<16xf32>
      %min3A_1417 = arith.minimumf %gather3A_98, %add3A_1355 : vector<16xf32>
      %max3A_1418 = arith.maximumf %gather3A_88, %sub3A_1347 : vector<16xf32>
      %sub3A_1419 = arith.subf %min3A_1417, %max3A_1418 : vector<16xf32>
      %max3A_1420 = arith.constant 0.000000e+00 : f32
      %max3A_1421 = vector.broadcast %max3A_1420 : f32 to vector<16xf32>
      %max3A_1422 = arith.maximumf %sub3A_1419, %max3A_1421 : vector<16xf32>
      %min3A_1423 = arith.minimumf %gather3A_103, %add3A_1359 : vector<16xf32>
      %max3A_1424 = arith.maximumf %gather3A_93, %sub3A_1351 : vector<16xf32>
      %sub3A_1425 = arith.subf %min3A_1423, %max3A_1424 : vector<16xf32>
      %max3A_1426 = arith.constant 0.000000e+00 : f32
      %max3A_1427 = vector.broadcast %max3A_1426 : f32 to vector<16xf32>
      %max3A_1428 = arith.maximumf %sub3A_1425, %max3A_1427 : vector<16xf32>
      %mul3A_1429 = arith.mulf %max3A_1422, %max3A_1428 : vector<16xf32>
      %add3A_1430 = arith.addf %gather3A_108, %mul3A_1360 : vector<16xf32>
      %sub3A_1431 = arith.subf %add3A_1430, %mul3A_1429 : vector<16xf32>
      %div3A_1432 = arith.divf %mul3A_1429, %sub3A_1431 : vector<16xf32>
      %gt3A_1433 = arith.cmpf ogt, %div3A_1432, %max3A_1411 : vector<16xf32>
      %jit3A_1434 = arith.constant 2 : i32
      %broadcast_in_dim3A_1435 = vector.broadcast %jit3A_1434 : i32 to vector<16xi32>
      %select_n3A_1436 = arith.select %gt3A_1433, %broadcast_in_dim3A_1435, %select_n3A_1410 : vector<16xi1>, vector<16xi32>
      %max3A_1437 = arith.maximumf %max3A_1411, %div3A_1432 : vector<16xf32>
      %gt3A_1438 = arith.cmpf ogt, %div3A_1432, %max3A_1137 : vector<16xf32>
      %add3A_1439 = vector.broadcast %mul3A_1327 : i32 to vector<16xi32>
      %add3A_1440 = arith.addi %add3A_1439, %iota3A : vector<16xi32>
      %select_n3A_1441 = arith.select %gt3A_1438, %add3A_1440, %select_n3A_1136 : vector<16xi1>, vector<16xi32>
      %max3A_1442 = arith.maximumf %max3A_1137, %div3A_1432 : vector<16xf32>
      %min3A_1443 = arith.minimumf %gather3A_123, %add3A_1355 : vector<16xf32>
      %max3A_1444 = arith.maximumf %gather3A_113, %sub3A_1347 : vector<16xf32>
      %sub3A_1445 = arith.subf %min3A_1443, %max3A_1444 : vector<16xf32>
      %max3A_1446 = arith.constant 0.000000e+00 : f32
      %max3A_1447 = vector.broadcast %max3A_1446 : f32 to vector<16xf32>
      %max3A_1448 = arith.maximumf %sub3A_1445, %max3A_1447 : vector<16xf32>
      %min3A_1449 = arith.minimumf %gather3A_128, %add3A_1359 : vector<16xf32>
      %max3A_1450 = arith.maximumf %gather3A_118, %sub3A_1351 : vector<16xf32>
      %sub3A_1451 = arith.subf %min3A_1449, %max3A_1450 : vector<16xf32>
      %max3A_1452 = arith.constant 0.000000e+00 : f32
      %max3A_1453 = vector.broadcast %max3A_1452 : f32 to vector<16xf32>
      %max3A_1454 = arith.maximumf %sub3A_1451, %max3A_1453 : vector<16xf32>
      %mul3A_1455 = arith.mulf %max3A_1448, %max3A_1454 : vector<16xf32>
      %add3A_1456 = arith.addf %gather3A_133, %mul3A_1360 : vector<16xf32>
      %sub3A_1457 = arith.subf %add3A_1456, %mul3A_1455 : vector<16xf32>
      %div3A_1458 = arith.divf %mul3A_1455, %sub3A_1457 : vector<16xf32>
      %gt3A_1459 = arith.cmpf ogt, %div3A_1458, %max3A_1437 : vector<16xf32>
      %jit3A_1460 = arith.constant 3 : i32
      %broadcast_in_dim3A_1461 = vector.broadcast %jit3A_1460 : i32 to vector<16xi32>
      %select_n3A_1462 = arith.select %gt3A_1459, %broadcast_in_dim3A_1461, %select_n3A_1436 : vector<16xi1>, vector<16xi32>
      %max3A_1463 = arith.maximumf %max3A_1437, %div3A_1458 : vector<16xf32>
      %gt3A_1464 = arith.cmpf ogt, %div3A_1458, %max3A_1163 : vector<16xf32>
      %add3A_1465 = vector.broadcast %mul3A_1327 : i32 to vector<16xi32>
      %add3A_1466 = arith.addi %add3A_1465, %iota3A : vector<16xi32>
      %select_n3A_1467 = arith.select %gt3A_1464, %add3A_1466, %select_n3A_1162 : vector<16xi1>, vector<16xi32>
      %max3A_1468 = arith.maximumf %max3A_1163, %div3A_1458 : vector<16xf32>
      %min3A_1469 = arith.minimumf %gather3A_148, %add3A_1355 : vector<16xf32>
      %max3A_1470 = arith.maximumf %gather3A_138, %sub3A_1347 : vector<16xf32>
      %sub3A_1471 = arith.subf %min3A_1469, %max3A_1470 : vector<16xf32>
      %max3A_1472 = arith.constant 0.000000e+00 : f32
      %max3A_1473 = vector.broadcast %max3A_1472 : f32 to vector<16xf32>
      %max3A_1474 = arith.maximumf %sub3A_1471, %max3A_1473 : vector<16xf32>
      %min3A_1475 = arith.minimumf %gather3A_153, %add3A_1359 : vector<16xf32>
      %max3A_1476 = arith.maximumf %gather3A_143, %sub3A_1351 : vector<16xf32>
      %sub3A_1477 = arith.subf %min3A_1475, %max3A_1476 : vector<16xf32>
      %max3A_1478 = arith.constant 0.000000e+00 : f32
      %max3A_1479 = vector.broadcast %max3A_1478 : f32 to vector<16xf32>
      %max3A_1480 = arith.maximumf %sub3A_1477, %max3A_1479 : vector<16xf32>
      %mul3A_1481 = arith.mulf %max3A_1474, %max3A_1480 : vector<16xf32>
      %add3A_1482 = arith.addf %gather3A_158, %mul3A_1360 : vector<16xf32>
      %sub3A_1483 = arith.subf %add3A_1482, %mul3A_1481 : vector<16xf32>
      %div3A_1484 = arith.divf %mul3A_1481, %sub3A_1483 : vector<16xf32>
      %gt3A_1485 = arith.cmpf ogt, %div3A_1484, %max3A_1463 : vector<16xf32>
      %jit3A_1486 = arith.constant 4 : i32
      %broadcast_in_dim3A_1487 = vector.broadcast %jit3A_1486 : i32 to vector<16xi32>
      %select_n3A_1488 = arith.select %gt3A_1485, %broadcast_in_dim3A_1487, %select_n3A_1462 : vector<16xi1>, vector<16xi32>
      %max3A_1489 = arith.maximumf %max3A_1463, %div3A_1484 : vector<16xf32>
      %gt3A_1490 = arith.cmpf ogt, %div3A_1484, %max3A_1189 : vector<16xf32>
      %add3A_1491 = vector.broadcast %mul3A_1327 : i32 to vector<16xi32>
      %add3A_1492 = arith.addi %add3A_1491, %iota3A : vector<16xi32>
      %select_n3A_1493 = arith.select %gt3A_1490, %add3A_1492, %select_n3A_1188 : vector<16xi1>, vector<16xi32>
      %max3A_1494 = arith.maximumf %max3A_1189, %div3A_1484 : vector<16xf32>
      %min3A_1495 = arith.minimumf %gather3A_173, %add3A_1355 : vector<16xf32>
      %max3A_1496 = arith.maximumf %gather3A_163, %sub3A_1347 : vector<16xf32>
      %sub3A_1497 = arith.subf %min3A_1495, %max3A_1496 : vector<16xf32>
      %max3A_1498 = arith.constant 0.000000e+00 : f32
      %max3A_1499 = vector.broadcast %max3A_1498 : f32 to vector<16xf32>
      %max3A_1500 = arith.maximumf %sub3A_1497, %max3A_1499 : vector<16xf32>
      %min3A_1501 = arith.minimumf %gather3A_178, %add3A_1359 : vector<16xf32>
      %max3A_1502 = arith.maximumf %gather3A_168, %sub3A_1351 : vector<16xf32>
      %sub3A_1503 = arith.subf %min3A_1501, %max3A_1502 : vector<16xf32>
      %max3A_1504 = arith.constant 0.000000e+00 : f32
      %max3A_1505 = vector.broadcast %max3A_1504 : f32 to vector<16xf32>
      %max3A_1506 = arith.maximumf %sub3A_1503, %max3A_1505 : vector<16xf32>
      %mul3A_1507 = arith.mulf %max3A_1500, %max3A_1506 : vector<16xf32>
      %add3A_1508 = arith.addf %gather3A_183, %mul3A_1360 : vector<16xf32>
      %sub3A_1509 = arith.subf %add3A_1508, %mul3A_1507 : vector<16xf32>
      %div3A_1510 = arith.divf %mul3A_1507, %sub3A_1509 : vector<16xf32>
      %gt3A_1511 = arith.cmpf ogt, %div3A_1510, %max3A_1489 : vector<16xf32>
      %jit3A_1512 = arith.constant 5 : i32
      %broadcast_in_dim3A_1513 = vector.broadcast %jit3A_1512 : i32 to vector<16xi32>
      %select_n3A_1514 = arith.select %gt3A_1511, %broadcast_in_dim3A_1513, %select_n3A_1488 : vector<16xi1>, vector<16xi32>
      %max3A_1515 = arith.maximumf %max3A_1489, %div3A_1510 : vector<16xf32>
      %gt3A_1516 = arith.cmpf ogt, %div3A_1510, %max3A_1215 : vector<16xf32>
      %add3A_1517 = vector.broadcast %mul3A_1327 : i32 to vector<16xi32>
      %add3A_1518 = arith.addi %add3A_1517, %iota3A : vector<16xi32>
      %select_n3A_1519 = arith.select %gt3A_1516, %add3A_1518, %select_n3A_1214 : vector<16xi1>, vector<16xi32>
      %max3A_1520 = arith.maximumf %max3A_1215, %div3A_1510 : vector<16xf32>
      %min3A_1521 = arith.minimumf %gather3A_198, %add3A_1355 : vector<16xf32>
      %max3A_1522 = arith.maximumf %gather3A_188, %sub3A_1347 : vector<16xf32>
      %sub3A_1523 = arith.subf %min3A_1521, %max3A_1522 : vector<16xf32>
      %max3A_1524 = arith.constant 0.000000e+00 : f32
      %max3A_1525 = vector.broadcast %max3A_1524 : f32 to vector<16xf32>
      %max3A_1526 = arith.maximumf %sub3A_1523, %max3A_1525 : vector<16xf32>
      %min3A_1527 = arith.minimumf %gather3A_203, %add3A_1359 : vector<16xf32>
      %max3A_1528 = arith.maximumf %gather3A_193, %sub3A_1351 : vector<16xf32>
      %sub3A_1529 = arith.subf %min3A_1527, %max3A_1528 : vector<16xf32>
      %max3A_1530 = arith.constant 0.000000e+00 : f32
      %max3A_1531 = vector.broadcast %max3A_1530 : f32 to vector<16xf32>
      %max3A_1532 = arith.maximumf %sub3A_1529, %max3A_1531 : vector<16xf32>
      %mul3A_1533 = arith.mulf %max3A_1526, %max3A_1532 : vector<16xf32>
      %add3A_1534 = arith.addf %gather3A_208, %mul3A_1360 : vector<16xf32>
      %sub3A_1535 = arith.subf %add3A_1534, %mul3A_1533 : vector<16xf32>
      %div3A_1536 = arith.divf %mul3A_1533, %sub3A_1535 : vector<16xf32>
      %gt3A_1537 = arith.cmpf ogt, %div3A_1536, %max3A_1515 : vector<16xf32>
      %jit3A_1538 = arith.constant 6 : i32
      %broadcast_in_dim3A_1539 = vector.broadcast %jit3A_1538 : i32 to vector<16xi32>
      %select_n3A_1540 = arith.select %gt3A_1537, %broadcast_in_dim3A_1539, %select_n3A_1514 : vector<16xi1>, vector<16xi32>
      %max3A_1541 = arith.maximumf %max3A_1515, %div3A_1536 : vector<16xf32>
      %gt3A_1542 = arith.cmpf ogt, %div3A_1536, %max3A_1241 : vector<16xf32>
      %add3A_1543 = vector.broadcast %mul3A_1327 : i32 to vector<16xi32>
      %add3A_1544 = arith.addi %add3A_1543, %iota3A : vector<16xi32>
      %select_n3A_1545 = arith.select %gt3A_1542, %add3A_1544, %select_n3A_1240 : vector<16xi1>, vector<16xi32>
      %max3A_1546 = arith.maximumf %max3A_1241, %div3A_1536 : vector<16xf32>
      %min3A_1547 = arith.minimumf %gather3A_223, %add3A_1355 : vector<16xf32>
      %max3A_1548 = arith.maximumf %gather3A_213, %sub3A_1347 : vector<16xf32>
      %sub3A_1549 = arith.subf %min3A_1547, %max3A_1548 : vector<16xf32>
      %max3A_1550 = arith.constant 0.000000e+00 : f32
      %max3A_1551 = vector.broadcast %max3A_1550 : f32 to vector<16xf32>
      %max3A_1552 = arith.maximumf %sub3A_1549, %max3A_1551 : vector<16xf32>
      %min3A_1553 = arith.minimumf %gather3A_228, %add3A_1359 : vector<16xf32>
      %max3A_1554 = arith.maximumf %gather3A_218, %sub3A_1351 : vector<16xf32>
      %sub3A_1555 = arith.subf %min3A_1553, %max3A_1554 : vector<16xf32>
      %max3A_1556 = arith.constant 0.000000e+00 : f32
      %max3A_1557 = vector.broadcast %max3A_1556 : f32 to vector<16xf32>
      %max3A_1558 = arith.maximumf %sub3A_1555, %max3A_1557 : vector<16xf32>
      %mul3A_1559 = arith.mulf %max3A_1552, %max3A_1558 : vector<16xf32>
      %add3A_1560 = arith.addf %gather3A_233, %mul3A_1360 : vector<16xf32>
      %sub3A_1561 = arith.subf %add3A_1560, %mul3A_1559 : vector<16xf32>
      %div3A_1562 = arith.divf %mul3A_1559, %sub3A_1561 : vector<16xf32>
      %gt3A_1563 = arith.cmpf ogt, %div3A_1562, %max3A_1541 : vector<16xf32>
      %jit3A_1564 = arith.constant 7 : i32
      %broadcast_in_dim3A_1565 = vector.broadcast %jit3A_1564 : i32 to vector<16xi32>
      %select_n3A_1566 = arith.select %gt3A_1563, %broadcast_in_dim3A_1565, %select_n3A_1540 : vector<16xi1>, vector<16xi32>
      %max3A_1567 = arith.maximumf %max3A_1541, %div3A_1562 : vector<16xf32>
      %gt3A_1568 = arith.cmpf ogt, %div3A_1562, %max3A_1267 : vector<16xf32>
      %add3A_1569 = vector.broadcast %mul3A_1327 : i32 to vector<16xi32>
      %add3A_1570 = arith.addi %add3A_1569, %iota3A : vector<16xi32>
      %select_n3A_1571 = arith.select %gt3A_1568, %add3A_1570, %select_n3A_1266 : vector<16xi1>, vector<16xi32>
      %max3A_1572 = arith.maximumf %max3A_1267, %div3A_1562 : vector<16xf32>
      %min3A_1573 = arith.minimumf %gather3A_248, %add3A_1355 : vector<16xf32>
      %max3A_1574 = arith.maximumf %gather3A_238, %sub3A_1347 : vector<16xf32>
      %sub3A_1575 = arith.subf %min3A_1573, %max3A_1574 : vector<16xf32>
      %max3A_1576 = arith.constant 0.000000e+00 : f32
      %max3A_1577 = vector.broadcast %max3A_1576 : f32 to vector<16xf32>
      %max3A_1578 = arith.maximumf %sub3A_1575, %max3A_1577 : vector<16xf32>
      %min3A_1579 = arith.minimumf %gather3A_253, %add3A_1359 : vector<16xf32>
      %max3A_1580 = arith.maximumf %gather3A_243, %sub3A_1351 : vector<16xf32>
      %sub3A_1581 = arith.subf %min3A_1579, %max3A_1580 : vector<16xf32>
      %max3A_1582 = arith.constant 0.000000e+00 : f32
      %max3A_1583 = vector.broadcast %max3A_1582 : f32 to vector<16xf32>
      %max3A_1584 = arith.maximumf %sub3A_1581, %max3A_1583 : vector<16xf32>
      %mul3A_1585 = arith.mulf %max3A_1578, %max3A_1584 : vector<16xf32>
      %add3A_1586 = arith.addf %gather3A_258, %mul3A_1360 : vector<16xf32>
      %sub3A_1587 = arith.subf %add3A_1586, %mul3A_1585 : vector<16xf32>
      %div3A_1588 = arith.divf %mul3A_1585, %sub3A_1587 : vector<16xf32>
      %gt3A_1589 = arith.cmpf ogt, %div3A_1588, %max3A_1567 : vector<16xf32>
      %jit3A_1590 = arith.constant 8 : i32
      %broadcast_in_dim3A_1591 = vector.broadcast %jit3A_1590 : i32 to vector<16xi32>
      %select_n3A_1592 = arith.select %gt3A_1589, %broadcast_in_dim3A_1591, %select_n3A_1566 : vector<16xi1>, vector<16xi32>
      %max3A_1593 = arith.maximumf %max3A_1567, %div3A_1588 : vector<16xf32>
      %gt3A_1594 = arith.cmpf ogt, %div3A_1588, %max3A_1293 : vector<16xf32>
      %add3A_1595 = vector.broadcast %mul3A_1327 : i32 to vector<16xi32>
      %add3A_1596 = arith.addi %add3A_1595, %iota3A : vector<16xi32>
      %select_n3A_1597 = arith.select %gt3A_1594, %add3A_1596, %select_n3A_1292 : vector<16xi1>, vector<16xi32>
      %max3A_1598 = arith.maximumf %max3A_1293, %div3A_1588 : vector<16xf32>
      %min3A_1599 = arith.minimumf %gather3A_273, %add3A_1355 : vector<16xf32>
      %max3A_1600 = arith.maximumf %gather3A_263, %sub3A_1347 : vector<16xf32>
      %sub3A_1601 = arith.subf %min3A_1599, %max3A_1600 : vector<16xf32>
      %max3A_1602 = arith.constant 0.000000e+00 : f32
      %max3A_1603 = vector.broadcast %max3A_1602 : f32 to vector<16xf32>
      %max3A_1604 = arith.maximumf %sub3A_1601, %max3A_1603 : vector<16xf32>
      %min3A_1605 = arith.minimumf %gather3A_278, %add3A_1359 : vector<16xf32>
      %max3A_1606 = arith.maximumf %gather3A_268, %sub3A_1351 : vector<16xf32>
      %sub3A_1607 = arith.subf %min3A_1605, %max3A_1606 : vector<16xf32>
      %max3A_1608 = arith.constant 0.000000e+00 : f32
      %max3A_1609 = vector.broadcast %max3A_1608 : f32 to vector<16xf32>
      %max3A_1610 = arith.maximumf %sub3A_1607, %max3A_1609 : vector<16xf32>
      %mul3A_1611 = arith.mulf %max3A_1604, %max3A_1610 : vector<16xf32>
      %add3A_1612 = arith.addf %gather3A_283, %mul3A_1360 : vector<16xf32>
      %sub3A_1613 = arith.subf %add3A_1612, %mul3A_1611 : vector<16xf32>
      %div3A_1614 = arith.divf %mul3A_1611, %sub3A_1613 : vector<16xf32>
      %gt3A_1615 = arith.cmpf ogt, %div3A_1614, %max3A_1593 : vector<16xf32>
      %jit3A_1616 = arith.constant 9 : i32
      %broadcast_in_dim3A_1617 = vector.broadcast %jit3A_1616 : i32 to vector<16xi32>
      %select_n3A_1618 = arith.select %gt3A_1615, %broadcast_in_dim3A_1617, %select_n3A_1592 : vector<16xi1>, vector<16xi32>
      %max3A_1619 = arith.maximumf %max3A_1593, %div3A_1614 : vector<16xf32>
      %gt3A_1620 = arith.cmpf ogt, %div3A_1614, %max3A_1319 : vector<16xf32>
      %add3A_1621 = vector.broadcast %mul3A_1327 : i32 to vector<16xi32>
      %add3A_1622 = arith.addi %add3A_1621, %iota3A : vector<16xi32>
      %select_n3A_1623 = arith.select %gt3A_1620, %add3A_1622, %select_n3A_1318 : vector<16xi1>, vector<16xi32>
      %max3A_1624 = arith.maximumf %max3A_1319, %div3A_1614 : vector<16xf32>
      %swap3A_1625 = arith.index_cast %mul3A_1327 : i32 to index
      %swap3A_1626 = tpu.vector_load %arg11[%swap3A_1625] {strides = array<i32>} : memref<6384xf32, #tpu.memory_space<vmem>>, vector<16xf32>,
      tpu.vector_store %arg11[%swap3A_1625], %max3A_1619 {strides = array<i32>} : memref<6384xf32, #tpu.memory_space<vmem>>, vector<16xf32>,
      %swap3A_1627 = arith.index_cast %mul3A_1327 : i32 to index
      %swap3A_1628 = tpu.vector_load %arg12[%swap3A_1627] {strides = array<i32>} : memref<6384xi32, #tpu.memory_space<vmem>>, vector<16xi32>,
      tpu.vector_store %arg12[%swap3A_1627], %select_n3A_1618 {strides = array<i32>} : memref<6384xi32, #tpu.memory_space<vmem>>, vector<16xi32>,
      scf.yield %max3A_1390, %max3A_1416, %max3A_1442, %max3A_1468, %max3A_1494, %max3A_1520, %max3A_1546, %max3A_1572, %max3A_1598, %max3A_1624, %select_n3A_1389, %select_n3A_1415, %select_n3A_1441, %select_n3A_1467, %select_n3A_1493, %select_n3A_1519, %select_n3A_1545, %select_n3A_1571, %select_n3A_1597, %select_n3A_1623 : vector<16xf32>, vector<16xf32>, vector<16xf32>, vector<16xf32>, vector<16xf32>, vector<16xf32>, vector<16xf32>, vector<16xf32>, vector<16xf32>, vector<16xf32>, vector<16xi32>, vector<16xi32>, vector<16xi32>, vector<16xi32>, vector<16xi32>, vector<16xi32>, vector<16xi32>, vector<16xi32>, vector<16xi32>, vector<16xi32>
    }
    %scan3A_328 = arith.constant 399 : i32
    %reduce_max3A = arith.constant true
    %reduce_max3A_329 = vector.broadcast %reduce_max3A : i1 to vector<16xi1>
    %reduce_max3A_330 = tpu.scan <max>, %scan3A_327#0 masked %reduce_max3A_329 : vector<16xf32>, vector<16xi1> -> vector<16xf32>
    %reduce_max3A_331 = vector.extract %reduce_max3A_330[15] : f32 from vector<16xf32>
    %eq3A = vector.broadcast %reduce_max3A_331 : f32 to vector<16xf32>
    %eq3A_332 = arith.cmpf oeq, %scan3A_327#0, %eq3A : vector<16xf32>
    %jit3A = arith.constant 1073741824 : i32
    %broadcast_in_dim3A_333 = vector.broadcast %jit3A : i32 to vector<16xi32>
    %select_n3A = arith.select %eq3A_332, %scan3A_327#10, %broadcast_in_dim3A_333 : vector<16xi1>, vector<16xi32>
    %reduce_min3A = arith.constant true
    %reduce_min3A_334 = vector.broadcast %reduce_min3A : i1 to vector<16xi1>
    %reduce_min3A_335 = arith.constant -2147483648 : i32
    %reduce_min3A_336 = vector.broadcast %reduce_min3A_335 : i32 to vector<16xi32>
    %reduce_min3A_337 = arith.xori %select_n3A, %reduce_min3A_336 : vector<16xi32>
    %reduce_min3A_338 = tpu.scan <min>, %reduce_min3A_337 masked %reduce_min3A_334 : vector<16xi32>, vector<16xi1> -> vector<16xi32>
    %reduce_min3A_339 = arith.xori %reduce_min3A_338, %reduce_min3A_336 : vector<16xi32>
    %reduce_min3A_340 = vector.extract %reduce_min3A_339[15] : i32 from vector<16xi32>
    %reduce_max3A_341 = arith.constant true
    %reduce_max3A_342 = vector.broadcast %reduce_max3A_341 : i1 to vector<16xi1>
    %reduce_max3A_343 = tpu.scan <max>, %scan3A_327#1 masked %reduce_max3A_342 : vector<16xf32>, vector<16xi1> -> vector<16xf32>
    %reduce_max3A_344 = vector.extract %reduce_max3A_343[15] : f32 from vector<16xf32>
    %eq3A_345 = vector.broadcast %reduce_max3A_344 : f32 to vector<16xf32>
    %eq3A_346 = arith.cmpf oeq, %scan3A_327#1, %eq3A_345 : vector<16xf32>
    %jit3A_347 = arith.constant 1073741824 : i32
    %broadcast_in_dim3A_348 = vector.broadcast %jit3A_347 : i32 to vector<16xi32>
    %select_n3A_349 = arith.select %eq3A_346, %scan3A_327#11, %broadcast_in_dim3A_348 : vector<16xi1>, vector<16xi32>
    %reduce_min3A_350 = arith.constant true
    %reduce_min3A_351 = vector.broadcast %reduce_min3A_350 : i1 to vector<16xi1>
    %reduce_min3A_352 = arith.constant -2147483648 : i32
    %reduce_min3A_353 = vector.broadcast %reduce_min3A_352 : i32 to vector<16xi32>
    %reduce_min3A_354 = arith.xori %select_n3A_349, %reduce_min3A_353 : vector<16xi32>
    %reduce_min3A_355 = tpu.scan <min>, %reduce_min3A_354 masked %reduce_min3A_351 : vector<16xi32>, vector<16xi1> -> vector<16xi32>
    %reduce_min3A_356 = arith.xori %reduce_min3A_355, %reduce_min3A_353 : vector<16xi32>
    %reduce_min3A_357 = vector.extract %reduce_min3A_356[15] : i32 from vector<16xi32>
    %reduce_max3A_358 = arith.constant true
    %reduce_max3A_359 = vector.broadcast %reduce_max3A_358 : i1 to vector<16xi1>
    %reduce_max3A_360 = tpu.scan <max>, %scan3A_327#2 masked %reduce_max3A_359 : vector<16xf32>, vector<16xi1> -> vector<16xf32>
    %reduce_max3A_361 = vector.extract %reduce_max3A_360[15] : f32 from vector<16xf32>
    %eq3A_362 = vector.broadcast %reduce_max3A_361 : f32 to vector<16xf32>
    %eq3A_363 = arith.cmpf oeq, %scan3A_327#2, %eq3A_362 : vector<16xf32>
    %jit3A_364 = arith.constant 1073741824 : i32
    %broadcast_in_dim3A_365 = vector.broadcast %jit3A_364 : i32 to vector<16xi32>
    %select_n3A_366 = arith.select %eq3A_363, %scan3A_327#12, %broadcast_in_dim3A_365 : vector<16xi1>, vector<16xi32>
    %reduce_min3A_367 = arith.constant true
    %reduce_min3A_368 = vector.broadcast %reduce_min3A_367 : i1 to vector<16xi1>
    %reduce_min3A_369 = arith.constant -2147483648 : i32
    %reduce_min3A_370 = vector.broadcast %reduce_min3A_369 : i32 to vector<16xi32>
    %reduce_min3A_371 = arith.xori %select_n3A_366, %reduce_min3A_370 : vector<16xi32>
    %reduce_min3A_372 = tpu.scan <min>, %reduce_min3A_371 masked %reduce_min3A_368 : vector<16xi32>, vector<16xi1> -> vector<16xi32>
    %reduce_min3A_373 = arith.xori %reduce_min3A_372, %reduce_min3A_370 : vector<16xi32>
    %reduce_min3A_374 = vector.extract %reduce_min3A_373[15] : i32 from vector<16xi32>
    %reduce_max3A_375 = arith.constant true
    %reduce_max3A_376 = vector.broadcast %reduce_max3A_375 : i1 to vector<16xi1>
    %reduce_max3A_377 = tpu.scan <max>, %scan3A_327#3 masked %reduce_max3A_376 : vector<16xf32>, vector<16xi1> -> vector<16xf32>
    %reduce_max3A_378 = vector.extract %reduce_max3A_377[15] : f32 from vector<16xf32>
    %eq3A_379 = vector.broadcast %reduce_max3A_378 : f32 to vector<16xf32>
    %eq3A_380 = arith.cmpf oeq, %scan3A_327#3, %eq3A_379 : vector<16xf32>
    %jit3A_381 = arith.constant 1073741824 : i32
    %broadcast_in_dim3A_382 = vector.broadcast %jit3A_381 : i32 to vector<16xi32>
    %select_n3A_383 = arith.select %eq3A_380, %scan3A_327#13, %broadcast_in_dim3A_382 : vector<16xi1>, vector<16xi32>
    %reduce_min3A_384 = arith.constant true
    %reduce_min3A_385 = vector.broadcast %reduce_min3A_384 : i1 to vector<16xi1>
    %reduce_min3A_386 = arith.constant -2147483648 : i32
    %reduce_min3A_387 = vector.broadcast %reduce_min3A_386 : i32 to vector<16xi32>
    %reduce_min3A_388 = arith.xori %select_n3A_383, %reduce_min3A_387 : vector<16xi32>
    %reduce_min3A_389 = tpu.scan <min>, %reduce_min3A_388 masked %reduce_min3A_385 : vector<16xi32>, vector<16xi1> -> vector<16xi32>
    %reduce_min3A_390 = arith.xori %reduce_min3A_389, %reduce_min3A_387 : vector<16xi32>
    %reduce_min3A_391 = vector.extract %reduce_min3A_390[15] : i32 from vector<16xi32>
    %reduce_max3A_392 = arith.constant true
    %reduce_max3A_393 = vector.broadcast %reduce_max3A_392 : i1 to vector<16xi1>
    %reduce_max3A_394 = tpu.scan <max>, %scan3A_327#4 masked %reduce_max3A_393 : vector<16xf32>, vector<16xi1> -> vector<16xf32>
    %reduce_max3A_395 = vector.extract %reduce_max3A_394[15] : f32 from vector<16xf32>
    %eq3A_396 = vector.broadcast %reduce_max3A_395 : f32 to vector<16xf32>
    %eq3A_397 = arith.cmpf oeq, %scan3A_327#4, %eq3A_396 : vector<16xf32>
    %jit3A_398 = arith.constant 1073741824 : i32
    %broadcast_in_dim3A_399 = vector.broadcast %jit3A_398 : i32 to vector<16xi32>
    %select_n3A_400 = arith.select %eq3A_397, %scan3A_327#14, %broadcast_in_dim3A_399 : vector<16xi1>, vector<16xi32>
    %reduce_min3A_401 = arith.constant true
    %reduce_min3A_402 = vector.broadcast %reduce_min3A_401 : i1 to vector<16xi1>
    %reduce_min3A_403 = arith.constant -2147483648 : i32
    %reduce_min3A_404 = vector.broadcast %reduce_min3A_403 : i32 to vector<16xi32>
    %reduce_min3A_405 = arith.xori %select_n3A_400, %reduce_min3A_404 : vector<16xi32>
    %reduce_min3A_406 = tpu.scan <min>, %reduce_min3A_405 masked %reduce_min3A_402 : vector<16xi32>, vector<16xi1> -> vector<16xi32>
    %reduce_min3A_407 = arith.xori %reduce_min3A_406, %reduce_min3A_404 : vector<16xi32>
    %reduce_min3A_408 = vector.extract %reduce_min3A_407[15] : i32 from vector<16xi32>
    %reduce_max3A_409 = arith.constant true
    %reduce_max3A_410 = vector.broadcast %reduce_max3A_409 : i1 to vector<16xi1>
    %reduce_max3A_411 = tpu.scan <max>, %scan3A_327#5 masked %reduce_max3A_410 : vector<16xf32>, vector<16xi1> -> vector<16xf32>
    %reduce_max3A_412 = vector.extract %reduce_max3A_411[15] : f32 from vector<16xf32>
    %eq3A_413 = vector.broadcast %reduce_max3A_412 : f32 to vector<16xf32>
    %eq3A_414 = arith.cmpf oeq, %scan3A_327#5, %eq3A_413 : vector<16xf32>
    %jit3A_415 = arith.constant 1073741824 : i32
    %broadcast_in_dim3A_416 = vector.broadcast %jit3A_415 : i32 to vector<16xi32>
    %select_n3A_417 = arith.select %eq3A_414, %scan3A_327#15, %broadcast_in_dim3A_416 : vector<16xi1>, vector<16xi32>
    %reduce_min3A_418 = arith.constant true
    %reduce_min3A_419 = vector.broadcast %reduce_min3A_418 : i1 to vector<16xi1>
    %reduce_min3A_420 = arith.constant -2147483648 : i32
    %reduce_min3A_421 = vector.broadcast %reduce_min3A_420 : i32 to vector<16xi32>
    %reduce_min3A_422 = arith.xori %select_n3A_417, %reduce_min3A_421 : vector<16xi32>
    %reduce_min3A_423 = tpu.scan <min>, %reduce_min3A_422 masked %reduce_min3A_419 : vector<16xi32>, vector<16xi1> -> vector<16xi32>
    %reduce_min3A_424 = arith.xori %reduce_min3A_423, %reduce_min3A_421 : vector<16xi32>
    %reduce_min3A_425 = vector.extract %reduce_min3A_424[15] : i32 from vector<16xi32>
    %reduce_max3A_426 = arith.constant true
    %reduce_max3A_427 = vector.broadcast %reduce_max3A_426 : i1 to vector<16xi1>
    %reduce_max3A_428 = tpu.scan <max>, %scan3A_327#6 masked %reduce_max3A_427 : vector<16xf32>, vector<16xi1> -> vector<16xf32>
    %reduce_max3A_429 = vector.extract %reduce_max3A_428[15] : f32 from vector<16xf32>
    %eq3A_430 = vector.broadcast %reduce_max3A_429 : f32 to vector<16xf32>
    %eq3A_431 = arith.cmpf oeq, %scan3A_327#6, %eq3A_430 : vector<16xf32>
    %jit3A_432 = arith.constant 1073741824 : i32
    %broadcast_in_dim3A_433 = vector.broadcast %jit3A_432 : i32 to vector<16xi32>
    %select_n3A_434 = arith.select %eq3A_431, %scan3A_327#16, %broadcast_in_dim3A_433 : vector<16xi1>, vector<16xi32>
    %reduce_min3A_435 = arith.constant true
    %reduce_min3A_436 = vector.broadcast %reduce_min3A_435 : i1 to vector<16xi1>
    %reduce_min3A_437 = arith.constant -2147483648 : i32
    %reduce_min3A_438 = vector.broadcast %reduce_min3A_437 : i32 to vector<16xi32>
    %reduce_min3A_439 = arith.xori %select_n3A_434, %reduce_min3A_438 : vector<16xi32>
    %reduce_min3A_440 = tpu.scan <min>, %reduce_min3A_439 masked %reduce_min3A_436 : vector<16xi32>, vector<16xi1> -> vector<16xi32>
    %reduce_min3A_441 = arith.xori %reduce_min3A_440, %reduce_min3A_438 : vector<16xi32>
    %reduce_min3A_442 = vector.extract %reduce_min3A_441[15] : i32 from vector<16xi32>
    %reduce_max3A_443 = arith.constant true
    %reduce_max3A_444 = vector.broadcast %reduce_max3A_443 : i1 to vector<16xi1>
    %reduce_max3A_445 = tpu.scan <max>, %scan3A_327#7 masked %reduce_max3A_444 : vector<16xf32>, vector<16xi1> -> vector<16xf32>
    %reduce_max3A_446 = vector.extract %reduce_max3A_445[15] : f32 from vector<16xf32>
    %eq3A_447 = vector.broadcast %reduce_max3A_446 : f32 to vector<16xf32>
    %eq3A_448 = arith.cmpf oeq, %scan3A_327#7, %eq3A_447 : vector<16xf32>
    %jit3A_449 = arith.constant 1073741824 : i32
    %broadcast_in_dim3A_450 = vector.broadcast %jit3A_449 : i32 to vector<16xi32>
    %select_n3A_451 = arith.select %eq3A_448, %scan3A_327#17, %broadcast_in_dim3A_450 : vector<16xi1>, vector<16xi32>
    %reduce_min3A_452 = arith.constant true
    %reduce_min3A_453 = vector.broadcast %reduce_min3A_452 : i1 to vector<16xi1>
    %reduce_min3A_454 = arith.constant -2147483648 : i32
    %reduce_min3A_455 = vector.broadcast %reduce_min3A_454 : i32 to vector<16xi32>
    %reduce_min3A_456 = arith.xori %select_n3A_451, %reduce_min3A_455 : vector<16xi32>
    %reduce_min3A_457 = tpu.scan <min>, %reduce_min3A_456 masked %reduce_min3A_453 : vector<16xi32>, vector<16xi1> -> vector<16xi32>
    %reduce_min3A_458 = arith.xori %reduce_min3A_457, %reduce_min3A_455 : vector<16xi32>
    %reduce_min3A_459 = vector.extract %reduce_min3A_458[15] : i32 from vector<16xi32>
    %reduce_max3A_460 = arith.constant true
    %reduce_max3A_461 = vector.broadcast %reduce_max3A_460 : i1 to vector<16xi1>
    %reduce_max3A_462 = tpu.scan <max>, %scan3A_327#8 masked %reduce_max3A_461 : vector<16xf32>, vector<16xi1> -> vector<16xf32>
    %reduce_max3A_463 = vector.extract %reduce_max3A_462[15] : f32 from vector<16xf32>
    %eq3A_464 = vector.broadcast %reduce_max3A_463 : f32 to vector<16xf32>
    %eq3A_465 = arith.cmpf oeq, %scan3A_327#8, %eq3A_464 : vector<16xf32>
    %jit3A_466 = arith.constant 1073741824 : i32
    %broadcast_in_dim3A_467 = vector.broadcast %jit3A_466 : i32 to vector<16xi32>
    %select_n3A_468 = arith.select %eq3A_465, %scan3A_327#18, %broadcast_in_dim3A_467 : vector<16xi1>, vector<16xi32>
    %reduce_min3A_469 = arith.constant true
    %reduce_min3A_470 = vector.broadcast %reduce_min3A_469 : i1 to vector<16xi1>
    %reduce_min3A_471 = arith.constant -2147483648 : i32
    %reduce_min3A_472 = vector.broadcast %reduce_min3A_471 : i32 to vector<16xi32>
    %reduce_min3A_473 = arith.xori %select_n3A_468, %reduce_min3A_472 : vector<16xi32>
    %reduce_min3A_474 = tpu.scan <min>, %reduce_min3A_473 masked %reduce_min3A_470 : vector<16xi32>, vector<16xi1> -> vector<16xi32>
    %reduce_min3A_475 = arith.xori %reduce_min3A_474, %reduce_min3A_472 : vector<16xi32>
    %reduce_min3A_476 = vector.extract %reduce_min3A_475[15] : i32 from vector<16xi32>
    %reduce_max3A_477 = arith.constant true
    %reduce_max3A_478 = vector.broadcast %reduce_max3A_477 : i1 to vector<16xi1>
    %reduce_max3A_479 = tpu.scan <max>, %scan3A_327#9 masked %reduce_max3A_478 : vector<16xf32>, vector<16xi1> -> vector<16xf32>
    %reduce_max3A_480 = vector.extract %reduce_max3A_479[15] : f32 from vector<16xf32>
    %eq3A_481 = vector.broadcast %reduce_max3A_480 : f32 to vector<16xf32>
    %eq3A_482 = arith.cmpf oeq, %scan3A_327#9, %eq3A_481 : vector<16xf32>
    %jit3A_483 = arith.constant 1073741824 : i32
    %broadcast_in_dim3A_484 = vector.broadcast %jit3A_483 : i32 to vector<16xi32>
    %select_n3A_485 = arith.select %eq3A_482, %scan3A_327#19, %broadcast_in_dim3A_484 : vector<16xi1>, vector<16xi32>
    %reduce_min3A_486 = arith.constant true
    %reduce_min3A_487 = vector.broadcast %reduce_min3A_486 : i1 to vector<16xi1>
    %reduce_min3A_488 = arith.constant -2147483648 : i32
    %reduce_min3A_489 = vector.broadcast %reduce_min3A_488 : i32 to vector<16xi32>
    %reduce_min3A_490 = arith.xori %select_n3A_485, %reduce_min3A_489 : vector<16xi32>
    %reduce_min3A_491 = tpu.scan <min>, %reduce_min3A_490 masked %reduce_min3A_487 : vector<16xi32>, vector<16xi1> -> vector<16xi32>
    %reduce_min3A_492 = arith.xori %reduce_min3A_491, %reduce_min3A_489 : vector<16xi32>
    %reduce_min3A_493 = vector.extract %reduce_min3A_492[15] : i32 from vector<16xi32>
    %broadcast_in_dim3A_494 = arith.constant 0 : i32
    %broadcast_in_dim3A_495 = vector.broadcast %broadcast_in_dim3A_494 : i32 to vector<16xi32>
    %eq3A_496 = arith.constant 0 : i32
    %eq3A_497 = vector.broadcast %eq3A_496 : i32 to vector<16xi32>
    %eq3A_498 = arith.cmpi eq, %iota3A, %eq3A_497 : vector<16xi32>
    %broadcast_in_dim3A_499 = vector.broadcast %reduce_min3A_340 : i32 to vector<16xi32>
    %select_n3A_500 = arith.select %eq3A_498, %broadcast_in_dim3A_499, %broadcast_in_dim3A_495 : vector<16xi1>, vector<16xi32>
    %eq3A_501 = arith.constant 1 : i32
    %eq3A_502 = vector.broadcast %eq3A_501 : i32 to vector<16xi32>
    %eq3A_503 = arith.cmpi eq, %iota3A, %eq3A_502 : vector<16xi32>
    %broadcast_in_dim3A_504 = vector.broadcast %reduce_min3A_357 : i32 to vector<16xi32>
    %select_n3A_505 = arith.select %eq3A_503, %broadcast_in_dim3A_504, %select_n3A_500 : vector<16xi1>, vector<16xi32>
    %eq3A_506 = arith.constant 2 : i32
    %eq3A_507 = vector.broadcast %eq3A_506 : i32 to vector<16xi32>
    %eq3A_508 = arith.cmpi eq, %iota3A, %eq3A_507 : vector<16xi32>
    %broadcast_in_dim3A_509 = vector.broadcast %reduce_min3A_374 : i32 to vector<16xi32>
    %select_n3A_510 = arith.select %eq3A_508, %broadcast_in_dim3A_509, %select_n3A_505 : vector<16xi1>, vector<16xi32>
    %eq3A_511 = arith.constant 3 : i32
    %eq3A_512 = vector.broadcast %eq3A_511 : i32 to vector<16xi32>
    %eq3A_513 = arith.cmpi eq, %iota3A, %eq3A_512 : vector<16xi32>
    %broadcast_in_dim3A_514 = vector.broadcast %reduce_min3A_391 : i32 to vector<16xi32>
    %select_n3A_515 = arith.select %eq3A_513, %broadcast_in_dim3A_514, %select_n3A_510 : vector<16xi1>, vector<16xi32>
    %eq3A_516 = arith.constant 4 : i32
    %eq3A_517 = vector.broadcast %eq3A_516 : i32 to vector<16xi32>
    %eq3A_518 = arith.cmpi eq, %iota3A, %eq3A_517 : vector<16xi32>
    %broadcast_in_dim3A_519 = vector.broadcast %reduce_min3A_408 : i32 to vector<16xi32>
    %select_n3A_520 = arith.select %eq3A_518, %broadcast_in_dim3A_519, %select_n3A_515 : vector<16xi1>, vector<16xi32>
    %eq3A_521 = arith.constant 5 : i32
    %eq3A_522 = vector.broadcast %eq3A_521 : i32 to vector<16xi32>
    %eq3A_523 = arith.cmpi eq, %iota3A, %eq3A_522 : vector<16xi32>
    %broadcast_in_dim3A_524 = vector.broadcast %reduce_min3A_425 : i32 to vector<16xi32>
    %select_n3A_525 = arith.select %eq3A_523, %broadcast_in_dim3A_524, %select_n3A_520 : vector<16xi1>, vector<16xi32>
    %eq3A_526 = arith.constant 6 : i32
    %eq3A_527 = vector.broadcast %eq3A_526 : i32 to vector<16xi32>
    %eq3A_528 = arith.cmpi eq, %iota3A, %eq3A_527 : vector<16xi32>
    %broadcast_in_dim3A_529 = vector.broadcast %reduce_min3A_442 : i32 to vector<16xi32>
    %select_n3A_530 = arith.select %eq3A_528, %broadcast_in_dim3A_529, %select_n3A_525 : vector<16xi1>, vector<16xi32>
    %eq3A_531 = arith.constant 7 : i32
    %eq3A_532 = vector.broadcast %eq3A_531 : i32 to vector<16xi32>
    %eq3A_533 = arith.cmpi eq, %iota3A, %eq3A_532 : vector<16xi32>
    %broadcast_in_dim3A_534 = vector.broadcast %reduce_min3A_459 : i32 to vector<16xi32>
    %select_n3A_535 = arith.select %eq3A_533, %broadcast_in_dim3A_534, %select_n3A_530 : vector<16xi1>, vector<16xi32>
    %eq3A_536 = arith.constant 8 : i32
    %eq3A_537 = vector.broadcast %eq3A_536 : i32 to vector<16xi32>
    %eq3A_538 = arith.cmpi eq, %iota3A, %eq3A_537 : vector<16xi32>
    %broadcast_in_dim3A_539 = vector.broadcast %reduce_min3A_476 : i32 to vector<16xi32>
    %select_n3A_540 = arith.select %eq3A_538, %broadcast_in_dim3A_539, %select_n3A_535 : vector<16xi1>, vector<16xi32>
    %eq3A_541 = arith.constant 9 : i32
    %eq3A_542 = vector.broadcast %eq3A_541 : i32 to vector<16xi32>
    %eq3A_543 = arith.cmpi eq, %iota3A, %eq3A_542 : vector<16xi32>
    %broadcast_in_dim3A_544 = vector.broadcast %reduce_min3A_493 : i32 to vector<16xi32>
    %select_n3A_545 = arith.select %eq3A_543, %broadcast_in_dim3A_544, %select_n3A_540 : vector<16xi1>, vector<16xi32>
    %broadcast_in_dim3A_546 = arith.constant 0 : i32
    %broadcast_in_dim3A_547 = vector.broadcast %broadcast_in_dim3A_546 : i32 to vector<16xi32>
    %eq3A_548 = vector.broadcast %reduce_min3A_340 : i32 to vector<16xi32>
    %eq3A_549 = arith.cmpi eq, %select_n3A_545, %eq3A_548 : vector<16xi32>
    %jit3A_550 = arith.constant 0 : i32
    %broadcast_in_dim3A_551 = vector.broadcast %jit3A_550 : i32 to vector<16xi32>
    %select_n3A_552 = arith.select %eq3A_549, %broadcast_in_dim3A_551, %broadcast_in_dim3A_547 : vector<16xi1>, vector<16xi32>
    %eq3A_553 = vector.broadcast %reduce_min3A_357 : i32 to vector<16xi32>
    %eq3A_554 = arith.cmpi eq, %select_n3A_545, %eq3A_553 : vector<16xi32>
    %jit3A_555 = arith.constant 1 : i32
    %broadcast_in_dim3A_556 = vector.broadcast %jit3A_555 : i32 to vector<16xi32>
    %select_n3A_557 = arith.select %eq3A_554, %broadcast_in_dim3A_556, %select_n3A_552 : vector<16xi1>, vector<16xi32>
    %eq3A_558 = vector.broadcast %reduce_min3A_374 : i32 to vector<16xi32>
    %eq3A_559 = arith.cmpi eq, %select_n3A_545, %eq3A_558 : vector<16xi32>
    %jit3A_560 = arith.constant 2 : i32
    %broadcast_in_dim3A_561 = vector.broadcast %jit3A_560 : i32 to vector<16xi32>
    %select_n3A_562 = arith.select %eq3A_559, %broadcast_in_dim3A_561, %select_n3A_557 : vector<16xi1>, vector<16xi32>
    %eq3A_563 = vector.broadcast %reduce_min3A_391 : i32 to vector<16xi32>
    %eq3A_564 = arith.cmpi eq, %select_n3A_545, %eq3A_563 : vector<16xi32>
    %jit3A_565 = arith.constant 3 : i32
    %broadcast_in_dim3A_566 = vector.broadcast %jit3A_565 : i32 to vector<16xi32>
    %select_n3A_567 = arith.select %eq3A_564, %broadcast_in_dim3A_566, %select_n3A_562 : vector<16xi1>, vector<16xi32>
    %eq3A_568 = vector.broadcast %reduce_min3A_408 : i32 to vector<16xi32>
    %eq3A_569 = arith.cmpi eq, %select_n3A_545, %eq3A_568 : vector<16xi32>
    %jit3A_570 = arith.constant 4 : i32
    %broadcast_in_dim3A_571 = vector.broadcast %jit3A_570 : i32 to vector<16xi32>
    %select_n3A_572 = arith.select %eq3A_569, %broadcast_in_dim3A_571, %select_n3A_567 : vector<16xi1>, vector<16xi32>
    %eq3A_573 = vector.broadcast %reduce_min3A_425 : i32 to vector<16xi32>
    %eq3A_574 = arith.cmpi eq, %select_n3A_545, %eq3A_573 : vector<16xi32>
    %jit3A_575 = arith.constant 5 : i32
    %broadcast_in_dim3A_576 = vector.broadcast %jit3A_575 : i32 to vector<16xi32>
    %select_n3A_577 = arith.select %eq3A_574, %broadcast_in_dim3A_576, %select_n3A_572 : vector<16xi1>, vector<16xi32>
    %eq3A_578 = vector.broadcast %reduce_min3A_442 : i32 to vector<16xi32>
    %eq3A_579 = arith.cmpi eq, %select_n3A_545, %eq3A_578 : vector<16xi32>
    %jit3A_580 = arith.constant 6 : i32
    %broadcast_in_dim3A_581 = vector.broadcast %jit3A_580 : i32 to vector<16xi32>
    %select_n3A_582 = arith.select %eq3A_579, %broadcast_in_dim3A_581, %select_n3A_577 : vector<16xi1>, vector<16xi32>
    %eq3A_583 = vector.broadcast %reduce_min3A_459 : i32 to vector<16xi32>
    %eq3A_584 = arith.cmpi eq, %select_n3A_545, %eq3A_583 : vector<16xi32>
    %jit3A_585 = arith.constant 7 : i32
    %broadcast_in_dim3A_586 = vector.broadcast %jit3A_585 : i32 to vector<16xi32>
    %select_n3A_587 = arith.select %eq3A_584, %broadcast_in_dim3A_586, %select_n3A_582 : vector<16xi1>, vector<16xi32>
    %eq3A_588 = vector.broadcast %reduce_min3A_476 : i32 to vector<16xi32>
    %eq3A_589 = arith.cmpi eq, %select_n3A_545, %eq3A_588 : vector<16xi32>
    %jit3A_590 = arith.constant 8 : i32
    %broadcast_in_dim3A_591 = vector.broadcast %jit3A_590 : i32 to vector<16xi32>
    %select_n3A_592 = arith.select %eq3A_589, %broadcast_in_dim3A_591, %select_n3A_587 : vector<16xi1>, vector<16xi32>
    %eq3A_593 = vector.broadcast %reduce_min3A_493 : i32 to vector<16xi32>
    %eq3A_594 = arith.cmpi eq, %select_n3A_545, %eq3A_593 : vector<16xi32>
    %jit3A_595 = arith.constant 9 : i32
    %broadcast_in_dim3A_596 = vector.broadcast %jit3A_595 : i32 to vector<16xi32>
    %select_n3A_597 = arith.select %eq3A_594, %broadcast_in_dim3A_596, %select_n3A_592 : vector<16xi1>, vector<16xi32>
    %lt3A = arith.constant 10 : i32
    %lt3A_598 = vector.broadcast %lt3A : i32 to vector<16xi32>
    %lt3A_599 = arith.cmpi slt, %iota3A, %lt3A_598 : vector<16xi32>
    %broadcast_in_dim3A_600 = arith.constant 2.000000e+00 : f32
    %broadcast_in_dim3A_601 = vector.broadcast %broadcast_in_dim3A_600 : f32 to vector<16xf32>
    tpu.vector_store_idx %arg11[%select_n3A_545], %broadcast_in_dim3A_601 masked %lt3A_599 : memref<6384xf32, #tpu.memory_space<vmem>>[vector<16xi32>], vector<16xf32>, vector<16xi1>
    tpu.vector_store_idx %arg12[%select_n3A_545], %select_n3A_597 masked %lt3A_599 : memref<6384xi32, #tpu.memory_space<vmem>>[vector<16xi32>], vector<16xi32>, vector<16xi1>
    %dma_wait3A = arith.constant 0 : i32
    %dma_wait3A_602 = arith.constant 0 : i32
    %dma_wait3A_603 = tpu.memref_slice %arg3[%add3A, %dma_wait3A, %dma_wait3A_602] : memref<32x4x6384xf32, #tpu.memory_space<hbm>> -> memref<1x4x6384xf32, #tpu.memory_space<hbm>>
    %dma_wait3A_604 = tpu.memref_squeeze %dma_wait3A_603 : memref<1x4x6384xf32, #tpu.memory_space<hbm>> -> memref<4x6384xf32, #tpu.memory_space<hbm>>
    %dma_wait3A_605 = arith.constant 0 : i32
    %dma_wait3A_606 = arith.constant 0 : i32
    %dma_wait3A_607 = tpu.memref_slice %arg3[%add3A, %dma_wait3A_605, %dma_wait3A_606] : memref<32x4x6384xf32, #tpu.memory_space<hbm>> -> memref<1x4x6384xf32, #tpu.memory_space<hbm>>
    %dma_wait3A_608 = tpu.memref_squeeze %dma_wait3A_607 : memref<1x4x6384xf32, #tpu.memory_space<hbm>> -> memref<4x6384xf32, #tpu.memory_space<hbm>>
    tpu.wait_dma2 semaphore(%arg15 : memref<!tpu.dma_semaphore, #tpu.memory_space<semaphore_mem>>) src(%dma_wait3A_608 : memref<4x6384xf32, #tpu.memory_space<hbm>>) dst(%arg8 : memref<4x6384xf32, #tpu.memory_space<vmem>>)
    %dma_wait3A_609 = arith.constant 0 : i32
    %dma_wait3A_610 = arith.constant 0 : i32
    %dma_wait3A_611 = tpu.memref_slice %arg4[%add3A, %dma_wait3A_609, %dma_wait3A_610] : memref<32x2x6384xf32, #tpu.memory_space<hbm>> -> memref<1x2x6384xf32, #tpu.memory_space<hbm>>
    %dma_wait3A_612 = tpu.memref_squeeze %dma_wait3A_611 : memref<1x2x6384xf32, #tpu.memory_space<hbm>> -> memref<2x6384xf32, #tpu.memory_space<hbm>>
    %dma_wait3A_613 = arith.constant 0 : i32
    %dma_wait3A_614 = arith.constant 0 : i32
    %dma_wait3A_615 = tpu.memref_slice %arg4[%add3A, %dma_wait3A_613, %dma_wait3A_614] : memref<32x2x6384xf32, #tpu.memory_space<hbm>> -> memref<1x2x6384xf32, #tpu.memory_space<hbm>>
    %dma_wait3A_616 = tpu.memref_squeeze %dma_wait3A_615 : memref<1x2x6384xf32, #tpu.memory_space<hbm>> -> memref<2x6384xf32, #tpu.memory_space<hbm>>
    tpu.wait_dma2 semaphore(%arg15 : memref<!tpu.dma_semaphore, #tpu.memory_space<semaphore_mem>>) src(%dma_wait3A_616 : memref<2x6384xf32, #tpu.memory_space<hbm>>) dst(%arg9 : memref<2x6384xf32, #tpu.memory_space<vmem>>)
    %broadcast_in_dim3A_617 = arith.constant 0.000000e+00 : f32
    %broadcast_in_dim3A_618 = vector.broadcast %broadcast_in_dim3A_617 : f32 to vector<16xf32>
    %scan3A_619 = arith.constant 0 : i32
    %scan3A_620 = arith.constant 399 : i32
    %scan3A_621 = arith.addi %scan3A_619, %scan3A_620 : i32
    %scan3A_622 = arith.constant 3 : i32
    %scan3A_623:3 = scf.for %scan3A_696 = %scan3A_619 to %scan3A_621 step %scan3A_622 iter_args(%scan3A_697 = %broadcast_in_dim3A_618, %scan3A_698 = %broadcast_in_dim3A_618, %scan3A_699 = %broadcast_in_dim3A_618) -> (vector<16xf32>, vector<16xf32>, vector<16xf32>)  : i32 {
      %mul3A_700 = arith.constant 16 : i32
      %mul3A_701 = arith.muli %scan3A_696, %mul3A_700 : i32
      %add3A_702 = vector.broadcast %mul3A_701 : i32 to vector<16xi32>
      %add3A_703 = arith.addi %add3A_702, %iota3A : vector<16xi32>
      %lt3A_704 = arith.constant 6375 : i32
      %lt3A_705 = vector.broadcast %lt3A_704 : i32 to vector<16xi32>
      %lt3A_706 = arith.cmpi slt, %add3A_703, %lt3A_705 : vector<16xi32>
      %get3A_707 = arith.index_cast %mul3A_701 : i32 to index
      %get3A_708 = tpu.vector_load %arg11[%get3A_707] {strides = array<i32>} : memref<6384xf32, #tpu.memory_space<vmem>>, vector<16xf32>,
      %ge3A = arith.constant 5.000000e-01 : f32
      %ge3A_709 = vector.broadcast %ge3A : f32 to vector<16xf32>
      %ge3A_710 = arith.cmpf oge, %get3A_708, %ge3A_709 : vector<16xf32>
      %and3A = arith.andi %ge3A_710, %lt3A_706 : vector<16xi1>
      %get3A_711 = arith.constant 0 : i32
      %get3A_712 = arith.index_cast %get3A_711 : i32 to index
      %get3A_713 = arith.index_cast %mul3A_701 : i32 to index
      %get3A_714 = tpu.vector_load %arg9[%get3A_712, %get3A_713] {strides = array<i32>} : memref<2x6384xf32, #tpu.memory_space<vmem>>, vector<16xf32>,
      %get3A_715 = arith.constant 1 : i32
      %get3A_716 = arith.index_cast %get3A_715 : i32 to index
      %get3A_717 = arith.index_cast %mul3A_701 : i32 to index
      %get3A_718 = tpu.vector_load %arg9[%get3A_716, %get3A_717] {strides = array<i32>} : memref<2x6384xf32, #tpu.memory_space<vmem>>, vector<16xf32>,
      %sub3A_719 = arith.subf %get3A_718, %get3A_714 : vector<16xf32>
      %abs3A = math.absf %sub3A_719 : vector<16xf32>
      %neg3A = arith.constant 0.000000e+00 : f32
      %neg3A_720 = vector.broadcast %neg3A : f32 to vector<16xf32>
      %neg3A_721 = arith.subf %neg3A_720, %abs3A : vector<16xf32>
      %exp3A = math.exp %neg3A_721 : vector<16xf32>
      %add3A_722 = arith.constant 1.000000e+00 : f32
      %add3A_723 = vector.broadcast %add3A_722 : f32 to vector<16xf32>
      %add3A_724 = arith.addf %add3A_723, %exp3A : vector<16xf32>
      %bitcast_convert_type3A_725 = tpu.bitcast %add3A_724 : vector<16xf32> -> vector<16xi32>
      %shift_right_arithmetic3A = arith.constant 23 : i32
      %shift_right_arithmetic3A_726 = vector.broadcast %shift_right_arithmetic3A : i32 to vector<16xi32>
      %shift_right_arithmetic3A_727 = arith.shrsi %bitcast_convert_type3A_725, %shift_right_arithmetic3A_726 : vector<16xi32>
      %sub3A_728 = arith.constant 127 : i32
      %sub3A_729 = vector.broadcast %sub3A_728 : i32 to vector<16xi32>
      %sub3A_730 = arith.subi %shift_right_arithmetic3A_727, %sub3A_729 : vector<16xi32>
      %and3A_731 = arith.constant 8388607 : i32
      %and3A_732 = vector.broadcast %and3A_731 : i32 to vector<16xi32>
      %and3A_733 = arith.andi %bitcast_convert_type3A_725, %and3A_732 : vector<16xi32>
      %or3A = arith.constant 1065353216 : i32
      %or3A_734 = vector.broadcast %or3A : i32 to vector<16xi32>
      %or3A_735 = arith.ori %and3A_733, %or3A_734 : vector<16xi32>
      %bitcast_convert_type3A_736 = tpu.bitcast %or3A_735 : vector<16xi32> -> vector<16xf32>
      %gt3A_737 = arith.constant 1.33333337 : f32
      %gt3A_738 = vector.broadcast %gt3A_737 : f32 to vector<16xf32>
      %gt3A_739 = arith.cmpf ogt, %bitcast_convert_type3A_736, %gt3A_738 : vector<16xf32>
      %mul3A_740 = arith.constant 5.000000e-01 : f32
      %mul3A_741 = vector.broadcast %mul3A_740 : f32 to vector<16xf32>
      %mul3A_742 = arith.mulf %bitcast_convert_type3A_736, %mul3A_741 : vector<16xf32>
      %select_n3A_743 = arith.select %gt3A_739, %mul3A_742, %bitcast_convert_type3A_736 : vector<16xi1>, vector<16xf32>
      %jit3A_744 = arith.constant 1 : i32
      %jit3A_745 = arith.constant 0 : i32
      %broadcast_in_dim3A_746 = vector.broadcast %jit3A_744 : i32 to vector<16xi32>
      %broadcast_in_dim3A_747 = vector.broadcast %jit3A_745 : i32 to vector<16xi32>
      %select_n3A_748 = arith.select %gt3A_739, %broadcast_in_dim3A_746, %broadcast_in_dim3A_747 : vector<16xi1>, vector<16xi32>
      %add3A_749 = arith.addi %sub3A_730, %select_n3A_748 : vector<16xi32>
      %convert_element_type3A_750 = arith.sitofp %add3A_749 : vector<16xi32> to vector<16xf32>
      %sub3A_751 = arith.constant 1.000000e+00 : f32
      %sub3A_752 = vector.broadcast %sub3A_751 : f32 to vector<16xf32>
      %sub3A_753 = arith.subf %select_n3A_743, %sub3A_752 : vector<16xf32>
      %add3A_754 = arith.constant 1.000000e+00 : f32
      %add3A_755 = vector.broadcast %add3A_754 : f32 to vector<16xf32>
      %add3A_756 = arith.addf %select_n3A_743, %add3A_755 : vector<16xf32>
      %div3A = arith.divf %sub3A_753, %add3A_756 : vector<16xf32>
      %mul3A_757 = arith.mulf %div3A, %div3A : vector<16xf32>
      %mul3A_758 = arith.constant 2.000000e+00 : f32
      %mul3A_759 = vector.broadcast %mul3A_758 : f32 to vector<16xf32>
      %mul3A_760 = arith.mulf %mul3A_759, %div3A : vector<16xf32>
      %mul3A_761 = arith.constant 0.142857134 : f32
      %mul3A_762 = vector.broadcast %mul3A_761 : f32 to vector<16xf32>
      %mul3A_763 = arith.mulf %mul3A_757, %mul3A_762 : vector<16xf32>
      %add3A_764 = arith.constant 2.000000e-01 : f32
      %add3A_765 = vector.broadcast %add3A_764 : f32 to vector<16xf32>
      %add3A_766 = arith.addf %add3A_765, %mul3A_763 : vector<16xf32>
      %mul3A_767 = arith.mulf %mul3A_757, %add3A_766 : vector<16xf32>
      %add3A_768 = arith.constant 0.333333343 : f32
      %add3A_769 = vector.broadcast %add3A_768 : f32 to vector<16xf32>
      %add3A_770 = arith.addf %add3A_769, %mul3A_767 : vector<16xf32>
      %mul3A_771 = arith.mulf %mul3A_757, %add3A_770 : vector<16xf32>
      %add3A_772 = arith.constant 1.000000e+00 : f32
      %add3A_773 = vector.broadcast %add3A_772 : f32 to vector<16xf32>
      %add3A_774 = arith.addf %add3A_773, %mul3A_771 : vector<16xf32>
      %mul3A_775 = arith.mulf %mul3A_760, %add3A_774 : vector<16xf32>
      %mul3A_776 = arith.constant 0.693147182 : f32
      %mul3A_777 = vector.broadcast %mul3A_776 : f32 to vector<16xf32>
      %mul3A_778 = arith.mulf %convert_element_type3A_750, %mul3A_777 : vector<16xf32>
      %add3A_779 = arith.addf %mul3A_778, %mul3A_775 : vector<16xf32>
      %max3A_780 = arith.constant 0.000000e+00 : f32
      %max3A_781 = vector.broadcast %max3A_780 : f32 to vector<16xf32>
      %max3A_782 = arith.maximumf %sub3A_719, %max3A_781 : vector<16xf32>
      %add3A_783 = arith.addf %max3A_782, %add3A_779 : vector<16xf32>
      %bitcast_convert_type3A_784 = tpu.bitcast %add3A_783 : vector<16xf32> -> vector<16xi32>
      %jit3A_785 = arith.constant 0 : i32
      %broadcast_in_dim3A_786 = vector.broadcast %jit3A_785 : i32 to vector<16xi32>
      %select_n3A_787 = arith.select %and3A, %broadcast_in_dim3A_786, %bitcast_convert_type3A_784 : vector<16xi1>, vector<16xi32>
      %jit3A_788 = arith.constant -1 : i32
      %broadcast_in_dim3A_789 = vector.broadcast %jit3A_788 : i32 to vector<16xi32>
      %select_n3A_790 = arith.select %lt3A_706, %select_n3A_787, %broadcast_in_dim3A_789 : vector<16xi1>, vector<16xi32>
      %swap3A_791 = arith.index_cast %mul3A_701 : i32 to index
      %swap3A_792 = tpu.vector_load %arg13[%swap3A_791] {strides = array<i32>} : memref<6384xi32, #tpu.memory_space<vmem>>, vector<16xi32>,
      tpu.vector_store %arg13[%swap3A_791], %select_n3A_790 {strides = array<i32>} : memref<6384xi32, #tpu.memory_space<vmem>>, vector<16xi32>,
      %jit3A_793 = arith.constant 1.000000e+00 : f32
      %jit3A_794 = arith.constant 0.000000e+00 : f32
      %broadcast_in_dim3A_795 = vector.broadcast %jit3A_793 : f32 to vector<16xf32>
      %broadcast_in_dim3A_796 = vector.broadcast %jit3A_794 : f32 to vector<16xf32>
      %select_n3A_797 = arith.select %and3A, %broadcast_in_dim3A_795, %broadcast_in_dim3A_796 : vector<16xi1>, vector<16xf32>
      %add3A_798 = arith.addf %scan3A_699, %select_n3A_797 : vector<16xf32>
      %reduce_or3A = arith.constant 1.000000e+00 : f32
      %reduce_or3A_799 = arith.constant 0.000000e+00 : f32
      %reduce_or3A_800 = vector.broadcast %reduce_or3A : f32 to vector<16xf32>
      %reduce_or3A_801 = vector.broadcast %reduce_or3A_799 : f32 to vector<16xf32>
      %reduce_or3A_802 = arith.select %and3A, %reduce_or3A_800, %reduce_or3A_801 : vector<16xi1>, vector<16xf32>
      %reduce_or3A_803 = arith.constant true
      %reduce_or3A_804 = vector.broadcast %reduce_or3A_803 : i1 to vector<16xi1>
      %reduce_or3A_805 = tpu.scan <max>, %reduce_or3A_802 masked %reduce_or3A_804 : vector<16xf32>, vector<16xi1> -> vector<16xf32>
      %reduce_or3A_806 = vector.extract %reduce_or3A_805[15] : f32 from vector<16xf32>
      %reduce_or3A_807 = arith.constant 0.000000e+00 : f32
      %reduce_or3A_808 = arith.cmpf ogt, %reduce_or3A_806, %reduce_or3A_807 : f32
      %convert_element_type3A_809 = arith.extui %reduce_or3A_808 : i1 to i32
      %cond3A = arith.constant 0 : i32
      %cond3A_810 = arith.cmpi ne, %convert_element_type3A_809, %cond3A : i32
      %cond3A_811:2 = scf.if %cond3A_810 -> (vector<16xf32>, vector<16xf32>) {
        %get3A_1060 = arith.index_cast %mul3A_701 : i32 to index
        %get3A_1061 = tpu.vector_load %arg12[%get3A_1060] {strides = array<i32>} : memref<6384xi32, #tpu.memory_space<vmem>>, vector<16xi32>,
        %broadcast_in_dim3A_1062 = arith.constant 1 : i32
        %broadcast_in_dim3A_1063 = vector.broadcast %broadcast_in_dim3A_1062 : i32 to vector<16xi32>
        %gather3A_1064 = tpu.vector_load_idx %arg10[%broadcast_in_dim3A_1063, %get3A_1061] : memref<6x16xf32, #tpu.memory_space<vmem>>[vector<16xi32>, vector<16xi32>], vector<16xf32>,
        %broadcast_in_dim3A_1065 = arith.constant 2 : i32
        %broadcast_in_dim3A_1066 = vector.broadcast %broadcast_in_dim3A_1065 : i32 to vector<16xi32>
        %gather3A_1067 = tpu.vector_load_idx %arg10[%broadcast_in_dim3A_1066, %get3A_1061] : memref<6x16xf32, #tpu.memory_space<vmem>>[vector<16xi32>, vector<16xi32>], vector<16xf32>,
        %broadcast_in_dim3A_1068 = arith.constant 3 : i32
        %broadcast_in_dim3A_1069 = vector.broadcast %broadcast_in_dim3A_1068 : i32 to vector<16xi32>
        %gather3A_1070 = tpu.vector_load_idx %arg10[%broadcast_in_dim3A_1069, %get3A_1061] : memref<6x16xf32, #tpu.memory_space<vmem>>[vector<16xi32>, vector<16xi32>], vector<16xf32>,
        %broadcast_in_dim3A_1071 = arith.constant 4 : i32
        %broadcast_in_dim3A_1072 = vector.broadcast %broadcast_in_dim3A_1071 : i32 to vector<16xi32>
        %gather3A_1073 = tpu.vector_load_idx %arg10[%broadcast_in_dim3A_1072, %get3A_1061] : memref<6x16xf32, #tpu.memory_space<vmem>>[vector<16xi32>, vector<16xi32>], vector<16xf32>,
        %get3A_1074 = arith.constant 0 : i32
        %get3A_1075 = arith.index_cast %get3A_1074 : i32 to index
        %get3A_1076 = arith.index_cast %mul3A_701 : i32 to index
        %get3A_1077 = tpu.vector_load %arg7[%get3A_1075, %get3A_1076] {strides = array<i32>} : memref<4x6384xf32, #tpu.memory_space<vmem>>, vector<16xf32>,
        %get3A_1078 = arith.constant 1 : i32
        %get3A_1079 = arith.index_cast %get3A_1078 : i32 to index
        %get3A_1080 = arith.index_cast %mul3A_701 : i32 to index
        %get3A_1081 = tpu.vector_load %arg7[%get3A_1079, %get3A_1080] {strides = array<i32>} : memref<4x6384xf32, #tpu.memory_space<vmem>>, vector<16xf32>,
        %get3A_1082 = arith.constant 2 : i32
        %get3A_1083 = arith.index_cast %get3A_1082 : i32 to index
        %get3A_1084 = arith.index_cast %mul3A_701 : i32 to index
        %get3A_1085 = tpu.vector_load %arg7[%get3A_1083, %get3A_1084] {strides = array<i32>} : memref<4x6384xf32, #tpu.memory_space<vmem>>, vector<16xf32>,
        %get3A_1086 = arith.constant 3 : i32
        %get3A_1087 = arith.index_cast %get3A_1086 : i32 to index
        %get3A_1088 = arith.index_cast %mul3A_701 : i32 to index
        %get3A_1089 = tpu.vector_load %arg7[%get3A_1087, %get3A_1088] {strides = array<i32>} : memref<4x6384xf32, #tpu.memory_space<vmem>>, vector<16xf32>,
        %add3A_1090 = arith.addf %gather3A_1064, %gather3A_1070 : vector<16xf32>
        %mul3A_1091 = arith.constant 5.000000e-01 : f32
        %mul3A_1092 = vector.broadcast %mul3A_1091 : f32 to vector<16xf32>
        %mul3A_1093 = arith.mulf %add3A_1090, %mul3A_1092 : vector<16xf32>
        %sub3A_1094 = arith.subf %mul3A_1093, %get3A_1077 : vector<16xf32>
        %mul3A_1095 = arith.constant 1.000000e-01 : f32
        %mul3A_1096 = vector.broadcast %mul3A_1095 : f32 to vector<16xf32>
        %mul3A_1097 = arith.mulf %mul3A_1096, %get3A_1085 : vector<16xf32>
        %div3A_1098 = arith.divf %sub3A_1094, %mul3A_1097 : vector<16xf32>
        %add3A_1099 = arith.addf %gather3A_1067, %gather3A_1073 : vector<16xf32>
        %mul3A_1100 = arith.constant 5.000000e-01 : f32
        %mul3A_1101 = vector.broadcast %mul3A_1100 : f32 to vector<16xf32>
        %mul3A_1102 = arith.mulf %add3A_1099, %mul3A_1101 : vector<16xf32>
        %sub3A_1103 = arith.subf %mul3A_1102, %get3A_1081 : vector<16xf32>
        %mul3A_1104 = arith.constant 1.000000e-01 : f32
        %mul3A_1105 = vector.broadcast %mul3A_1104 : f32 to vector<16xf32>
        %mul3A_1106 = arith.mulf %mul3A_1105, %get3A_1089 : vector<16xf32>
        %div3A_1107 = arith.divf %sub3A_1103, %mul3A_1106 : vector<16xf32>
        %sub3A_1108 = arith.subf %gather3A_1070, %gather3A_1064 : vector<16xf32>
        %div3A_1109 = arith.divf %sub3A_1108, %get3A_1085 : vector<16xf32>
        %bitcast_convert_type3A_1110 = tpu.bitcast %div3A_1109 : vector<16xf32> -> vector<16xi32>
        %shift_right_arithmetic3A_1111 = arith.constant 23 : i32
        %shift_right_arithmetic3A_1112 = vector.broadcast %shift_right_arithmetic3A_1111 : i32 to vector<16xi32>
        %shift_right_arithmetic3A_1113 = arith.shrsi %bitcast_convert_type3A_1110, %shift_right_arithmetic3A_1112 : vector<16xi32>
        %sub3A_1114 = arith.constant 127 : i32
        %sub3A_1115 = vector.broadcast %sub3A_1114 : i32 to vector<16xi32>
        %sub3A_1116 = arith.subi %shift_right_arithmetic3A_1113, %sub3A_1115 : vector<16xi32>
        %and3A_1117 = arith.constant 8388607 : i32
        %and3A_1118 = vector.broadcast %and3A_1117 : i32 to vector<16xi32>
        %and3A_1119 = arith.andi %bitcast_convert_type3A_1110, %and3A_1118 : vector<16xi32>
        %or3A_1120 = arith.constant 1065353216 : i32
        %or3A_1121 = vector.broadcast %or3A_1120 : i32 to vector<16xi32>
        %or3A_1122 = arith.ori %and3A_1119, %or3A_1121 : vector<16xi32>
        %bitcast_convert_type3A_1123 = tpu.bitcast %or3A_1122 : vector<16xi32> -> vector<16xf32>
        %gt3A_1124 = arith.constant 1.33333337 : f32
        %gt3A_1125 = vector.broadcast %gt3A_1124 : f32 to vector<16xf32>
        %gt3A_1126 = arith.cmpf ogt, %bitcast_convert_type3A_1123, %gt3A_1125 : vector<16xf32>
        %mul3A_1127 = arith.constant 5.000000e-01 : f32
        %mul3A_1128 = vector.broadcast %mul3A_1127 : f32 to vector<16xf32>
        %mul3A_1129 = arith.mulf %bitcast_convert_type3A_1123, %mul3A_1128 : vector<16xf32>
        %select_n3A_1130 = arith.select %gt3A_1126, %mul3A_1129, %bitcast_convert_type3A_1123 : vector<16xi1>, vector<16xf32>
        %jit3A_1131 = arith.constant 1 : i32
        %jit3A_1132 = arith.constant 0 : i32
        %broadcast_in_dim3A_1133 = vector.broadcast %jit3A_1131 : i32 to vector<16xi32>
        %broadcast_in_dim3A_1134 = vector.broadcast %jit3A_1132 : i32 to vector<16xi32>
        %select_n3A_1135 = arith.select %gt3A_1126, %broadcast_in_dim3A_1133, %broadcast_in_dim3A_1134 : vector<16xi1>, vector<16xi32>
        %add3A_1136 = arith.addi %sub3A_1116, %select_n3A_1135 : vector<16xi32>
        %convert_element_type3A_1137 = arith.sitofp %add3A_1136 : vector<16xi32> to vector<16xf32>
        %sub3A_1138 = arith.constant 1.000000e+00 : f32
        %sub3A_1139 = vector.broadcast %sub3A_1138 : f32 to vector<16xf32>
        %sub3A_1140 = arith.subf %select_n3A_1130, %sub3A_1139 : vector<16xf32>
        %add3A_1141 = arith.constant 1.000000e+00 : f32
        %add3A_1142 = vector.broadcast %add3A_1141 : f32 to vector<16xf32>
        %add3A_1143 = arith.addf %select_n3A_1130, %add3A_1142 : vector<16xf32>
        %div3A_1144 = arith.divf %sub3A_1140, %add3A_1143 : vector<16xf32>
        %mul3A_1145 = arith.mulf %div3A_1144, %div3A_1144 : vector<16xf32>
        %mul3A_1146 = arith.constant 2.000000e+00 : f32
        %mul3A_1147 = vector.broadcast %mul3A_1146 : f32 to vector<16xf32>
        %mul3A_1148 = arith.mulf %mul3A_1147, %div3A_1144 : vector<16xf32>
        %mul3A_1149 = arith.constant 0.142857134 : f32
        %mul3A_1150 = vector.broadcast %mul3A_1149 : f32 to vector<16xf32>
        %mul3A_1151 = arith.mulf %mul3A_1145, %mul3A_1150 : vector<16xf32>
        %add3A_1152 = arith.constant 2.000000e-01 : f32
        %add3A_1153 = vector.broadcast %add3A_1152 : f32 to vector<16xf32>
        %add3A_1154 = arith.addf %add3A_1153, %mul3A_1151 : vector<16xf32>
        %mul3A_1155 = arith.mulf %mul3A_1145, %add3A_1154 : vector<16xf32>
        %add3A_1156 = arith.constant 0.333333343 : f32
        %add3A_1157 = vector.broadcast %add3A_1156 : f32 to vector<16xf32>
        %add3A_1158 = arith.addf %add3A_1157, %mul3A_1155 : vector<16xf32>
        %mul3A_1159 = arith.mulf %mul3A_1145, %add3A_1158 : vector<16xf32>
        %add3A_1160 = arith.constant 1.000000e+00 : f32
        %add3A_1161 = vector.broadcast %add3A_1160 : f32 to vector<16xf32>
        %add3A_1162 = arith.addf %add3A_1161, %mul3A_1159 : vector<16xf32>
        %mul3A_1163 = arith.mulf %mul3A_1148, %add3A_1162 : vector<16xf32>
        %mul3A_1164 = arith.constant 0.693147182 : f32
        %mul3A_1165 = vector.broadcast %mul3A_1164 : f32 to vector<16xf32>
        %mul3A_1166 = arith.mulf %convert_element_type3A_1137, %mul3A_1165 : vector<16xf32>
        %add3A_1167 = arith.addf %mul3A_1166, %mul3A_1163 : vector<16xf32>
        %div3A_1168 = arith.constant 2.000000e-01 : f32
        %div3A_1169 = vector.broadcast %div3A_1168 : f32 to vector<16xf32>
        %div3A_1170 = arith.divf %add3A_1167, %div3A_1169 : vector<16xf32>
        %sub3A_1171 = arith.subf %gather3A_1073, %gather3A_1067 : vector<16xf32>
        %div3A_1172 = arith.divf %sub3A_1171, %get3A_1089 : vector<16xf32>
        %bitcast_convert_type3A_1173 = tpu.bitcast %div3A_1172 : vector<16xf32> -> vector<16xi32>
        %shift_right_arithmetic3A_1174 = arith.constant 23 : i32
        %shift_right_arithmetic3A_1175 = vector.broadcast %shift_right_arithmetic3A_1174 : i32 to vector<16xi32>
        %shift_right_arithmetic3A_1176 = arith.shrsi %bitcast_convert_type3A_1173, %shift_right_arithmetic3A_1175 : vector<16xi32>
        %sub3A_1177 = arith.constant 127 : i32
        %sub3A_1178 = vector.broadcast %sub3A_1177 : i32 to vector<16xi32>
        %sub3A_1179 = arith.subi %shift_right_arithmetic3A_1176, %sub3A_1178 : vector<16xi32>
        %and3A_1180 = arith.constant 8388607 : i32
        %and3A_1181 = vector.broadcast %and3A_1180 : i32 to vector<16xi32>
        %and3A_1182 = arith.andi %bitcast_convert_type3A_1173, %and3A_1181 : vector<16xi32>
        %or3A_1183 = arith.constant 1065353216 : i32
        %or3A_1184 = vector.broadcast %or3A_1183 : i32 to vector<16xi32>
        %or3A_1185 = arith.ori %and3A_1182, %or3A_1184 : vector<16xi32>
        %bitcast_convert_type3A_1186 = tpu.bitcast %or3A_1185 : vector<16xi32> -> vector<16xf32>
        %gt3A_1187 = arith.constant 1.33333337 : f32
        %gt3A_1188 = vector.broadcast %gt3A_1187 : f32 to vector<16xf32>
        %gt3A_1189 = arith.cmpf ogt, %bitcast_convert_type3A_1186, %gt3A_1188 : vector<16xf32>
        %mul3A_1190 = arith.constant 5.000000e-01 : f32
        %mul3A_1191 = vector.broadcast %mul3A_1190 : f32 to vector<16xf32>
        %mul3A_1192 = arith.mulf %bitcast_convert_type3A_1186, %mul3A_1191 : vector<16xf32>
        %select_n3A_1193 = arith.select %gt3A_1189, %mul3A_1192, %bitcast_convert_type3A_1186 : vector<16xi1>, vector<16xf32>
        %jit3A_1194 = arith.constant 1 : i32
        %jit3A_1195 = arith.constant 0 : i32
        %broadcast_in_dim3A_1196 = vector.broadcast %jit3A_1194 : i32 to vector<16xi32>
        %broadcast_in_dim3A_1197 = vector.broadcast %jit3A_1195 : i32 to vector<16xi32>
        %select_n3A_1198 = arith.select %gt3A_1189, %broadcast_in_dim3A_1196, %broadcast_in_dim3A_1197 : vector<16xi1>, vector<16xi32>
        %add3A_1199 = arith.addi %sub3A_1179, %select_n3A_1198 : vector<16xi32>
        %convert_element_type3A_1200 = arith.sitofp %add3A_1199 : vector<16xi32> to vector<16xf32>
        %sub3A_1201 = arith.constant 1.000000e+00 : f32
        %sub3A_1202 = vector.broadcast %sub3A_1201 : f32 to vector<16xf32>
        %sub3A_1203 = arith.subf %select_n3A_1193, %sub3A_1202 : vector<16xf32>
        %add3A_1204 = arith.constant 1.000000e+00 : f32
        %add3A_1205 = vector.broadcast %add3A_1204 : f32 to vector<16xf32>
        %add3A_1206 = arith.addf %select_n3A_1193, %add3A_1205 : vector<16xf32>
        %div3A_1207 = arith.divf %sub3A_1203, %add3A_1206 : vector<16xf32>
        %mul3A_1208 = arith.mulf %div3A_1207, %div3A_1207 : vector<16xf32>
        %mul3A_1209 = arith.constant 2.000000e+00 : f32
        %mul3A_1210 = vector.broadcast %mul3A_1209 : f32 to vector<16xf32>
        %mul3A_1211 = arith.mulf %mul3A_1210, %div3A_1207 : vector<16xf32>
        %mul3A_1212 = arith.constant 0.142857134 : f32
        %mul3A_1213 = vector.broadcast %mul3A_1212 : f32 to vector<16xf32>
        %mul3A_1214 = arith.mulf %mul3A_1208, %mul3A_1213 : vector<16xf32>
        %add3A_1215 = arith.constant 2.000000e-01 : f32
        %add3A_1216 = vector.broadcast %add3A_1215 : f32 to vector<16xf32>
        %add3A_1217 = arith.addf %add3A_1216, %mul3A_1214 : vector<16xf32>
        %mul3A_1218 = arith.mulf %mul3A_1208, %add3A_1217 : vector<16xf32>
        %add3A_1219 = arith.constant 0.333333343 : f32
        %add3A_1220 = vector.broadcast %add3A_1219 : f32 to vector<16xf32>
        %add3A_1221 = arith.addf %add3A_1220, %mul3A_1218 : vector<16xf32>
        %mul3A_1222 = arith.mulf %mul3A_1208, %add3A_1221 : vector<16xf32>
        %add3A_1223 = arith.constant 1.000000e+00 : f32
        %add3A_1224 = vector.broadcast %add3A_1223 : f32 to vector<16xf32>
        %add3A_1225 = arith.addf %add3A_1224, %mul3A_1222 : vector<16xf32>
        %mul3A_1226 = arith.mulf %mul3A_1211, %add3A_1225 : vector<16xf32>
        %mul3A_1227 = arith.constant 0.693147182 : f32
        %mul3A_1228 = vector.broadcast %mul3A_1227 : f32 to vector<16xf32>
        %mul3A_1229 = arith.mulf %convert_element_type3A_1200, %mul3A_1228 : vector<16xf32>
        %add3A_1230 = arith.addf %mul3A_1229, %mul3A_1226 : vector<16xf32>
        %div3A_1231 = arith.constant 2.000000e-01 : f32
        %div3A_1232 = vector.broadcast %div3A_1231 : f32 to vector<16xf32>
        %div3A_1233 = arith.divf %add3A_1230, %div3A_1232 : vector<16xf32>
        %get3A_1234 = arith.constant 0 : i32
        %get3A_1235 = arith.index_cast %get3A_1234 : i32 to index
        %get3A_1236 = arith.index_cast %mul3A_701 : i32 to index
        %get3A_1237 = tpu.vector_load %arg8[%get3A_1235, %get3A_1236] {strides = array<i32>} : memref<4x6384xf32, #tpu.memory_space<vmem>>, vector<16xf32>,
        %sub3A_1238 = arith.subf %get3A_1237, %div3A_1098 : vector<16xf32>
        %abs3A_1239 = math.absf %sub3A_1238 : vector<16xf32>
        %lt3A_1240 = arith.constant 1.000000e+00 : f32
        %lt3A_1241 = vector.broadcast %lt3A_1240 : f32 to vector<16xf32>
        %lt3A_1242 = arith.cmpf olt, %abs3A_1239, %lt3A_1241 : vector<16xf32>
        %mul3A_1243 = arith.constant 5.000000e-01 : f32
        %mul3A_1244 = vector.broadcast %mul3A_1243 : f32 to vector<16xf32>
        %mul3A_1245 = arith.mulf %mul3A_1244, %sub3A_1238 : vector<16xf32>
        %mul3A_1246 = arith.mulf %mul3A_1245, %sub3A_1238 : vector<16xf32>
        %sub3A_1247 = arith.constant 5.000000e-01 : f32
        %sub3A_1248 = vector.broadcast %sub3A_1247 : f32 to vector<16xf32>
        %sub3A_1249 = arith.subf %abs3A_1239, %sub3A_1248 : vector<16xf32>
        %select_n3A_1250 = arith.select %lt3A_1242, %mul3A_1246, %sub3A_1249 : vector<16xi1>, vector<16xf32>
        %jit3A_1251 = arith.constant 0.000000e+00 : f32
        %broadcast_in_dim3A_1252 = vector.broadcast %jit3A_1251 : f32 to vector<16xf32>
        %select_n3A_1253 = arith.select %and3A, %select_n3A_1250, %broadcast_in_dim3A_1252 : vector<16xi1>, vector<16xf32>
        %add3A_1254 = arith.addf %scan3A_697, %select_n3A_1253 : vector<16xf32>
        %get3A_1255 = arith.constant 1 : i32
        %get3A_1256 = arith.index_cast %get3A_1255 : i32 to index
        %get3A_1257 = arith.index_cast %mul3A_701 : i32 to index
        %get3A_1258 = tpu.vector_load %arg8[%get3A_1256, %get3A_1257] {strides = array<i32>} : memref<4x6384xf32, #tpu.memory_space<vmem>>, vector<16xf32>,
        %sub3A_1259 = arith.subf %get3A_1258, %div3A_1107 : vector<16xf32>
        %abs3A_1260 = math.absf %sub3A_1259 : vector<16xf32>
        %lt3A_1261 = arith.constant 1.000000e+00 : f32
        %lt3A_1262 = vector.broadcast %lt3A_1261 : f32 to vector<16xf32>
        %lt3A_1263 = arith.cmpf olt, %abs3A_1260, %lt3A_1262 : vector<16xf32>
        %mul3A_1264 = arith.constant 5.000000e-01 : f32
        %mul3A_1265 = vector.broadcast %mul3A_1264 : f32 to vector<16xf32>
        %mul3A_1266 = arith.mulf %mul3A_1265, %sub3A_1259 : vector<16xf32>
        %mul3A_1267 = arith.mulf %mul3A_1266, %sub3A_1259 : vector<16xf32>
        %sub3A_1268 = arith.constant 5.000000e-01 : f32
        %sub3A_1269 = vector.broadcast %sub3A_1268 : f32 to vector<16xf32>
        %sub3A_1270 = arith.subf %abs3A_1260, %sub3A_1269 : vector<16xf32>
        %select_n3A_1271 = arith.select %lt3A_1263, %mul3A_1267, %sub3A_1270 : vector<16xi1>, vector<16xf32>
        %jit3A_1272 = arith.constant 0.000000e+00 : f32
        %broadcast_in_dim3A_1273 = vector.broadcast %jit3A_1272 : f32 to vector<16xf32>
        %select_n3A_1274 = arith.select %and3A, %select_n3A_1271, %broadcast_in_dim3A_1273 : vector<16xi1>, vector<16xf32>
        %add3A_1275 = arith.addf %add3A_1254, %select_n3A_1274 : vector<16xf32>
        %get3A_1276 = arith.constant 2 : i32
        %get3A_1277 = arith.index_cast %get3A_1276 : i32 to index
        %get3A_1278 = arith.index_cast %mul3A_701 : i32 to index
        %get3A_1279 = tpu.vector_load %arg8[%get3A_1277, %get3A_1278] {strides = array<i32>} : memref<4x6384xf32, #tpu.memory_space<vmem>>, vector<16xf32>,
        %sub3A_1280 = arith.subf %get3A_1279, %div3A_1170 : vector<16xf32>
        %abs3A_1281 = math.absf %sub3A_1280 : vector<16xf32>
        %lt3A_1282 = arith.constant 1.000000e+00 : f32
        %lt3A_1283 = vector.broadcast %lt3A_1282 : f32 to vector<16xf32>
        %lt3A_1284 = arith.cmpf olt, %abs3A_1281, %lt3A_1283 : vector<16xf32>
        %mul3A_1285 = arith.constant 5.000000e-01 : f32
        %mul3A_1286 = vector.broadcast %mul3A_1285 : f32 to vector<16xf32>
        %mul3A_1287 = arith.mulf %mul3A_1286, %sub3A_1280 : vector<16xf32>
        %mul3A_1288 = arith.mulf %mul3A_1287, %sub3A_1280 : vector<16xf32>
        %sub3A_1289 = arith.constant 5.000000e-01 : f32
        %sub3A_1290 = vector.broadcast %sub3A_1289 : f32 to vector<16xf32>
        %sub3A_1291 = arith.subf %abs3A_1281, %sub3A_1290 : vector<16xf32>
        %select_n3A_1292 = arith.select %lt3A_1284, %mul3A_1288, %sub3A_1291 : vector<16xi1>, vector<16xf32>
        %jit3A_1293 = arith.constant 0.000000e+00 : f32
        %broadcast_in_dim3A_1294 = vector.broadcast %jit3A_1293 : f32 to vector<16xf32>
        %select_n3A_1295 = arith.select %and3A, %select_n3A_1292, %broadcast_in_dim3A_1294 : vector<16xi1>, vector<16xf32>
        %add3A_1296 = arith.addf %add3A_1275, %select_n3A_1295 : vector<16xf32>
        %get3A_1297 = arith.constant 3 : i32
        %get3A_1298 = arith.index_cast %get3A_1297 : i32 to index
        %get3A_1299 = arith.index_cast %mul3A_701 : i32 to index
        %get3A_1300 = tpu.vector_load %arg8[%get3A_1298, %get3A_1299] {strides = array<i32>} : memref<4x6384xf32, #tpu.memory_space<vmem>>, vector<16xf32>,
        %sub3A_1301 = arith.subf %get3A_1300, %div3A_1233 : vector<16xf32>
        %abs3A_1302 = math.absf %sub3A_1301 : vector<16xf32>
        %lt3A_1303 = arith.constant 1.000000e+00 : f32
        %lt3A_1304 = vector.broadcast %lt3A_1303 : f32 to vector<16xf32>
        %lt3A_1305 = arith.cmpf olt, %abs3A_1302, %lt3A_1304 : vector<16xf32>
        %mul3A_1306 = arith.constant 5.000000e-01 : f32
        %mul3A_1307 = vector.broadcast %mul3A_1306 : f32 to vector<16xf32>
        %mul3A_1308 = arith.mulf %mul3A_1307, %sub3A_1301 : vector<16xf32>
        %mul3A_1309 = arith.mulf %mul3A_1308, %sub3A_1301 : vector<16xf32>
        %sub3A_1310 = arith.constant 5.000000e-01 : f32
        %sub3A_1311 = vector.broadcast %sub3A_1310 : f32 to vector<16xf32>
        %sub3A_1312 = arith.subf %abs3A_1302, %sub3A_1311 : vector<16xf32>
        %select_n3A_1313 = arith.select %lt3A_1305, %mul3A_1309, %sub3A_1312 : vector<16xi1>, vector<16xf32>
        %jit3A_1314 = arith.constant 0.000000e+00 : f32
        %broadcast_in_dim3A_1315 = vector.broadcast %jit3A_1314 : f32 to vector<16xf32>
        %select_n3A_1316 = arith.select %and3A, %select_n3A_1313, %broadcast_in_dim3A_1315 : vector<16xi1>, vector<16xf32>
        %add3A_1317 = arith.addf %add3A_1296, %select_n3A_1316 : vector<16xf32>
        %neg3A_1318 = arith.constant 0.000000e+00 : f32
        %neg3A_1319 = vector.broadcast %neg3A_1318 : f32 to vector<16xf32>
        %neg3A_1320 = arith.subf %neg3A_1319, %sub3A_719 : vector<16xf32>
        %max3A_1321 = arith.constant 0.000000e+00 : f32
        %max3A_1322 = vector.broadcast %max3A_1321 : f32 to vector<16xf32>
        %max3A_1323 = arith.maximumf %neg3A_1320, %max3A_1322 : vector<16xf32>
        %add3A_1324 = arith.addf %max3A_1323, %add3A_779 : vector<16xf32>
        %jit3A_1325 = arith.constant 0.000000e+00 : f32
        %broadcast_in_dim3A_1326 = vector.broadcast %jit3A_1325 : f32 to vector<16xf32>
        %select_n3A_1327 = arith.select %and3A, %add3A_1324, %broadcast_in_dim3A_1326 : vector<16xi1>, vector<16xf32>
        %add3A_1328 = arith.addf %scan3A_698, %select_n3A_1327 : vector<16xf32>
        scf.yield %add3A_1317, %add3A_1328 : vector<16xf32>, vector<16xf32>
      } else {
        scf.yield %scan3A_697, %scan3A_698 : vector<16xf32>, vector<16xf32>
      }
      %scan3A_812 = arith.constant 1 : i32
      %scan3A_813 = arith.addi %scan3A_696, %scan3A_812 : i32
      %mul3A_814 = arith.constant 16 : i32
      %mul3A_815 = arith.muli %scan3A_813, %mul3A_814 : i32
      %add3A_816 = vector.broadcast %mul3A_815 : i32 to vector<16xi32>
      %add3A_817 = arith.addi %add3A_816, %iota3A : vector<16xi32>
      %lt3A_818 = arith.constant 6375 : i32
      %lt3A_819 = vector.broadcast %lt3A_818 : i32 to vector<16xi32>
      %lt3A_820 = arith.cmpi slt, %add3A_817, %lt3A_819 : vector<16xi32>
      %get3A_821 = arith.index_cast %mul3A_815 : i32 to index
      %get3A_822 = tpu.vector_load %arg11[%get3A_821] {strides = array<i32>} : memref<6384xf32, #tpu.memory_space<vmem>>, vector<16xf32>,
      %ge3A_823 = arith.constant 5.000000e-01 : f32
      %ge3A_824 = vector.broadcast %ge3A_823 : f32 to vector<16xf32>
      %ge3A_825 = arith.cmpf oge, %get3A_822, %ge3A_824 : vector<16xf32>
      %and3A_826 = arith.andi %ge3A_825, %lt3A_820 : vector<16xi1>
      %get3A_827 = arith.constant 0 : i32
      %get3A_828 = arith.index_cast %get3A_827 : i32 to index
      %get3A_829 = arith.index_cast %mul3A_815 : i32 to index
      %get3A_830 = tpu.vector_load %arg9[%get3A_828, %get3A_829] {strides = array<i32>} : memref<2x6384xf32, #tpu.memory_space<vmem>>, vector<16xf32>,
      %get3A_831 = arith.constant 1 : i32
      %get3A_832 = arith.index_cast %get3A_831 : i32 to index
      %get3A_833 = arith.index_cast %mul3A_815 : i32 to index
      %get3A_834 = tpu.vector_load %arg9[%get3A_832, %get3A_833] {strides = array<i32>} : memref<2x6384xf32, #tpu.memory_space<vmem>>, vector<16xf32>,
      %sub3A_835 = arith.subf %get3A_834, %get3A_830 : vector<16xf32>
      %abs3A_836 = math.absf %sub3A_835 : vector<16xf32>
      %neg3A_837 = arith.constant 0.000000e+00 : f32
      %neg3A_838 = vector.broadcast %neg3A_837 : f32 to vector<16xf32>
      %neg3A_839 = arith.subf %neg3A_838, %abs3A_836 : vector<16xf32>
      %exp3A_840 = math.exp %neg3A_839 : vector<16xf32>
      %add3A_841 = arith.constant 1.000000e+00 : f32
      %add3A_842 = vector.broadcast %add3A_841 : f32 to vector<16xf32>
      %add3A_843 = arith.addf %add3A_842, %exp3A_840 : vector<16xf32>
      %bitcast_convert_type3A_844 = tpu.bitcast %add3A_843 : vector<16xf32> -> vector<16xi32>
      %shift_right_arithmetic3A_845 = arith.constant 23 : i32
      %shift_right_arithmetic3A_846 = vector.broadcast %shift_right_arithmetic3A_845 : i32 to vector<16xi32>
      %shift_right_arithmetic3A_847 = arith.shrsi %bitcast_convert_type3A_844, %shift_right_arithmetic3A_846 : vector<16xi32>
      %sub3A_848 = arith.constant 127 : i32
      %sub3A_849 = vector.broadcast %sub3A_848 : i32 to vector<16xi32>
      %sub3A_850 = arith.subi %shift_right_arithmetic3A_847, %sub3A_849 : vector<16xi32>
      %and3A_851 = arith.constant 8388607 : i32
      %and3A_852 = vector.broadcast %and3A_851 : i32 to vector<16xi32>
      %and3A_853 = arith.andi %bitcast_convert_type3A_844, %and3A_852 : vector<16xi32>
      %or3A_854 = arith.constant 1065353216 : i32
      %or3A_855 = vector.broadcast %or3A_854 : i32 to vector<16xi32>
      %or3A_856 = arith.ori %and3A_853, %or3A_855 : vector<16xi32>
      %bitcast_convert_type3A_857 = tpu.bitcast %or3A_856 : vector<16xi32> -> vector<16xf32>
      %gt3A_858 = arith.constant 1.33333337 : f32
      %gt3A_859 = vector.broadcast %gt3A_858 : f32 to vector<16xf32>
      %gt3A_860 = arith.cmpf ogt, %bitcast_convert_type3A_857, %gt3A_859 : vector<16xf32>
      %mul3A_861 = arith.constant 5.000000e-01 : f32
      %mul3A_862 = vector.broadcast %mul3A_861 : f32 to vector<16xf32>
      %mul3A_863 = arith.mulf %bitcast_convert_type3A_857, %mul3A_862 : vector<16xf32>
      %select_n3A_864 = arith.select %gt3A_860, %mul3A_863, %bitcast_convert_type3A_857 : vector<16xi1>, vector<16xf32>
      %jit3A_865 = arith.constant 1 : i32
      %jit3A_866 = arith.constant 0 : i32
      %broadcast_in_dim3A_867 = vector.broadcast %jit3A_865 : i32 to vector<16xi32>
      %broadcast_in_dim3A_868 = vector.broadcast %jit3A_866 : i32 to vector<16xi32>
      %select_n3A_869 = arith.select %gt3A_860, %broadcast_in_dim3A_867, %broadcast_in_dim3A_868 : vector<16xi1>, vector<16xi32>
      %add3A_870 = arith.addi %sub3A_850, %select_n3A_869 : vector<16xi32>
      %convert_element_type3A_871 = arith.sitofp %add3A_870 : vector<16xi32> to vector<16xf32>
      %sub3A_872 = arith.constant 1.000000e+00 : f32
      %sub3A_873 = vector.broadcast %sub3A_872 : f32 to vector<16xf32>
      %sub3A_874 = arith.subf %select_n3A_864, %sub3A_873 : vector<16xf32>
      %add3A_875 = arith.constant 1.000000e+00 : f32
      %add3A_876 = vector.broadcast %add3A_875 : f32 to vector<16xf32>
      %add3A_877 = arith.addf %select_n3A_864, %add3A_876 : vector<16xf32>
      %div3A_878 = arith.divf %sub3A_874, %add3A_877 : vector<16xf32>
      %mul3A_879 = arith.mulf %div3A_878, %div3A_878 : vector<16xf32>
      %mul3A_880 = arith.constant 2.000000e+00 : f32
      %mul3A_881 = vector.broadcast %mul3A_880 : f32 to vector<16xf32>
      %mul3A_882 = arith.mulf %mul3A_881, %div3A_878 : vector<16xf32>
      %mul3A_883 = arith.constant 0.142857134 : f32
      %mul3A_884 = vector.broadcast %mul3A_883 : f32 to vector<16xf32>
      %mul3A_885 = arith.mulf %mul3A_879, %mul3A_884 : vector<16xf32>
      %add3A_886 = arith.constant 2.000000e-01 : f32
      %add3A_887 = vector.broadcast %add3A_886 : f32 to vector<16xf32>
      %add3A_888 = arith.addf %add3A_887, %mul3A_885 : vector<16xf32>
      %mul3A_889 = arith.mulf %mul3A_879, %add3A_888 : vector<16xf32>
      %add3A_890 = arith.constant 0.333333343 : f32
      %add3A_891 = vector.broadcast %add3A_890 : f32 to vector<16xf32>
      %add3A_892 = arith.addf %add3A_891, %mul3A_889 : vector<16xf32>
      %mul3A_893 = arith.mulf %mul3A_879, %add3A_892 : vector<16xf32>
      %add3A_894 = arith.constant 1.000000e+00 : f32
      %add3A_895 = vector.broadcast %add3A_894 : f32 to vector<16xf32>
      %add3A_896 = arith.addf %add3A_895, %mul3A_893 : vector<16xf32>
      %mul3A_897 = arith.mulf %mul3A_882, %add3A_896 : vector<16xf32>
      %mul3A_898 = arith.constant 0.693147182 : f32
      %mul3A_899 = vector.broadcast %mul3A_898 : f32 to vector<16xf32>
      %mul3A_900 = arith.mulf %convert_element_type3A_871, %mul3A_899 : vector<16xf32>
      %add3A_901 = arith.addf %mul3A_900, %mul3A_897 : vector<16xf32>
      %max3A_902 = arith.constant 0.000000e+00 : f32
      %max3A_903 = vector.broadcast %max3A_902 : f32 to vector<16xf32>
      %max3A_904 = arith.maximumf %sub3A_835, %max3A_903 : vector<16xf32>
      %add3A_905 = arith.addf %max3A_904, %add3A_901 : vector<16xf32>
      %bitcast_convert_type3A_906 = tpu.bitcast %add3A_905 : vector<16xf32> -> vector<16xi32>
      %jit3A_907 = arith.constant 0 : i32
      %broadcast_in_dim3A_908 = vector.broadcast %jit3A_907 : i32 to vector<16xi32>
      %select_n3A_909 = arith.select %and3A_826, %broadcast_in_dim3A_908, %bitcast_convert_type3A_906 : vector<16xi1>, vector<16xi32>
      %jit3A_910 = arith.constant -1 : i32
      %broadcast_in_dim3A_911 = vector.broadcast %jit3A_910 : i32 to vector<16xi32>
      %select_n3A_912 = arith.select %lt3A_820, %select_n3A_909, %broadcast_in_dim3A_911 : vector<16xi1>, vector<16xi32>
      %swap3A_913 = arith.index_cast %mul3A_815 : i32 to index
      %swap3A_914 = tpu.vector_load %arg13[%swap3A_913] {strides = array<i32>} : memref<6384xi32, #tpu.memory_space<vmem>>, vector<16xi32>,
      tpu.vector_store %arg13[%swap3A_913], %select_n3A_912 {strides = array<i32>} : memref<6384xi32, #tpu.memory_space<vmem>>, vector<16xi32>,
      %jit3A_915 = arith.constant 1.000000e+00 : f32
      %jit3A_916 = arith.constant 0.000000e+00 : f32
      %broadcast_in_dim3A_917 = vector.broadcast %jit3A_915 : f32 to vector<16xf32>
      %broadcast_in_dim3A_918 = vector.broadcast %jit3A_916 : f32 to vector<16xf32>
      %select_n3A_919 = arith.select %and3A_826, %broadcast_in_dim3A_917, %broadcast_in_dim3A_918 : vector<16xi1>, vector<16xf32>
      %add3A_920 = arith.addf %add3A_798, %select_n3A_919 : vector<16xf32>
      %reduce_or3A_921 = arith.constant 1.000000e+00 : f32
      %reduce_or3A_922 = arith.constant 0.000000e+00 : f32
      %reduce_or3A_923 = vector.broadcast %reduce_or3A_921 : f32 to vector<16xf32>
      %reduce_or3A_924 = vector.broadcast %reduce_or3A_922 : f32 to vector<16xf32>
      %reduce_or3A_925 = arith.select %and3A_826, %reduce_or3A_923, %reduce_or3A_924 : vector<16xi1>, vector<16xf32>
      %reduce_or3A_926 = arith.constant true
      %reduce_or3A_927 = vector.broadcast %reduce_or3A_926 : i1 to vector<16xi1>
      %reduce_or3A_928 = tpu.scan <max>, %reduce_or3A_925 masked %reduce_or3A_927 : vector<16xf32>, vector<16xi1> -> vector<16xf32>
      %reduce_or3A_929 = vector.extract %reduce_or3A_928[15] : f32 from vector<16xf32>
      %reduce_or3A_930 = arith.constant 0.000000e+00 : f32
      %reduce_or3A_931 = arith.cmpf ogt, %reduce_or3A_929, %reduce_or3A_930 : f32
      %convert_element_type3A_932 = arith.extui %reduce_or3A_931 : i1 to i32
      %cond3A_933 = arith.constant 0 : i32
      %cond3A_934 = arith.cmpi ne, %convert_element_type3A_932, %cond3A_933 : i32
      %cond3A_935:2 = scf.if %cond3A_934 -> (vector<16xf32>, vector<16xf32>) {
        %get3A_1060 = arith.index_cast %mul3A_815 : i32 to index
        %get3A_1061 = tpu.vector_load %arg12[%get3A_1060] {strides = array<i32>} : memref<6384xi32, #tpu.memory_space<vmem>>, vector<16xi32>,
        %broadcast_in_dim3A_1062 = arith.constant 1 : i32
        %broadcast_in_dim3A_1063 = vector.broadcast %broadcast_in_dim3A_1062 : i32 to vector<16xi32>
        %gather3A_1064 = tpu.vector_load_idx %arg10[%broadcast_in_dim3A_1063, %get3A_1061] : memref<6x16xf32, #tpu.memory_space<vmem>>[vector<16xi32>, vector<16xi32>], vector<16xf32>,
        %broadcast_in_dim3A_1065 = arith.constant 2 : i32
        %broadcast_in_dim3A_1066 = vector.broadcast %broadcast_in_dim3A_1065 : i32 to vector<16xi32>
        %gather3A_1067 = tpu.vector_load_idx %arg10[%broadcast_in_dim3A_1066, %get3A_1061] : memref<6x16xf32, #tpu.memory_space<vmem>>[vector<16xi32>, vector<16xi32>], vector<16xf32>,
        %broadcast_in_dim3A_1068 = arith.constant 3 : i32
        %broadcast_in_dim3A_1069 = vector.broadcast %broadcast_in_dim3A_1068 : i32 to vector<16xi32>
        %gather3A_1070 = tpu.vector_load_idx %arg10[%broadcast_in_dim3A_1069, %get3A_1061] : memref<6x16xf32, #tpu.memory_space<vmem>>[vector<16xi32>, vector<16xi32>], vector<16xf32>,
        %broadcast_in_dim3A_1071 = arith.constant 4 : i32
        %broadcast_in_dim3A_1072 = vector.broadcast %broadcast_in_dim3A_1071 : i32 to vector<16xi32>
        %gather3A_1073 = tpu.vector_load_idx %arg10[%broadcast_in_dim3A_1072, %get3A_1061] : memref<6x16xf32, #tpu.memory_space<vmem>>[vector<16xi32>, vector<16xi32>], vector<16xf32>,
        %get3A_1074 = arith.constant 0 : i32
        %get3A_1075 = arith.index_cast %get3A_1074 : i32 to index
        %get3A_1076 = arith.index_cast %mul3A_815 : i32 to index
        %get3A_1077 = tpu.vector_load %arg7[%get3A_1075, %get3A_1076] {strides = array<i32>} : memref<4x6384xf32, #tpu.memory_space<vmem>>, vector<16xf32>,
        %get3A_1078 = arith.constant 1 : i32
        %get3A_1079 = arith.index_cast %get3A_1078 : i32 to index
        %get3A_1080 = arith.index_cast %mul3A_815 : i32 to index
        %get3A_1081 = tpu.vector_load %arg7[%get3A_1079, %get3A_1080] {strides = array<i32>} : memref<4x6384xf32, #tpu.memory_space<vmem>>, vector<16xf32>,
        %get3A_1082 = arith.constant 2 : i32
        %get3A_1083 = arith.index_cast %get3A_1082 : i32 to index
        %get3A_1084 = arith.index_cast %mul3A_815 : i32 to index
        %get3A_1085 = tpu.vector_load %arg7[%get3A_1083, %get3A_1084] {strides = array<i32>} : memref<4x6384xf32, #tpu.memory_space<vmem>>, vector<16xf32>,
        %get3A_1086 = arith.constant 3 : i32
        %get3A_1087 = arith.index_cast %get3A_1086 : i32 to index
        %get3A_1088 = arith.index_cast %mul3A_815 : i32 to index
        %get3A_1089 = tpu.vector_load %arg7[%get3A_1087, %get3A_1088] {strides = array<i32>} : memref<4x6384xf32, #tpu.memory_space<vmem>>, vector<16xf32>,
        %add3A_1090 = arith.addf %gather3A_1064, %gather3A_1070 : vector<16xf32>
        %mul3A_1091 = arith.constant 5.000000e-01 : f32
        %mul3A_1092 = vector.broadcast %mul3A_1091 : f32 to vector<16xf32>
        %mul3A_1093 = arith.mulf %add3A_1090, %mul3A_1092 : vector<16xf32>
        %sub3A_1094 = arith.subf %mul3A_1093, %get3A_1077 : vector<16xf32>
        %mul3A_1095 = arith.constant 1.000000e-01 : f32
        %mul3A_1096 = vector.broadcast %mul3A_1095 : f32 to vector<16xf32>
        %mul3A_1097 = arith.mulf %mul3A_1096, %get3A_1085 : vector<16xf32>
        %div3A_1098 = arith.divf %sub3A_1094, %mul3A_1097 : vector<16xf32>
        %add3A_1099 = arith.addf %gather3A_1067, %gather3A_1073 : vector<16xf32>
        %mul3A_1100 = arith.constant 5.000000e-01 : f32
        %mul3A_1101 = vector.broadcast %mul3A_1100 : f32 to vector<16xf32>
        %mul3A_1102 = arith.mulf %add3A_1099, %mul3A_1101 : vector<16xf32>
        %sub3A_1103 = arith.subf %mul3A_1102, %get3A_1081 : vector<16xf32>
        %mul3A_1104 = arith.constant 1.000000e-01 : f32
        %mul3A_1105 = vector.broadcast %mul3A_1104 : f32 to vector<16xf32>
        %mul3A_1106 = arith.mulf %mul3A_1105, %get3A_1089 : vector<16xf32>
        %div3A_1107 = arith.divf %sub3A_1103, %mul3A_1106 : vector<16xf32>
        %sub3A_1108 = arith.subf %gather3A_1070, %gather3A_1064 : vector<16xf32>
        %div3A_1109 = arith.divf %sub3A_1108, %get3A_1085 : vector<16xf32>
        %bitcast_convert_type3A_1110 = tpu.bitcast %div3A_1109 : vector<16xf32> -> vector<16xi32>
        %shift_right_arithmetic3A_1111 = arith.constant 23 : i32
        %shift_right_arithmetic3A_1112 = vector.broadcast %shift_right_arithmetic3A_1111 : i32 to vector<16xi32>
        %shift_right_arithmetic3A_1113 = arith.shrsi %bitcast_convert_type3A_1110, %shift_right_arithmetic3A_1112 : vector<16xi32>
        %sub3A_1114 = arith.constant 127 : i32
        %sub3A_1115 = vector.broadcast %sub3A_1114 : i32 to vector<16xi32>
        %sub3A_1116 = arith.subi %shift_right_arithmetic3A_1113, %sub3A_1115 : vector<16xi32>
        %and3A_1117 = arith.constant 8388607 : i32
        %and3A_1118 = vector.broadcast %and3A_1117 : i32 to vector<16xi32>
        %and3A_1119 = arith.andi %bitcast_convert_type3A_1110, %and3A_1118 : vector<16xi32>
        %or3A_1120 = arith.constant 1065353216 : i32
        %or3A_1121 = vector.broadcast %or3A_1120 : i32 to vector<16xi32>
        %or3A_1122 = arith.ori %and3A_1119, %or3A_1121 : vector<16xi32>
        %bitcast_convert_type3A_1123 = tpu.bitcast %or3A_1122 : vector<16xi32> -> vector<16xf32>
        %gt3A_1124 = arith.constant 1.33333337 : f32
        %gt3A_1125 = vector.broadcast %gt3A_1124 : f32 to vector<16xf32>
        %gt3A_1126 = arith.cmpf ogt, %bitcast_convert_type3A_1123, %gt3A_1125 : vector<16xf32>
        %mul3A_1127 = arith.constant 5.000000e-01 : f32
        %mul3A_1128 = vector.broadcast %mul3A_1127 : f32 to vector<16xf32>
        %mul3A_1129 = arith.mulf %bitcast_convert_type3A_1123, %mul3A_1128 : vector<16xf32>
        %select_n3A_1130 = arith.select %gt3A_1126, %mul3A_1129, %bitcast_convert_type3A_1123 : vector<16xi1>, vector<16xf32>
        %jit3A_1131 = arith.constant 1 : i32
        %jit3A_1132 = arith.constant 0 : i32
        %broadcast_in_dim3A_1133 = vector.broadcast %jit3A_1131 : i32 to vector<16xi32>
        %broadcast_in_dim3A_1134 = vector.broadcast %jit3A_1132 : i32 to vector<16xi32>
        %select_n3A_1135 = arith.select %gt3A_1126, %broadcast_in_dim3A_1133, %broadcast_in_dim3A_1134 : vector<16xi1>, vector<16xi32>
        %add3A_1136 = arith.addi %sub3A_1116, %select_n3A_1135 : vector<16xi32>
        %convert_element_type3A_1137 = arith.sitofp %add3A_1136 : vector<16xi32> to vector<16xf32>
        %sub3A_1138 = arith.constant 1.000000e+00 : f32
        %sub3A_1139 = vector.broadcast %sub3A_1138 : f32 to vector<16xf32>
        %sub3A_1140 = arith.subf %select_n3A_1130, %sub3A_1139 : vector<16xf32>
        %add3A_1141 = arith.constant 1.000000e+00 : f32
        %add3A_1142 = vector.broadcast %add3A_1141 : f32 to vector<16xf32>
        %add3A_1143 = arith.addf %select_n3A_1130, %add3A_1142 : vector<16xf32>
        %div3A_1144 = arith.divf %sub3A_1140, %add3A_1143 : vector<16xf32>
        %mul3A_1145 = arith.mulf %div3A_1144, %div3A_1144 : vector<16xf32>
        %mul3A_1146 = arith.constant 2.000000e+00 : f32
        %mul3A_1147 = vector.broadcast %mul3A_1146 : f32 to vector<16xf32>
        %mul3A_1148 = arith.mulf %mul3A_1147, %div3A_1144 : vector<16xf32>
        %mul3A_1149 = arith.constant 0.142857134 : f32
        %mul3A_1150 = vector.broadcast %mul3A_1149 : f32 to vector<16xf32>
        %mul3A_1151 = arith.mulf %mul3A_1145, %mul3A_1150 : vector<16xf32>
        %add3A_1152 = arith.constant 2.000000e-01 : f32
        %add3A_1153 = vector.broadcast %add3A_1152 : f32 to vector<16xf32>
        %add3A_1154 = arith.addf %add3A_1153, %mul3A_1151 : vector<16xf32>
        %mul3A_1155 = arith.mulf %mul3A_1145, %add3A_1154 : vector<16xf32>
        %add3A_1156 = arith.constant 0.333333343 : f32
        %add3A_1157 = vector.broadcast %add3A_1156 : f32 to vector<16xf32>
        %add3A_1158 = arith.addf %add3A_1157, %mul3A_1155 : vector<16xf32>
        %mul3A_1159 = arith.mulf %mul3A_1145, %add3A_1158 : vector<16xf32>
        %add3A_1160 = arith.constant 1.000000e+00 : f32
        %add3A_1161 = vector.broadcast %add3A_1160 : f32 to vector<16xf32>
        %add3A_1162 = arith.addf %add3A_1161, %mul3A_1159 : vector<16xf32>
        %mul3A_1163 = arith.mulf %mul3A_1148, %add3A_1162 : vector<16xf32>
        %mul3A_1164 = arith.constant 0.693147182 : f32
        %mul3A_1165 = vector.broadcast %mul3A_1164 : f32 to vector<16xf32>
        %mul3A_1166 = arith.mulf %convert_element_type3A_1137, %mul3A_1165 : vector<16xf32>
        %add3A_1167 = arith.addf %mul3A_1166, %mul3A_1163 : vector<16xf32>
        %div3A_1168 = arith.constant 2.000000e-01 : f32
        %div3A_1169 = vector.broadcast %div3A_1168 : f32 to vector<16xf32>
        %div3A_1170 = arith.divf %add3A_1167, %div3A_1169 : vector<16xf32>
        %sub3A_1171 = arith.subf %gather3A_1073, %gather3A_1067 : vector<16xf32>
        %div3A_1172 = arith.divf %sub3A_1171, %get3A_1089 : vector<16xf32>
        %bitcast_convert_type3A_1173 = tpu.bitcast %div3A_1172 : vector<16xf32> -> vector<16xi32>
        %shift_right_arithmetic3A_1174 = arith.constant 23 : i32
        %shift_right_arithmetic3A_1175 = vector.broadcast %shift_right_arithmetic3A_1174 : i32 to vector<16xi32>
        %shift_right_arithmetic3A_1176 = arith.shrsi %bitcast_convert_type3A_1173, %shift_right_arithmetic3A_1175 : vector<16xi32>
        %sub3A_1177 = arith.constant 127 : i32
        %sub3A_1178 = vector.broadcast %sub3A_1177 : i32 to vector<16xi32>
        %sub3A_1179 = arith.subi %shift_right_arithmetic3A_1176, %sub3A_1178 : vector<16xi32>
        %and3A_1180 = arith.constant 8388607 : i32
        %and3A_1181 = vector.broadcast %and3A_1180 : i32 to vector<16xi32>
        %and3A_1182 = arith.andi %bitcast_convert_type3A_1173, %and3A_1181 : vector<16xi32>
        %or3A_1183 = arith.constant 1065353216 : i32
        %or3A_1184 = vector.broadcast %or3A_1183 : i32 to vector<16xi32>
        %or3A_1185 = arith.ori %and3A_1182, %or3A_1184 : vector<16xi32>
        %bitcast_convert_type3A_1186 = tpu.bitcast %or3A_1185 : vector<16xi32> -> vector<16xf32>
        %gt3A_1187 = arith.constant 1.33333337 : f32
        %gt3A_1188 = vector.broadcast %gt3A_1187 : f32 to vector<16xf32>
        %gt3A_1189 = arith.cmpf ogt, %bitcast_convert_type3A_1186, %gt3A_1188 : vector<16xf32>
        %mul3A_1190 = arith.constant 5.000000e-01 : f32
        %mul3A_1191 = vector.broadcast %mul3A_1190 : f32 to vector<16xf32>
        %mul3A_1192 = arith.mulf %bitcast_convert_type3A_1186, %mul3A_1191 : vector<16xf32>
        %select_n3A_1193 = arith.select %gt3A_1189, %mul3A_1192, %bitcast_convert_type3A_1186 : vector<16xi1>, vector<16xf32>
        %jit3A_1194 = arith.constant 1 : i32
        %jit3A_1195 = arith.constant 0 : i32
        %broadcast_in_dim3A_1196 = vector.broadcast %jit3A_1194 : i32 to vector<16xi32>
        %broadcast_in_dim3A_1197 = vector.broadcast %jit3A_1195 : i32 to vector<16xi32>
        %select_n3A_1198 = arith.select %gt3A_1189, %broadcast_in_dim3A_1196, %broadcast_in_dim3A_1197 : vector<16xi1>, vector<16xi32>
        %add3A_1199 = arith.addi %sub3A_1179, %select_n3A_1198 : vector<16xi32>
        %convert_element_type3A_1200 = arith.sitofp %add3A_1199 : vector<16xi32> to vector<16xf32>
        %sub3A_1201 = arith.constant 1.000000e+00 : f32
        %sub3A_1202 = vector.broadcast %sub3A_1201 : f32 to vector<16xf32>
        %sub3A_1203 = arith.subf %select_n3A_1193, %sub3A_1202 : vector<16xf32>
        %add3A_1204 = arith.constant 1.000000e+00 : f32
        %add3A_1205 = vector.broadcast %add3A_1204 : f32 to vector<16xf32>
        %add3A_1206 = arith.addf %select_n3A_1193, %add3A_1205 : vector<16xf32>
        %div3A_1207 = arith.divf %sub3A_1203, %add3A_1206 : vector<16xf32>
        %mul3A_1208 = arith.mulf %div3A_1207, %div3A_1207 : vector<16xf32>
        %mul3A_1209 = arith.constant 2.000000e+00 : f32
        %mul3A_1210 = vector.broadcast %mul3A_1209 : f32 to vector<16xf32>
        %mul3A_1211 = arith.mulf %mul3A_1210, %div3A_1207 : vector<16xf32>
        %mul3A_1212 = arith.constant 0.142857134 : f32
        %mul3A_1213 = vector.broadcast %mul3A_1212 : f32 to vector<16xf32>
        %mul3A_1214 = arith.mulf %mul3A_1208, %mul3A_1213 : vector<16xf32>
        %add3A_1215 = arith.constant 2.000000e-01 : f32
        %add3A_1216 = vector.broadcast %add3A_1215 : f32 to vector<16xf32>
        %add3A_1217 = arith.addf %add3A_1216, %mul3A_1214 : vector<16xf32>
        %mul3A_1218 = arith.mulf %mul3A_1208, %add3A_1217 : vector<16xf32>
        %add3A_1219 = arith.constant 0.333333343 : f32
        %add3A_1220 = vector.broadcast %add3A_1219 : f32 to vector<16xf32>
        %add3A_1221 = arith.addf %add3A_1220, %mul3A_1218 : vector<16xf32>
        %mul3A_1222 = arith.mulf %mul3A_1208, %add3A_1221 : vector<16xf32>
        %add3A_1223 = arith.constant 1.000000e+00 : f32
        %add3A_1224 = vector.broadcast %add3A_1223 : f32 to vector<16xf32>
        %add3A_1225 = arith.addf %add3A_1224, %mul3A_1222 : vector<16xf32>
        %mul3A_1226 = arith.mulf %mul3A_1211, %add3A_1225 : vector<16xf32>
        %mul3A_1227 = arith.constant 0.693147182 : f32
        %mul3A_1228 = vector.broadcast %mul3A_1227 : f32 to vector<16xf32>
        %mul3A_1229 = arith.mulf %convert_element_type3A_1200, %mul3A_1228 : vector<16xf32>
        %add3A_1230 = arith.addf %mul3A_1229, %mul3A_1226 : vector<16xf32>
        %div3A_1231 = arith.constant 2.000000e-01 : f32
        %div3A_1232 = vector.broadcast %div3A_1231 : f32 to vector<16xf32>
        %div3A_1233 = arith.divf %add3A_1230, %div3A_1232 : vector<16xf32>
        %get3A_1234 = arith.constant 0 : i32
        %get3A_1235 = arith.index_cast %get3A_1234 : i32 to index
        %get3A_1236 = arith.index_cast %mul3A_815 : i32 to index
        %get3A_1237 = tpu.vector_load %arg8[%get3A_1235, %get3A_1236] {strides = array<i32>} : memref<4x6384xf32, #tpu.memory_space<vmem>>, vector<16xf32>,
        %sub3A_1238 = arith.subf %get3A_1237, %div3A_1098 : vector<16xf32>
        %abs3A_1239 = math.absf %sub3A_1238 : vector<16xf32>
        %lt3A_1240 = arith.constant 1.000000e+00 : f32
        %lt3A_1241 = vector.broadcast %lt3A_1240 : f32 to vector<16xf32>
        %lt3A_1242 = arith.cmpf olt, %abs3A_1239, %lt3A_1241 : vector<16xf32>
        %mul3A_1243 = arith.constant 5.000000e-01 : f32
        %mul3A_1244 = vector.broadcast %mul3A_1243 : f32 to vector<16xf32>
        %mul3A_1245 = arith.mulf %mul3A_1244, %sub3A_1238 : vector<16xf32>
        %mul3A_1246 = arith.mulf %mul3A_1245, %sub3A_1238 : vector<16xf32>
        %sub3A_1247 = arith.constant 5.000000e-01 : f32
        %sub3A_1248 = vector.broadcast %sub3A_1247 : f32 to vector<16xf32>
        %sub3A_1249 = arith.subf %abs3A_1239, %sub3A_1248 : vector<16xf32>
        %select_n3A_1250 = arith.select %lt3A_1242, %mul3A_1246, %sub3A_1249 : vector<16xi1>, vector<16xf32>
        %jit3A_1251 = arith.constant 0.000000e+00 : f32
        %broadcast_in_dim3A_1252 = vector.broadcast %jit3A_1251 : f32 to vector<16xf32>
        %select_n3A_1253 = arith.select %and3A_826, %select_n3A_1250, %broadcast_in_dim3A_1252 : vector<16xi1>, vector<16xf32>
        %add3A_1254 = arith.addf %cond3A_811#0, %select_n3A_1253 : vector<16xf32>
        %get3A_1255 = arith.constant 1 : i32
        %get3A_1256 = arith.index_cast %get3A_1255 : i32 to index
        %get3A_1257 = arith.index_cast %mul3A_815 : i32 to index
        %get3A_1258 = tpu.vector_load %arg8[%get3A_1256, %get3A_1257] {strides = array<i32>} : memref<4x6384xf32, #tpu.memory_space<vmem>>, vector<16xf32>,
        %sub3A_1259 = arith.subf %get3A_1258, %div3A_1107 : vector<16xf32>
        %abs3A_1260 = math.absf %sub3A_1259 : vector<16xf32>
        %lt3A_1261 = arith.constant 1.000000e+00 : f32
        %lt3A_1262 = vector.broadcast %lt3A_1261 : f32 to vector<16xf32>
        %lt3A_1263 = arith.cmpf olt, %abs3A_1260, %lt3A_1262 : vector<16xf32>
        %mul3A_1264 = arith.constant 5.000000e-01 : f32
        %mul3A_1265 = vector.broadcast %mul3A_1264 : f32 to vector<16xf32>
        %mul3A_1266 = arith.mulf %mul3A_1265, %sub3A_1259 : vector<16xf32>
        %mul3A_1267 = arith.mulf %mul3A_1266, %sub3A_1259 : vector<16xf32>
        %sub3A_1268 = arith.constant 5.000000e-01 : f32
        %sub3A_1269 = vector.broadcast %sub3A_1268 : f32 to vector<16xf32>
        %sub3A_1270 = arith.subf %abs3A_1260, %sub3A_1269 : vector<16xf32>
        %select_n3A_1271 = arith.select %lt3A_1263, %mul3A_1267, %sub3A_1270 : vector<16xi1>, vector<16xf32>
        %jit3A_1272 = arith.constant 0.000000e+00 : f32
        %broadcast_in_dim3A_1273 = vector.broadcast %jit3A_1272 : f32 to vector<16xf32>
        %select_n3A_1274 = arith.select %and3A_826, %select_n3A_1271, %broadcast_in_dim3A_1273 : vector<16xi1>, vector<16xf32>
        %add3A_1275 = arith.addf %add3A_1254, %select_n3A_1274 : vector<16xf32>
        %get3A_1276 = arith.constant 2 : i32
        %get3A_1277 = arith.index_cast %get3A_1276 : i32 to index
        %get3A_1278 = arith.index_cast %mul3A_815 : i32 to index
        %get3A_1279 = tpu.vector_load %arg8[%get3A_1277, %get3A_1278] {strides = array<i32>} : memref<4x6384xf32, #tpu.memory_space<vmem>>, vector<16xf32>,
        %sub3A_1280 = arith.subf %get3A_1279, %div3A_1170 : vector<16xf32>
        %abs3A_1281 = math.absf %sub3A_1280 : vector<16xf32>
        %lt3A_1282 = arith.constant 1.000000e+00 : f32
        %lt3A_1283 = vector.broadcast %lt3A_1282 : f32 to vector<16xf32>
        %lt3A_1284 = arith.cmpf olt, %abs3A_1281, %lt3A_1283 : vector<16xf32>
        %mul3A_1285 = arith.constant 5.000000e-01 : f32
        %mul3A_1286 = vector.broadcast %mul3A_1285 : f32 to vector<16xf32>
        %mul3A_1287 = arith.mulf %mul3A_1286, %sub3A_1280 : vector<16xf32>
        %mul3A_1288 = arith.mulf %mul3A_1287, %sub3A_1280 : vector<16xf32>
        %sub3A_1289 = arith.constant 5.000000e-01 : f32
        %sub3A_1290 = vector.broadcast %sub3A_1289 : f32 to vector<16xf32>
        %sub3A_1291 = arith.subf %abs3A_1281, %sub3A_1290 : vector<16xf32>
        %select_n3A_1292 = arith.select %lt3A_1284, %mul3A_1288, %sub3A_1291 : vector<16xi1>, vector<16xf32>
        %jit3A_1293 = arith.constant 0.000000e+00 : f32
        %broadcast_in_dim3A_1294 = vector.broadcast %jit3A_1293 : f32 to vector<16xf32>
        %select_n3A_1295 = arith.select %and3A_826, %select_n3A_1292, %broadcast_in_dim3A_1294 : vector<16xi1>, vector<16xf32>
        %add3A_1296 = arith.addf %add3A_1275, %select_n3A_1295 : vector<16xf32>
        %get3A_1297 = arith.constant 3 : i32
        %get3A_1298 = arith.index_cast %get3A_1297 : i32 to index
        %get3A_1299 = arith.index_cast %mul3A_815 : i32 to index
        %get3A_1300 = tpu.vector_load %arg8[%get3A_1298, %get3A_1299] {strides = array<i32>} : memref<4x6384xf32, #tpu.memory_space<vmem>>, vector<16xf32>,
        %sub3A_1301 = arith.subf %get3A_1300, %div3A_1233 : vector<16xf32>
        %abs3A_1302 = math.absf %sub3A_1301 : vector<16xf32>
        %lt3A_1303 = arith.constant 1.000000e+00 : f32
        %lt3A_1304 = vector.broadcast %lt3A_1303 : f32 to vector<16xf32>
        %lt3A_1305 = arith.cmpf olt, %abs3A_1302, %lt3A_1304 : vector<16xf32>
        %mul3A_1306 = arith.constant 5.000000e-01 : f32
        %mul3A_1307 = vector.broadcast %mul3A_1306 : f32 to vector<16xf32>
        %mul3A_1308 = arith.mulf %mul3A_1307, %sub3A_1301 : vector<16xf32>
        %mul3A_1309 = arith.mulf %mul3A_1308, %sub3A_1301 : vector<16xf32>
        %sub3A_1310 = arith.constant 5.000000e-01 : f32
        %sub3A_1311 = vector.broadcast %sub3A_1310 : f32 to vector<16xf32>
        %sub3A_1312 = arith.subf %abs3A_1302, %sub3A_1311 : vector<16xf32>
        %select_n3A_1313 = arith.select %lt3A_1305, %mul3A_1309, %sub3A_1312 : vector<16xi1>, vector<16xf32>
        %jit3A_1314 = arith.constant 0.000000e+00 : f32
        %broadcast_in_dim3A_1315 = vector.broadcast %jit3A_1314 : f32 to vector<16xf32>
        %select_n3A_1316 = arith.select %and3A_826, %select_n3A_1313, %broadcast_in_dim3A_1315 : vector<16xi1>, vector<16xf32>
        %add3A_1317 = arith.addf %add3A_1296, %select_n3A_1316 : vector<16xf32>
        %neg3A_1318 = arith.constant 0.000000e+00 : f32
        %neg3A_1319 = vector.broadcast %neg3A_1318 : f32 to vector<16xf32>
        %neg3A_1320 = arith.subf %neg3A_1319, %sub3A_835 : vector<16xf32>
        %max3A_1321 = arith.constant 0.000000e+00 : f32
        %max3A_1322 = vector.broadcast %max3A_1321 : f32 to vector<16xf32>
        %max3A_1323 = arith.maximumf %neg3A_1320, %max3A_1322 : vector<16xf32>
        %add3A_1324 = arith.addf %max3A_1323, %add3A_901 : vector<16xf32>
        %jit3A_1325 = arith.constant 0.000000e+00 : f32
        %broadcast_in_dim3A_1326 = vector.broadcast %jit3A_1325 : f32 to vector<16xf32>
        %select_n3A_1327 = arith.select %and3A_826, %add3A_1324, %broadcast_in_dim3A_1326 : vector<16xi1>, vector<16xf32>
        %add3A_1328 = arith.addf %cond3A_811#1, %select_n3A_1327 : vector<16xf32>
        scf.yield %add3A_1317, %add3A_1328 : vector<16xf32>, vector<16xf32>
      } else {
        scf.yield %cond3A_811#0, %cond3A_811#1 : vector<16xf32>, vector<16xf32>
      }
      %scan3A_936 = arith.constant 2 : i32
      %scan3A_937 = arith.addi %scan3A_696, %scan3A_936 : i32
      %mul3A_938 = arith.constant 16 : i32
      %mul3A_939 = arith.muli %scan3A_937, %mul3A_938 : i32
      %add3A_940 = vector.broadcast %mul3A_939 : i32 to vector<16xi32>
      %add3A_941 = arith.addi %add3A_940, %iota3A : vector<16xi32>
      %lt3A_942 = arith.constant 6375 : i32
      %lt3A_943 = vector.broadcast %lt3A_942 : i32 to vector<16xi32>
      %lt3A_944 = arith.cmpi slt, %add3A_941, %lt3A_943 : vector<16xi32>
      %get3A_945 = arith.index_cast %mul3A_939 : i32 to index
      %get3A_946 = tpu.vector_load %arg11[%get3A_945] {strides = array<i32>} : memref<6384xf32, #tpu.memory_space<vmem>>, vector<16xf32>,
      %ge3A_947 = arith.constant 5.000000e-01 : f32
      %ge3A_948 = vector.broadcast %ge3A_947 : f32 to vector<16xf32>
      %ge3A_949 = arith.cmpf oge, %get3A_946, %ge3A_948 : vector<16xf32>
      %and3A_950 = arith.andi %ge3A_949, %lt3A_944 : vector<16xi1>
      %get3A_951 = arith.constant 0 : i32
      %get3A_952 = arith.index_cast %get3A_951 : i32 to index
      %get3A_953 = arith.index_cast %mul3A_939 : i32 to index
      %get3A_954 = tpu.vector_load %arg9[%get3A_952, %get3A_953] {strides = array<i32>} : memref<2x6384xf32, #tpu.memory_space<vmem>>, vector<16xf32>,
      %get3A_955 = arith.constant 1 : i32
      %get3A_956 = arith.index_cast %get3A_955 : i32 to index
      %get3A_957 = arith.index_cast %mul3A_939 : i32 to index
      %get3A_958 = tpu.vector_load %arg9[%get3A_956, %get3A_957] {strides = array<i32>} : memref<2x6384xf32, #tpu.memory_space<vmem>>, vector<16xf32>,
      %sub3A_959 = arith.subf %get3A_958, %get3A_954 : vector<16xf32>
      %abs3A_960 = math.absf %sub3A_959 : vector<16xf32>
      %neg3A_961 = arith.constant 0.000000e+00 : f32
      %neg3A_962 = vector.broadcast %neg3A_961 : f32 to vector<16xf32>
      %neg3A_963 = arith.subf %neg3A_962, %abs3A_960 : vector<16xf32>
      %exp3A_964 = math.exp %neg3A_963 : vector<16xf32>
      %add3A_965 = arith.constant 1.000000e+00 : f32
      %add3A_966 = vector.broadcast %add3A_965 : f32 to vector<16xf32>
      %add3A_967 = arith.addf %add3A_966, %exp3A_964 : vector<16xf32>
      %bitcast_convert_type3A_968 = tpu.bitcast %add3A_967 : vector<16xf32> -> vector<16xi32>
      %shift_right_arithmetic3A_969 = arith.constant 23 : i32
      %shift_right_arithmetic3A_970 = vector.broadcast %shift_right_arithmetic3A_969 : i32 to vector<16xi32>
      %shift_right_arithmetic3A_971 = arith.shrsi %bitcast_convert_type3A_968, %shift_right_arithmetic3A_970 : vector<16xi32>
      %sub3A_972 = arith.constant 127 : i32
      %sub3A_973 = vector.broadcast %sub3A_972 : i32 to vector<16xi32>
      %sub3A_974 = arith.subi %shift_right_arithmetic3A_971, %sub3A_973 : vector<16xi32>
      %and3A_975 = arith.constant 8388607 : i32
      %and3A_976 = vector.broadcast %and3A_975 : i32 to vector<16xi32>
      %and3A_977 = arith.andi %bitcast_convert_type3A_968, %and3A_976 : vector<16xi32>
      %or3A_978 = arith.constant 1065353216 : i32
      %or3A_979 = vector.broadcast %or3A_978 : i32 to vector<16xi32>
      %or3A_980 = arith.ori %and3A_977, %or3A_979 : vector<16xi32>
      %bitcast_convert_type3A_981 = tpu.bitcast %or3A_980 : vector<16xi32> -> vector<16xf32>
      %gt3A_982 = arith.constant 1.33333337 : f32
      %gt3A_983 = vector.broadcast %gt3A_982 : f32 to vector<16xf32>
      %gt3A_984 = arith.cmpf ogt, %bitcast_convert_type3A_981, %gt3A_983 : vector<16xf32>
      %mul3A_985 = arith.constant 5.000000e-01 : f32
      %mul3A_986 = vector.broadcast %mul3A_985 : f32 to vector<16xf32>
      %mul3A_987 = arith.mulf %bitcast_convert_type3A_981, %mul3A_986 : vector<16xf32>
      %select_n3A_988 = arith.select %gt3A_984, %mul3A_987, %bitcast_convert_type3A_981 : vector<16xi1>, vector<16xf32>
      %jit3A_989 = arith.constant 1 : i32
      %jit3A_990 = arith.constant 0 : i32
      %broadcast_in_dim3A_991 = vector.broadcast %jit3A_989 : i32 to vector<16xi32>
      %broadcast_in_dim3A_992 = vector.broadcast %jit3A_990 : i32 to vector<16xi32>
      %select_n3A_993 = arith.select %gt3A_984, %broadcast_in_dim3A_991, %broadcast_in_dim3A_992 : vector<16xi1>, vector<16xi32>
      %add3A_994 = arith.addi %sub3A_974, %select_n3A_993 : vector<16xi32>
      %convert_element_type3A_995 = arith.sitofp %add3A_994 : vector<16xi32> to vector<16xf32>
      %sub3A_996 = arith.constant 1.000000e+00 : f32
      %sub3A_997 = vector.broadcast %sub3A_996 : f32 to vector<16xf32>
      %sub3A_998 = arith.subf %select_n3A_988, %sub3A_997 : vector<16xf32>
      %add3A_999 = arith.constant 1.000000e+00 : f32
      %add3A_1000 = vector.broadcast %add3A_999 : f32 to vector<16xf32>
      %add3A_1001 = arith.addf %select_n3A_988, %add3A_1000 : vector<16xf32>
      %div3A_1002 = arith.divf %sub3A_998, %add3A_1001 : vector<16xf32>
      %mul3A_1003 = arith.mulf %div3A_1002, %div3A_1002 : vector<16xf32>
      %mul3A_1004 = arith.constant 2.000000e+00 : f32
      %mul3A_1005 = vector.broadcast %mul3A_1004 : f32 to vector<16xf32>
      %mul3A_1006 = arith.mulf %mul3A_1005, %div3A_1002 : vector<16xf32>
      %mul3A_1007 = arith.constant 0.142857134 : f32
      %mul3A_1008 = vector.broadcast %mul3A_1007 : f32 to vector<16xf32>
      %mul3A_1009 = arith.mulf %mul3A_1003, %mul3A_1008 : vector<16xf32>
      %add3A_1010 = arith.constant 2.000000e-01 : f32
      %add3A_1011 = vector.broadcast %add3A_1010 : f32 to vector<16xf32>
      %add3A_1012 = arith.addf %add3A_1011, %mul3A_1009 : vector<16xf32>
      %mul3A_1013 = arith.mulf %mul3A_1003, %add3A_1012 : vector<16xf32>
      %add3A_1014 = arith.constant 0.333333343 : f32
      %add3A_1015 = vector.broadcast %add3A_1014 : f32 to vector<16xf32>
      %add3A_1016 = arith.addf %add3A_1015, %mul3A_1013 : vector<16xf32>
      %mul3A_1017 = arith.mulf %mul3A_1003, %add3A_1016 : vector<16xf32>
      %add3A_1018 = arith.constant 1.000000e+00 : f32
      %add3A_1019 = vector.broadcast %add3A_1018 : f32 to vector<16xf32>
      %add3A_1020 = arith.addf %add3A_1019, %mul3A_1017 : vector<16xf32>
      %mul3A_1021 = arith.mulf %mul3A_1006, %add3A_1020 : vector<16xf32>
      %mul3A_1022 = arith.constant 0.693147182 : f32
      %mul3A_1023 = vector.broadcast %mul3A_1022 : f32 to vector<16xf32>
      %mul3A_1024 = arith.mulf %convert_element_type3A_995, %mul3A_1023 : vector<16xf32>
      %add3A_1025 = arith.addf %mul3A_1024, %mul3A_1021 : vector<16xf32>
      %max3A_1026 = arith.constant 0.000000e+00 : f32
      %max3A_1027 = vector.broadcast %max3A_1026 : f32 to vector<16xf32>
      %max3A_1028 = arith.maximumf %sub3A_959, %max3A_1027 : vector<16xf32>
      %add3A_1029 = arith.addf %max3A_1028, %add3A_1025 : vector<16xf32>
      %bitcast_convert_type3A_1030 = tpu.bitcast %add3A_1029 : vector<16xf32> -> vector<16xi32>
      %jit3A_1031 = arith.constant 0 : i32
      %broadcast_in_dim3A_1032 = vector.broadcast %jit3A_1031 : i32 to vector<16xi32>
      %select_n3A_1033 = arith.select %and3A_950, %broadcast_in_dim3A_1032, %bitcast_convert_type3A_1030 : vector<16xi1>, vector<16xi32>
      %jit3A_1034 = arith.constant -1 : i32
      %broadcast_in_dim3A_1035 = vector.broadcast %jit3A_1034 : i32 to vector<16xi32>
      %select_n3A_1036 = arith.select %lt3A_944, %select_n3A_1033, %broadcast_in_dim3A_1035 : vector<16xi1>, vector<16xi32>
      %swap3A_1037 = arith.index_cast %mul3A_939 : i32 to index
      %swap3A_1038 = tpu.vector_load %arg13[%swap3A_1037] {strides = array<i32>} : memref<6384xi32, #tpu.memory_space<vmem>>, vector<16xi32>,
      tpu.vector_store %arg13[%swap3A_1037], %select_n3A_1036 {strides = array<i32>} : memref<6384xi32, #tpu.memory_space<vmem>>, vector<16xi32>,
      %jit3A_1039 = arith.constant 1.000000e+00 : f32
      %jit3A_1040 = arith.constant 0.000000e+00 : f32
      %broadcast_in_dim3A_1041 = vector.broadcast %jit3A_1039 : f32 to vector<16xf32>
      %broadcast_in_dim3A_1042 = vector.broadcast %jit3A_1040 : f32 to vector<16xf32>
      %select_n3A_1043 = arith.select %and3A_950, %broadcast_in_dim3A_1041, %broadcast_in_dim3A_1042 : vector<16xi1>, vector<16xf32>
      %add3A_1044 = arith.addf %add3A_920, %select_n3A_1043 : vector<16xf32>
      %reduce_or3A_1045 = arith.constant 1.000000e+00 : f32
      %reduce_or3A_1046 = arith.constant 0.000000e+00 : f32
      %reduce_or3A_1047 = vector.broadcast %reduce_or3A_1045 : f32 to vector<16xf32>
      %reduce_or3A_1048 = vector.broadcast %reduce_or3A_1046 : f32 to vector<16xf32>
      %reduce_or3A_1049 = arith.select %and3A_950, %reduce_or3A_1047, %reduce_or3A_1048 : vector<16xi1>, vector<16xf32>
      %reduce_or3A_1050 = arith.constant true
      %reduce_or3A_1051 = vector.broadcast %reduce_or3A_1050 : i1 to vector<16xi1>
      %reduce_or3A_1052 = tpu.scan <max>, %reduce_or3A_1049 masked %reduce_or3A_1051 : vector<16xf32>, vector<16xi1> -> vector<16xf32>
      %reduce_or3A_1053 = vector.extract %reduce_or3A_1052[15] : f32 from vector<16xf32>
      %reduce_or3A_1054 = arith.constant 0.000000e+00 : f32
      %reduce_or3A_1055 = arith.cmpf ogt, %reduce_or3A_1053, %reduce_or3A_1054 : f32
      %convert_element_type3A_1056 = arith.extui %reduce_or3A_1055 : i1 to i32
      %cond3A_1057 = arith.constant 0 : i32
      %cond3A_1058 = arith.cmpi ne, %convert_element_type3A_1056, %cond3A_1057 : i32
      %cond3A_1059:2 = scf.if %cond3A_1058 -> (vector<16xf32>, vector<16xf32>) {
        %get3A_1060 = arith.index_cast %mul3A_939 : i32 to index
        %get3A_1061 = tpu.vector_load %arg12[%get3A_1060] {strides = array<i32>} : memref<6384xi32, #tpu.memory_space<vmem>>, vector<16xi32>,
        %broadcast_in_dim3A_1062 = arith.constant 1 : i32
        %broadcast_in_dim3A_1063 = vector.broadcast %broadcast_in_dim3A_1062 : i32 to vector<16xi32>
        %gather3A_1064 = tpu.vector_load_idx %arg10[%broadcast_in_dim3A_1063, %get3A_1061] : memref<6x16xf32, #tpu.memory_space<vmem>>[vector<16xi32>, vector<16xi32>], vector<16xf32>,
        %broadcast_in_dim3A_1065 = arith.constant 2 : i32
        %broadcast_in_dim3A_1066 = vector.broadcast %broadcast_in_dim3A_1065 : i32 to vector<16xi32>
        %gather3A_1067 = tpu.vector_load_idx %arg10[%broadcast_in_dim3A_1066, %get3A_1061] : memref<6x16xf32, #tpu.memory_space<vmem>>[vector<16xi32>, vector<16xi32>], vector<16xf32>,
        %broadcast_in_dim3A_1068 = arith.constant 3 : i32
        %broadcast_in_dim3A_1069 = vector.broadcast %broadcast_in_dim3A_1068 : i32 to vector<16xi32>
        %gather3A_1070 = tpu.vector_load_idx %arg10[%broadcast_in_dim3A_1069, %get3A_1061] : memref<6x16xf32, #tpu.memory_space<vmem>>[vector<16xi32>, vector<16xi32>], vector<16xf32>,
        %broadcast_in_dim3A_1071 = arith.constant 4 : i32
        %broadcast_in_dim3A_1072 = vector.broadcast %broadcast_in_dim3A_1071 : i32 to vector<16xi32>
        %gather3A_1073 = tpu.vector_load_idx %arg10[%broadcast_in_dim3A_1072, %get3A_1061] : memref<6x16xf32, #tpu.memory_space<vmem>>[vector<16xi32>, vector<16xi32>], vector<16xf32>,
        %get3A_1074 = arith.constant 0 : i32
        %get3A_1075 = arith.index_cast %get3A_1074 : i32 to index
        %get3A_1076 = arith.index_cast %mul3A_939 : i32 to index
        %get3A_1077 = tpu.vector_load %arg7[%get3A_1075, %get3A_1076] {strides = array<i32>} : memref<4x6384xf32, #tpu.memory_space<vmem>>, vector<16xf32>,
        %get3A_1078 = arith.constant 1 : i32
        %get3A_1079 = arith.index_cast %get3A_1078 : i32 to index
        %get3A_1080 = arith.index_cast %mul3A_939 : i32 to index
        %get3A_1081 = tpu.vector_load %arg7[%get3A_1079, %get3A_1080] {strides = array<i32>} : memref<4x6384xf32, #tpu.memory_space<vmem>>, vector<16xf32>,
        %get3A_1082 = arith.constant 2 : i32
        %get3A_1083 = arith.index_cast %get3A_1082 : i32 to index
        %get3A_1084 = arith.index_cast %mul3A_939 : i32 to index
        %get3A_1085 = tpu.vector_load %arg7[%get3A_1083, %get3A_1084] {strides = array<i32>} : memref<4x6384xf32, #tpu.memory_space<vmem>>, vector<16xf32>,
        %get3A_1086 = arith.constant 3 : i32
        %get3A_1087 = arith.index_cast %get3A_1086 : i32 to index
        %get3A_1088 = arith.index_cast %mul3A_939 : i32 to index
        %get3A_1089 = tpu.vector_load %arg7[%get3A_1087, %get3A_1088] {strides = array<i32>} : memref<4x6384xf32, #tpu.memory_space<vmem>>, vector<16xf32>,
        %add3A_1090 = arith.addf %gather3A_1064, %gather3A_1070 : vector<16xf32>
        %mul3A_1091 = arith.constant 5.000000e-01 : f32
        %mul3A_1092 = vector.broadcast %mul3A_1091 : f32 to vector<16xf32>
        %mul3A_1093 = arith.mulf %add3A_1090, %mul3A_1092 : vector<16xf32>
        %sub3A_1094 = arith.subf %mul3A_1093, %get3A_1077 : vector<16xf32>
        %mul3A_1095 = arith.constant 1.000000e-01 : f32
        %mul3A_1096 = vector.broadcast %mul3A_1095 : f32 to vector<16xf32>
        %mul3A_1097 = arith.mulf %mul3A_1096, %get3A_1085 : vector<16xf32>
        %div3A_1098 = arith.divf %sub3A_1094, %mul3A_1097 : vector<16xf32>
        %add3A_1099 = arith.addf %gather3A_1067, %gather3A_1073 : vector<16xf32>
        %mul3A_1100 = arith.constant 5.000000e-01 : f32
        %mul3A_1101 = vector.broadcast %mul3A_1100 : f32 to vector<16xf32>
        %mul3A_1102 = arith.mulf %add3A_1099, %mul3A_1101 : vector<16xf32>
        %sub3A_1103 = arith.subf %mul3A_1102, %get3A_1081 : vector<16xf32>
        %mul3A_1104 = arith.constant 1.000000e-01 : f32
        %mul3A_1105 = vector.broadcast %mul3A_1104 : f32 to vector<16xf32>
        %mul3A_1106 = arith.mulf %mul3A_1105, %get3A_1089 : vector<16xf32>
        %div3A_1107 = arith.divf %sub3A_1103, %mul3A_1106 : vector<16xf32>
        %sub3A_1108 = arith.subf %gather3A_1070, %gather3A_1064 : vector<16xf32>
        %div3A_1109 = arith.divf %sub3A_1108, %get3A_1085 : vector<16xf32>
        %bitcast_convert_type3A_1110 = tpu.bitcast %div3A_1109 : vector<16xf32> -> vector<16xi32>
        %shift_right_arithmetic3A_1111 = arith.constant 23 : i32
        %shift_right_arithmetic3A_1112 = vector.broadcast %shift_right_arithmetic3A_1111 : i32 to vector<16xi32>
        %shift_right_arithmetic3A_1113 = arith.shrsi %bitcast_convert_type3A_1110, %shift_right_arithmetic3A_1112 : vector<16xi32>
        %sub3A_1114 = arith.constant 127 : i32
        %sub3A_1115 = vector.broadcast %sub3A_1114 : i32 to vector<16xi32>
        %sub3A_1116 = arith.subi %shift_right_arithmetic3A_1113, %sub3A_1115 : vector<16xi32>
        %and3A_1117 = arith.constant 8388607 : i32
        %and3A_1118 = vector.broadcast %and3A_1117 : i32 to vector<16xi32>
        %and3A_1119 = arith.andi %bitcast_convert_type3A_1110, %and3A_1118 : vector<16xi32>
        %or3A_1120 = arith.constant 1065353216 : i32
        %or3A_1121 = vector.broadcast %or3A_1120 : i32 to vector<16xi32>
        %or3A_1122 = arith.ori %and3A_1119, %or3A_1121 : vector<16xi32>
        %bitcast_convert_type3A_1123 = tpu.bitcast %or3A_1122 : vector<16xi32> -> vector<16xf32>
        %gt3A_1124 = arith.constant 1.33333337 : f32
        %gt3A_1125 = vector.broadcast %gt3A_1124 : f32 to vector<16xf32>
        %gt3A_1126 = arith.cmpf ogt, %bitcast_convert_type3A_1123, %gt3A_1125 : vector<16xf32>
        %mul3A_1127 = arith.constant 5.000000e-01 : f32
        %mul3A_1128 = vector.broadcast %mul3A_1127 : f32 to vector<16xf32>
        %mul3A_1129 = arith.mulf %bitcast_convert_type3A_1123, %mul3A_1128 : vector<16xf32>
        %select_n3A_1130 = arith.select %gt3A_1126, %mul3A_1129, %bitcast_convert_type3A_1123 : vector<16xi1>, vector<16xf32>
        %jit3A_1131 = arith.constant 1 : i32
        %jit3A_1132 = arith.constant 0 : i32
        %broadcast_in_dim3A_1133 = vector.broadcast %jit3A_1131 : i32 to vector<16xi32>
        %broadcast_in_dim3A_1134 = vector.broadcast %jit3A_1132 : i32 to vector<16xi32>
        %select_n3A_1135 = arith.select %gt3A_1126, %broadcast_in_dim3A_1133, %broadcast_in_dim3A_1134 : vector<16xi1>, vector<16xi32>
        %add3A_1136 = arith.addi %sub3A_1116, %select_n3A_1135 : vector<16xi32>
        %convert_element_type3A_1137 = arith.sitofp %add3A_1136 : vector<16xi32> to vector<16xf32>
        %sub3A_1138 = arith.constant 1.000000e+00 : f32
        %sub3A_1139 = vector.broadcast %sub3A_1138 : f32 to vector<16xf32>
        %sub3A_1140 = arith.subf %select_n3A_1130, %sub3A_1139 : vector<16xf32>
        %add3A_1141 = arith.constant 1.000000e+00 : f32
        %add3A_1142 = vector.broadcast %add3A_1141 : f32 to vector<16xf32>
        %add3A_1143 = arith.addf %select_n3A_1130, %add3A_1142 : vector<16xf32>
        %div3A_1144 = arith.divf %sub3A_1140, %add3A_1143 : vector<16xf32>
        %mul3A_1145 = arith.mulf %div3A_1144, %div3A_1144 : vector<16xf32>
        %mul3A_1146 = arith.constant 2.000000e+00 : f32
        %mul3A_1147 = vector.broadcast %mul3A_1146 : f32 to vector<16xf32>
        %mul3A_1148 = arith.mulf %mul3A_1147, %div3A_1144 : vector<16xf32>
        %mul3A_1149 = arith.constant 0.142857134 : f32
        %mul3A_1150 = vector.broadcast %mul3A_1149 : f32 to vector<16xf32>
        %mul3A_1151 = arith.mulf %mul3A_1145, %mul3A_1150 : vector<16xf32>
        %add3A_1152 = arith.constant 2.000000e-01 : f32
        %add3A_1153 = vector.broadcast %add3A_1152 : f32 to vector<16xf32>
        %add3A_1154 = arith.addf %add3A_1153, %mul3A_1151 : vector<16xf32>
        %mul3A_1155 = arith.mulf %mul3A_1145, %add3A_1154 : vector<16xf32>
        %add3A_1156 = arith.constant 0.333333343 : f32
        %add3A_1157 = vector.broadcast %add3A_1156 : f32 to vector<16xf32>
        %add3A_1158 = arith.addf %add3A_1157, %mul3A_1155 : vector<16xf32>
        %mul3A_1159 = arith.mulf %mul3A_1145, %add3A_1158 : vector<16xf32>
        %add3A_1160 = arith.constant 1.000000e+00 : f32
        %add3A_1161 = vector.broadcast %add3A_1160 : f32 to vector<16xf32>
        %add3A_1162 = arith.addf %add3A_1161, %mul3A_1159 : vector<16xf32>
        %mul3A_1163 = arith.mulf %mul3A_1148, %add3A_1162 : vector<16xf32>
        %mul3A_1164 = arith.constant 0.693147182 : f32
        %mul3A_1165 = vector.broadcast %mul3A_1164 : f32 to vector<16xf32>
        %mul3A_1166 = arith.mulf %convert_element_type3A_1137, %mul3A_1165 : vector<16xf32>
        %add3A_1167 = arith.addf %mul3A_1166, %mul3A_1163 : vector<16xf32>
        %div3A_1168 = arith.constant 2.000000e-01 : f32
        %div3A_1169 = vector.broadcast %div3A_1168 : f32 to vector<16xf32>
        %div3A_1170 = arith.divf %add3A_1167, %div3A_1169 : vector<16xf32>
        %sub3A_1171 = arith.subf %gather3A_1073, %gather3A_1067 : vector<16xf32>
        %div3A_1172 = arith.divf %sub3A_1171, %get3A_1089 : vector<16xf32>
        %bitcast_convert_type3A_1173 = tpu.bitcast %div3A_1172 : vector<16xf32> -> vector<16xi32>
        %shift_right_arithmetic3A_1174 = arith.constant 23 : i32
        %shift_right_arithmetic3A_1175 = vector.broadcast %shift_right_arithmetic3A_1174 : i32 to vector<16xi32>
        %shift_right_arithmetic3A_1176 = arith.shrsi %bitcast_convert_type3A_1173, %shift_right_arithmetic3A_1175 : vector<16xi32>
        %sub3A_1177 = arith.constant 127 : i32
        %sub3A_1178 = vector.broadcast %sub3A_1177 : i32 to vector<16xi32>
        %sub3A_1179 = arith.subi %shift_right_arithmetic3A_1176, %sub3A_1178 : vector<16xi32>
        %and3A_1180 = arith.constant 8388607 : i32
        %and3A_1181 = vector.broadcast %and3A_1180 : i32 to vector<16xi32>
        %and3A_1182 = arith.andi %bitcast_convert_type3A_1173, %and3A_1181 : vector<16xi32>
        %or3A_1183 = arith.constant 1065353216 : i32
        %or3A_1184 = vector.broadcast %or3A_1183 : i32 to vector<16xi32>
        %or3A_1185 = arith.ori %and3A_1182, %or3A_1184 : vector<16xi32>
        %bitcast_convert_type3A_1186 = tpu.bitcast %or3A_1185 : vector<16xi32> -> vector<16xf32>
        %gt3A_1187 = arith.constant 1.33333337 : f32
        %gt3A_1188 = vector.broadcast %gt3A_1187 : f32 to vector<16xf32>
        %gt3A_1189 = arith.cmpf ogt, %bitcast_convert_type3A_1186, %gt3A_1188 : vector<16xf32>
        %mul3A_1190 = arith.constant 5.000000e-01 : f32
        %mul3A_1191 = vector.broadcast %mul3A_1190 : f32 to vector<16xf32>
        %mul3A_1192 = arith.mulf %bitcast_convert_type3A_1186, %mul3A_1191 : vector<16xf32>
        %select_n3A_1193 = arith.select %gt3A_1189, %mul3A_1192, %bitcast_convert_type3A_1186 : vector<16xi1>, vector<16xf32>
        %jit3A_1194 = arith.constant 1 : i32
        %jit3A_1195 = arith.constant 0 : i32
        %broadcast_in_dim3A_1196 = vector.broadcast %jit3A_1194 : i32 to vector<16xi32>
        %broadcast_in_dim3A_1197 = vector.broadcast %jit3A_1195 : i32 to vector<16xi32>
        %select_n3A_1198 = arith.select %gt3A_1189, %broadcast_in_dim3A_1196, %broadcast_in_dim3A_1197 : vector<16xi1>, vector<16xi32>
        %add3A_1199 = arith.addi %sub3A_1179, %select_n3A_1198 : vector<16xi32>
        %convert_element_type3A_1200 = arith.sitofp %add3A_1199 : vector<16xi32> to vector<16xf32>
        %sub3A_1201 = arith.constant 1.000000e+00 : f32
        %sub3A_1202 = vector.broadcast %sub3A_1201 : f32 to vector<16xf32>
        %sub3A_1203 = arith.subf %select_n3A_1193, %sub3A_1202 : vector<16xf32>
        %add3A_1204 = arith.constant 1.000000e+00 : f32
        %add3A_1205 = vector.broadcast %add3A_1204 : f32 to vector<16xf32>
        %add3A_1206 = arith.addf %select_n3A_1193, %add3A_1205 : vector<16xf32>
        %div3A_1207 = arith.divf %sub3A_1203, %add3A_1206 : vector<16xf32>
        %mul3A_1208 = arith.mulf %div3A_1207, %div3A_1207 : vector<16xf32>
        %mul3A_1209 = arith.constant 2.000000e+00 : f32
        %mul3A_1210 = vector.broadcast %mul3A_1209 : f32 to vector<16xf32>
        %mul3A_1211 = arith.mulf %mul3A_1210, %div3A_1207 : vector<16xf32>
        %mul3A_1212 = arith.constant 0.142857134 : f32
        %mul3A_1213 = vector.broadcast %mul3A_1212 : f32 to vector<16xf32>
        %mul3A_1214 = arith.mulf %mul3A_1208, %mul3A_1213 : vector<16xf32>
        %add3A_1215 = arith.constant 2.000000e-01 : f32
        %add3A_1216 = vector.broadcast %add3A_1215 : f32 to vector<16xf32>
        %add3A_1217 = arith.addf %add3A_1216, %mul3A_1214 : vector<16xf32>
        %mul3A_1218 = arith.mulf %mul3A_1208, %add3A_1217 : vector<16xf32>
        %add3A_1219 = arith.constant 0.333333343 : f32
        %add3A_1220 = vector.broadcast %add3A_1219 : f32 to vector<16xf32>
        %add3A_1221 = arith.addf %add3A_1220, %mul3A_1218 : vector<16xf32>
        %mul3A_1222 = arith.mulf %mul3A_1208, %add3A_1221 : vector<16xf32>
        %add3A_1223 = arith.constant 1.000000e+00 : f32
        %add3A_1224 = vector.broadcast %add3A_1223 : f32 to vector<16xf32>
        %add3A_1225 = arith.addf %add3A_1224, %mul3A_1222 : vector<16xf32>
        %mul3A_1226 = arith.mulf %mul3A_1211, %add3A_1225 : vector<16xf32>
        %mul3A_1227 = arith.constant 0.693147182 : f32
        %mul3A_1228 = vector.broadcast %mul3A_1227 : f32 to vector<16xf32>
        %mul3A_1229 = arith.mulf %convert_element_type3A_1200, %mul3A_1228 : vector<16xf32>
        %add3A_1230 = arith.addf %mul3A_1229, %mul3A_1226 : vector<16xf32>
        %div3A_1231 = arith.constant 2.000000e-01 : f32
        %div3A_1232 = vector.broadcast %div3A_1231 : f32 to vector<16xf32>
        %div3A_1233 = arith.divf %add3A_1230, %div3A_1232 : vector<16xf32>
        %get3A_1234 = arith.constant 0 : i32
        %get3A_1235 = arith.index_cast %get3A_1234 : i32 to index
        %get3A_1236 = arith.index_cast %mul3A_939 : i32 to index
        %get3A_1237 = tpu.vector_load %arg8[%get3A_1235, %get3A_1236] {strides = array<i32>} : memref<4x6384xf32, #tpu.memory_space<vmem>>, vector<16xf32>,
        %sub3A_1238 = arith.subf %get3A_1237, %div3A_1098 : vector<16xf32>
        %abs3A_1239 = math.absf %sub3A_1238 : vector<16xf32>
        %lt3A_1240 = arith.constant 1.000000e+00 : f32
        %lt3A_1241 = vector.broadcast %lt3A_1240 : f32 to vector<16xf32>
        %lt3A_1242 = arith.cmpf olt, %abs3A_1239, %lt3A_1241 : vector<16xf32>
        %mul3A_1243 = arith.constant 5.000000e-01 : f32
        %mul3A_1244 = vector.broadcast %mul3A_1243 : f32 to vector<16xf32>
        %mul3A_1245 = arith.mulf %mul3A_1244, %sub3A_1238 : vector<16xf32>
        %mul3A_1246 = arith.mulf %mul3A_1245, %sub3A_1238 : vector<16xf32>
        %sub3A_1247 = arith.constant 5.000000e-01 : f32
        %sub3A_1248 = vector.broadcast %sub3A_1247 : f32 to vector<16xf32>
        %sub3A_1249 = arith.subf %abs3A_1239, %sub3A_1248 : vector<16xf32>
        %select_n3A_1250 = arith.select %lt3A_1242, %mul3A_1246, %sub3A_1249 : vector<16xi1>, vector<16xf32>
        %jit3A_1251 = arith.constant 0.000000e+00 : f32
        %broadcast_in_dim3A_1252 = vector.broadcast %jit3A_1251 : f32 to vector<16xf32>
        %select_n3A_1253 = arith.select %and3A_950, %select_n3A_1250, %broadcast_in_dim3A_1252 : vector<16xi1>, vector<16xf32>
        %add3A_1254 = arith.addf %cond3A_935#0, %select_n3A_1253 : vector<16xf32>
        %get3A_1255 = arith.constant 1 : i32
        %get3A_1256 = arith.index_cast %get3A_1255 : i32 to index
        %get3A_1257 = arith.index_cast %mul3A_939 : i32 to index
        %get3A_1258 = tpu.vector_load %arg8[%get3A_1256, %get3A_1257] {strides = array<i32>} : memref<4x6384xf32, #tpu.memory_space<vmem>>, vector<16xf32>,
        %sub3A_1259 = arith.subf %get3A_1258, %div3A_1107 : vector<16xf32>
        %abs3A_1260 = math.absf %sub3A_1259 : vector<16xf32>
        %lt3A_1261 = arith.constant 1.000000e+00 : f32
        %lt3A_1262 = vector.broadcast %lt3A_1261 : f32 to vector<16xf32>
        %lt3A_1263 = arith.cmpf olt, %abs3A_1260, %lt3A_1262 : vector<16xf32>
        %mul3A_1264 = arith.constant 5.000000e-01 : f32
        %mul3A_1265 = vector.broadcast %mul3A_1264 : f32 to vector<16xf32>
        %mul3A_1266 = arith.mulf %mul3A_1265, %sub3A_1259 : vector<16xf32>
        %mul3A_1267 = arith.mulf %mul3A_1266, %sub3A_1259 : vector<16xf32>
        %sub3A_1268 = arith.constant 5.000000e-01 : f32
        %sub3A_1269 = vector.broadcast %sub3A_1268 : f32 to vector<16xf32>
        %sub3A_1270 = arith.subf %abs3A_1260, %sub3A_1269 : vector<16xf32>
        %select_n3A_1271 = arith.select %lt3A_1263, %mul3A_1267, %sub3A_1270 : vector<16xi1>, vector<16xf32>
        %jit3A_1272 = arith.constant 0.000000e+00 : f32
        %broadcast_in_dim3A_1273 = vector.broadcast %jit3A_1272 : f32 to vector<16xf32>
        %select_n3A_1274 = arith.select %and3A_950, %select_n3A_1271, %broadcast_in_dim3A_1273 : vector<16xi1>, vector<16xf32>
        %add3A_1275 = arith.addf %add3A_1254, %select_n3A_1274 : vector<16xf32>
        %get3A_1276 = arith.constant 2 : i32
        %get3A_1277 = arith.index_cast %get3A_1276 : i32 to index
        %get3A_1278 = arith.index_cast %mul3A_939 : i32 to index
        %get3A_1279 = tpu.vector_load %arg8[%get3A_1277, %get3A_1278] {strides = array<i32>} : memref<4x6384xf32, #tpu.memory_space<vmem>>, vector<16xf32>,
        %sub3A_1280 = arith.subf %get3A_1279, %div3A_1170 : vector<16xf32>
        %abs3A_1281 = math.absf %sub3A_1280 : vector<16xf32>
        %lt3A_1282 = arith.constant 1.000000e+00 : f32
        %lt3A_1283 = vector.broadcast %lt3A_1282 : f32 to vector<16xf32>
        %lt3A_1284 = arith.cmpf olt, %abs3A_1281, %lt3A_1283 : vector<16xf32>
        %mul3A_1285 = arith.constant 5.000000e-01 : f32
        %mul3A_1286 = vector.broadcast %mul3A_1285 : f32 to vector<16xf32>
        %mul3A_1287 = arith.mulf %mul3A_1286, %sub3A_1280 : vector<16xf32>
        %mul3A_1288 = arith.mulf %mul3A_1287, %sub3A_1280 : vector<16xf32>
        %sub3A_1289 = arith.constant 5.000000e-01 : f32
        %sub3A_1290 = vector.broadcast %sub3A_1289 : f32 to vector<16xf32>
        %sub3A_1291 = arith.subf %abs3A_1281, %sub3A_1290 : vector<16xf32>
        %select_n3A_1292 = arith.select %lt3A_1284, %mul3A_1288, %sub3A_1291 : vector<16xi1>, vector<16xf32>
        %jit3A_1293 = arith.constant 0.000000e+00 : f32
        %broadcast_in_dim3A_1294 = vector.broadcast %jit3A_1293 : f32 to vector<16xf32>
        %select_n3A_1295 = arith.select %and3A_950, %select_n3A_1292, %broadcast_in_dim3A_1294 : vector<16xi1>, vector<16xf32>
        %add3A_1296 = arith.addf %add3A_1275, %select_n3A_1295 : vector<16xf32>
        %get3A_1297 = arith.constant 3 : i32
        %get3A_1298 = arith.index_cast %get3A_1297 : i32 to index
        %get3A_1299 = arith.index_cast %mul3A_939 : i32 to index
        %get3A_1300 = tpu.vector_load %arg8[%get3A_1298, %get3A_1299] {strides = array<i32>} : memref<4x6384xf32, #tpu.memory_space<vmem>>, vector<16xf32>,
        %sub3A_1301 = arith.subf %get3A_1300, %div3A_1233 : vector<16xf32>
        %abs3A_1302 = math.absf %sub3A_1301 : vector<16xf32>
        %lt3A_1303 = arith.constant 1.000000e+00 : f32
        %lt3A_1304 = vector.broadcast %lt3A_1303 : f32 to vector<16xf32>
        %lt3A_1305 = arith.cmpf olt, %abs3A_1302, %lt3A_1304 : vector<16xf32>
        %mul3A_1306 = arith.constant 5.000000e-01 : f32
        %mul3A_1307 = vector.broadcast %mul3A_1306 : f32 to vector<16xf32>
        %mul3A_1308 = arith.mulf %mul3A_1307, %sub3A_1301 : vector<16xf32>
        %mul3A_1309 = arith.mulf %mul3A_1308, %sub3A_1301 : vector<16xf32>
        %sub3A_1310 = arith.constant 5.000000e-01 : f32
        %sub3A_1311 = vector.broadcast %sub3A_1310 : f32 to vector<16xf32>
        %sub3A_1312 = arith.subf %abs3A_1302, %sub3A_1311 : vector<16xf32>
        %select_n3A_1313 = arith.select %lt3A_1305, %mul3A_1309, %sub3A_1312 : vector<16xi1>, vector<16xf32>
        %jit3A_1314 = arith.constant 0.000000e+00 : f32
        %broadcast_in_dim3A_1315 = vector.broadcast %jit3A_1314 : f32 to vector<16xf32>
        %select_n3A_1316 = arith.select %and3A_950, %select_n3A_1313, %broadcast_in_dim3A_1315 : vector<16xi1>, vector<16xf32>
        %add3A_1317 = arith.addf %add3A_1296, %select_n3A_1316 : vector<16xf32>
        %neg3A_1318 = arith.constant 0.000000e+00 : f32
        %neg3A_1319 = vector.broadcast %neg3A_1318 : f32 to vector<16xf32>
        %neg3A_1320 = arith.subf %neg3A_1319, %sub3A_959 : vector<16xf32>
        %max3A_1321 = arith.constant 0.000000e+00 : f32
        %max3A_1322 = vector.broadcast %max3A_1321 : f32 to vector<16xf32>
        %max3A_1323 = arith.maximumf %neg3A_1320, %max3A_1322 : vector<16xf32>
        %add3A_1324 = arith.addf %max3A_1323, %add3A_1025 : vector<16xf32>
        %jit3A_1325 = arith.constant 0.000000e+00 : f32
        %broadcast_in_dim3A_1326 = vector.broadcast %jit3A_1325 : f32 to vector<16xf32>
        %select_n3A_1327 = arith.select %and3A_950, %add3A_1324, %broadcast_in_dim3A_1326 : vector<16xi1>, vector<16xf32>
        %add3A_1328 = arith.addf %cond3A_935#1, %select_n3A_1327 : vector<16xf32>
        scf.yield %add3A_1317, %add3A_1328 : vector<16xf32>, vector<16xf32>
      } else {
        scf.yield %cond3A_935#0, %cond3A_935#1 : vector<16xf32>, vector<16xf32>
      }
      scf.yield %cond3A_1059#0, %cond3A_1059#1, %add3A_1044 : vector<16xf32>, vector<16xf32>, vector<16xf32>
    }
    %scan3A_624 = arith.constant 399 : i32
    %reduce_sum3A = arith.constant true
    %reduce_sum3A_625 = vector.broadcast %reduce_sum3A : i1 to vector<16xi1>
    %reduce_sum3A_626 = tpu.scan <sum>, %scan3A_623#0 masked %reduce_sum3A_625 : vector<16xf32>, vector<16xi1> -> vector<16xf32>
    %reduce_sum3A_627 = vector.extract %reduce_sum3A_626[15] : f32 from vector<16xf32>
    %reduce_sum3A_628 = arith.constant true
    %reduce_sum3A_629 = vector.broadcast %reduce_sum3A_628 : i1 to vector<16xi1>
    %reduce_sum3A_630 = tpu.scan <sum>, %scan3A_623#1 masked %reduce_sum3A_629 : vector<16xf32>, vector<16xi1> -> vector<16xf32>
    %reduce_sum3A_631 = vector.extract %reduce_sum3A_630[15] : f32 from vector<16xf32>
    %reduce_sum3A_632 = arith.constant true
    %reduce_sum3A_633 = vector.broadcast %reduce_sum3A_632 : i1 to vector<16xi1>
    %reduce_sum3A_634 = tpu.scan <sum>, %scan3A_623#2 masked %reduce_sum3A_633 : vector<16xf32>, vector<16xi1> -> vector<16xf32>
    %reduce_sum3A_635 = vector.extract %reduce_sum3A_634[15] : f32 from vector<16xf32>
    %convert_element_type3A = arith.fptosi %reduce_sum3A_635 : f32 to i32
    %mul3A_636 = arith.constant 3 : i32
    %mul3A_637 = arith.muli %mul3A_636, %convert_element_type3A : i32
    %jit3A_638 = arith.constant 2 : i32
    %jit3A_639 = arith.constant 6374 : i32
    %max3A = arith.maxsi %jit3A_638, %mul3A_637 : i32
    %min3A = arith.minsi %jit3A_639, %max3A : i32
    %scan3A_640 = arith.constant 0 : i32
    %scan3A_641 = arith.constant 2130706432 : i32
    %scan3A_642 = arith.constant 0 : i32
    %scan3A_643 = arith.constant 31 : i32
    %scan3A_644 = arith.addi %scan3A_642, %scan3A_643 : i32
    %scan3A_645 = arith.constant 1 : i32
    %scan3A_646:2 = scf.for %scan3A_696 = %scan3A_642 to %scan3A_644 step %scan3A_645 iter_args(%scan3A_697 = %scan3A_640, %scan3A_698 = %scan3A_641) -> (i32, i32)  : i32 {
      %sub3A_699 = arith.subi %scan3A_698, %scan3A_697 : i32
      %add3A_700 = arith.constant 1 : i32
      %add3A_701 = arith.addi %sub3A_699, %add3A_700 : i32
      %shift_right_arithmetic3A = arith.constant 1 : i32
      %shift_right_arithmetic3A_702 = arith.shrsi %add3A_701, %shift_right_arithmetic3A : i32
      %add3A_703 = arith.addi %scan3A_697, %shift_right_arithmetic3A_702 : i32
      %broadcast_in_dim3A_704 = arith.constant 0 : i32
      %broadcast_in_dim3A_705 = vector.broadcast %broadcast_in_dim3A_704 : i32 to vector<16xi32>
      %scan3A_706 = arith.constant 0 : i32
      %scan3A_707 = arith.constant 399 : i32
      %scan3A_708 = arith.addi %scan3A_706, %scan3A_707 : i32
      %scan3A_709 = arith.constant 7 : i32
      %scan3A_710 = scf.for %scan3A_724 = %scan3A_706 to %scan3A_708 step %scan3A_709 iter_args(%scan3A_725 = %broadcast_in_dim3A_705) -> (vector<16xi32>)  : i32 {
        %mul3A_726 = arith.constant 16 : i32
        %mul3A_727 = arith.muli %scan3A_724, %mul3A_726 : i32
        %get3A_728 = arith.index_cast %mul3A_727 : i32 to index
        %get3A_729 = tpu.vector_load %arg13[%get3A_728] {strides = array<i32>} : memref<6384xi32, #tpu.memory_space<vmem>>, vector<16xi32>,
        %ge3A_730 = vector.broadcast %add3A_703 : i32 to vector<16xi32>
        %ge3A_731 = arith.cmpi sge, %get3A_729, %ge3A_730 : vector<16xi32>
        %all_reduce_population_count3A = tpu.all_reduce %ge3A_731 {dim = 0 : i64, kind = #tpu.reduction_kind<sum>} : vector<16xi1> -> vector<16xi32>
        %add3A_732 = arith.addi %scan3A_725, %all_reduce_population_count3A : vector<16xi32>
        %scan3A_733 = arith.constant 1 : i32
        %scan3A_734 = arith.addi %scan3A_724, %scan3A_733 : i32
        %mul3A_735 = arith.constant 16 : i32
        %mul3A_736 = arith.muli %scan3A_734, %mul3A_735 : i32
        %get3A_737 = arith.index_cast %mul3A_736 : i32 to index
        %get3A_738 = tpu.vector_load %arg13[%get3A_737] {strides = array<i32>} : memref<6384xi32, #tpu.memory_space<vmem>>, vector<16xi32>,
        %ge3A_739 = vector.broadcast %add3A_703 : i32 to vector<16xi32>
        %ge3A_740 = arith.cmpi sge, %get3A_738, %ge3A_739 : vector<16xi32>
        %all_reduce_population_count3A_741 = tpu.all_reduce %ge3A_740 {dim = 0 : i64, kind = #tpu.reduction_kind<sum>} : vector<16xi1> -> vector<16xi32>
        %add3A_742 = arith.addi %add3A_732, %all_reduce_population_count3A_741 : vector<16xi32>
        %scan3A_743 = arith.constant 2 : i32
        %scan3A_744 = arith.addi %scan3A_724, %scan3A_743 : i32
        %mul3A_745 = arith.constant 16 : i32
        %mul3A_746 = arith.muli %scan3A_744, %mul3A_745 : i32
        %get3A_747 = arith.index_cast %mul3A_746 : i32 to index
        %get3A_748 = tpu.vector_load %arg13[%get3A_747] {strides = array<i32>} : memref<6384xi32, #tpu.memory_space<vmem>>, vector<16xi32>,
        %ge3A_749 = vector.broadcast %add3A_703 : i32 to vector<16xi32>
        %ge3A_750 = arith.cmpi sge, %get3A_748, %ge3A_749 : vector<16xi32>
        %all_reduce_population_count3A_751 = tpu.all_reduce %ge3A_750 {dim = 0 : i64, kind = #tpu.reduction_kind<sum>} : vector<16xi1> -> vector<16xi32>
        %add3A_752 = arith.addi %add3A_742, %all_reduce_population_count3A_751 : vector<16xi32>
        %scan3A_753 = arith.constant 3 : i32
        %scan3A_754 = arith.addi %scan3A_724, %scan3A_753 : i32
        %mul3A_755 = arith.constant 16 : i32
        %mul3A_756 = arith.muli %scan3A_754, %mul3A_755 : i32
        %get3A_757 = arith.index_cast %mul3A_756 : i32 to index
        %get3A_758 = tpu.vector_load %arg13[%get3A_757] {strides = array<i32>} : memref<6384xi32, #tpu.memory_space<vmem>>, vector<16xi32>,
        %ge3A_759 = vector.broadcast %add3A_703 : i32 to vector<16xi32>
        %ge3A_760 = arith.cmpi sge, %get3A_758, %ge3A_759 : vector<16xi32>
        %all_reduce_population_count3A_761 = tpu.all_reduce %ge3A_760 {dim = 0 : i64, kind = #tpu.reduction_kind<sum>} : vector<16xi1> -> vector<16xi32>
        %add3A_762 = arith.addi %add3A_752, %all_reduce_population_count3A_761 : vector<16xi32>
        %scan3A_763 = arith.constant 4 : i32
        %scan3A_764 = arith.addi %scan3A_724, %scan3A_763 : i32
        %mul3A_765 = arith.constant 16 : i32
        %mul3A_766 = arith.muli %scan3A_764, %mul3A_765 : i32
        %get3A_767 = arith.index_cast %mul3A_766 : i32 to index
        %get3A_768 = tpu.vector_load %arg13[%get3A_767] {strides = array<i32>} : memref<6384xi32, #tpu.memory_space<vmem>>, vector<16xi32>,
        %ge3A_769 = vector.broadcast %add3A_703 : i32 to vector<16xi32>
        %ge3A_770 = arith.cmpi sge, %get3A_768, %ge3A_769 : vector<16xi32>
        %all_reduce_population_count3A_771 = tpu.all_reduce %ge3A_770 {dim = 0 : i64, kind = #tpu.reduction_kind<sum>} : vector<16xi1> -> vector<16xi32>
        %add3A_772 = arith.addi %add3A_762, %all_reduce_population_count3A_771 : vector<16xi32>
        %scan3A_773 = arith.constant 5 : i32
        %scan3A_774 = arith.addi %scan3A_724, %scan3A_773 : i32
        %mul3A_775 = arith.constant 16 : i32
        %mul3A_776 = arith.muli %scan3A_774, %mul3A_775 : i32
        %get3A_777 = arith.index_cast %mul3A_776 : i32 to index
        %get3A_778 = tpu.vector_load %arg13[%get3A_777] {strides = array<i32>} : memref<6384xi32, #tpu.memory_space<vmem>>, vector<16xi32>,
        %ge3A_779 = vector.broadcast %add3A_703 : i32 to vector<16xi32>
        %ge3A_780 = arith.cmpi sge, %get3A_778, %ge3A_779 : vector<16xi32>
        %all_reduce_population_count3A_781 = tpu.all_reduce %ge3A_780 {dim = 0 : i64, kind = #tpu.reduction_kind<sum>} : vector<16xi1> -> vector<16xi32>
        %add3A_782 = arith.addi %add3A_772, %all_reduce_population_count3A_781 : vector<16xi32>
        %scan3A_783 = arith.constant 6 : i32
        %scan3A_784 = arith.addi %scan3A_724, %scan3A_783 : i32
        %mul3A_785 = arith.constant 16 : i32
        %mul3A_786 = arith.muli %scan3A_784, %mul3A_785 : i32
        %get3A_787 = arith.index_cast %mul3A_786 : i32 to index
        %get3A_788 = tpu.vector_load %arg13[%get3A_787] {strides = array<i32>} : memref<6384xi32, #tpu.memory_space<vmem>>, vector<16xi32>,
        %ge3A_789 = vector.broadcast %add3A_703 : i32 to vector<16xi32>
        %ge3A_790 = arith.cmpi sge, %get3A_788, %ge3A_789 : vector<16xi32>
        %all_reduce_population_count3A_791 = tpu.all_reduce %ge3A_790 {dim = 0 : i64, kind = #tpu.reduction_kind<sum>} : vector<16xi1> -> vector<16xi32>
        %add3A_792 = arith.addi %add3A_782, %all_reduce_population_count3A_791 : vector<16xi32>
        scf.yield %add3A_792 : vector<16xi32>
      }
      %scan3A_711 = arith.constant 399 : i32
      %reduce_max3A_712 = arith.constant true
      %reduce_max3A_713 = vector.broadcast %reduce_max3A_712 : i1 to vector<16xi1>
      %reduce_max3A_714 = arith.constant -2147483648 : i32
      %reduce_max3A_715 = vector.broadcast %reduce_max3A_714 : i32 to vector<16xi32>
      %reduce_max3A_716 = arith.xori %scan3A_710, %reduce_max3A_715 : vector<16xi32>
      %reduce_max3A_717 = tpu.scan <max>, %reduce_max3A_716 masked %reduce_max3A_713 : vector<16xi32>, vector<16xi1> -> vector<16xi32>
      %reduce_max3A_718 = arith.xori %reduce_max3A_717, %reduce_max3A_715 : vector<16xi32>
      %reduce_max3A_719 = vector.extract %reduce_max3A_718[15] : i32 from vector<16xi32>
      %ge3A = arith.cmpi sge, %reduce_max3A_719, %min3A : i32
      %select_n3A_720 = arith.select %ge3A, %add3A_703, %scan3A_697 : i32
      %sub3A_721 = arith.constant 1 : i32
      %sub3A_722 = arith.subi %add3A_703, %sub3A_721 : i32
      %select_n3A_723 = arith.select %ge3A, %scan3A_698, %sub3A_722 : i32
      scf.yield %select_n3A_720, %select_n3A_723 : i32, i32
    }
    %scan3A_647 = arith.constant 31 : i32
    %broadcast_in_dim3A_648 = arith.constant 0 : i32
    %broadcast_in_dim3A_649 = vector.broadcast %broadcast_in_dim3A_648 : i32 to vector<16xi32>
    %broadcast_in_dim3A_650 = arith.constant 0.000000e+00 : f32
    %broadcast_in_dim3A_651 = vector.broadcast %broadcast_in_dim3A_650 : f32 to vector<16xf32>
    %scan3A_652 = arith.constant 0 : i32
    %scan3A_653 = arith.constant 399 : i32
    %scan3A_654 = arith.addi %scan3A_652, %scan3A_653 : i32
    %scan3A_655 = arith.constant 7 : i32
    %scan3A_656:2 = scf.for %scan3A_696 = %scan3A_652 to %scan3A_654 step %scan3A_655 iter_args(%scan3A_697 = %broadcast_in_dim3A_649, %scan3A_698 = %broadcast_in_dim3A_651) -> (vector<16xi32>, vector<16xf32>)  : i32 {
      %mul3A_699 = arith.constant 16 : i32
      %mul3A_700 = arith.muli %scan3A_696, %mul3A_699 : i32
      %get3A_701 = arith.index_cast %mul3A_700 : i32 to index
      %get3A_702 = tpu.vector_load %arg13[%get3A_701] {strides = array<i32>} : memref<6384xi32, #tpu.memory_space<vmem>>, vector<16xi32>,
      %gt3A_703 = vector.broadcast %scan3A_646#0 : i32 to vector<16xi32>
      %gt3A_704 = arith.cmpi sgt, %get3A_702, %gt3A_703 : vector<16xi32>
      %jit3A_705 = arith.constant 1 : i32
      %jit3A_706 = arith.constant 0 : i32
      %broadcast_in_dim3A_707 = vector.broadcast %jit3A_705 : i32 to vector<16xi32>
      %broadcast_in_dim3A_708 = vector.broadcast %jit3A_706 : i32 to vector<16xi32>
      %select_n3A_709 = arith.select %gt3A_704, %broadcast_in_dim3A_707, %broadcast_in_dim3A_708 : vector<16xi1>, vector<16xi32>
      %add3A_710 = arith.addi %scan3A_697, %select_n3A_709 : vector<16xi32>
      %bitcast_convert_type3A_711 = tpu.bitcast %get3A_702 : vector<16xi32> -> vector<16xf32>
      %jit3A_712 = arith.constant 0.000000e+00 : f32
      %broadcast_in_dim3A_713 = vector.broadcast %jit3A_712 : f32 to vector<16xf32>
      %select_n3A_714 = arith.select %gt3A_704, %bitcast_convert_type3A_711, %broadcast_in_dim3A_713 : vector<16xi1>, vector<16xf32>
      %add3A_715 = arith.addf %scan3A_698, %select_n3A_714 : vector<16xf32>
      %scan3A_716 = arith.constant 1 : i32
      %scan3A_717 = arith.addi %scan3A_696, %scan3A_716 : i32
      %mul3A_718 = arith.constant 16 : i32
      %mul3A_719 = arith.muli %scan3A_717, %mul3A_718 : i32
      %get3A_720 = arith.index_cast %mul3A_719 : i32 to index
      %get3A_721 = tpu.vector_load %arg13[%get3A_720] {strides = array<i32>} : memref<6384xi32, #tpu.memory_space<vmem>>, vector<16xi32>,
      %gt3A_722 = vector.broadcast %scan3A_646#0 : i32 to vector<16xi32>
      %gt3A_723 = arith.cmpi sgt, %get3A_721, %gt3A_722 : vector<16xi32>
      %jit3A_724 = arith.constant 1 : i32
      %jit3A_725 = arith.constant 0 : i32
      %broadcast_in_dim3A_726 = vector.broadcast %jit3A_724 : i32 to vector<16xi32>
      %broadcast_in_dim3A_727 = vector.broadcast %jit3A_725 : i32 to vector<16xi32>
      %select_n3A_728 = arith.select %gt3A_723, %broadcast_in_dim3A_726, %broadcast_in_dim3A_727 : vector<16xi1>, vector<16xi32>
      %add3A_729 = arith.addi %add3A_710, %select_n3A_728 : vector<16xi32>
      %bitcast_convert_type3A_730 = tpu.bitcast %get3A_721 : vector<16xi32> -> vector<16xf32>
      %jit3A_731 = arith.constant 0.000000e+00 : f32
      %broadcast_in_dim3A_732 = vector.broadcast %jit3A_731 : f32 to vector<16xf32>
      %select_n3A_733 = arith.select %gt3A_723, %bitcast_convert_type3A_730, %broadcast_in_dim3A_732 : vector<16xi1>, vector<16xf32>
      %add3A_734 = arith.addf %add3A_715, %select_n3A_733 : vector<16xf32>
      %scan3A_735 = arith.constant 2 : i32
      %scan3A_736 = arith.addi %scan3A_696, %scan3A_735 : i32
      %mul3A_737 = arith.constant 16 : i32
      %mul3A_738 = arith.muli %scan3A_736, %mul3A_737 : i32
      %get3A_739 = arith.index_cast %mul3A_738 : i32 to index
      %get3A_740 = tpu.vector_load %arg13[%get3A_739] {strides = array<i32>} : memref<6384xi32, #tpu.memory_space<vmem>>, vector<16xi32>,
      %gt3A_741 = vector.broadcast %scan3A_646#0 : i32 to vector<16xi32>
      %gt3A_742 = arith.cmpi sgt, %get3A_740, %gt3A_741 : vector<16xi32>
      %jit3A_743 = arith.constant 1 : i32
      %jit3A_744 = arith.constant 0 : i32
      %broadcast_in_dim3A_745 = vector.broadcast %jit3A_743 : i32 to vector<16xi32>
      %broadcast_in_dim3A_746 = vector.broadcast %jit3A_744 : i32 to vector<16xi32>
      %select_n3A_747 = arith.select %gt3A_742, %broadcast_in_dim3A_745, %broadcast_in_dim3A_746 : vector<16xi1>, vector<16xi32>
      %add3A_748 = arith.addi %add3A_729, %select_n3A_747 : vector<16xi32>
      %bitcast_convert_type3A_749 = tpu.bitcast %get3A_740 : vector<16xi32> -> vector<16xf32>
      %jit3A_750 = arith.constant 0.000000e+00 : f32
      %broadcast_in_dim3A_751 = vector.broadcast %jit3A_750 : f32 to vector<16xf32>
      %select_n3A_752 = arith.select %gt3A_742, %bitcast_convert_type3A_749, %broadcast_in_dim3A_751 : vector<16xi1>, vector<16xf32>
      %add3A_753 = arith.addf %add3A_734, %select_n3A_752 : vector<16xf32>
      %scan3A_754 = arith.constant 3 : i32
      %scan3A_755 = arith.addi %scan3A_696, %scan3A_754 : i32
      %mul3A_756 = arith.constant 16 : i32
      %mul3A_757 = arith.muli %scan3A_755, %mul3A_756 : i32
      %get3A_758 = arith.index_cast %mul3A_757 : i32 to index
      %get3A_759 = tpu.vector_load %arg13[%get3A_758] {strides = array<i32>} : memref<6384xi32, #tpu.memory_space<vmem>>, vector<16xi32>,
      %gt3A_760 = vector.broadcast %scan3A_646#0 : i32 to vector<16xi32>
      %gt3A_761 = arith.cmpi sgt, %get3A_759, %gt3A_760 : vector<16xi32>
      %jit3A_762 = arith.constant 1 : i32
      %jit3A_763 = arith.constant 0 : i32
      %broadcast_in_dim3A_764 = vector.broadcast %jit3A_762 : i32 to vector<16xi32>
      %broadcast_in_dim3A_765 = vector.broadcast %jit3A_763 : i32 to vector<16xi32>
      %select_n3A_766 = arith.select %gt3A_761, %broadcast_in_dim3A_764, %broadcast_in_dim3A_765 : vector<16xi1>, vector<16xi32>
      %add3A_767 = arith.addi %add3A_748, %select_n3A_766 : vector<16xi32>
      %bitcast_convert_type3A_768 = tpu.bitcast %get3A_759 : vector<16xi32> -> vector<16xf32>
      %jit3A_769 = arith.constant 0.000000e+00 : f32
      %broadcast_in_dim3A_770 = vector.broadcast %jit3A_769 : f32 to vector<16xf32>
      %select_n3A_771 = arith.select %gt3A_761, %bitcast_convert_type3A_768, %broadcast_in_dim3A_770 : vector<16xi1>, vector<16xf32>
      %add3A_772 = arith.addf %add3A_753, %select_n3A_771 : vector<16xf32>
      %scan3A_773 = arith.constant 4 : i32
      %scan3A_774 = arith.addi %scan3A_696, %scan3A_773 : i32
      %mul3A_775 = arith.constant 16 : i32
      %mul3A_776 = arith.muli %scan3A_774, %mul3A_775 : i32
      %get3A_777 = arith.index_cast %mul3A_776 : i32 to index
      %get3A_778 = tpu.vector_load %arg13[%get3A_777] {strides = array<i32>} : memref<6384xi32, #tpu.memory_space<vmem>>, vector<16xi32>,
      %gt3A_779 = vector.broadcast %scan3A_646#0 : i32 to vector<16xi32>
      %gt3A_780 = arith.cmpi sgt, %get3A_778, %gt3A_779 : vector<16xi32>
      %jit3A_781 = arith.constant 1 : i32
      %jit3A_782 = arith.constant 0 : i32
      %broadcast_in_dim3A_783 = vector.broadcast %jit3A_781 : i32 to vector<16xi32>
      %broadcast_in_dim3A_784 = vector.broadcast %jit3A_782 : i32 to vector<16xi32>
      %select_n3A_785 = arith.select %gt3A_780, %broadcast_in_dim3A_783, %broadcast_in_dim3A_784 : vector<16xi1>, vector<16xi32>
      %add3A_786 = arith.addi %add3A_767, %select_n3A_785 : vector<16xi32>
      %bitcast_convert_type3A_787 = tpu.bitcast %get3A_778 : vector<16xi32> -> vector<16xf32>
      %jit3A_788 = arith.constant 0.000000e+00 : f32
      %broadcast_in_dim3A_789 = vector.broadcast %jit3A_788 : f32 to vector<16xf32>
      %select_n3A_790 = arith.select %gt3A_780, %bitcast_convert_type3A_787, %broadcast_in_dim3A_789 : vector<16xi1>, vector<16xf32>
      %add3A_791 = arith.addf %add3A_772, %select_n3A_790 : vector<16xf32>
      %scan3A_792 = arith.constant 5 : i32
      %scan3A_793 = arith.addi %scan3A_696, %scan3A_792 : i32
      %mul3A_794 = arith.constant 16 : i32
      %mul3A_795 = arith.muli %scan3A_793, %mul3A_794 : i32
      %get3A_796 = arith.index_cast %mul3A_795 : i32 to index
      %get3A_797 = tpu.vector_load %arg13[%get3A_796] {strides = array<i32>} : memref<6384xi32, #tpu.memory_space<vmem>>, vector<16xi32>,
      %gt3A_798 = vector.broadcast %scan3A_646#0 : i32 to vector<16xi32>
      %gt3A_799 = arith.cmpi sgt, %get3A_797, %gt3A_798 : vector<16xi32>
      %jit3A_800 = arith.constant 1 : i32
      %jit3A_801 = arith.constant 0 : i32
      %broadcast_in_dim3A_802 = vector.broadcast %jit3A_800 : i32 to vector<16xi32>
      %broadcast_in_dim3A_803 = vector.broadcast %jit3A_801 : i32 to vector<16xi32>
      %select_n3A_804 = arith.select %gt3A_799, %broadcast_in_dim3A_802, %broadcast_in_dim3A_803 : vector<16xi1>, vector<16xi32>
      %add3A_805 = arith.addi %add3A_786, %select_n3A_804 : vector<16xi32>
      %bitcast_convert_type3A_806 = tpu.bitcast %get3A_797 : vector<16xi32> -> vector<16xf32>
      %jit3A_807 = arith.constant 0.000000e+00 : f32
      %broadcast_in_dim3A_808 = vector.broadcast %jit3A_807 : f32 to vector<16xf32>
      %select_n3A_809 = arith.select %gt3A_799, %bitcast_convert_type3A_806, %broadcast_in_dim3A_808 : vector<16xi1>, vector<16xf32>
      %add3A_810 = arith.addf %add3A_791, %select_n3A_809 : vector<16xf32>
      %scan3A_811 = arith.constant 6 : i32
      %scan3A_812 = arith.addi %scan3A_696, %scan3A_811 : i32
      %mul3A_813 = arith.constant 16 : i32
      %mul3A_814 = arith.muli %scan3A_812, %mul3A_813 : i32
      %get3A_815 = arith.index_cast %mul3A_814 : i32 to index
      %get3A_816 = tpu.vector_load %arg13[%get3A_815] {strides = array<i32>} : memref<6384xi32, #tpu.memory_space<vmem>>, vector<16xi32>,
      %gt3A_817 = vector.broadcast %scan3A_646#0 : i32 to vector<16xi32>
      %gt3A_818 = arith.cmpi sgt, %get3A_816, %gt3A_817 : vector<16xi32>
      %jit3A_819 = arith.constant 1 : i32
      %jit3A_820 = arith.constant 0 : i32
      %broadcast_in_dim3A_821 = vector.broadcast %jit3A_819 : i32 to vector<16xi32>
      %broadcast_in_dim3A_822 = vector.broadcast %jit3A_820 : i32 to vector<16xi32>
      %select_n3A_823 = arith.select %gt3A_818, %broadcast_in_dim3A_821, %broadcast_in_dim3A_822 : vector<16xi1>, vector<16xi32>
      %add3A_824 = arith.addi %add3A_805, %select_n3A_823 : vector<16xi32>
      %bitcast_convert_type3A_825 = tpu.bitcast %get3A_816 : vector<16xi32> -> vector<16xf32>
      %jit3A_826 = arith.constant 0.000000e+00 : f32
      %broadcast_in_dim3A_827 = vector.broadcast %jit3A_826 : f32 to vector<16xf32>
      %select_n3A_828 = arith.select %gt3A_818, %bitcast_convert_type3A_825, %broadcast_in_dim3A_827 : vector<16xi1>, vector<16xf32>
      %add3A_829 = arith.addf %add3A_810, %select_n3A_828 : vector<16xf32>
      scf.yield %add3A_824, %add3A_829 : vector<16xi32>, vector<16xf32>
    }
    %scan3A_657 = arith.constant 399 : i32
    %reduce_sum3A_658 = arith.constant true
    %reduce_sum3A_659 = vector.broadcast %reduce_sum3A_658 : i1 to vector<16xi1>
    %reduce_sum3A_660 = tpu.scan <sum>, %scan3A_656#0 masked %reduce_sum3A_659 : vector<16xi32>, vector<16xi1> -> vector<16xi32>
    %reduce_sum3A_661 = vector.extract %reduce_sum3A_660[15] : i32 from vector<16xi32>
    %reduce_sum3A_662 = arith.constant true
    %reduce_sum3A_663 = vector.broadcast %reduce_sum3A_662 : i1 to vector<16xi1>
    %reduce_sum3A_664 = tpu.scan <sum>, %scan3A_656#1 masked %reduce_sum3A_663 : vector<16xf32>, vector<16xi1> -> vector<16xf32>
    %reduce_sum3A_665 = vector.extract %reduce_sum3A_664[15] : f32 from vector<16xf32>
    %bitcast_convert_type3A = arith.bitcast %scan3A_646#0 : i32 to f32
    %gt3A = arith.constant 0 : i32
    %gt3A_666 = arith.cmpi sgt, %scan3A_646#0, %gt3A : i32
    %sub3A_667 = arith.subi %min3A, %reduce_sum3A_661 : i32
    %convert_element_type3A_668 = arith.sitofp %sub3A_667 : i32 to f32
    %mul3A_669 = arith.mulf %convert_element_type3A_668, %bitcast_convert_type3A : f32
    %jit3A_670 = arith.constant 0.000000e+00 : f32
    %select_n3A_671 = arith.select %gt3A_666, %mul3A_669, %jit3A_670 : f32
    %add3A_672 = arith.addf %reduce_sum3A_665, %select_n3A_671 : f32
    %select_n3A_673 = arith.select %gt3A_666, %min3A, %reduce_sum3A_661 : i32
    %convert_element_type3A_674 = arith.sitofp %select_n3A_673 : i32 to f32
    %add3A_675 = arith.addf %reduce_sum3A_635, %convert_element_type3A_674 : f32
    %eq3A_676 = arith.constant 0 : i32
    %eq3A_677 = vector.broadcast %eq3A_676 : i32 to vector<16xi32>
    %eq3A_678 = arith.cmpi eq, %iota3A, %eq3A_677 : vector<16xi32>
    %eq3A_679 = arith.constant 1 : i32
    %eq3A_680 = vector.broadcast %eq3A_679 : i32 to vector<16xi32>
    %eq3A_681 = arith.cmpi eq, %iota3A, %eq3A_680 : vector<16xi32>
    %add3A_682 = arith.addf %reduce_sum3A_631, %add3A_672 : f32
    %eq3A_683 = arith.constant 2 : i32
    %eq3A_684 = vector.broadcast %eq3A_683 : i32 to vector<16xi32>
    %eq3A_685 = arith.cmpi eq, %iota3A, %eq3A_684 : vector<16xi32>
    %jit3A_686 = arith.constant 0.000000e+00 : f32
    %broadcast_in_dim3A_687 = vector.broadcast %add3A_675 : f32 to vector<16xf32>
    %broadcast_in_dim3A_688 = vector.broadcast %jit3A_686 : f32 to vector<16xf32>
    %select_n3A_689 = arith.select %eq3A_685, %broadcast_in_dim3A_687, %broadcast_in_dim3A_688 : vector<16xi1>, vector<16xf32>
    %broadcast_in_dim3A_690 = vector.broadcast %add3A_682 : f32 to vector<16xf32>
    %select_n3A_691 = arith.select %eq3A_681, %broadcast_in_dim3A_690, %select_n3A_689 : vector<16xi1>, vector<16xf32>
    %broadcast_in_dim3A_692 = vector.broadcast %reduce_sum3A_627 : f32 to vector<16xf32>
    %select_n3A_693 = arith.select %eq3A_678, %broadcast_in_dim3A_692, %select_n3A_691 : vector<16xi1>, vector<16xf32>
    %swap3A_694 = arith.constant 0 : index
    %swap3A_695 = tpu.vector_load %arg14[%swap3A_694] {strides = array<i32>} : memref<16xf32, #tpu.memory_space<vmem>>, vector<16xf32>,
    tpu.vector_store %arg14[%swap3A_694], %select_n3A_693 {strides = array<i32>} : memref<16xf32, #tpu.memory_space<vmem>>, vector<16xf32>,
    "tpu.region"() ({
      %run_scoped3A = tpu.sem_alloc : memref<!tpu.dma_semaphore, #tpu.memory_space<semaphore_mem>>
      %dma_start3A_696 = arith.constant 0 : i32
      %dma_start3A_697 = tpu.memref_slice %arg6[%add3A, %dma_start3A_696] : memref<32x16xf32, #tpu.memory_space<hbm>> -> memref<1x16xf32, #tpu.memory_space<hbm>>
      %dma_start3A_698 = tpu.memref_squeeze %dma_start3A_697 : memref<1x16xf32, #tpu.memory_space<hbm>> -> memref<16xf32, #tpu.memory_space<hbm>>
      %dma_start3A_699 = arith.constant 0 : i32
      %dma_start3A_700 = tpu.memref_slice %arg6[%add3A, %dma_start3A_699] : memref<32x16xf32, #tpu.memory_space<hbm>> -> memref<1x16xf32, #tpu.memory_space<hbm>>
      %dma_start3A_701 = tpu.memref_squeeze %dma_start3A_700 : memref<1x16xf32, #tpu.memory_space<hbm>> -> memref<16xf32, #tpu.memory_space<hbm>>
      tpu.enqueue_dma source(%arg14 : memref<16xf32, #tpu.memory_space<vmem>>) target(%dma_start3A_701 : memref<16xf32, #tpu.memory_space<hbm>>) target_semaphore(%run_scoped3A : memref<!tpu.dma_semaphore, #tpu.memory_space<semaphore_mem>>)
      %dma_wait3A_702 = arith.constant 0 : i32
      %dma_wait3A_703 = tpu.memref_slice %arg6[%add3A, %dma_wait3A_702] : memref<32x16xf32, #tpu.memory_space<hbm>> -> memref<1x16xf32, #tpu.memory_space<hbm>>
      %dma_wait3A_704 = tpu.memref_squeeze %dma_wait3A_703 : memref<1x16xf32, #tpu.memory_space<hbm>> -> memref<16xf32, #tpu.memory_space<hbm>>
      %dma_wait3A_705 = arith.constant 0 : i32
      %dma_wait3A_706 = tpu.memref_slice %arg6[%add3A, %dma_wait3A_705] : memref<32x16xf32, #tpu.memory_space<hbm>> -> memref<1x16xf32, #tpu.memory_space<hbm>>
      %dma_wait3A_707 = tpu.memref_squeeze %dma_wait3A_706 : memref<1x16xf32, #tpu.memory_space<hbm>> -> memref<16xf32, #tpu.memory_space<hbm>>
      tpu.wait_dma2 semaphore(%run_scoped3A : memref<!tpu.dma_semaphore, #tpu.memory_space<semaphore_mem>>) src(%arg14 : memref<16xf32, #tpu.memory_space<vmem>>) dst(%dma_wait3A_707 : memref<16xf32, #tpu.memory_space<hbm>>)
      tpu.yield
    }) : () -> ()
    return
  }
}

</mosaic_0001>

<sc_bundles>
// kernel: kernel.3.cloned.1.call-start
scs
__scs_entry_jumppad:
0x0: {  	(pc) =	sbr.rel $0x88, $3  }
0x1: {  	(tag) =	ssettag $0x0;
	lr =	simm.s32 $0x1  }
0x2: {  	[smem:$0x3F9D] =	sst lr;
	_ =	strace $0xD0000000  }
0x3: {  	_ = 	snop  }
0x4: {  	_ = 	snop  }
0x5: {  	_ = 	snop  }
0x6: {  	_ = 	snop  }
0x7: {  	_ = 	snop  }
__scs_overlays_trampoline_lowered:
0x8: {  	[smem:$0x3FAC] =	sst s0  }
0x9: {  	[smem:$0x3FAD] =	sst s1  }
0xa: {  	[smem:$0x3FAE] =	sst s2  }
0xb: {  	[smem:$0x3FAF] =	sst s3  }
0xc: {  	[smem:$0x3FB0] =	sst s4  }
0xd: {  	[smem:$0x3FB1] =	sst s5  }
0xe: {  	[smem:$0x3FB2] =	sst s6  }
0xf: {  	[smem:$0x3FB3] =	sst s7  }
0x10: {  	[smem:$0x3FB4] =	sst s8  }
0x11: {  	[smem:$0x3FB5] =	sst s9;
	s0 =	simm.s32 @!p0 $0x0  }
0x12: {  	s1 =	sld [smem:$0x3F9B];
	s0 =	simm.s32 @p0 $0x1  }
0x13: {  	[smem:$0x3FB6] =	sst s0;
	s0 =	simm.s32 @!p1 $0x0  }
0x14: {  	s2 =	sld [smem:$0x3F9A];
	s0 =	simm.s32 @p1 $0x1  }
0x15: {  	[smem:$0x3FB7] =	sst s0;
	s0 =	simm.s32 @!p2 $0x0  }
0x16: {  	s3 =	sld [smem:$0x3FDB];
	s0 =	simm.s32 @p2 $0x1  }
0x17: {  	s4 =	simm.s32 $0x1BF5;
	[smem:$0x3FB9] =	sst s0  }
0x18: {  	s0 =	sld [smem:$0x3F9C];
	_ =	swait.ge [sflag:s4], $0x0  }
0x19: {  	s7 =	sld [smem:$0x3F9D]  }
0x1a: {  	s8 =	sadd.s32 $0xFFFFE003, lr  }
0x1b: {  	s9 =	sadd.s32 $0xFFFFFEF7, lr;
	s5 =	simm.s32 $0xFFFFFFFF;
	p2 =	slt.u32 s8, $0xFFFFF086  }
0x1c: {  	p1 =	slt.u32 s9, $0xF7A;
	s5 =	simm.s32 @!p2 $0x0  }
0x1d: {  	s5 =	simm.s32 @p1 $0x1;
	p0 =	seq.s32 s7, s2  }
0x1e: {  	s7 =	smul.u32 @!p0 $0xF7A, s2;
	p2 =	seq.s32 @!p0 s5, $0x0  }
0x1f: {  	s9 =	smul.u32 $0xF7A, s1;
	s8 =	simm.s32 @!p0 $0x1BF5;
	p2 =	por !p2, p0  }
0x20: {  	[sflag:s8] =	ssyncset.s32 @!p0 $0xFFFFF086;
	s6 =	sadd.s32 @!p0 s3, s7;
	s7 =	simm.s32 @!p0 $0x108  }
0x21: {  	s3 =	sadd.s32 s3, s9;
	s6 =	sadd.s32 @!p0 $0x88, s6;
	s7 =	simm.s32 @p2 $0x1082  }
0x22: {  	[simem:s7], [sflag:s8] =	dma.local @!p0 [hbm:s6], $0xF7A  }
0x23: {  	s9 =	sor.u32 $0xD0000000, s2;
	s6 =	simm.s32 $0x108;
	_ =	swait.ge @!p0 [sflag:s8], $0x0  }
0x24: {  	s3 =	sadd.s32 $0x88, s3;
	s6 =	simm.s32 @!p1 $0x1082;
	[sflag:s4] =	ssyncset.s32 $0xFFFFF086  }
0x25: {  	[simem:s6], [sflag:s4] =	dma.local [hbm:s3], $0xF7A  }
0x26: {  	[smem:$0x3F9D] =	sst s1;
	(tag) =	ssettag s2;
	_ =	strace s9  }
0x27: {  	s1 =	sld [smem:$0x3FAD]  }
0x28: {  	s2 =	sld [smem:$0x3FAE]  }
0x29: {  	s4 =	sld [smem:$0x3FB0]  }
0x2a: {  	p0 =	seq.s32 s5, $0x0;
	s5 =	sld [smem:$0x3FB1]  }
0x2b: {  	s6 =	sld [smem:$0x3FB2]  }
0x2c: {  	s7 =	sld [smem:$0x3FB3]  }
0x2d: {  	s3 =	simm.s32 $0x108;
	s8 =	sld [smem:$0x3FB4]  }
0x2e: {  	s3 =	simm.s32 @!p0 $0x1082;
	s9 =	sld [smem:$0x3FB5]  }
0x2f: {  	lr =	sadd.s32 s0, s3;
	s0 =	sld [smem:$0x3FAC]  }
0x30: {  	s3 =	sld [smem:$0x3FAF]  }
0x31: {  	[smem:$0x3FB8] =	sst s10  }
0x32: {  	s10 =	sld [smem:$0x3FB6];
	_ =	sdelay $0x3  }
0x33: {  	p0 =	seq.s32 s10, $0x1;
	s10 =	sld [smem:$0x3FB8];
	_ =	sdelay $0x3  }
0x34: {  	[smem:$0x3FB8] =	sst s10  }
0x35: {  	s10 =	sld [smem:$0x3FB7];
	_ =	sdelay $0x3  }
0x36: {  	p1 =	seq.s32 s10, $0x1;
	s10 =	sld [smem:$0x3FB8];
	_ =	sdelay $0x3  }
0x37: {  	[smem:$0x3FB8] =	sst s10  }
0x38: {  	s10 =	sld [smem:$0x3FB9]  }
0x39: {  	_ = 	snop;
	(pc) =	sbr.ind lr, $3  }
0x3a: {  	_ = 	snop  }
0x3b: {  	_ = 	snop  }
0x3c: {  	p2 =	seq.s32 s10, $0x1;
	s10 =	sld [smem:$0x3FB8]  }
0x3d: {  	_ =	shalt  }
0x3e: {  	_ =	shalt  }
0x3f: {  	_ =	shalt  }
0x40: {  	_ =	shalt  }
0x41: {  	_ =	shalt  }
0x42: {  	_ =	shalt  }
0x43: {  	_ =	shalt  }
0x44: {  	_ =	shalt  }
0x45: {  	_ =	shalt  }
0x46: {  	_ =	shalt  }
0x47: {  	_ =	shalt  }
0x48: {  	_ =	shalt  }
0x49: {  	_ =	shalt  }
0x4a: {  	_ =	shalt  }
0x4b: {  	_ =	shalt  }
0x4c: {  	_ =	shalt  }
0x4d: {  	_ =	shalt  }
0x4e: {  	_ =	shalt  }
0x4f: {  	_ =	shalt  }
0x50: {  	_ =	shalt  }
0x51: {  	_ =	shalt  }
0x52: {  	_ =	shalt  }
0x53: {  	_ =	shalt  }
0x54: {  	_ =	shalt  }
0x55: {  	_ =	shalt  }
0x56: {  	_ =	shalt  }
0x57: {  	_ =	shalt  }
0x58: {  	_ =	shalt  }
0x59: {  	_ =	shalt  }
0x5a: {  	_ =	shalt  }
0x5b: {  	_ =	shalt  }
0x5c: {  	_ =	shalt  }
0x5d: {  	_ =	shalt  }
0x5e: {  	_ =	shalt  }
0x5f: {  	_ =	shalt  }
0x60: {  	_ =	shalt  }
0x61: {  	_ =	shalt  }
0x62: {  	_ =	shalt  }
0x63: {  	_ =	shalt  }
0x64: {  	_ =	shalt  }
0x65: {  	_ =	shalt  }
0x66: {  	_ =	shalt  }
0x67: {  	_ =	shalt  }
0x68: {  	_ =	shalt  }
0x69: {  	_ =	shalt  }
0x6a: {  	_ =	shalt  }
0x6b: {  	_ =	shalt  }
0x6c: {  	_ =	shalt  }
0x6d: {  	_ =	shalt  }
0x6e: {  	_ =	shalt  }
0x6f: {  	_ =	shalt  }
0x70: {  	_ =	shalt  }
0x71: {  	_ =	shalt  }
0x72: {  	_ =	shalt  }
0x73: {  	_ =	shalt  }
0x74: {  	_ =	shalt  }
0x75: {  	_ =	shalt  }
0x76: {  	_ =	shalt  }
0x77: {  	_ =	shalt  }
0x78: {  	_ =	shalt  }
0x79: {  	_ =	shalt  }
0x7a: {  	_ =	shalt  }
0x7b: {  	_ =	shalt  }
0x7c: {  	_ =	shalt  }
0x7d: {  	_ =	shalt  }
0x7e: {  	_ =	shalt  }
0x7f: {  	_ =	shalt  }
0x80: {  	_ =	shalt  }
0x81: {  	_ =	shalt  }
0x82: {  	_ =	shalt  }
0x83: {  	_ =	shalt  }
0x84: {  	_ =	shalt  }
0x85: {  	_ =	shalt  }
0x86: {  	_ =	shalt  }
0x87: {  	_ =	shalt  }
.Lfunc_end0:
.L_simem_size_0:
called_computation_lowered:
.L_overlay_start_0:
0x88: {  	s2 =	sld [smem:$0x3FD9]  }
0x89: {  	s3 =	sld [smem:$0x3FFE];
	_ =	sdelay $0x1  }
0x8a: {  	s1 =	srdreg.scid  }
0x8b: {  	s0 =	sand.u32 $0x1, s1  }
0x8c: {  	s16 =	sshll.u32 s0, $0xA;
	s2 =	sadd.s32 s3, s2  }
0x8d: {  	s2 =	sadd.s32 s2, s16  }
0x8e: {  	[smem:$0x3FC4] =	sst s2  }
0x8f: {  	_ = 	snop  }
0x90: {  	(tm) =	ssettm $0x1  }
0x91: {  	s17 =	sld [smem:$0x3FFB];
	_ =	sdelay $0x3  }
0x92: {  	_ =	strace s17  }
0x93: {  	s2 =	sld [smem:$0x3FFC];
	_ =	sdelay $0x3  }
0x94: {  	_ =	strace s2  }
0x95: {  	s2 =	sld [smem:$0x3FFD];
	_ =	sdelay $0x3  }
0x96: {  	_ =	strace s2  }
0x97: {  	_ =	strace $0x8FFFFFFF  }
0x98: {  	s18 =	sld [smem:$0x3FDB];
	_ =	sdelay $0x1  }
0x99: {  	s19 =	simm.s32 $_scs_section_size  }
0x9a: {  	s4 =	simm.s32 $_size__tile_overlayer_lowered;
	s5 =	simm.s32 $_tile_overlayer_lowered  }
0x9b: {  	s22 =	simm.s32 $0x1BFF;
	s21 =	sshll.u32 s5, $0x1;
	s2 =	sadd.s32 s19, s18  }
0x9c: {  	s6 =	simm.s32 $0x0;
	s20 =	sshll.u32 s4, $0x1;
	s4 =	sadd.s32 s21, s2  }
0x9d: {  	[timem:s6], [sflag:s22] =	dma.local [hbm:s4], s20  }
0x9e: {  	_ =	swait.ge [sflag:s22], s20  }
0x9f: {  	s3 =	ssub.s32 $0x0, s20;
	[sflag:s22] =	ssyncset.done $0x0  }
0xa0: {  	[sflag:s22] =	ssyncadd.s32 s3;
	_ =	sdelay $0x1  }
0xa1: {  	s23 =	simm.s32 $0x1B8B  }
0xa2: {  	_ =	swait.ge [sflag:s23], $0x1  }
0xa3: {  	[sflag:s23] =	ssyncset.done $0x0  }
0xa4: {  	s25 =	simm.s32 $0x1B8E;
	s24 =	sld [smem:$0x3FFE];
	[sflag:s23] =	ssyncadd.s32 $0xFFFFFFFF  }
0xa5: {  	s26 =	simm.s32 $execute0_lowered;
	[smem:$0x3FD2] =	sst s25  }
0xa6: {  	s4 =	sshll.u32 s26, $0x1;
	_ =	strace $0x80000046;
	[dreg:$0x1] =	wrdreg $0xFFFFFFFF  }
0xa7: {  	s28 =	simm.s32 $_size_execute0_lowered;
	s2 =	sadd.s32 s2, s4;
	[dreg:$0x0] =	wrdreg $0x0  }
0xa8: {  	s4 =	sshll.u32 s28, $0x1;
	[dreg:$0x2] =	wrdreg s2  }
0xa9: {  	[dreg:$0x3] =	wrdreg s4  }
0xaa: {  	[dreg:$0x4] =	wrdreg $0xC0  }
0xab: {  	_ =	task [dreg:s6], $0x5FFFF  }
0xac: {  	[dreg:$0x1] =	wrdreg $0xFFFFFFFF  }
0xad: {  	[dreg:$0x0] =	wrdreg $0x60  }
0xae: {  	[dreg:$0x2] =	wrdreg s24  }
0xaf: {  	[dreg:$0x3] =	wrdreg $0x9  }
0xb0: {  	_ =	task.clear_ibuf [dreg:s6], $0x4FFFF;
	_ =	strace $0x90000046  }
0xb1: {  	s29 =	simm.s32 $0x9;
	_ =	strace $0x80000048  }
0xb2: {  	_ =	swait.ge [sflag:s29], $0x1  }
0xb3: {  	[sflag:s29] =	ssyncadd.s32 $0xFFFFFFFF  }
0xb4: {  	_ =	strace $0x90000048  }
0xb5: {  	_ =	sfence  }
0xb6: {  	s30 =	sld [smem:$0x0];
	_ =	sdelay $0x2  }
0xb7: {  	s31 =	sshll.u32 s1, $0xD;
	s1 =	sshrl.u32 s1, $0x2  }
0xb8: {  	s3 =	sand.u32 $0x4000, s31;
	s1 =	sadd.s32 s1, s30  }
0xb9: {  	s0 =	sor.u32 s3, s0;
	s1 =	sshll.u32 s1, $0x11  }
0xba: {  	s0 =	sor.u32 s1, s0  }
0xbb: {  	s0 =	sadd.s32 $0x8F2B, s0  }
0xbc: {  	[sflag:s0] =	ssyncadd.remote.s32 $0x1  }
0xbd: {  	_ =	sfence.sel $0xFFFF  }
0xbe: {  	[dreg:$0x0] =	wrdreg $0xFFFFFFFF;
	(pc) =	sbr.abs _section_cstart, $3  }
0xbf: {  	[dreg:$0x1] =	wrdreg $0xFFFFFFFF  }
0xc0: {  	_ =	task.clear_ibuf [dreg:s6], $0x2FFFF;
	_ =	strace $0x9FFFFFFF  }
0xc1: {  	(tm) =	ssettm $0x7FFFFFFF  }
tec
execute0_lowered:
.L_overlay_start_1:
0x0: {  	(tag) =	ssettag $0x1  }
0x1: {  	s6 =	rddreg [dreg:$0x0];
	s1 =	simm.s32 $0x0  }
0x2: {  	[smem:$0x7FF] =	sst s1  }
0x3: {  	s0 =	rddreg [dreg:$0x1];
	v0 =	vimm.f32 $2.000000030e-01;
	_ =	strace $0x80000047  }
0x4: {  	(erf) = vrcp.f32 v0  }
0x5: {  	s3 =	srdreg.scid;
	s2 =	stileid.u32;
	s11 =	simm.s32 $0x2  }
0x6: {  	s12 =	simm.s32 $0xFA00;
	s13 =	simm.s32 $0xFE00;
	s14 =	simm.s32 $0x11700  }
0x7: {  	s15 =	simm.s32 $0x1;
	s4 =	sand.u32 $0x1, s3;
	s31 =	sshll.u32 s2, $0x1  }
0x8: {  	s16 =	simm.s32 $0x14900;
	s17 =	simm.s32 $0x0;
	s7 =	sor.u32 s4, s31  }
0x9: {  	s3 =	sadd.s32 $0x26800, s6;
	s4 =	ssub.s32 $0x2, s4;
	s5 =	smul.u32 $0xC80, s7  }
0xa: {  	s8 =	smul.u32 $0x640, s7;
	s9 =	sshll.u32 s7, $0x4;
	s10 =	sshrl.u32 s4, $0x1  }
0xb: {  	s7 =	sshll.u32 s7, $0x7;
	s9 =	sadd.s32 s9, s6;
	s10 =	ssub.s32 s4, s10  }
0xc: {  	s5 =	sadd.s32 s5, s6;
	s8 =	sadd.s32 s8, s6;
	s6 =	sadd.s32 s6, s7  }
0xd: {  	s7 =	sadd.s32 $0x27600, s9;
	s9 =	simm.s32 $0x6400;
	s4 =	sadd.s32 $0xD800, s5;
	v22 =	vpop (erf)  }
0xe: {  	v51 =	vimm.s32 $0x0;
	vm1 =	vcmask $0x704;
	vm10 =	vcmask $0xB08;
	s5 =	sadd.s32 $0x1000, s8;
	s8 =	smax.u32 s10, $0x1;
	s10 =	simm.s32 $0xC800;
	[tilespmem:$0x1FFF0] =	vst v22  }
.LBB2_1:
0xf: {  	[tilespmem:s9], [sflag:$0x1] =	stream.linear.gather [hbm4b:s4+s1], $0x6400, $0x38;
	[tilespmem:$0x14980] =	vst v63  }
0x10: {  	_ = 	snop  }
0x11: {  	[tilespmem:s10], [sflag:$0x1] =	stream.linear.gather [hbm4b:s5+s1], $0x3200, $0x38;
	[tilespmem:$0x14980] =	vst v63  }
0x12: {  	_ = 	snop  }
0x13: {  	[tilespmem:s1], [sflag:$0x2] =	stream.linear.gather [hbm4b:s3+s1], $0x6400, $0x38;
	[tilespmem:$0x14980] =	vst v63  }
0x14: {  	_ =	swait.ge [sflag:s11], $0x6400  }
0x15: {  	[sflag:s11] =	ssyncset.done $0x0  }
0x16: {  	[sflag:s11] =	ssyncadd.s32 $0xFFFF9C00  }
0x17: {  	[tilespmem:s12], [sflag:$0x2] =	stream.linear.gather [hbm4b:s6+s1], $0x280, $0x38;
	[tilespmem:$0x14980] =	vst v63  }
0x18: {  	_ =	swait.ge [sflag:s11], $0x280  }
0x19: {  	[sflag:s11] =	ssyncset.done $0x0  }
0x1a: {  	[sflag:s11] =	ssyncadd.s32 $0xFFFFFD80  }
0x1b: {  	v0 =	vld [tilespmem:$0xFA80]  }
0x1c: {  	v1 =	vld [tilespmem:$0xFB00]  }
0x1d: {  	v2 =	vld [tilespmem:$0xFB80]  }
0x1e: {  	v3 =	vld [tilespmem:$0xFC00];
	_ =	sdelay $0x4  }
0x1f: {  	v47 =	vimm.s32 $0x80;
	v0 =	vsub.f32 v2, v0;
	v1 =	vsub.f32 v3, v1;
	_ =	sdelay $0x1  }
0x20: {  	v0 =	vmul.f32 v1, v0;
	_ =	sdelay $0x1  }
0x21: {  	[tilespmem:$0xFC80] =	vst v0  }
0x22: {  	v48 =	vimm.s32 $0x100;
	v0 =	vld.idx.msk [tilespmem:v47+s12+$0x0], $0xffff;
	_ =	sdelay $0x4  }
0x23: {  	v49 =	vimm.s32 $0x180;
	[tilespmem:$0x1FCC0] =	vst v0;
	v0 =	vld.idx.msk [tilespmem:v48+s12+$0x0], $0xffff;
	_ =	sdelay $0x4  }
0x24: {  	v50 =	vimm.s32 $0x200;
	[tilespmem:$0x1FCD0] =	vst v0;
	v0 =	vld.idx.msk [tilespmem:v49+s12+$0x0], $0xffff;
	_ =	sdelay $0x4  }
0x25: {  	v52 =	vimm.s32 $0x280;
	[tilespmem:$0x1FCE0] =	vst v0;
	v0 =	vld.idx.msk [tilespmem:v50+s12+$0x0], $0xffff;
	_ =	sdelay $0x4  }
0x26: {  	v53 =	vimm.s32 $0x81;
	[tilespmem:$0x1FCF0] =	vst v0;
	v0 =	vld.idx.msk [tilespmem:v52+s12+$0x0], $0xffff;
	_ =	sdelay $0x4  }
0x27: {  	v54 =	vimm.s32 $0x101;
	[tilespmem:$0x1FD00] =	vst v0;
	v0 =	vld.idx.msk [tilespmem:v53+s12+$0x0], $0xffff;
	_ =	sdelay $0x4  }
0x28: {  	v55 =	vimm.s32 $0x181;
	[tilespmem:$0x1FD10] =	vst v0;
	v0 =	vld.idx.msk [tilespmem:v54+s12+$0x0], $0xffff;
	_ =	sdelay $0x4  }
0x29: {  	v56 =	vimm.s32 $0x201;
	[tilespmem:$0x1FD20] =	vst v0;
	v0 =	vld.idx.msk [tilespmem:v55+s12+$0x0], $0xffff;
	_ =	sdelay $0x4  }
0x2a: {  	v57 =	vimm.s32 $0x281;
	[tilespmem:$0x1FD30] =	vst v0;
	v0 =	vld.idx.msk [tilespmem:v56+s12+$0x0], $0xffff;
	_ =	sdelay $0x4  }
0x2b: {  	v58 =	vimm.s32 $0x82;
	[tilespmem:$0x1FD40] =	vst v0;
	v0 =	vld.idx.msk [tilespmem:v57+s12+$0x0], $0xffff;
	_ =	sdelay $0x4  }
0x2c: {  	v59 =	vimm.s32 $0x102;
	[tilespmem:$0x1FD50] =	vst v0;
	v0 =	vld.idx.msk [tilespmem:v58+s12+$0x0], $0xffff;
	_ =	sdelay $0x4  }
0x2d: {  	v60 =	vimm.s32 $0x182;
	[tilespmem:$0x1FD60] =	vst v0;
	v0 =	vld.idx.msk [tilespmem:v59+s12+$0x0], $0xffff;
	_ =	sdelay $0x4  }
0x2e: {  	v61 =	vimm.s32 $0x202;
	[tilespmem:$0x1FD70] =	vst v0;
	v0 =	vld.idx.msk [tilespmem:v60+s12+$0x0], $0xffff;
	_ =	sdelay $0x4  }
0x2f: {  	v62 =	vimm.s32 $0x282;
	[tilespmem:$0x1FD80] =	vst v0;
	v0 =	vld.idx.msk [tilespmem:v61+s12+$0x0], $0xffff;
	_ =	sdelay $0x4  }
0x30: {  	v63 =	vimm.s32 $0x83;
	[tilespmem:$0x1FD90] =	vst v0;
	v0 =	vld.idx.msk [tilespmem:v62+s12+$0x0], $0xffff;
	_ =	sdelay $0x4  }
0x31: {  	v28 =	vimm.s32 $0x103;
	[tilespmem:$0x1FDA0] =	vst v0;
	v0 =	vld.idx.msk [tilespmem:v63+s12+$0x0], $0xffff;
	_ =	sdelay $0x4  }
0x32: {  	v29 =	vimm.s32 $0x183;
	[tilespmem:$0x1FDB0] =	vst v0;
	v0 =	vld.idx.msk [tilespmem:v28+s12+$0x0], $0xffff;
	_ =	sdelay $0x4  }
0x33: {  	v30 =	vimm.s32 $0x203;
	[tilespmem:$0x1FDC0] =	vst v0;
	v0 =	vld.idx.msk [tilespmem:v29+s12+$0x0], $0xffff;
	_ =	sdelay $0x4  }
0x34: {  	v31 =	vimm.s32 $0x283;
	[tilespmem:$0x1FDD0] =	vst v0;
	v0 =	vld.idx.msk [tilespmem:v30+s12+$0x0], $0xffff;
	_ =	sdelay $0x4  }
0x35: {  	v32 =	vimm.s32 $0x84;
	[tilespmem:$0x1FDE0] =	vst v0;
	v0 =	vld.idx.msk [tilespmem:v31+s12+$0x0], $0xffff;
	_ =	sdelay $0x4  }
0x36: {  	v33 =	vimm.s32 $0x104;
	[tilespmem:$0x1FDF0] =	vst v0;
	v0 =	vld.idx.msk [tilespmem:v32+s12+$0x0], $0xffff;
	_ =	sdelay $0x4  }
0x37: {  	v34 =	vimm.s32 $0x184;
	[tilespmem:$0x1FE00] =	vst v0;
	v0 =	vld.idx.msk [tilespmem:v33+s12+$0x0], $0xffff;
	_ =	sdelay $0x4  }
0x38: {  	v35 =	vimm.s32 $0x204;
	[tilespmem:$0x1FE10] =	vst v0;
	v0 =	vld.idx.msk [tilespmem:v34+s12+$0x0], $0xffff;
	_ =	sdelay $0x4  }
0x39: {  	v36 =	vimm.s32 $0x284;
	[tilespmem:$0x1FE20] =	vst v0;
	v0 =	vld.idx.msk [tilespmem:v35+s12+$0x0], $0xffff;
	_ =	sdelay $0x4  }
0x3a: {  	v37 =	vimm.s32 $0x85;
	[tilespmem:$0x1FE30] =	vst v0;
	v0 =	vld.idx.msk [tilespmem:v36+s12+$0x0], $0xffff;
	_ =	sdelay $0x4  }
0x3b: {  	v38 =	vimm.s32 $0x105;
	[tilespmem:$0x1FE40] =	vst v0;
	v0 =	vld.idx.msk [tilespmem:v37+s12+$0x0], $0xffff;
	_ =	sdelay $0x4  }
0x3c: {  	v39 =	vimm.s32 $0x185;
	[tilespmem:$0x1FE50] =	vst v0;
	v0 =	vld.idx.msk [tilespmem:v38+s12+$0x0], $0xffff;
	_ =	sdelay $0x4  }
0x3d: {  	v40 =	vimm.s32 $0x205;
	[tilespmem:$0x1FE60] =	vst v0;
	v0 =	vld.idx.msk [tilespmem:v39+s12+$0x0], $0xffff;
	_ =	sdelay $0x4  }
0x3e: {  	v41 =	vimm.s32 $0x285;
	[tilespmem:$0x1FE70] =	vst v0;
	v0 =	vld.idx.msk [tilespmem:v40+s12+$0x0], $0xffff;
	_ =	sdelay $0x4  }
0x3f: {  	v42 =	vimm.s32 $0x86;
	[tilespmem:$0x1FE80] =	vst v0;
	v0 =	vld.idx.msk [tilespmem:v41+s12+$0x0], $0xffff;
	_ =	sdelay $0x4  }
0x40: {  	v43 =	vimm.s32 $0x106;
	[tilespmem:$0x1FE90] =	vst v0;
	v0 =	vld.idx.msk [tilespmem:v42+s12+$0x0], $0xffff;
	_ =	sdelay $0x4  }
0x41: {  	v44 =	vimm.s32 $0x186;
	[tilespmem:$0x1FEA0] =	vst v0;
	v0 =	vld.idx.msk [tilespmem:v43+s12+$0x0], $0xffff;
	_ =	sdelay $0x4  }
0x42: {  	v45 =	vimm.s32 $0x206;
	[tilespmem:$0x1FEB0] =	vst v0;
	v0 =	vld.idx.msk [tilespmem:v44+s12+$0x0], $0xffff;
	_ =	sdelay $0x4  }
0x43: {  	v46 =	vimm.s32 $0x286;
	[tilespmem:$0x1FEC0] =	vst v0;
	v0 =	vld.idx.msk [tilespmem:v45+s12+$0x0], $0xffff;
	_ =	sdelay $0x4  }
0x44: {  	v47 =	vimm.s32 $0x87;
	[tilespmem:$0x1FED0] =	vst v0;
	v0 =	vld.idx.msk [tilespmem:v46+s12+$0x0], $0xffff;
	_ =	sdelay $0x4  }
0x45: {  	v48 =	vimm.s32 $0x107;
	[tilespmem:$0x1FEE0] =	vst v0;
	v0 =	vld.idx.msk [tilespmem:v47+s12+$0x0], $0xffff;
	_ =	sdelay $0x4  }
0x46: {  	v49 =	vimm.s32 $0x187;
	[tilespmem:$0x1FEF0] =	vst v0;
	v0 =	vld.idx.msk [tilespmem:v48+s12+$0x0], $0xffff;
	_ =	sdelay $0x4  }
0x47: {  	v50 =	vimm.s32 $0x207;
	[tilespmem:$0x1FF00] =	vst v0;
	v0 =	vld.idx.msk [tilespmem:v49+s12+$0x0], $0xffff;
	_ =	sdelay $0x4  }
0x48: {  	v52 =	vimm.s32 $0x287;
	[tilespmem:$0x1FF10] =	vst v0;
	v0 =	vld.idx.msk [tilespmem:v50+s12+$0x0], $0xffff;
	_ =	sdelay $0x4  }
0x49: {  	v53 =	vimm.s32 $0x88;
	[tilespmem:$0x1FF20] =	vst v0;
	v0 =	vld.idx.msk [tilespmem:v52+s12+$0x0], $0xffff;
	_ =	sdelay $0x4  }
0x4a: {  	v54 =	vimm.s32 $0x108;
	[tilespmem:$0x1FF30] =	vst v0;
	v0 =	vld.idx.msk [tilespmem:v53+s12+$0x0], $0xffff;
	_ =	sdelay $0x4  }
0x4b: {  	v55 =	vimm.s32 $0x188;
	[tilespmem:$0x1FF40] =	vst v0;
	v0 =	vld.idx.msk [tilespmem:v54+s12+$0x0], $0xffff;
	_ =	sdelay $0x4  }
0x4c: {  	v56 =	vimm.s32 $0x208;
	[tilespmem:$0x1FF50] =	vst v0;
	v0 =	vld.idx.msk [tilespmem:v55+s12+$0x0], $0xffff;
	_ =	sdelay $0x4  }
0x4d: {  	v57 =	vimm.s32 $0x288;
	[tilespmem:$0x1FF60] =	vst v0;
	v0 =	vld.idx.msk [tilespmem:v56+s12+$0x0], $0xffff;
	_ =	sdelay $0x4  }
0x4e: {  	v58 =	vimm.s32 $0x89;
	[tilespmem:$0x1FF70] =	vst v0;
	v0 =	vld.idx.msk [tilespmem:v57+s12+$0x0], $0xffff;
	_ =	sdelay $0x4  }
0x4f: {  	v59 =	vimm.s32 $0x109;
	[tilespmem:$0x1FF80] =	vst v0;
	v0 =	vld.idx.msk [tilespmem:v58+s12+$0x0], $0xffff;
	_ =	sdelay $0x4  }
0x50: {  	v60 =	vimm.s32 $0x189;
	[tilespmem:$0x1FF90] =	vst v0;
	v0 =	vld.idx.msk [tilespmem:v59+s12+$0x0], $0xffff;
	_ =	sdelay $0x4  }
0x51: {  	v62 =	vimm.s32 $0x209;
	[tilespmem:$0x1FFA0] =	vst v0;
	v0 =	vld.idx.msk [tilespmem:v60+s12+$0x0], $0xffff;
	_ =	sdelay $0x4  }
0x52: {  	v63 =	vimm.s32 $0x289;
	[tilespmem:$0x1FFB0] =	vst v0;
	v0 =	vld.idx.msk [tilespmem:v62+s12+$0x0], $0xffff;
	_ =	sdelay $0x3  }
0x53: {  	v11 =	vimm.f32 $-2.000000000e+00;
	v10 =	vimm.s32 $0x0  }
0x54: {  	v12 =	vimm.s32 $0x0;
	v8 =	vimm.s32 $0x0;
	v7 =	vimm.s32 $0x0;
	[tilespmem:$0x1FFD0] =	vst v0;
	v0 =	vld.idx.msk [tilespmem:v63+s12+$0x0], $0xffff  }
0x55: {  	v6 =	vimm.s32 $0x0;
	v13 =	vimm.s32 $0x0;
	v14 =	vimm.s32 $0x0  }
0x56: {  	v15 =	vimm.s32 $0x0;
	v18 =	vimm.s32 $0x0;
	v26 =	vimm.s32 $0x0  }
0x57: {  	v16 =	vimm.f32 $-2.000000000e+00;
	v17 =	vimm.f32 $-2.000000000e+00;
	v61 =	vimm.f32 $-2.000000000e+00  }
0x58: {  	v19 =	vimm.f32 $-2.000000000e+00;
	v20 =	vimm.f32 $-2.000000000e+00;
	v21 =	vimm.f32 $-2.000000000e+00;
	[tilespmem:$0x1FFC0] =	vst v61  }
0x59: {  	s18 =	simm.s32 $0xFFFFFFFD;
	s19 =	simm.s32 $0x0;
	s20 =	simm.s32 $0x0;
	v22 =	vimm.f32 $-2.000000000e+00;
	v25 =	vimm.f32 $-2.000000000e+00;
	v24 =	vimm.f32 $-2.000000000e+00;
	[tilespmem:$0x1FFE0] =	vst v0  }
.LBB2_2:
0x5a: {  	v31 =	vld [tilespmem:$0x1FCE0]  }
0x5b: {  	v59 =	vld [tilespmem:$0x1FCC0]  }
0x5c: {  	v60 =	vld [tilespmem:$0x1FCF0]  }
0x5d: {  	v58 =	vld [tilespmem:$0x1FCD0]  }
0x5e: {  	[tilespmem:$0x1FBC0] =	vst v26;
	v26 =	vld [tilespmem:$0x1FD30]  }
0x5f: {  	v9 =	vld [tilespmem:$0x1FD10]  }
0x60: {  	[tilespmem:$0x1FBD0] =	vst v18;
	s21 =	sand.u32 $0x70, s19;
	s22 =	sand.u32 $0x7E00, s20;
	v18 =	vld [tilespmem:$0x1FD40]  }
0x61: {  	v23 =	vld [tilespmem:$0x1FD20];
	s21 =	sor.u32 s21, s22  }
0x62: {  	v0 =	vld [tilespmem:s21+$0x100]  }
0x63: {  	v1 =	vld [tilespmem:s21+$0x180]  }
0x64: {  	v2 =	vld [tilespmem:s21+$0x0]  }
0x65: {  	v3 =	vld [tilespmem:s21+$0x80]  }
0x66: {  	v57 =	vld [tilespmem:$0x1FD80]  }
0x67: {  	[tilespmem:$0x1FC10] =	vst v20;
	v34 =	vld [tilespmem:$0x1FD60];
	v4 =	vmul.f32 $5.000000000e-01, v0  }
0x68: {  	[tilespmem:$0x1FC20] =	vst v19;
	v20 =	vld [tilespmem:$0x1FD90];
	v5 =	vmul.f32 $5.000000000e-01, v1  }
0x69: {  	[tilespmem:$0x1FC40] =	vst v6;
	v19 =	vld [tilespmem:$0x1FD50];
	v6 =	vsub.f32 v2, v4;
	v2 =	vadd.f32 v4, v2  }
0x6a: {  	v39 =	vld [tilespmem:$0x1FDA0];
	v4 =	vsub.f32 v3, v5;
	v3 =	vadd.f32 v5, v3  }
0x6b: {  	v43 =	vld [tilespmem:$0x1FD70];
	v0 =	vmul.f32 v1, v0;
	v5 =	vmin.f32 v31, v2  }
0x6c: {  	[tilespmem:$0x1FC60] =	vst v7;
	v37 =	vld [tilespmem:$0x1FDD0];
	v7 =	vmax.f32 v59, v6;
	v62 =	vmin.f32 v60, v3;
	v63 =	vmax.f32 v58, v4  }
0x6d: {  	[tilespmem:$0x1FBE0] =	vst v21;
	v21 =	vld [tilespmem:$0x1FDB0];
	v5 =	vsub.f32 v5, v7;
	v7 =	vsub.f32 v62, v63  }
0x6e: {  	[tilespmem:$0x1FBB0] =	vst v22;
	v22 =	vld [tilespmem:$0x1FDE0];
	v52 =	vadd.f32 v0, v19  }
0x6f: {  	v32 =	vld [tilespmem:$0x1FDC0];
	v53 =	vadd.f32 v0, v39;
	v45 =	vmax.f32 v5, $0.0e+00;
	v5 =	vmax.f32 v7, $0.0e+00  }
0x70: {  	v46 =	vmax.f32 v9, v6;
	v47 =	vmin.f32 v18, v3;
	v1 =	vmul.f32 v5, v45;
	v5 =	vld [tilespmem:$0x1FD00]  }
0x71: {  	[tilespmem:$0x1FC70] =	vst v8;
	v38 =	vld [tilespmem:$0x1FDF0];
	v48 =	vmax.f32 v23, v4;
	v49 =	vmin.f32 v57, v2;
	v8 =	vmax.f32 v34, v6  }
0x72: {  	[tilespmem:$0x1FCB0] =	vst v10;
	v30 =	vld [tilespmem:$0x1FE20];
	v50 =	vmin.f32 v20, v3;
	v9 =	vmax.f32 v43, v4;
	v10 =	vmin.f32 v37, v2  }
0x73: {  	[tilespmem:$0x1FC90] =	vst v11;
	v44 =	vld [tilespmem:$0x1FE00];
	v11 =	vmax.f32 v21, v6;
	v62 =	vsub.f32 v47, v48;
	v7 =	vmin.f32 v26, v2  }
0x74: {  	[tilespmem:$0x1FCA0] =	vst v12;
	v36 =	vld [tilespmem:$0x1FE30];
	v12 =	vmin.f32 v22, v3;
	v8 =	vsub.f32 v49, v8;
	v7 =	vsub.f32 v7, v46  }
0x75: {  	[tilespmem:$0x1FC30] =	vst v13;
	v28 =	vld [tilespmem:$0x1FE70];
	v13 =	vmax.f32 v32, v4;
	v9 =	vsub.f32 v50, v9;
	v5 =	vadd.f32 v0, v5  }
0x76: {  	v40 =	vld [tilespmem:$0x1FE50];
	v62 =	vmax.f32 v62, $0.0e+00;
	v8 =	vmax.f32 v8, $0.0e+00;
	v7 =	vmax.f32 v7, $0.0e+00  }
0x77: {  	[tilespmem:$0x1FB90] =	vst v24;
	v24 =	vld [tilespmem:$0x1FE80];
	v9 =	vmax.f32 v9, $0.0e+00;
	v7 =	vmul.f32 v62, v7;
	v5 =	vsub.f32 v5, v1  }
0x78: {  	v47 =	vld [tilespmem:$0x1FE10];
	v8 =	vmul.f32 v9, v8;
	v9 =	vsub.f32 v10, v11;
	v10 =	vsub.f32 v12, v13  }
0x79: {  	[tilespmem:$0x1FBA0] =	vst v25;
	v25 =	vld [tilespmem:$0x1FE90];
	(erf) = vrcp.f32 v5;
	v5 =	vsub.f32 v52, v7  }
0x7a: {  	[tilespmem:$0x1FC00] =	vst v14;
	v14 =	vld [tilespmem:$0x1FEC0];
	v11 =	vsub.f32 v53, v8;
	v9 =	vmax.f32 v9, $0.0e+00;
	v10 =	vmax.f32 v10, $0.0e+00  }
0x7b: {  	v41 =	vld [tilespmem:$0x1FE60];
	v9 =	vmul.f32 v10, v9;
	(erf) = vrcp.f32 v5  }
0x7c: {  	v33 =	vld [tilespmem:$0x1FE40];
	v10 =	vmin.f32 v30, v2;
	(erf) = vrcp.f32 v11;
	v11 =	vmax.f32 v44, v6  }
0x7d: {  	[tilespmem:$0x1FC80] =	vst v16;
	v16 =	vld [tilespmem:$0x1FED0];
	v12 =	vmax.f32 v47, v4;
	v10 =	vsub.f32 v10, v11;
	v11 =	vmin.f32 v36, v3  }
0x7e: {  	v61 =	vld [tilespmem:$0x1FEB0];
	v5 =	vadd.f32 v0, v38;
	v11 =	vsub.f32 v11, v12  }
0x7f: {  	v55 =	vadd.f32 v0, v25;
	v56 =	vmin.f32 v14, v2;
	v14 =	vld [tilespmem:$0x1FEA0];
	v13 =	vmax.f32 v40, v6  }
0x80: {  	v5 =	vsub.f32 v5, v9;
	v10 =	vmax.f32 v10, $0.0e+00;
	v11 =	vmax.f32 v11, $0.0e+00  }
0x81: {  	v35 =	vld [tilespmem:$0x1FF10];
	v12 =	vmin.f32 v28, v2;
	v10 =	vmul.f32 v11, v10;
	v11 =	vadd.f32 v0, v33  }
0x82: {  	v42 =	vld [tilespmem:$0x1FF70];
	v54 =	vmax.f32 v41, v4;
	v12 =	vsub.f32 v12, v13;
	v13 =	vmin.f32 v24, v3  }
0x83: {  	v46 =	vld [tilespmem:$0x1FF20];
	(erf) = vrcp.f32 v5;
	v13 =	vsub.f32 v13, v54;
	v5 =	vsub.f32 v11, v10  }
0x84: {  	[tilespmem:$0x1FBF0] =	vst v15;
	v15 =	vmin.f32 v16, v3;
	v16 =	vmax.f32 v61, v4;
	v14 =	vmax.f32 v14, v6;
	v53 =	vld [tilespmem:$0x1FEF0]  }
0x85: {  	v12 =	vmax.f32 v12, $0.0e+00;
	v13 =	vmax.f32 v13, $0.0e+00;
	(erf) = vrcp.f32 v5;
	v5 =	vld [tilespmem:$0x1FEE0]  }
0x86: {  	v54 =	vld [tilespmem:$0x1FF00];
	v12 =	vmul.f32 v13, v12;
	v13 =	vsub.f32 v56, v14;
	v14 =	vsub.f32 v15, v16  }
0x87: {  	v27 =	vld [tilespmem:$0x1FF50]  }
0x88: {  	v56 =	vld [tilespmem:$0x1FF40];
	v11 =	vsub.f32 v55, v12;
	v13 =	vmax.f32 v13, $0.0e+00;
	v14 =	vmax.f32 v14, $0.0e+00  }
0x89: {  	v55 =	vld [tilespmem:$0x1FF60];
	v13 =	vmul.f32 v14, v13;
	v14 =	vmax.f32 v53, v6  }
0x8a: {  	v50 =	vld [tilespmem:$0x1FFD0];
	(erf) = vrcp.f32 v11;
	v11 =	vmin.f32 v35, v2;
	v5 =	vadd.f32 v0, v5  }
0x8b: {  	v52 =	vld [tilespmem:$0x1FFA0];
	v15 =	vmax.f32 v54, v4;
	v11 =	vsub.f32 v11, v14;
	v14 =	vmin.f32 v46, v3  }
0x8c: {  	v14 =	vsub.f32 v14, v15;
	v5 =	vsub.f32 v5, v13  }
0x8d: {  	v16 =	vmax.f32 v56, v6  }
0x8e: {  	v49 =	vld [tilespmem:$0x1FFB0];
	v15 =	vmin.f32 v55, v2;
	v14 =	vmax.f32 v14, $0.0e+00;
	(erf) = vrcp.f32 v5  }
0x8f: {  	v48 =	vld [tilespmem:$0x1FF90];
	v5 =	vmax.f32 v11, $0.0e+00;
	v11 =	vsub.f32 v15, v16;
	v15 =	vmin.f32 v42, v3  }
0x90: {  	v29 =	vld [tilespmem:$0x1FF80];
	v16 =	vmax.f32 v27, v4;
	v3 =	vmin.f32 v50, v3;
	v4 =	vmax.f32 v52, v4  }
0x91: {  	v3 =	vsub.f32 v3, v4;
	v4 =	vmul.f32 v14, v5;
	v5 =	vld [tilespmem:$0x1FF30];
	_ =	sdelay $0x1  }
0x92: {  	v45 =	vld [tilespmem:$0x1FFE0]  }
0x93: {  	v6 =	vmax.f32 v48, v6;
	v2 =	vmin.f32 v49, v2;
	v15 =	vsub.f32 v15, v16  }
0x94: {  	v2 =	vsub.f32 v2, v6;
	v6 =	vadd.f32 v0, v29  }
0x95: {  	v11 =	vmax.f32 v11, $0.0e+00;
	v15 =	vmax.f32 v15, $0.0e+00;
	v5 =	vadd.f32 v0, v5  }
0x96: {  	v2 =	vmax.f32 v2, $0.0e+00;
	v3 =	vmax.f32 v3, $0.0e+00;
	v11 =	vmul.f32 v15, v11  }
0x97: {  	v14 =	vmul.f32 v3, v2;
	v0 =	vadd.f32 v0, v45;
	v5 =	vsub.f32 v5, v4  }
0x98: {  	v62 =	vpop (erf);
	v2 =	vsub.f32 v6, v11  }
0x99: {  	v63 =	vpop (erf);
	v0 =	vsub.f32 v0, v14;
	(erf) = vrcp.f32 v5;
	v5 =	vmul.f32 v62, v1  }
0x9a: {  	v6 =	vmul.f32 v63, v7;
	v62 =	vpop (erf);
	(erf) = vrcp.f32 v2  }
0x9b: {  	v7 =	vmul.f32 v62, v8;
	v62 =	vpop (erf);
	(erf) = vrcp.f32 v0;
	v63 =	vmax.f32 v5, $-1.000000000e+00  }
0x9c: {  	v62 =	vmul.f32 v62, v9;
	vm0 =	vgt.f32 v6, v63;
	v0 =	vmax.f32 v63, v6  }
0x9d: {  	v1 =	vsel vm0, $0x1, v51;
	vm0 =	vgt.f32 v7, v0;
	v0 =	vmax.f32 v0, v7  }
0x9e: {  	v63 =	vpop (erf);
	v1 =	vsel vm0, $0x2, v1;
	vm0 =	vgt.f32 v62, v0  }
0x9f: {  	v63 =	vmul.f32 v63, v10;
	v2 =	vpop (erf);
	v3 =	vsel vm0, $0x3, v1  }
0xa0: {  	v0 =	vmax.f32 v0, v62;
	v1 =	vmul.f32 v2, v12;
	v2 =	vpop (erf)  }
0xa1: {  	vm0 =	vgt.f32 v63, v0;
	v8 =	vmax.f32 v0, v63;
	v0 =	vmul.f32 v2, v13  }
0xa2: {  	v2 =	vsel vm0, $0x4, v3;
	vm0 =	vgt.f32 v1, v8;
	v8 =	vmax.f32 v8, v1;
	v3 =	vpop (erf)  }
0xa3: {  	v2 =	vsel vm0, $0x5, v2;
	vm0 =	vgt.f32 v0, v8;
	v3 =	vmul.f32 v3, v4;
	v4 =	vpop (erf)  }
0xa4: {  	v8 =	vmax.f32 v8, v0;
	v9 =	vsel vm0, $0x6, v2;
	v2 =	vmul.f32 v4, v11;
	v4 =	vpop (erf)  }
0xa5: {  	vm0 =	vgt.f32 v3, v8;
	v8 =	vmax.f32 v8, v3;
	v4 =	vmul.f32 v4, v14  }
0xa6: {  	v9 =	vsel vm0, $0x7, v9;
	vm0 =	vgt.f32 v2, v8;
	v8 =	vmax.f32 v8, v2  }
0xa7: {  	s28 =	sshra.s32 s20, $0x2;
	s23 =	sadd.s32 $0x10, s19;
	s29 =	sadd.s32 $0x40, s20;
	v9 =	vsel vm0, $0x8, v9;
	vm0 =	vgt.f32 v4, v8;
	v8 =	vmax.f32 v8, v4  }
0xa8: {  	s24 =	sand.u32 $0x70, s23;
	s22 =	sand.u32 $0xFE00, s29;
	v9 =	vsel vm0, $0x9, v9;
	[tilespmem:s28+$0xFE00] =	vst v8  }
0xa9: {  	s22 =	sor.u32 s24, s22;
	[tilespmem:s28+$0x11700] =	vst v9  }
0xaa: {  	v8 =	vld [tilespmem:s22+$0x100]  }
0xab: {  	v9 =	vld [tilespmem:s22+$0x180]  }
0xac: {  	v10 =	vld [tilespmem:s22+$0x0]  }
0xad: {  	v11 =	vld [tilespmem:s22+$0x80];
	_ =	sdelay $0x1  }
0xae: {  	v12 =	vmul.f32 $5.000000000e-01, v8  }
0xaf: {  	v13 =	vmul.f32 $5.000000000e-01, v9  }
0xb0: {  	v14 =	vsub.f32 v10, v12;
	v10 =	vadd.f32 v12, v10  }
0xb1: {  	v12 =	vsub.f32 v11, v13;
	v11 =	vadd.f32 v13, v11  }
0xb2: {  	v8 =	vmul.f32 v9, v8;
	v13 =	vmin.f32 v31, v10;
	v15 =	vmax.f32 v59, v14  }
0xb3: {  	v16 =	vld [tilespmem:$0x1FD10];
	v9 =	vmin.f32 v60, v11;
	v13 =	vsub.f32 v13, v15;
	v15 =	vmax.f32 v58, v12  }
0xb4: {  	v9 =	vsub.f32 v9, v15;
	_ =	sdelay $0x1  }
0xb5: {  	v13 =	vmax.f32 v13, $0.0e+00;
	v9 =	vmax.f32 v9, $0.0e+00  }
0xb6: {  	v9 =	vmul.f32 v9, v13;
	v13 =	vld [tilespmem:$0x1FD00]  }
0xb7: {  	v16 =	vmax.f32 v16, v14  }
0xb8: {  	[tilespmem:$0x1FC50] =	vst v17;
	v17 =	vmin.f32 v18, v11;
	v18 =	vmax.f32 v23, v12;
	v15 =	vmin.f32 v26, v10  }
0xb9: {  	v31 =	vmovc v23;
	v23 =	vmin.f32 v24, v11;
	v15 =	vsub.f32 v15, v16;
	v16 =	vsub.f32 v17, v18  }
0xba: {  	v24 =	vmax.f32 v41, v12;
	v17 =	vmin.f32 v57, v10;
	v18 =	vmax.f32 v34, v14  }
0xbb: {  	v15 =	vmax.f32 v15, $0.0e+00;
	v16 =	vmax.f32 v16, $0.0e+00;
	v13 =	vadd.f32 v8, v13  }
0xbc: {  	v17 =	vsub.f32 v17, v18;
	v18 =	vmin.f32 v20, v11;
	v15 =	vmul.f32 v16, v15  }
0xbd: {  	v16 =	vadd.f32 v8, v19;
	v19 =	vmax.f32 v43, v12;
	v13 =	vsub.f32 v13, v9  }
0xbe: {  	v20 =	vmax.f32 v21, v14;
	v21 =	vmin.f32 v22, v11;
	v18 =	vsub.f32 v18, v19  }
0xbf: {  	v22 =	vmax.f32 v32, v12;
	v19 =	vmin.f32 v37, v10;
	(erf) = vrcp.f32 v13  }
0xc0: {  	v13 =	vsub.f32 v16, v15;
	v16 =	vmax.f32 v17, $0.0e+00;
	v17 =	vmax.f32 v18, $0.0e+00  }
0xc1: {  	v18 =	vadd.f32 v8, v39;
	v16 =	vmul.f32 v17, v16;
	v17 =	vsub.f32 v19, v20  }
0xc2: {  	v19 =	vsub.f32 v21, v22;
	v20 =	vmax.f32 v44, v14;
	v21 =	vmin.f32 v36, v11  }
0xc3: {  	v22 =	vmax.f32 v47, v12;
	(erf) = vrcp.f32 v13;
	v13 =	vsub.f32 v18, v16  }
0xc4: {  	v17 =	vmax.f32 v17, $0.0e+00;
	v18 =	vmax.f32 v19, $0.0e+00;
	v19 =	vmin.f32 v30, v10  }
0xc5: {  	v17 =	vmul.f32 v18, v17;
	v18 =	vadd.f32 v8, v38;
	v19 =	vsub.f32 v19, v20  }
0xc6: {  	v20 =	vsub.f32 v21, v22;
	v21 =	vmin.f32 v28, v10;
	v22 =	vmax.f32 v40, v14  }
0xc7: {  	(erf) = vrcp.f32 v13;
	v13 =	vsub.f32 v21, v22;
	v21 =	vsub.f32 v23, v24  }
0xc8: {  	v18 =	vsub.f32 v18, v17;
	v19 =	vmax.f32 v19, $0.0e+00;
	v20 =	vmax.f32 v20, $0.0e+00  }
0xc9: {  	v22 =	vld [tilespmem:$0x1FEA0];
	v19 =	vmul.f32 v20, v19;
	v20 =	vmax.f32 v21, $0.0e+00;
	v21 =	vadd.f32 v8, v33  }
0xca: {  	v23 =	vld [tilespmem:$0x1FED0]  }
0xcb: {  	(erf) = vrcp.f32 v18;
	v18 =	vsub.f32 v21, v19;
	v21 =	vld [tilespmem:$0x1FEC0]  }
0xcc: {  	v13 =	vmax.f32 v13, $0.0e+00  }
0xcd: {  	v13 =	vmul.f32 v20, v13;
	v20 =	vadd.f32 v8, v25  }
0xce: {  	v26 =	vmax.f32 v27, v12;
	v24 =	vmax.f32 v61, v12  }
0xcf: {  	v25 =	vmin.f32 v42, v11;
	v20 =	vsub.f32 v20, v13;
	v22 =	vmax.f32 v22, v14  }
0xd0: {  	v23 =	vmin.f32 v23, v11;
	(erf) = vrcp.f32 v18;
	v21 =	vmin.f32 v21, v10  }
0xd1: {  	v18 =	vsub.f32 v21, v22;
	v21 =	vsub.f32 v23, v24;
	v23 =	vmin.f32 v46, v11  }
0xd2: {  	v39 =	vld [tilespmem:$0x1FEE0];
	v24 =	vmax.f32 v54, v12;
	v11 =	vmin.f32 v50, v11;
	v12 =	vmax.f32 v52, v12  }
0xd3: {  	(erf) = vrcp.f32 v20;
	v22 =	vmax.f32 v53, v14;
	v11 =	vsub.f32 v11, v12  }
0xd4: {  	v18 =	vmax.f32 v18, $0.0e+00;
	v20 =	vmax.f32 v21, $0.0e+00;
	v21 =	vmin.f32 v35, v10  }
0xd5: {  	v21 =	vsub.f32 v21, v22;
	v22 =	vsub.f32 v23, v24;
	v23 =	vmin.f32 v55, v10  }
0xd6: {  	v41 =	vld [tilespmem:$0x1FF30];
	v24 =	vmax.f32 v56, v14;
	v18 =	vmul.f32 v20, v18;
	v10 =	vmin.f32 v49, v10  }
0xd7: {  	v14 =	vmax.f32 v48, v14;
	v20 =	vsub.f32 v23, v24;
	v24 =	vadd.f32 v8, v39  }
0xd8: {  	v11 =	vmax.f32 v11, $0.0e+00;
	v23 =	vsub.f32 v25, v26;
	v10 =	vsub.f32 v10, v14  }
0xd9: {  	v14 =	vmax.f32 v21, $0.0e+00;
	v21 =	vmax.f32 v22, $0.0e+00;
	v12 =	vsub.f32 v24, v18  }
0xda: {  	v20 =	vmax.f32 v20, $0.0e+00;
	v22 =	vmax.f32 v23, $0.0e+00;
	v14 =	vmul.f32 v21, v14  }
0xdb: {  	v21 =	vadd.f32 v8, v41;
	v10 =	vmax.f32 v10, $0.0e+00;
	v20 =	vmul.f32 v22, v20  }
0xdc: {  	v22 =	vadd.f32 v8, v29;
	v10 =	vmul.f32 v11, v10;
	v8 =	vadd.f32 v8, v45  }
0xdd: {  	v11 =	vsub.f32 v21, v14  }
0xde: {  	(erf) = vrcp.f32 v12;
	v21 =	vld [tilespmem:$0x1FB90];
	v12 =	vsub.f32 v22, v20;
	v8 =	vsub.f32 v8, v10  }
0xdf: {  	v22 =	vld [tilespmem:$0x1FBA0];
	(erf) = vrcp.f32 v11  }
0xe0: {  	(erf) = vrcp.f32 v12  }
0xe1: {  	v11 =	vpop (erf);
	(erf) = vrcp.f32 v8  }
0xe2: {  	v23 =	vld [tilespmem:$0x1FBB0];
	v8 =	vpop (erf)  }
0xe3: {  	v12 =	vpop (erf)  }
0xe4: {  	vm0 =	vgt.f32 v5, v21;
	v5 =	vmax.f32 v21, v5;
	vm2 =	vgt.f32 v6, v22;
	v21 =	vpop (erf)  }
0xe5: {  	v6 =	vmax.f32 v22, v6;
	v12 =	vmul.f32 v12, v16;
	v22 =	vpop (erf);
	v16 =	vmul.f32 v21, v17;
	v21 =	vld [tilespmem:$0x1FBC0]  }
0xe6: {  	v32 =	vmov v61;
	v9 =	vmul.f32 v11, v9;
	v11 =	vpop (erf)  }
0xe7: {  	v60 =	vld [tilespmem:$0x1FFC0];
	vm11 =	vgt.f32 v7, v23;
	v7 =	vmax.f32 v23, v7;
	v8 =	vmul.f32 v8, v15;
	v17 =	vpop (erf)  }
0xe8: {  	v61 =	vld [tilespmem:$0x1FCA0];
	v15 =	vlaneseq.u32;
	v19 =	vmul.f32 v22, v19;
	v11 =	vmul.f32 v11, v13;
	v13 =	vpop (erf)  }
0xe9: {  	v33 =	vld [tilespmem:$0x1FC20];
	v15 =	vor.u32 s19, v15;
	v17 =	vmul.f32 v17, v18;
	v18 =	vpop (erf);
	v13 =	vmul.f32 v13, v14  }
0xea: {  	v42 =	vld [tilespmem:$0x1FC50];
	v14 =	vmax.f32 v9, $-1.000000000e+00;
	v21 =	vsel vm0, v15, v21;
	v18 =	vmul.f32 v18, v20;
	v20 =	vpop (erf)  }
0xeb: {  	v52 =	vld [tilespmem:$0x1FC80];
	vm0 =	vgt.f32 v8, v14;
	v14 =	vmax.f32 v14, v8;
	v57 =	vmul.f32 v20, v10  }
0xec: {  	v40 =	vmovc v53;
	v53 =	vld [tilespmem:$0x1FC90];
	v10 =	vsel vm0, $0x1, v51;
	vm0 =	vgt.f32 v12, v14;
	v14 =	vmax.f32 v14, v12  }
0xed: {  	v48 =	vld [tilespmem:$0x1FC60];
	v10 =	vsel vm0, $0x2, v10;
	vm0 =	vgt.f32 v16, v14;
	v14 =	vmax.f32 v14, v16  }
0xee: {  	v49 =	vld [tilespmem:$0x1FC70];
	v10 =	vsel vm0, $0x3, v10;
	vm0 =	vgt.f32 v19, v14;
	v14 =	vmax.f32 v14, v19  }
0xef: {  	v23 =	vld [tilespmem:$0x1FBE0];
	v10 =	vsel vm0, $0x4, v10;
	vm0 =	vgt.f32 v11, v14;
	v14 =	vmax.f32 v14, v11  }
0xf0: {  	v56 =	vld [tilespmem:$0x1FCD0];
	v10 =	vsel vm0, $0x5, v10;
	vm0 =	vgt.f32 v17, v14;
	v14 =	vmax.f32 v14, v17  }
0xf1: {  	v25 =	vld [tilespmem:$0x1FC40];
	v10 =	vsel vm0, $0x6, v10;
	vm0 =	vgt.f32 v13, v14;
	v14 =	vmax.f32 v14, v13  }
0xf2: {  	v24 =	vld [tilespmem:$0x1FC10];
	v10 =	vsel vm0, $0x7, v10;
	vm0 =	vgt.f32 v18, v14;
	v14 =	vmax.f32 v14, v18  }
0xf3: {  	v22 =	vld [tilespmem:$0x1FBD0];
	v10 =	vsel vm0, $0x8, v10;
	vm0 =	vgt.f32 v57, v14  }
0xf4: {  	s30 =	sadd.s32 $0x20, s19;
	s31 =	sadd.s32 $0x80, s20;
	vm12 =	vgt.f32 v62, v23;
	v23 =	vmax.f32 v23, v62;
	v62 =	vld [tilespmem:$0x1FCB0];
	v10 =	vsel vm0, $0x9, v10  }
0xf5: {  	s25 =	sand.u32 $0x70, s30;
	s24 =	sand.u32 $0xFE00, s31;
	v14 =	vmax.f32 v14, v57;
	[tilespmem:s28+$0x11710] =	vst v10;
	v10 =	vld [tilespmem:$0x1FC30]  }
0xf6: {  	s24 =	sor.u32 s25, s24;
	v20 =	vld [tilespmem:$0x1FC00];
	[tilespmem:s28+$0xFE10] =	vst v14  }
0xf7: {  	v46 =	vmax.f32 v60, v0;
	v26 =	vld [tilespmem:s24+$0x100]  }
0xf8: {  	v55 =	vmax.f32 v33, v1;
	v22 =	vsel vm2, v15, v22;
	vm2 =	vgt.f32 v1, v33;
	v1 =	vld [tilespmem:s24+$0x180]  }
0xf9: {  	v25 =	vsel vm2, v15, v25;
	vm2 =	vgt.f32 v3, v42;
	vm0 =	vgt.f32 v63, v24;
	v50 =	vld [tilespmem:s24+$0x0]  }
0xfa: {  	v24 =	vmax.f32 v24, v63;
	v54 =	vld [tilespmem:s24+$0x80];
	v10 =	vsel vm0, v15, v10;
	vm0 =	vgt.f32 v0, v60  }
0xfb: {  	v33 =	vld [tilespmem:$0x1FCE0];
	v60 =	vmax.f32 v52, v2;
	v58 =	vsel vm0, v15, v48;
	v48 =	vsel vm2, v15, v49  }
0xfc: {  	vm0 =	vgt.f32 v2, v52;
	vm2 =	vgt.f32 v4, v53;
	v63 =	vmul.f32 $5.000000000e-01, v26;
	v52 =	vld [tilespmem:$0x1FCC0]  }
0xfd: {  	v14 =	vld [tilespmem:$0x1FBF0];
	v59 =	vsel vm0, v15, v61;
	v61 =	vmax.f32 v53, v4;
	v4 =	vmul.f32 $5.000000000e-01, v1  }
0xfe: {  	v43 =	vlaneseq.u32;
	v47 =	vsub.f32 v50, v63;
	v50 =	vadd.f32 v63, v50;
	v63 =	vld [tilespmem:$0x1FD30]  }
0xff: {  	v44 =	vmax.f32 v42, v3;
	v49 =	vsub.f32 v54, v4;
	v53 =	vadd.f32 v4, v54;
	v54 =	vld [tilespmem:$0x1FCF0]  }
0x100: {  	v45 =	vmax.f32 v6, v8;
	v42 =	vor.u32 s23, v43;
	v0 =	vmin.f32 v33, v50;
	v33 =	vld [tilespmem:$0x1FD10]  }
0x101: {  	v20 =	vsel vm12, v15, v20;
	v43 =	vmul.f32 v1, v26;
	v1 =	vmax.f32 v52, v47;
	v52 =	vld [tilespmem:$0x1FD40]  }
0x102: {  	v14 =	vsel vm11, v15, v14;
	v15 =	vsel vm2, v15, v62;
	vm0 =	vgt.f32 v9, v5  }
0x103: {  	v9 =	vmax.f32 v5, v9;
	vm2 =	vgt.f32 v8, v6;
	v2 =	vsub.f32 v0, v1  }
0x104: {  	v1 =	vmax.f32 v56, v49;
	v56 =	vld [tilespmem:$0x1FD00];
	v0 =	vmin.f32 v54, v53;
	v54 =	vmax.f32 v31, v49  }
0x105: {  	v62 =	vsub.f32 v0, v1;
	v0 =	vmin.f32 v63, v50;
	v1 =	vmax.f32 v33, v47  }
0x106: {  	v6 =	vmax.f32 v2, $0.0e+00;
	v4 =	vsub.f32 v0, v1;
	v0 =	vmin.f32 v52, v53  }
0x107: {  	v1 =	vsel vm0, v42, v21;
	vm0 =	vgt.f32 v12, v7;
	v5 =	vsub.f32 v0, v54  }
0x108: {  	v3 =	vmax.f32 v62, $0.0e+00;
	v2 =	vsel vm0, v42, v14;
	vm0 =	vgt.f32 v16, v23  }
0x109: {  	v8 =	vmul.f32 v3, v6;
	v6 =	vadd.f32 v43, v56;
	v62 =	vmax.f32 v4, $0.0e+00  }
0x10a: {  	v3 =	vsel vm0, v42, v20;
	vm0 =	vgt.f32 v19, v24;
	v4 =	vmax.f32 v5, $0.0e+00  }
0x10b: {  	v54 =	vmax.f32 v7, v12;
	v12 =	vmul.f32 v4, v62;
	v4 =	vsel vm0, v42, v10;
	v10 =	vld [tilespmem:$0x1FD80]  }
0x10c: {  	v63 =	vld [tilespmem:$0x1FD50];
	v6 =	vsub.f32 v6, v8  }
0x10d: {  	vm0 =	vgt.f32 v11, v55  }
0x10e: {  	(erf) = vrcp.f32 v6;
	v6 =	vsel vm0, v42, v25;
	vm0 =	vgt.f32 v17, v46  }
0x10f: {  	v55 =	vmax.f32 v55, v11;
	v11 =	vmax.f32 v34, v47;
	v7 =	vsel vm0, v42, v58  }
0x110: {  	vm0 =	vgt.f32 v13, v44;
	v44 =	vmax.f32 v44, v13;
	v13 =	vld [tilespmem:$0x1FD70];
	v10 =	vmin.f32 v10, v50  }
0x111: {  	v5 =	vadd.f32 v43, v63;
	v10 =	vsub.f32 v10, v11;
	v11 =	vld [tilespmem:$0x1FD90];
	_ =	sdelay $0x1  }
0x112: {  	v31 =	vmax.f32 v23, v16;
	v16 =	vld [tilespmem:$0x1FDB0];
	v5 =	vsub.f32 v5, v12  }
0x113: {  	v46 =	vmax.f32 v46, v17;
	v17 =	vld [tilespmem:$0x1FDE0];
	v58 =	vmax.f32 v60, v18  }
0x114: {  	(erf) = vrcp.f32 v5;
	v5 =	vsel vm0, v42, v48;
	vm0 =	vgt.f32 v18, v60;
	v18 =	vld [tilespmem:$0x1FDC0]  }
0x115: {  	v13 =	vmax.f32 v13, v49;
	v11 =	vmin.f32 v11, v53  }
0x116: {  	v11 =	vsub.f32 v11, v13;
	v13 =	vld [tilespmem:$0x1FDA0]  }
0x117: {  	v14 =	vmin.f32 v37, v50;
	v16 =	vmax.f32 v16, v47  }
0x118: {  	v17 =	vmin.f32 v17, v53;
	v10 =	vmax.f32 v10, $0.0e+00;
	v11 =	vmax.f32 v11, $0.0e+00  }
0x119: {  	v18 =	vmax.f32 v18, v49;
	v10 =	vmul.f32 v11, v10;
	v11 =	vsub.f32 v14, v16;
	v16 =	vld [tilespmem:$0x1FE00]  }
0x11a: {  	v14 =	vsub.f32 v17, v18;
	v18 =	vld [tilespmem:$0x1FE10]  }
0x11b: {  	v23 =	vsel vm0, v42, v59;
	vm0 =	vgt.f32 v57, v61;
	v13 =	vadd.f32 v43, v13  }
0x11c: {  	v0 =	vsel vm2, v42, v22;
	v42 =	vsel vm0, v42, v15;
	v15 =	vpop (erf)  }
0x11d: {  	v8 =	vmul.f32 v15, v8;
	v13 =	vsub.f32 v13, v10  }
0x11e: {  	v15 =	vmin.f32 v30, v50;
	v17 =	vmin.f32 v36, v53;
	v16 =	vmax.f32 v16, v47  }
0x11f: {  	v18 =	vmax.f32 v18, v49;
	(erf) = vrcp.f32 v13;
	v13 =	vsub.f32 v15, v16;
	v16 =	vld [tilespmem:$0x1FE70]  }
0x120: {  	v15 =	vsub.f32 v17, v18;
	v17 =	vld [tilespmem:$0x1FE50];
	_ =	sdelay $0x3  }
0x121: {  	v13 =	vmax.f32 v13, $0.0e+00;
	v15 =	vmax.f32 v15, $0.0e+00  }
0x122: {  	v13 =	vmul.f32 v15, v13;
	v15 =	vld [tilespmem:$0x1FE80];
	v16 =	vmin.f32 v16, v50;
	v17 =	vmax.f32 v17, v47  }
0x123: {  	v16 =	vsub.f32 v16, v17;
	v17 =	vld [tilespmem:$0x1FE60];
	_ =	sdelay $0x2  }
0x124: {  	v33 =	vmax.f32 v24, v19;
	v19 =	vpop (erf)  }
0x125: {  	v12 =	vmul.f32 v19, v12;
	v19 =	vld [tilespmem:$0x1FED0]  }
0x126: {  	v18 =	vld [tilespmem:$0x1FEA0];
	v15 =	vmin.f32 v15, v53;
	v17 =	vmax.f32 v17, v49  }
0x127: {  	v15 =	vsub.f32 v15, v17;
	v17 =	vld [tilespmem:$0x1FEC0];
	_ =	sdelay $0x2  }
0x128: {  	v11 =	vmax.f32 v11, $0.0e+00;
	v14 =	vmax.f32 v14, $0.0e+00  }
0x129: {  	v20 =	vmax.f32 v32, v49;
	v11 =	vmul.f32 v14, v11;
	v14 =	vadd.f32 v43, v38  }
0x12a: {  	v19 =	vmin.f32 v19, v53;
	v18 =	vmax.f32 v18, v47;
	v17 =	vmin.f32 v17, v50  }
0x12b: {  	v17 =	vsub.f32 v17, v18;
	v18 =	vsub.f32 v19, v20;
	v19 =	vld [tilespmem:$0x1FE40];
	_ =	sdelay $0x1  }
0x12c: {  	v14 =	vsub.f32 v14, v11;
	_ =	sdelay $0x1  }
0x12d: {  	(erf) = vrcp.f32 v14  }
0x12e: {  	v16 =	vmax.f32 v16, $0.0e+00;
	v15 =	vmax.f32 v15, $0.0e+00;
	v19 =	vadd.f32 v43, v19  }
0x12f: {  	v15 =	vmul.f32 v15, v16;
	v16 =	vld [tilespmem:$0x1FE90];
	v20 =	vmax.f32 v40, v47;
	v14 =	vmax.f32 v17, $0.0e+00  }
0x130: {  	v21 =	vld [tilespmem:$0x1FF00];
	v17 =	vmax.f32 v18, $0.0e+00;
	v18 =	vsub.f32 v19, v13;
	v19 =	vmin.f32 v35, v50  }
0x131: {  	v19 =	vsub.f32 v19, v20;
	v20 =	vld [tilespmem:$0x1FF20];
	_ =	sdelay $0x2  }
0x132: {  	v16 =	vadd.f32 v43, v16  }
0x133: {  	v14 =	vmul.f32 v17, v14;
	v17 =	vadd.f32 v43, v39  }
0x134: {  	v21 =	vmax.f32 v21, v49;
	v16 =	vsub.f32 v16, v15;
	v20 =	vmin.f32 v20, v53  }
0x135: {  	v17 =	vsub.f32 v17, v14;
	(erf) = vrcp.f32 v18;
	v18 =	vsub.f32 v20, v21  }
0x136: {  	vm11 =	vgt.f32 v8, v9;
	v24 =	vmax.f32 v9, v8;
	(erf) = vrcp.f32 v16  }
0x137: {  	v9 =	vmax.f32 v19, $0.0e+00;
	(erf) = vrcp.f32 v17;
	v17 =	vld [tilespmem:$0x1FF40];
	v16 =	vmax.f32 v18, $0.0e+00  }
0x138: {  	v9 =	vmul.f32 v16, v9;
	v16 =	vld [tilespmem:$0x1FF60];
	_ =	sdelay $0x4  }
0x139: {  	v17 =	vmax.f32 v17, v47;
	v16 =	vmin.f32 v16, v50  }
0x13a: {  	v16 =	vsub.f32 v16, v17;
	v17 =	vld [tilespmem:$0x1FF70];
	_ =	sdelay $0x1  }
0x13b: {  	v20 =	vld [tilespmem:$0x1FF90]  }
0x13c: {  	v19 =	vld [tilespmem:$0x1FFB0];
	_ =	sdelay $0x1  }
0x13d: {  	v8 =	vmax.f32 v8, $-1.000000000e+00;
	v18 =	vmax.f32 v27, v49;
	v17 =	vmin.f32 v17, v53  }
0x13e: {  	v22 =	vld [tilespmem:$0x1FFA0];
	vm13 =	vgt.f32 v12, v8;
	v17 =	vsub.f32 v17, v18  }
0x13f: {  	v8 =	vmax.f32 v8, v12;
	v21 =	vld [tilespmem:$0x1FFD0];
	v20 =	vmax.f32 v20, v47;
	v18 =	vadd.f32 v43, v41  }
0x140: {  	v28 =	vmovc v29;
	v19 =	vmin.f32 v19, v50;
	v16 =	vmax.f32 v16, $0.0e+00;
	v17 =	vmax.f32 v17, $0.0e+00  }
0x141: {  	v18 =	vsub.f32 v18, v9;
	v16 =	vmul.f32 v17, v16;
	v17 =	vadd.f32 v43, v28  }
0x142: {  	vm12 =	vgt.f32 v12, v45;
	v25 =	vmax.f32 v45, v12;
	v12 =	vsub.f32 v19, v20;
	v20 =	vpop (erf)  }
0x143: {  	v10 =	vmul.f32 v20, v10;
	v17 =	vsub.f32 v17, v16  }
0x144: {  	v22 =	vmax.f32 v22, v49;
	v21 =	vmin.f32 v21, v53;
	(erf) = vrcp.f32 v18  }
0x145: {  	v19 =	vsub.f32 v21, v22;
	v12 =	vmax.f32 v12, $0.0e+00;
	v18 =	vpop (erf);
	(erf) = vrcp.f32 v17;
	v17 =	vld [tilespmem:$0x1FFE0]  }
0x146: {  	vm3 =	vgt.f32 v10, v8;
	v8 =	vmax.f32 v8, v10;
	vm14 =	vgt.f32 v10, v54  }
0x147: {  	v22 =	vmax.f32 v54, v10;
	v11 =	vmul.f32 v18, v11;
	v18 =	vmax.f32 v19, $0.0e+00;
	v10 =	vpop (erf)  }
0x148: {  	v12 =	vmul.f32 v18, v12;
	v10 =	vmul.f32 v10, v13  }
0x149: {  	v13 =	vpop (erf);
	vm2 =	vgt.f32 v11, v8;
	v8 =	vmax.f32 v8, v11;
	vm15 =	vgt.f32 v11, v31  }
0x14a: {  	v21 =	vmax.f32 v31, v11;
	v11 =	vmul.f32 v13, v15;
	v17 =	vadd.f32 v43, v17  }
0x14b: {  	v13 =	vpop (erf);
	vm4 =	vgt.f32 v10, v8;
	v8 =	vmax.f32 v8, v10;
	vm0 =	vgt.f32 v10, v33  }
0x14c: {  	v20 =	vmax.f32 v33, v10;
	v10 =	vmul.f32 v13, v14;
	v17 =	vsub.f32 v17, v12  }
0x14d: {  	vm5 =	vgt.f32 v11, v8;
	v8 =	vmax.f32 v8, v11;
	vm6 =	vgt.f32 v11, v55  }
0x14e: {  	v19 =	vmax.f32 v55, v11;
	vm7 =	vgt.f32 v10, v8;
	(erf) = vrcp.f32 v17  }
0x14f: {  	v8 =	vmax.f32 v8, v10;
	vm8 =	vgt.f32 v10, v46;
	v10 =	vmax.f32 v46, v10;
	v11 =	vpop (erf)  }
0x150: {  	[tilespmem:$0x1FFC0] =	vst v10;
	v10 =	vsel vm13, $0x1, v51;
	v9 =	vmul.f32 v11, v9  }
0x151: {  	v29 =	vlaneseq.u32;
	v10 =	vsel vm3, $0x2, v10  }
0x152: {  	v59 =	vmax.f32 v61, v57;
	v10 =	vsel vm2, $0x3, v10;
	v11 =	vpop (erf);
	vm3 =	vgt.f32 v9, v8  }
0x153: {  	v8 =	vmax.f32 v8, v9;
	vm13 =	vgt.f32 v9, v44;
	v11 =	vmul.f32 v11, v16  }
0x154: {  	v17 =	vmax.f32 v44, v9;
	v9 =	vor.u32 s30, v29;
	v60 =	vsel vm4, $0x4, v10  }
0x155: {  	v26 =	vsel vm11, v9, v1;
	v18 =	vsel vm12, v9, v0;
	v15 =	vsel vm14, v9, v2  }
0x156: {  	s18 =	sadd.s32 $0x3, s18;
	v61 =	vsel vm5, $0x5, v60;
	v14 =	vsel vm15, v9, v3;
	vm2 =	vgt.f32 v11, v8  }
0x157: {  	p0 =	slt.u32 s18, $0x18C;
	v8 =	vmax.f32 v8, v11;
	vm9 =	vgt.f32 v11, v58;
	v16 =	vmax.f32 v58, v11;
	v11 =	vpop (erf)  }
.Ltmp0:
0x158: {  	v13 =	vsel vm0, v9, v4;
	v0 =	vsel vm7, $0x6, v61;
	v11 =	vmul.f32 v11, v12;
	(pc) =	sbr.rel @p0 .LBB2_2-.Ltmp0, $4  }
0x159: {  	v6 =	vsel vm6, v9, v6;
	v7 =	vsel vm8, v9, v7;
	v0 =	vsel vm3, $0x7, v0  }
0x15a: {  	v0 =	vsel vm2, $0x8, v0;
	vm0 =	vgt.f32 v11, v8;
	v63 =	vmax.f32 v8, v11  }
0x15b: {  	v12 =	vsel vm9, v9, v23;
	[tilespmem:s28+$0xFE20] =	vst v63;
	v0 =	vsel vm0, $0x9, v0;
	vm0 =	vgt.f32 v11, v59  }
0x15c: {  	s20 =	sadd.s32 $0xC0, s20;
	s19 =	sadd.s32 $0x30, s19;
	v8 =	vsel vm13, v9, v5;
	v11 =	vmax.f32 v59, v11;
	v10 =	vsel vm0, v9, v42;
	[tilespmem:s28+$0x11720] =	vst v0  }
0x15d: {  	(xrf0) =	vmax.scan.msk.f32 $0xffff, v24;
	_ =	sdelay $0x5  }
0x15e: {  	v0, _, _ =	vpop (xrf0)  }
0x15f: {  	v0 =	vbroadcast v0, $0xF;
	_ =	sdelay $0x1  }
0x160: {  	vm0 =	veq.f32 v24, v0;
	v0 =	vxor.u32 $0x80000000, v26  }
0x161: {  	v0 =	vnsel vm0, $0xC0000000, v0  }
0x162: {  	(xrf0) =	vmin.scan.msk.u32 $0xffff, v0  }
0x163: {  	(xrf0) =	vmax.scan.msk.f32 $0xffff, v25;
	_ =	sdelay $0x4  }
0x164: {  	v0, _, _ =	vpop (xrf0)  }
0x165: {  	v1, _, _ =	vpop (xrf0)  }
0x166: {  	v1 =	vbroadcast v1, $0xF;
	_ =	sdelay $0x1  }
0x167: {  	vm0 =	veq.f32 v25, v1;
	v1 =	vxor.u32 $0x80000000, v18  }
0x168: {  	v1 =	vnsel vm0, $0xC0000000, v1  }
0x169: {  	(xrf0) =	vmin.scan.msk.u32 $0xffff, v1  }
0x16a: {  	(xrf0) =	vmax.scan.msk.f32 $0xffff, v22;
	_ =	sdelay $0x4  }
0x16b: {  	v1, _, _ =	vpop (xrf0)  }
0x16c: {  	v2, _, _ =	vpop (xrf0)  }
0x16d: {  	v2 =	vbroadcast v2, $0xF;
	_ =	sdelay $0x1  }
0x16e: {  	vm0 =	veq.f32 v22, v2;
	v2 =	vxor.u32 $0x80000000, v15  }
0x16f: {  	v2 =	vnsel vm0, $0xC0000000, v2  }
0x170: {  	(xrf0) =	vmin.scan.msk.u32 $0xffff, v2  }
0x171: {  	(xrf0) =	vmax.scan.msk.f32 $0xffff, v21;
	_ =	sdelay $0x4  }
0x172: {  	v2, _, _ =	vpop (xrf0)  }
0x173: {  	v3, _, _ =	vpop (xrf0)  }
0x174: {  	v3 =	vbroadcast v3, $0xF;
	_ =	sdelay $0x1  }
0x175: {  	vm0 =	veq.f32 v21, v3;
	v3 =	vxor.u32 $0x80000000, v14  }
0x176: {  	v3 =	vnsel vm0, $0xC0000000, v3  }
0x177: {  	(xrf0) =	vmin.scan.msk.u32 $0xffff, v3  }
0x178: {  	(xrf0) =	vmax.scan.msk.f32 $0xffff, v20;
	_ =	sdelay $0x4  }
0x179: {  	v3, _, _ =	vpop (xrf0)  }
0x17a: {  	v4, _, _ =	vpop (xrf0)  }
0x17b: {  	v4 =	vbroadcast v4, $0xF;
	_ =	sdelay $0x1  }
0x17c: {  	v55 =	vxor.u32 $0x80000000, v13;
	vm0 =	veq.f32 v20, v4  }
0x17d: {  	v4 =	vnsel vm0, $0xC0000000, v55  }
0x17e: {  	(xrf0) =	vmin.scan.msk.u32 $0xffff, v4  }
0x17f: {  	(xrf0) =	vmax.scan.msk.f32 $0xffff, v19;
	_ =	sdelay $0x4  }
0x180: {  	v4, _, _ =	vpop (xrf0)  }
0x181: {  	v5, _, _ =	vpop (xrf0)  }
0x182: {  	v9 =	vld [tilespmem:$0x1FFC0];
	v5 =	vbroadcast v5, $0xF;
	_ =	sdelay $0x1  }
0x183: {  	v56 =	vxor.u32 $0x80000000, v6;
	vm0 =	veq.f32 v19, v5  }
0x184: {  	v5 =	vnsel vm0, $0xC0000000, v56  }
0x185: {  	(xrf0) =	vmin.scan.msk.u32 $0xffff, v5  }
0x186: {  	(xrf0) =	vmax.scan.msk.f32 $0xffff, v9;
	_ =	sdelay $0x4  }
0x187: {  	v5, _, _ =	vpop (xrf0)  }
0x188: {  	v57, _, _ =	vpop (xrf0)  }
0x189: {  	v6 =	vbroadcast v57, $0xF;
	_ =	sdelay $0x1  }
0x18a: {  	v58 =	vxor.u32 $0x80000000, v7;
	vm0 =	veq.f32 v9, v6  }
0x18b: {  	v6 =	vnsel vm0, $0xC0000000, v58  }
0x18c: {  	(xrf0) =	vmin.scan.msk.u32 $0xffff, v6  }
0x18d: {  	(xrf0) =	vmax.scan.msk.f32 $0xffff, v17;
	_ =	sdelay $0x4  }
0x18e: {  	v6, _, _ =	vpop (xrf0)  }
0x18f: {  	v59, _, _ =	vpop (xrf0)  }
0x190: {  	v7 =	vbroadcast v59, $0xF;
	_ =	sdelay $0x1  }
0x191: {  	v60 =	vxor.u32 $0x80000000, v8;
	vm0 =	veq.f32 v17, v7  }
0x192: {  	v7 =	vnsel vm0, $0xC0000000, v60  }
0x193: {  	(xrf0) =	vmin.scan.msk.u32 $0xffff, v7  }
0x194: {  	(xrf0) =	vmax.scan.msk.f32 $0xffff, v16;
	_ =	sdelay $0x4  }
0x195: {  	v7, _, _ =	vpop (xrf0)  }
0x196: {  	v61, _, _ =	vpop (xrf0)  }
0x197: {  	v8 =	vbroadcast v61, $0xF;
	_ =	sdelay $0x1  }
0x198: {  	v62 =	vxor.u32 $0x80000000, v12;
	vm0 =	veq.f32 v16, v8  }
0x199: {  	v8 =	vnsel vm0, $0xC0000000, v62  }
0x19a: {  	(xrf0) =	vmin.scan.msk.u32 $0xffff, v8  }
0x19b: {  	(xrf0) =	vmax.scan.msk.f32 $0xffff, v11;
	_ =	sdelay $0x4  }
0x19c: {  	v8, _, _ =	vpop (xrf0)  }
0x19d: {  	v63, _, _ =	vpop (xrf0)  }
0x19e: {  	v9 =	vbroadcast v63, $0xF  }
0x19f: {  	(v2sf) =	vpush v0, $0xF  }
0x1a0: {  	v0 =	vxor.u32 $0x80000000, v10;
	vm0 =	veq.f32 v11, v9  }
0x1a1: {  	(v2sf) =	vpush v1, $0xF;
	v0 =	vnsel vm0, $0xC0000000, v0  }
0x1a2: {  	(v2sf) =	vpush v2, $0xF;
	(xrf0) =	vmin.scan.msk.u32 $0xffff, v0  }
0x1a3: {  	(v2sf) =	vpush v3, $0xF  }
0x1a4: {  	(v2sf) =	vpush v4, $0xF  }
0x1a5: {  	(v2sf) =	vpush v5, $0xF  }
0x1a6: {  	(v2sf) =	vpush v6, $0xF  }
0x1a7: {  	(v2sf) =	vpush v7, $0xF  }
0x1a8: {  	(v2sf) =	vpush v8, $0xF;
	v0, _, _ =	vpop (xrf0)  }
0x1a9: {  	(v2sf) =	vpush v0, $0xF;
	_ =	sdelay $0x4  }
0x1aa: {  	s18 =	spop (v2sf)  }
0x1ab: {  	s18 =	sxor.u32 $0x80000000, s18  }
0x1ac: {  	s19 =	spop (v2sf);
	vm0 =	vcmask $0x300;
	v0 =	vmov s18  }
0x1ad: {  	s19 =	sxor.u32 $0x80000000, s19;
	s31 =	spop (v2sf);
	v0 =	vnsel vm0, $0x0, v0  }
0x1ae: {  	s20 =	spop (v2sf);
	s18 =	sxor.u32 $0x80000000, s31;
	vm0 =	vcmask $0x728;
	v0 =	vsel vm1, s19, v0  }
0x1af: {  	s20 =	sxor.u32 $0x80000000, s20;
	s21 =	spop (v2sf);
	v0 =	vnsel vm0, s18, v0;
	vm0 =	vcmask $0xB28  }
0x1b0: {  	s21 =	sxor.u32 $0x80000000, s21;
	s22 =	spop (v2sf);
	v0 =	vnsel vm0, s20, v0;
	vm0 =	vcmask $0xF28  }
0x1b1: {  	s22 =	sxor.u32 $0x80000000, s22;
	s23 =	spop (v2sf);
	v0 =	vnsel vm0, s21, v0;
	vm0 =	vcmask $0x1328  }
0x1b2: {  	s23 =	sxor.u32 $0x80000000, s23;
	s24 =	spop (v2sf);
	v0 =	vnsel vm0, s22, v0;
	vm0 =	vcmask $0x1728  }
0x1b3: {  	s24 =	sxor.u32 $0x80000000, s24;
	s25 =	spop (v2sf);
	v0 =	vnsel vm0, s23, v0;
	vm0 =	vcmask $0x1B28  }
0x1b4: {  	s25 =	sxor.u32 $0x80000000, s25;
	v0 =	vnsel vm0, s24, v0;
	vm0 =	vcmask $0x1F28;
	s26 =	spop (v2sf)  }
0x1b5: {  	v0 =	vnsel vm0, s25, v0;
	vm0 =	vcmask $0x2328;
	s26 =	sxor.u32 $0x80000000, s26  }
0x1b6: {  	v0 =	vnsel vm0, s26, v0  }
0x1b7: {  	vm0 =	veq.s32 v0, s19  }
0x1b8: {  	v1 =	vsel vm0, $0x1, v51;
	vm0 =	veq.s32 v0, s18  }
0x1b9: {  	v1 =	vsel vm0, $0x2, v1;
	vm0 =	veq.s32 v0, s20  }
0x1ba: {  	v1 =	vsel vm0, $0x3, v1;
	vm0 =	veq.s32 v0, s21  }
0x1bb: {  	v1 =	vsel vm0, $0x4, v1;
	vm0 =	veq.s32 v0, s22  }
0x1bc: {  	v1 =	vsel vm0, $0x5, v1;
	vm0 =	veq.s32 v0, s23  }
0x1bd: {  	v1 =	vsel vm0, $0x6, v1;
	vm0 =	veq.s32 v0, s24  }
0x1be: {  	v1 =	vsel vm0, $0x7, v1;
	vm0 =	veq.s32 v0, s25  }
0x1bf: {  	v2 =	vimm.f32 $2.000000000e+00;
	v1 =	vsel vm0, $0x8, v1;
	vm0 =	veq.s32 v0, s26  }
0x1c0: {  	[tilespmem:v0+s13+$0x0] =	vst.idx.msk $0x3ff, v2;
	v1 =	vsel vm0, $0x9, v1  }
0x1c1: {  	[tilespmem:v0+s14+$0x0] =	vst.idx.msk $0x3ff, v1  }
0x1c2: {  	_ =	swait.ge [sflag:s15], $0x6400  }
.Ltmp1:
0x1c3: {  	[sflag:s15] =	ssyncset.done $0x0;
	(pc) =	sbr.rel .LBB2_4-.Ltmp1, $4  }
0x1c4: {  	[sflag:s15] =	ssyncadd.s32 $0xFFFF9C00  }
0x1c5: {  	s19 =	simm.s32 $0x0;
	_ =	swait.ge [sflag:s15], $0x3200  }
0x1c6: {  	v23 =	vimm.f32 $0.0e+00;
	v21 =	vlaneseq.u32;
	s18 =	simm.s32 $0xFFFFFFFD;
	s20 =	simm.s32 $0xFE10;
	[sflag:s15] =	ssyncset.done $0x0  }
0x1c7: {  	v55 =	vimm.f32 $0.0e+00;
	v56 =	vimm.f32 $0.0e+00;
	s21 =	simm.s32 $0x13010;
	s22 =	simm.s32 $0x11710;
	v0 =	vimm.f32 $0.0e+00;
	v22 =	vld [tilespmem:$0x1FFF0];
	[sflag:s15] =	ssyncadd.s32 $0xFFFFCE00  }
.LBB2_10:
0x1c8: {  	p0 =	slt.u32 s18, $0x18C  }
.Ltmp2:
0x1c9: {  	v0 =	vadd.f32 v1, v0;
	(pc) =	sbr.rel @!p0 .LBB2_11-.Ltmp2, $4  }
0x1ca: {  	_ = 	snop  }
0x1cb: {  	v0 =	vadd.f32 v3, v0  }
0x1cc: {  	s19 =	sadd.s32 $0x30, s19  }
0x1cd: {  	s20 =	sadd.s32 $0x30, s20;
	s21 =	sadd.s32 $0x30, s21;
	s22 =	sadd.s32 $0x30, s22;
	v0 =	vadd.f32 v2, v0  }
.LBB2_4:
0x1ce: {  	s18 =	sadd.s32 $0x3, s18  }
0x1cf: {  	s24 =	sshll.u32 s18, $0x5  }
0x1d0: {  	s23 =	sand.u32 $0x70, s19;
	s24 =	sand.u32 $0x3FFFFF00, s24  }
0x1d1: {  	s24 =	sor.u32 s23, s24  }
0x1d2: {  	v1 =	vld [tilespmem:s24+$0xC800]  }
0x1d3: {  	v2 =	vld [tilespmem:s24+$0xC880];
	_ =	sdelay $0x4  }
0x1d4: {  	v3 =	vsub.f32 v2, v1;
	_ =	sdelay $0x1  }
0x1d5: {  	v1 =	vand.u32 $0x7FFFFFFF, v3  }
0x1d6: {  	v1 =	vsub.f32 $0.0e+00, v1;
	_ =	sdelay $0x1  }
0x1d7: {  	v1 =	vmul.f32 $1.442695020e+00, v1;
	_ =	sdelay $0x1  }
0x1d8: {  	(erf) = vpow2.f32 v1;
	_ =	sdelay $0x8  }
0x1d9: {  	v1 =	vpop (erf)  }
0x1da: {  	v4 =	vadd.f32 $1.000000000e+00, v1;
	_ =	sdelay $0x1  }
0x1db: {  	v1 =	vand.u32 $0x7FFFFF, v4  }
0x1dc: {  	v1 =	vor.u32 $0x3F800000, v1  }
0x1dd: {  	v2 =	vmul.f32 $5.000000000e-01, v1  }
0x1de: {  	vm0 =	vgt.f32 v1, $1.333333370e+00  }
0x1df: {  	v1 =	vsel vm0, v2, v1  }
0x1e0: {  	v5 =	vld [tilespmem:s20+$0xFFFFFFF0];
	v2 =	vadd.f32 $1.000000000e+00, v1;
	_ =	sdelay $0x1  }
0x1e1: {  	(erf) = vrcp.f32 v2;
	v2 =	vmul.u32 $0xFFFFFFFF, v21;
	_ =	sdelay $0x1  }
0x1e2: {  	v6 =	vmov s19;
	v2 =	vadd.s32 $0x18E7, v2  }
0x1e3: {  	vm3 =	vge.f32 v5, $5.000000000e-01;
	vm2 =	vlt.u32 v6, v2  }
0x1e4: {  	vm11 =	vmand vm2, vm3  }
0x1e5: {  	v5 =	vadd.f32 $-1.000000000e+00, v1;
	v1 =	vsel vm11, $0x3F800000, v23  }
0x1e6: {  	(xrf0) =	vmax.scan.msk.f32 $0xffff, v1;
	_ =	sdelay $0x2  }
0x1e7: {  	v6 =	vpop (erf)  }
0x1e8: {  	v5 =	vmul.f32 v6, v5;
	_ =	sdelay $0x1  }
0x1e9: {  	v6 =	vmul.f32 v5, v5;
	v8, _, _ =	vpop (xrf0)  }
0x1ea: {  	(v2sf) =	vpush v8, $0xF  }
0x1eb: {  	v7 =	vmul.f32 $1.428571340e-01, v6;
	_ =	sdelay $0x1  }
0x1ec: {  	v7 =	vadd.f32 $2.000000030e-01, v7;
	_ =	sdelay $0x1  }
0x1ed: {  	v7 =	vmul.f32 v7, v6;
	_ =	sdelay $0x1  }
0x1ee: {  	v7 =	vadd.f32 $3.333333430e-01, v7  }
0x1ef: {  	v4 =	vshra.s32 v4, $0x17;
	v63 =	vsel vm0, $0x1, v51  }
0x1f0: {  	v4 =	vadd.s32 v63, v4;
	v6 =	vmul.f32 v7, v6  }
0x1f1: {  	v4 =	vadd.s32 $0xFFFFFF81, v4  }
0x1f2: {  	v4 =	vcvt.s32.f32 v4;
	v5 =	vadd.f32 v5, v5;
	v6 =	vadd.f32 $1.000000000e+00, v6;
	_ =	sdelay $0x1  }
0x1f3: {  	v4 =	vmul.f32 $6.931471820e-01, v4;
	v5 =	vmul.f32 v6, v5;
	_ =	sdelay $0x1  }
0x1f4: {  	v4 =	vadd.f32 v5, v4;
	s31 =	spop (v2sf)  }
0x1f5: {  	v5 =	vmax.f32 v3, $0.0e+00;
	p0 =	sgt.f32 s31, $0.0e+00  }
.Ltmp3:
0x1f6: {  	v5 =	vadd.f32 v4, v5;
	(pc) =	sbr.rel @!p0 .LBB2_6-.Ltmp3, $4  }
0x1f7: {  	_ = 	snop  }
0x1f8: {  	v5 =	vsel vm11, $0x0, v5  }
0x1f9: {  	v5 =	vnsel vm2, $0xFFFFFFFF, v5  }
0x1fa: {  	[tilespmem:s21+$0xFFFFFFF0] =	vst v5  }
0x1fb: {  	s24 =	sshrl.u32 s18, $0x3  }
0x1fc: {  	s24 =	sshll.u32 s24, $0x9  }
0x1fd: {  	v5 =	vld [tilespmem:s22+$0xFFFFFFF0];
	s23 =	sor.u32 s23, s24  }
0x1fe: {  	v6 =	vld [tilespmem:s23+$0x100]  }
0x1ff: {  	v7 =	vld [tilespmem:s23+$0x180];
	_ =	sdelay $0x3  }
0x200: {  	v8 =	vmul.f32 $1.000000010e-01, v6  }
0x201: {  	v9 =	vadd.s32 $0x80, v5;
	v10 =	vmul.f32 $1.000000010e-01, v7  }
0x202: {  	v11 =	vadd.s32 $0x180, v5;
	(erf) = vrcp.f32 v8  }
0x203: {  	(erf) = vrcp.f32 v10  }
0x204: {  	(erf) = vrcp.f32 v6;
	_ =	sdelay $0x1  }
0x205: {  	v25 =	vld.idx.msk [tilespmem:v9+s12+$0x0], $0xffff  }
0x206: {  	v26 =	vld.idx.msk [tilespmem:v11+s12+$0x0], $0xffff;
	_ =	sdelay $0x3  }
0x207: {  	v27 =	vpop (erf)  }
0x208: {  	v11 =	vsub.f32 v26, v25;
	v10 =	vpop (erf)  }
0x209: {  	v12 =	vpop (erf)  }
0x20a: {  	v11 =	vmul.f32 v12, v11;
	_ =	sdelay $0x1  }
0x20b: {  	v12 =	vand.u32 $0x7FFFFF, v11  }
0x20c: {  	v12 =	vor.u32 $0x3F800000, v12  }
0x20d: {  	v13 =	vmul.f32 $5.000000000e-01, v12  }
0x20e: {  	vm12 =	vgt.f32 v12, $1.333333370e+00  }
0x20f: {  	v12 =	vsel vm12, v13, v12  }
0x210: {  	v28 =	vadd.s32 $0x100, v5;
	v14 =	vadd.f32 $1.000000000e+00, v12  }
0x211: {  	v5 =	vadd.s32 $0x200, v5  }
0x212: {  	(erf) = vrcp.f32 v14  }
0x213: {  	(erf) = vrcp.f32 v7;
	_ =	sdelay $0x1  }
0x214: {  	v29 =	vld.idx.msk [tilespmem:v28+s12+$0x0], $0xffff  }
0x215: {  	v5 =	vld.idx.msk [tilespmem:v5+s12+$0x0], $0xffff;
	_ =	sdelay $0x4  }
0x216: {  	v31 =	vsub.f32 v5, v29;
	v30 =	vpop (erf)  }
0x217: {  	v15 =	vpop (erf)  }
0x218: {  	v14 =	vmul.f32 v15, v31;
	_ =	sdelay $0x1  }
0x219: {  	v15 =	vand.u32 $0x7FFFFF, v14  }
0x21a: {  	v15 =	vor.u32 $0x3F800000, v15  }
0x21b: {  	v16 =	vmul.f32 $5.000000000e-01, v15  }
0x21c: {  	vm13 =	vgt.f32 v15, $1.333333370e+00  }
0x21d: {  	v15 =	vsel vm13, v16, v15  }
0x21e: {  	v16 =	vadd.f32 $1.000000000e+00, v15;
	_ =	sdelay $0x1  }
0x21f: {  	(erf) = vrcp.f32 v16;
	_ =	sdelay $0x5  }
0x220: {  	v12 =	vadd.f32 $-1.000000000e+00, v12;
	_ =	sdelay $0x1  }
0x221: {  	v12 =	vmul.f32 v30, v12;
	v32 =	vadd.f32 $-1.000000000e+00, v15  }
0x222: {  	v33 =	vpop (erf)  }
0x223: {  	v35 =	vld [tilespmem:s23+$0x0];
	v34 =	vmul.f32 v12, v12;
	v13 =	vmul.f32 v33, v32  }
0x224: {  	v17 =	vld [tilespmem:s23+$0x80];
	v6 =	vadd.f32 v26, v25  }
0x225: {  	v5 =	vadd.f32 v5, v29;
	v18 =	vmul.f32 $1.428571340e-01, v34;
	v19 =	vmul.f32 v13, v13  }
0x226: {  	v6 =	vmul.f32 $5.000000000e-01, v6  }
0x227: {  	v5 =	vmul.f32 $5.000000000e-01, v5;
	v36 =	vadd.f32 $2.000000030e-01, v18;
	v37 =	vmul.f32 $1.428571340e-01, v19  }
0x228: {  	v3 =	vsub.f32 $0.0e+00, v3;
	v6 =	vsub.f32 v6, v35  }
0x229: {  	v5 =	vsub.f32 v5, v17;
	v7 =	vmul.f32 v36, v34;
	v8 =	vadd.f32 $2.000000030e-01, v37  }
0x22a: {  	v6 =	vmul.f32 v27, v6;
	v39 =	vshra.s32 v11, $0x17;
	v38 =	vsel vm12, $0x1, v51  }
0x22b: {  	v40 =	vld [tilespmem:s23+$0x6400];
	v9 =	vadd.s32 v38, v39;
	v7 =	vadd.f32 $3.333333430e-01, v7;
	v8 =	vmul.f32 v8, v19  }
0x22c: {  	v5 =	vmul.f32 v10, v5;
	v9 =	vadd.s32 $0xFFFFFF81, v9;
	v41 =	vshra.s32 v14, $0x17  }
0x22d: {  	v43 =	vld [tilespmem:s23+$0x6480];
	v42 =	vsel vm13, $0x1, v51;
	v7 =	vmul.f32 v7, v34;
	v8 =	vadd.f32 $3.333333430e-01, v8  }
0x22e: {  	v9 =	vcvt.s32.f32 v9;
	v12 =	vadd.f32 v12, v12;
	v11 =	vadd.s32 v42, v41  }
0x22f: {  	v11 =	vadd.s32 $0xFFFFFF81, v11;
	v7 =	vadd.f32 $1.000000000e+00, v7;
	v8 =	vmul.f32 v8, v19  }
0x230: {  	v6 =	vsub.f32 v40, v6;
	v9 =	vmul.f32 $6.931471820e-01, v9;
	v11 =	vcvt.s32.f32 v11  }
0x231: {  	v7 =	vmul.f32 v7, v12;
	v13 =	vadd.f32 v13, v13;
	v8 =	vadd.f32 $1.000000000e+00, v8  }
0x232: {  	v45 =	vld [tilespmem:s23+$0x6500];
	v5 =	vsub.f32 v43, v5;
	v46 =	vmul.f32 $5.000000000e-01, v6;
	v47 =	vand.u32 $0x7FFFFFFF, v6  }
0x233: {  	v44 =	vmul.f32 $6.931471820e-01, v11;
	v7 =	vadd.f32 v7, v9;
	v8 =	vmul.f32 v8, v13  }
0x234: {  	v49 =	vld [tilespmem:s23+$0x6580];
	v50 =	vmul.f32 $5.000000000e-01, v5;
	v52 =	vand.u32 $0x7FFFFFFF, v5;
	v48 =	vadd.f32 $-5.000000000e-01, v47  }
0x235: {  	v6 =	vmul.f32 v46, v6;
	v7 =	vmul.f32 v7, v22;
	v8 =	vadd.f32 v8, v44  }
0x236: {  	vm0 =	vlt.f32 v47, $1.000000000e+00;
	v53 =	vadd.f32 $-5.000000000e-01, v52;
	v5 =	vmul.f32 v50, v5  }
0x237: {  	v6 =	vsel vm0, v6, v48;
	v7 =	vsub.f32 v45, v7;
	v8 =	vmul.f32 v8, v22  }
0x238: {  	v3 =	vmax.f32 v3, $0.0e+00;
	vm0 =	vlt.f32 v52, $1.000000000e+00;
	v6 =	vnsel vm11, $0x0, v6  }
0x239: {  	v5 =	vsel vm0, v5, v53;
	v54 =	vmul.f32 $5.000000000e-01, v7;
	v8 =	vsub.f32 v49, v8  }
0x23a: {  	v6 =	vadd.f32 v6, v56;
	v5 =	vnsel vm11, $0x0, v5;
	v56 =	vand.u32 $0x7FFFFFFF, v7  }
0x23b: {  	v57 =	vadd.f32 $-5.000000000e-01, v56;
	v7 =	vmul.f32 v54, v7;
	v58 =	vmul.f32 $5.000000000e-01, v8  }
0x23c: {  	v5 =	vadd.f32 v5, v6;
	vm0 =	vlt.f32 v56, $1.000000000e+00;
	v60 =	vand.u32 $0x7FFFFFFF, v8  }
0x23d: {  	v59 =	vsel vm0, v7, v57;
	v61 =	vadd.f32 $-5.000000000e-01, v60;
	v8 =	vmul.f32 v58, v8  }
0x23e: {  	v3 =	vadd.f32 v4, v3;
	v6 =	vnsel vm11, $0x0, v59;
	vm0 =	vlt.f32 v60, $1.000000000e+00  }
0x23f: {  	v62 =	vadd.f32 v6, v5;
	v63 =	vsel vm0, v8, v61  }
0x240: {  	v3 =	vnsel vm11, $0x0, v3;
	v5 =	vnsel vm11, $0x0, v63  }
0x241: {  	v55 =	vadd.f32 v3, v55;
	v56 =	vadd.f32 v5, v62  }
.LBB2_6:
0x242: {  	s24 =	sadd.s32 $0x10, s19  }
0x243: {  	s25 =	sshll.u32 s24, $0x1  }
0x244: {  	s23 =	sand.u32 $0x70, s24;
	s25 =	sand.u32 $0x3FFFFF00, s25  }
0x245: {  	s25 =	sor.u32 s23, s25  }
0x246: {  	v3 =	vld [tilespmem:s25+$0xC800]  }
0x247: {  	v4 =	vld [tilespmem:s25+$0xC880];
	_ =	sdelay $0x4  }
0x248: {  	v4 =	vsub.f32 v4, v3;
	_ =	sdelay $0x1  }
0x249: {  	v3 =	vand.u32 $0x7FFFFFFF, v4  }
0x24a: {  	v3 =	vsub.f32 $0.0e+00, v3;
	_ =	sdelay $0x1  }
0x24b: {  	v3 =	vmul.f32 $1.442695020e+00, v3;
	_ =	sdelay $0x1  }
0x24c: {  	(erf) = vpow2.f32 v3;
	_ =	sdelay $0x8  }
0x24d: {  	v3 =	vpop (erf)  }
0x24e: {  	v5 =	vadd.f32 $1.000000000e+00, v3;
	_ =	sdelay $0x1  }
0x24f: {  	v3 =	vand.u32 $0x7FFFFF, v5  }
0x250: {  	v3 =	vor.u32 $0x3F800000, v3  }
0x251: {  	v6 =	vmul.f32 $5.000000000e-01, v3  }
0x252: {  	vm0 =	vgt.f32 v3, $1.333333370e+00  }
0x253: {  	v3 =	vsel vm0, v6, v3  }
0x254: {  	v6 =	vadd.f32 $1.000000000e+00, v3;
	_ =	sdelay $0x1  }
0x255: {  	(erf) = vrcp.f32 v6;
	v6 =	vld [tilespmem:s20+$0x0];
	_ =	sdelay $0x3  }
0x256: {  	v7 =	vmov s24  }
0x257: {  	vm2 =	vlt.u32 v7, v2;
	vm3 =	vge.f32 v6, $5.000000000e-01  }
0x258: {  	vm11 =	vmand vm2, vm3  }
0x259: {  	v6 =	vadd.f32 $-1.000000000e+00, v3;
	v3 =	vsel vm11, $0x3F800000, v23  }
0x25a: {  	(xrf0) =	vmax.scan.msk.f32 $0xffff, v3;
	_ =	sdelay $0x2  }
0x25b: {  	v7 =	vpop (erf)  }
0x25c: {  	v6 =	vmul.f32 v7, v6;
	_ =	sdelay $0x1  }
0x25d: {  	v7 =	vmul.f32 v6, v6;
	v9, _, _ =	vpop (xrf0)  }
0x25e: {  	(v2sf) =	vpush v9, $0xF  }
0x25f: {  	v8 =	vmul.f32 $1.428571340e-01, v7;
	_ =	sdelay $0x1  }
0x260: {  	v8 =	vadd.f32 $2.000000030e-01, v8;
	_ =	sdelay $0x1  }
0x261: {  	v8 =	vmul.f32 v8, v7;
	_ =	sdelay $0x1  }
0x262: {  	v8 =	vadd.f32 $3.333333430e-01, v8  }
0x263: {  	v5 =	vshra.s32 v5, $0x17;
	v63 =	vsel vm0, $0x1, v51  }
0x264: {  	v5 =	vadd.s32 v63, v5;
	v7 =	vmul.f32 v8, v7  }
0x265: {  	v5 =	vadd.s32 $0xFFFFFF81, v5  }
0x266: {  	v5 =	vcvt.s32.f32 v5;
	v6 =	vadd.f32 v6, v6;
	v7 =	vadd.f32 $1.000000000e+00, v7;
	_ =	sdelay $0x1  }
0x267: {  	v5 =	vmul.f32 $6.931471820e-01, v5;
	v6 =	vmul.f32 v7, v6;
	_ =	sdelay $0x1  }
0x268: {  	v5 =	vadd.f32 v6, v5;
	s31 =	spop (v2sf)  }
0x269: {  	v6 =	vmax.f32 v4, $0.0e+00;
	p0 =	sgt.f32 s31, $0.0e+00  }
.Ltmp4:
0x26a: {  	v6 =	vadd.f32 v5, v6;
	(pc) =	sbr.rel @!p0 .LBB2_8-.Ltmp4, $4  }
0x26b: {  	_ = 	snop  }
0x26c: {  	v6 =	vsel vm11, $0x0, v6  }
0x26d: {  	v6 =	vnsel vm2, $0xFFFFFFFF, v6  }
0x26e: {  	[tilespmem:s21+$0x0] =	vst v6  }
0x26f: {  	s24 =	sshrl.u32 s24, $0x7  }
0x270: {  	s24 =	sshll.u32 s24, $0x9  }
0x271: {  	v6 =	vld [tilespmem:s22+$0x0];
	s23 =	sor.u32 s23, s24  }
0x272: {  	v7 =	vld [tilespmem:s23+$0x100]  }
0x273: {  	v8 =	vld [tilespmem:s23+$0x180];
	_ =	sdelay $0x3  }
0x274: {  	v9 =	vmul.f32 $1.000000010e-01, v7  }
0x275: {  	v10 =	vadd.s32 $0x80, v6;
	v11 =	vmul.f32 $1.000000010e-01, v8  }
0x276: {  	v12 =	vadd.s32 $0x180, v6;
	(erf) = vrcp.f32 v9  }
0x277: {  	(erf) = vrcp.f32 v11  }
0x278: {  	(erf) = vrcp.f32 v7;
	_ =	sdelay $0x1  }
0x279: {  	v26 =	vld.idx.msk [tilespmem:v10+s12+$0x0], $0xffff  }
0x27a: {  	v27 =	vld.idx.msk [tilespmem:v12+s12+$0x0], $0xffff;
	_ =	sdelay $0x3  }
0x27b: {  	v28 =	vpop (erf)  }
0x27c: {  	v12 =	vsub.f32 v27, v26;
	v11 =	vpop (erf)  }
0x27d: {  	v13 =	vpop (erf)  }
0x27e: {  	v12 =	vmul.f32 v13, v12;
	_ =	sdelay $0x1  }
0x27f: {  	v13 =	vand.u32 $0x7FFFFF, v12  }
0x280: {  	v13 =	vor.u32 $0x3F800000, v13  }
0x281: {  	v14 =	vmul.f32 $5.000000000e-01, v13  }
0x282: {  	vm12 =	vgt.f32 v13, $1.333333370e+00  }
0x283: {  	v13 =	vsel vm12, v14, v13  }
0x284: {  	v29 =	vadd.s32 $0x100, v6;
	v15 =	vadd.f32 $1.000000000e+00, v13  }
0x285: {  	v6 =	vadd.s32 $0x200, v6  }
0x286: {  	(erf) = vrcp.f32 v15  }
0x287: {  	(erf) = vrcp.f32 v8;
	_ =	sdelay $0x1  }
0x288: {  	v30 =	vld.idx.msk [tilespmem:v29+s12+$0x0], $0xffff  }
0x289: {  	v6 =	vld.idx.msk [tilespmem:v6+s12+$0x0], $0xffff;
	_ =	sdelay $0x4  }
0x28a: {  	v32 =	vsub.f32 v6, v30;
	v31 =	vpop (erf)  }
0x28b: {  	v16 =	vpop (erf)  }
0x28c: {  	v15 =	vmul.f32 v16, v32;
	_ =	sdelay $0x1  }
0x28d: {  	v16 =	vand.u32 $0x7FFFFF, v15  }
0x28e: {  	v16 =	vor.u32 $0x3F800000, v16  }
0x28f: {  	v17 =	vmul.f32 $5.000000000e-01, v16  }
0x290: {  	vm13 =	vgt.f32 v16, $1.333333370e+00  }
0x291: {  	v16 =	vsel vm13, v17, v16  }
0x292: {  	v17 =	vadd.f32 $1.000000000e+00, v16;
	_ =	sdelay $0x1  }
0x293: {  	(erf) = vrcp.f32 v17;
	_ =	sdelay $0x5  }
0x294: {  	v13 =	vadd.f32 $-1.000000000e+00, v13;
	_ =	sdelay $0x1  }
0x295: {  	v13 =	vmul.f32 v31, v13;
	v33 =	vadd.f32 $-1.000000000e+00, v16  }
0x296: {  	v36 =	vld [tilespmem:s23+$0x0];
	v7 =	vadd.f32 v27, v26;
	v34 =	vpop (erf)  }
0x297: {  	v18 =	vld [tilespmem:s23+$0x80];
	v35 =	vmul.f32 v13, v13;
	v14 =	vmul.f32 v34, v33  }
0x298: {  	v6 =	vadd.f32 v6, v30;
	v7 =	vmul.f32 $5.000000000e-01, v7  }
0x299: {  	v19 =	vmul.f32 $1.428571340e-01, v35;
	v20 =	vmul.f32 v14, v14  }
0x29a: {  	v6 =	vmul.f32 $5.000000000e-01, v6  }
0x29b: {  	v41 =	vld [tilespmem:s23+$0x6400];
	v7 =	vsub.f32 v7, v36;
	v37 =	vadd.f32 $2.000000030e-01, v19;
	v38 =	vmul.f32 $1.428571340e-01, v20  }
0x29c: {  	v6 =	vsub.f32 v6, v18  }
0x29d: {  	v7 =	vmul.f32 v28, v7;
	v8 =	vmul.f32 v37, v35;
	v9 =	vadd.f32 $2.000000030e-01, v38  }
0x29e: {  	v6 =	vmul.f32 v11, v6;
	v40 =	vshra.s32 v12, $0x17;
	v39 =	vsel vm12, $0x1, v51  }
0x29f: {  	v44 =	vld [tilespmem:s23+$0x6480];
	v10 =	vadd.s32 v39, v40;
	v8 =	vadd.f32 $3.333333430e-01, v8;
	v9 =	vmul.f32 v9, v20  }
0x2a0: {  	v7 =	vsub.f32 v41, v7;
	v10 =	vadd.s32 $0xFFFFFF81, v10;
	v42 =	vshra.s32 v15, $0x17  }
0x2a1: {  	v43 =	vsel vm13, $0x1, v51;
	v8 =	vmul.f32 v8, v35;
	v9 =	vadd.f32 $3.333333430e-01, v9  }
0x2a2: {  	v10 =	vcvt.s32.f32 v10;
	v13 =	vadd.f32 v13, v13;
	v12 =	vadd.s32 v43, v42  }
0x2a3: {  	v12 =	vadd.s32 $0xFFFFFF81, v12;
	v8 =	vadd.f32 $1.000000000e+00, v8;
	v9 =	vmul.f32 v9, v20  }
0x2a4: {  	v6 =	vsub.f32 v44, v6;
	v10 =	vmul.f32 $6.931471820e-01, v10;
	v12 =	vcvt.s32.f32 v12  }
0x2a5: {  	v8 =	vmul.f32 v8, v13;
	v14 =	vadd.f32 v14, v14;
	v9 =	vadd.f32 $1.000000000e+00, v9  }
0x2a6: {  	v46 =	vld [tilespmem:s23+$0x6500];
	v47 =	vmul.f32 $5.000000000e-01, v7;
	v48 =	vand.u32 $0x7FFFFFFF, v7;
	v52 =	vmul.f32 $5.000000000e-01, v6  }
0x2a7: {  	v45 =	vmul.f32 $6.931471820e-01, v12;
	v8 =	vadd.f32 v8, v10;
	v9 =	vmul.f32 v9, v14  }
0x2a8: {  	v50 =	vld [tilespmem:s23+$0x6580];
	v53 =	vand.u32 $0x7FFFFFFF, v6;
	v49 =	vadd.f32 $-5.000000000e-01, v48;
	v7 =	vmul.f32 v47, v7  }
0x2a9: {  	vm0 =	vlt.f32 v48, $1.000000000e+00;
	v8 =	vmul.f32 v8, v22;
	v9 =	vadd.f32 v9, v45  }
0x2aa: {  	v54 =	vadd.f32 $-5.000000000e-01, v53;
	v6 =	vmul.f32 v52, v6;
	v7 =	vsel vm0, v7, v49  }
0x2ab: {  	vm0 =	vlt.f32 v53, $1.000000000e+00;
	v8 =	vsub.f32 v46, v8;
	v9 =	vmul.f32 v9, v22  }
0x2ac: {  	v4 =	vsub.f32 $0.0e+00, v4;
	v7 =	vnsel vm11, $0x0, v7;
	v6 =	vsel vm0, v6, v54  }
0x2ad: {  	v7 =	vadd.f32 v7, v56;
	v56 =	vmul.f32 $5.000000000e-01, v8;
	v9 =	vsub.f32 v50, v9  }
0x2ae: {  	v4 =	vmax.f32 v4, $0.0e+00;
	v6 =	vnsel vm11, $0x0, v6;
	v57 =	vand.u32 $0x7FFFFFFF, v8  }
0x2af: {  	v58 =	vadd.f32 $-5.000000000e-01, v57;
	v8 =	vmul.f32 v56, v8;
	v59 =	vmul.f32 $5.000000000e-01, v9  }
0x2b0: {  	v6 =	vadd.f32 v6, v7;
	vm0 =	vlt.f32 v57, $1.000000000e+00;
	v61 =	vand.u32 $0x7FFFFFFF, v9  }
0x2b1: {  	v60 =	vsel vm0, v8, v58;
	v62 =	vadd.f32 $-5.000000000e-01, v61;
	v9 =	vmul.f32 v59, v9  }
0x2b2: {  	v4 =	vadd.f32 v5, v4;
	v7 =	vnsel vm11, $0x0, v60;
	vm0 =	vlt.f32 v61, $1.000000000e+00  }
0x2b3: {  	v5 =	vadd.f32 v7, v6;
	v63 =	vsel vm0, v9, v62  }
0x2b4: {  	v4 =	vnsel vm11, $0x0, v4;
	v6 =	vnsel vm11, $0x0, v63  }
0x2b5: {  	v55 =	vadd.f32 v4, v55;
	v56 =	vadd.f32 v6, v5  }
.LBB2_8:
0x2b6: {  	s24 =	sadd.s32 $0x20, s19  }
0x2b7: {  	s25 =	sshll.u32 s24, $0x1  }
0x2b8: {  	s23 =	sand.u32 $0x70, s24;
	s25 =	sand.u32 $0x3FFFFF00, s25  }
0x2b9: {  	s25 =	sor.u32 s23, s25  }
0x2ba: {  	v4 =	vld [tilespmem:s25+$0xC800]  }
0x2bb: {  	v5 =	vld [tilespmem:s25+$0xC880];
	_ =	sdelay $0x4  }
0x2bc: {  	v4 =	vsub.f32 v5, v4;
	_ =	sdelay $0x1  }
0x2bd: {  	v5 =	vand.u32 $0x7FFFFFFF, v4  }
0x2be: {  	v5 =	vsub.f32 $0.0e+00, v5;
	_ =	sdelay $0x1  }
0x2bf: {  	v5 =	vmul.f32 $1.442695020e+00, v5;
	_ =	sdelay $0x1  }
0x2c0: {  	(erf) = vpow2.f32 v5;
	_ =	sdelay $0x8  }
0x2c1: {  	v5 =	vpop (erf)  }
0x2c2: {  	v5 =	vadd.f32 $1.000000000e+00, v5;
	_ =	sdelay $0x1  }
0x2c3: {  	v6 =	vand.u32 $0x7FFFFF, v5  }
0x2c4: {  	v6 =	vor.u32 $0x3F800000, v6  }
0x2c5: {  	v7 =	vmul.f32 $5.000000000e-01, v6  }
0x2c6: {  	vm0 =	vgt.f32 v6, $1.333333370e+00  }
0x2c7: {  	v6 =	vsel vm0, v7, v6  }
0x2c8: {  	v7 =	vadd.f32 $1.000000000e+00, v6;
	_ =	sdelay $0x1  }
0x2c9: {  	(erf) = vrcp.f32 v7;
	v7 =	vld [tilespmem:s20+$0x10];
	_ =	sdelay $0x3  }
0x2ca: {  	v8 =	vmov s24  }
0x2cb: {  	vm2 =	vlt.u32 v8, v2;
	vm3 =	vge.f32 v7, $5.000000000e-01  }
0x2cc: {  	vm11 =	vmand vm2, vm3  }
0x2cd: {  	v2 =	vsel vm11, $0x3F800000, v23  }
0x2ce: {  	(xrf0) =	vmax.scan.msk.f32 $0xffff, v2;
	_ =	sdelay $0x1  }
0x2cf: {  	v6 =	vadd.f32 $-1.000000000e+00, v6  }
0x2d0: {  	v7 =	vpop (erf)  }
0x2d1: {  	v6 =	vmul.f32 v7, v6;
	_ =	sdelay $0x1  }
0x2d2: {  	v7 =	vmul.f32 v6, v6;
	v9, _, _ =	vpop (xrf0)  }
0x2d3: {  	(v2sf) =	vpush v9, $0xF  }
0x2d4: {  	v62 =	vmul.f32 $1.428571340e-01, v7;
	_ =	sdelay $0x1  }
0x2d5: {  	v8 =	vadd.f32 $2.000000030e-01, v62;
	_ =	sdelay $0x1  }
0x2d6: {  	v8 =	vmul.f32 v8, v7;
	_ =	sdelay $0x1  }
0x2d7: {  	v8 =	vadd.f32 $3.333333430e-01, v8  }
0x2d8: {  	v5 =	vshra.s32 v5, $0x17;
	v63 =	vsel vm0, $0x1, v51  }
0x2d9: {  	v5 =	vadd.s32 v63, v5;
	v7 =	vmul.f32 v8, v7  }
0x2da: {  	v5 =	vadd.s32 $0xFFFFFF81, v5  }
0x2db: {  	v5 =	vcvt.s32.f32 v5;
	v6 =	vadd.f32 v6, v6;
	v7 =	vadd.f32 $1.000000000e+00, v7;
	_ =	sdelay $0x1  }
0x2dc: {  	v5 =	vmul.f32 $6.931471820e-01, v5;
	v6 =	vmul.f32 v7, v6;
	_ =	sdelay $0x1  }
0x2dd: {  	v5 =	vadd.f32 v6, v5;
	s31 =	spop (v2sf)  }
0x2de: {  	v6 =	vmax.f32 v4, $0.0e+00;
	p0 =	sgt.f32 s31, $0.0e+00  }
.Ltmp5:
0x2df: {  	v6 =	vadd.f32 v5, v6;
	(pc) =	sbr.rel @!p0 .LBB2_10-.Ltmp5, $4  }
0x2e0: {  	_ = 	snop  }
0x2e1: {  	v6 =	vsel vm11, $0x0, v6  }
0x2e2: {  	v6 =	vnsel vm2, $0xFFFFFFFF, v6  }
0x2e3: {  	[tilespmem:s21+$0x10] =	vst v6  }
0x2e4: {  	s24 =	sshrl.u32 s24, $0x7  }
0x2e5: {  	s24 =	sshll.u32 s24, $0x9  }
0x2e6: {  	v6 =	vld [tilespmem:s22+$0x10];
	s23 =	sor.u32 s23, s24  }
0x2e7: {  	v7 =	vld [tilespmem:s23+$0x100]  }
0x2e8: {  	v8 =	vld [tilespmem:s23+$0x180];
	_ =	sdelay $0x3  }
0x2e9: {  	v9 =	vmul.f32 $1.000000010e-01, v7  }
0x2ea: {  	v10 =	vadd.s32 $0x80, v6;
	v11 =	vmul.f32 $1.000000010e-01, v8  }
0x2eb: {  	v12 =	vadd.s32 $0x180, v6;
	(erf) = vrcp.f32 v9  }
0x2ec: {  	(erf) = vrcp.f32 v11  }
0x2ed: {  	(erf) = vrcp.f32 v7;
	_ =	sdelay $0x1  }
0x2ee: {  	v26 =	vld.idx.msk [tilespmem:v10+s12+$0x0], $0xffff  }
0x2ef: {  	v27 =	vld.idx.msk [tilespmem:v12+s12+$0x0], $0xffff;
	_ =	sdelay $0x3  }
0x2f0: {  	v28 =	vpop (erf)  }
0x2f1: {  	v12 =	vsub.f32 v27, v26;
	v11 =	vpop (erf)  }
0x2f2: {  	v13 =	vpop (erf)  }
0x2f3: {  	v12 =	vmul.f32 v13, v12;
	_ =	sdelay $0x1  }
0x2f4: {  	v13 =	vand.u32 $0x7FFFFF, v12  }
0x2f5: {  	v13 =	vor.u32 $0x3F800000, v13  }
0x2f6: {  	v14 =	vmul.f32 $5.000000000e-01, v13  }
0x2f7: {  	vm12 =	vgt.f32 v13, $1.333333370e+00  }
0x2f8: {  	v13 =	vsel vm12, v14, v13  }
0x2f9: {  	v29 =	vadd.s32 $0x100, v6;
	v15 =	vadd.f32 $1.000000000e+00, v13  }
0x2fa: {  	v6 =	vadd.s32 $0x200, v6  }
0x2fb: {  	(erf) = vrcp.f32 v15  }
0x2fc: {  	(erf) = vrcp.f32 v8;
	_ =	sdelay $0x1  }
0x2fd: {  	v30 =	vld.idx.msk [tilespmem:v29+s12+$0x0], $0xffff  }
0x2fe: {  	v6 =	vld.idx.msk [tilespmem:v6+s12+$0x0], $0xffff;
	_ =	sdelay $0x4  }
0x2ff: {  	v32 =	vsub.f32 v6, v30;
	v31 =	vpop (erf)  }
0x300: {  	v16 =	vpop (erf)  }
0x301: {  	v15 =	vmul.f32 v16, v32;
	_ =	sdelay $0x1  }
0x302: {  	v16 =	vand.u32 $0x7FFFFF, v15  }
0x303: {  	v16 =	vor.u32 $0x3F800000, v16  }
0x304: {  	v17 =	vmul.f32 $5.000000000e-01, v16  }
0x305: {  	vm13 =	vgt.f32 v16, $1.333333370e+00  }
0x306: {  	v16 =	vsel vm13, v17, v16  }
0x307: {  	v17 =	vadd.f32 $1.000000000e+00, v16;
	_ =	sdelay $0x1  }
0x308: {  	(erf) = vrcp.f32 v17;
	_ =	sdelay $0x5  }
0x309: {  	v13 =	vadd.f32 $-1.000000000e+00, v13;
	_ =	sdelay $0x1  }
0x30a: {  	v13 =	vmul.f32 v31, v13;
	v33 =	vadd.f32 $-1.000000000e+00, v16  }
0x30b: {  	v36 =	vld [tilespmem:s23+$0x0];
	v7 =	vadd.f32 v27, v26;
	v34 =	vpop (erf)  }
0x30c: {  	v18 =	vld [tilespmem:s23+$0x80];
	v35 =	vmul.f32 v13, v13;
	v14 =	vmul.f32 v34, v33  }
0x30d: {  	v6 =	vadd.f32 v6, v30;
	v7 =	vmul.f32 $5.000000000e-01, v7  }
0x30e: {  	v19 =	vmul.f32 $1.428571340e-01, v35;
	v20 =	vmul.f32 v14, v14  }
0x30f: {  	v6 =	vmul.f32 $5.000000000e-01, v6  }
0x310: {  	v41 =	vld [tilespmem:s23+$0x6400];
	v7 =	vsub.f32 v7, v36;
	v37 =	vadd.f32 $2.000000030e-01, v19;
	v38 =	vmul.f32 $1.428571340e-01, v20  }
0x311: {  	v6 =	vsub.f32 v6, v18  }
0x312: {  	v7 =	vmul.f32 v28, v7;
	v8 =	vmul.f32 v37, v35;
	v9 =	vadd.f32 $2.000000030e-01, v38  }
0x313: {  	v6 =	vmul.f32 v11, v6;
	v40 =	vshra.s32 v12, $0x17;
	v39 =	vsel vm12, $0x1, v51  }
0x314: {  	v44 =	vld [tilespmem:s23+$0x6480];
	v10 =	vadd.s32 v39, v40;
	v8 =	vadd.f32 $3.333333430e-01, v8;
	v9 =	vmul.f32 v9, v20  }
0x315: {  	v7 =	vsub.f32 v41, v7;
	v10 =	vadd.s32 $0xFFFFFF81, v10;
	v42 =	vshra.s32 v15, $0x17  }
0x316: {  	v43 =	vsel vm13, $0x1, v51;
	v8 =	vmul.f32 v8, v35;
	v9 =	vadd.f32 $3.333333430e-01, v9  }
0x317: {  	v10 =	vcvt.s32.f32 v10;
	v13 =	vadd.f32 v13, v13;
	v12 =	vadd.s32 v43, v42  }
0x318: {  	v12 =	vadd.s32 $0xFFFFFF81, v12;
	v8 =	vadd.f32 $1.000000000e+00, v8;
	v9 =	vmul.f32 v9, v20  }
0x319: {  	v6 =	vsub.f32 v44, v6;
	v10 =	vmul.f32 $6.931471820e-01, v10;
	v12 =	vcvt.s32.f32 v12  }
0x31a: {  	v8 =	vmul.f32 v8, v13;
	v14 =	vadd.f32 v14, v14;
	v9 =	vadd.f32 $1.000000000e+00, v9  }
0x31b: {  	v46 =	vld [tilespmem:s23+$0x6500];
	v47 =	vmul.f32 $5.000000000e-01, v7;
	v48 =	vand.u32 $0x7FFFFFFF, v7;
	v52 =	vmul.f32 $5.000000000e-01, v6  }
0x31c: {  	v45 =	vmul.f32 $6.931471820e-01, v12;
	v8 =	vadd.f32 v8, v10;
	v9 =	vmul.f32 v9, v14  }
0x31d: {  	v50 =	vld [tilespmem:s23+$0x6580];
	v53 =	vand.u32 $0x7FFFFFFF, v6;
	v49 =	vadd.f32 $-5.000000000e-01, v48;
	v7 =	vmul.f32 v47, v7  }
0x31e: {  	vm0 =	vlt.f32 v48, $1.000000000e+00;
	v8 =	vmul.f32 v8, v22;
	v9 =	vadd.f32 v9, v45  }
0x31f: {  	v54 =	vadd.f32 $-5.000000000e-01, v53;
	v6 =	vmul.f32 v52, v6;
	v7 =	vsel vm0, v7, v49  }
0x320: {  	vm0 =	vlt.f32 v53, $1.000000000e+00;
	v8 =	vsub.f32 v46, v8;
	v9 =	vmul.f32 v9, v22  }
0x321: {  	v4 =	vsub.f32 $0.0e+00, v4;
	v7 =	vnsel vm11, $0x0, v7;
	v6 =	vsel vm0, v6, v54  }
0x322: {  	v7 =	vadd.f32 v7, v56;
	v56 =	vmul.f32 $5.000000000e-01, v8;
	v9 =	vsub.f32 v50, v9  }
0x323: {  	v4 =	vmax.f32 v4, $0.0e+00;
	v6 =	vnsel vm11, $0x0, v6;
	v57 =	vand.u32 $0x7FFFFFFF, v8  }
0x324: {  	v58 =	vadd.f32 $-5.000000000e-01, v57;
	v8 =	vmul.f32 v56, v8;
	v59 =	vmul.f32 $5.000000000e-01, v9  }
0x325: {  	v6 =	vadd.f32 v6, v7;
	vm0 =	vlt.f32 v57, $1.000000000e+00;
	v61 =	vand.u32 $0x7FFFFFFF, v9  }
.Ltmp6:
0x326: {  	v60 =	vsel vm0, v8, v58;
	v62 =	vadd.f32 $-5.000000000e-01, v61;
	v9 =	vmul.f32 v59, v9;
	(pc) =	sbr.rel .LBB2_10-.Ltmp6, $4  }
0x327: {  	v4 =	vadd.f32 v5, v4;
	v7 =	vnsel vm11, $0x0, v60;
	vm0 =	vlt.f32 v61, $1.000000000e+00  }
0x328: {  	v5 =	vadd.f32 v7, v6;
	v63 =	vsel vm0, v9, v62  }
0x329: {  	v4 =	vnsel vm11, $0x0, v4;
	v6 =	vnsel vm11, $0x0, v63  }
0x32a: {  	v55 =	vadd.f32 v4, v55;
	v56 =	vadd.f32 v6, v5  }
.LBB2_11:
0x32b: {  	_ = 	snop  }
0x32c: {  	(xrf2) =	vadd.scan.msk.f32 $0xffff, v0;
	_ =	sdelay $0x9  }
0x32d: {  	v0, _, _ =	vpop (xrf2)  }
0x32e: {  	(v2sf) =	vpush v0, $0xF;
	_ =	sdelay $0xe  }
0x32f: {  	s18 =	spop (v2sf)  }
0x330: {  	s19 =	scvt.f32.s32 s18;
	_ =	sdelay $0x1  }
0x331: {  	s19 =	smul.u32 $0x3, s19;
	_ =	sdelay $0x1  }
0x332: {  	p0 =	sgt.s32 s19, $0x2  }
0x333: {  	s23 =	simm.s32 $0x0;
	s19 =	simm.s32 @!p0 $0x2  }
0x334: {  	s21 =	simm.s32 $0x7F000000;
	s22 =	simm.s32 $0x0;
	s19 =	smin.u32 s19, $0x18E6  }
.LBB2_12:
0x335: {  	s24 =	simm.s32 $0x13030  }
0x336: {  	s20 =	ssub.s32 s21, s23;
	v1 =	vld [tilespmem:s24+$0xFFFFFFD0]  }
0x337: {  	s20 =	sadd.s32 $0x1, s20;
	v2 =	vld [tilespmem:s24+$0xFFFFFFE0]  }
0x338: {  	v3 =	vld [tilespmem:s24+$0xFFFFFFF0];
	s20 =	sshra.s32 s20, $0x1  }
0x339: {  	v4 =	vld [tilespmem:s24+$0x0];
	s20 =	sadd.s32 s23, s20  }
0x33a: {  	v5 =	vld [tilespmem:s24+$0x10];
	v0 =	vmov s20  }
0x33b: {  	v6 =	vld [tilespmem:s24+$0x20];
	vm0 =	vge.s32 v1, v0  }
0x33c: {  	s25 =	simm.s32 $0x130A0;
	v7 =	vld [tilespmem:s24+$0x30];
	v1 =	vmpcnt.ones.xlane vm0;
	vm0 =	vge.s32 v2, v0  }
0x33d: {  	v8 =	vld [tilespmem:s25+$0xFFFFFFD0];
	v2 =	vimm.s32 $0x0;
	v9 =	vmpcnt.ones.xlane vm0;
	vm0 =	vge.s32 v3, v0  }
0x33e: {  	v10 =	vld [tilespmem:s25+$0xFFFFFFE0];
	v1 =	vadd.s32 v2, v1;
	v2 =	vmpcnt.ones.xlane vm0;
	vm0 =	vge.s32 v4, v0  }
0x33f: {  	v3 =	vld [tilespmem:s25+$0xFFFFFFF0];
	v4 =	vadd.s32 v9, v1;
	v9 =	vmpcnt.ones.xlane vm0;
	vm0 =	vge.s32 v5, v0  }
0x340: {  	v1 =	vld [tilespmem:s25+$0x0];
	v4 =	vadd.s32 v2, v4;
	v5 =	vmpcnt.ones.xlane vm0;
	vm0 =	vge.s32 v6, v0  }
0x341: {  	v2 =	vld [tilespmem:s25+$0x10];
	v6 =	vadd.s32 v9, v4;
	v9 =	vmpcnt.ones.xlane vm0;
	vm0 =	vge.s32 v7, v0  }
0x342: {  	vm2 =	vge.s32 v8, v0;
	v4 =	vld [tilespmem:s25+$0x20];
	v8 =	vadd.s32 v5, v6;
	v7 =	vmpcnt.ones.xlane vm0  }
0x343: {  	s24 =	simm.s32 $0x7;
	v6 =	vmpcnt.ones.xlane vm2;
	vm0 =	vge.s32 v10, v0;
	v5 =	vld [tilespmem:s25+$0x30];
	s25 =	simm.s32 $0x13110;
	v8 =	vadd.s32 v9, v8  }
.LBB2_13:
0x344: {  	v9 =	vld [tilespmem:s25+$0xFFFFFFD0];
	s24 =	sadd.s32 $0x7, s24;
	v10 =	vmpcnt.ones.xlane vm0;
	vm0 =	vge.s32 v3, v0;
	v3 =	vadd.s32 v7, v8  }
0x345: {  	v8 =	vld [tilespmem:s25+$0xFFFFFFE0];
	p0 =	slt.u32 s24, $0x188;
	v6 =	vadd.s32 v3, v6;
	v7 =	vmpcnt.ones.xlane vm0;
	vm0 =	vge.s32 v1, v0  }
.Ltmp7:
0x346: {  	v3 =	vld [tilespmem:s25+$0xFFFFFFF0];
	v6 =	vadd.s32 v10, v6;
	v10 =	vmpcnt.ones.xlane vm0;
	vm0 =	vge.s32 v2, v0;
	(pc) =	sbr.rel @p0 .LBB2_13-.Ltmp7, $4  }
0x347: {  	v1 =	vld [tilespmem:s25+$0x0];
	v6 =	vadd.s32 v7, v6;
	v7 =	vmpcnt.ones.xlane vm0;
	vm0 =	vge.s32 v4, v0  }
0x348: {  	v2 =	vld [tilespmem:s25+$0x10];
	v6 =	vadd.s32 v10, v6;
	v10 =	vmpcnt.ones.xlane vm0;
	vm0 =	vge.s32 v5, v0  }
0x349: {  	vm2 =	vge.s32 v9, v0;
	v4 =	vld [tilespmem:s25+$0x20];
	v9 =	vadd.s32 v7, v6;
	v7 =	vmpcnt.ones.xlane vm0  }
0x34a: {  	v6 =	vmpcnt.ones.xlane vm2;
	vm0 =	vge.s32 v8, v0;
	v5 =	vld [tilespmem:s25+$0x30];
	s25 =	sadd.s32 $0x70, s25;
	v8 =	vadd.s32 v10, v9  }
0x34b: {  	v9 =	vmpcnt.ones.xlane vm0;
	vm0 =	vge.s32 v3, v0;
	v57 =	vadd.s32 v7, v8  }
0x34c: {  	v3 =	vadd.s32 v57, v6;
	v58 =	vmpcnt.ones.xlane vm0;
	vm0 =	vge.s32 v1, v0  }
0x34d: {  	v59 =	vadd.s32 v9, v3;
	v60 =	vmpcnt.ones.xlane vm0;
	vm0 =	vge.s32 v2, v0  }
0x34e: {  	v1 =	vadd.s32 v58, v59;
	v2 =	vmpcnt.ones.xlane vm0;
	vm0 =	vge.s32 v4, v0  }
0x34f: {  	v1 =	vadd.s32 v60, v1;
	v61 =	vmpcnt.ones.xlane vm0;
	vm0 =	vge.s32 v5, v0  }
0x350: {  	v62 =	vadd.s32 v2, v1;
	v63 =	vmpcnt.ones.xlane vm0  }
0x351: {  	v0 =	vadd.s32 v61, v62  }
0x352: {  	v0 =	vadd.s32 v63, v0  }
0x353: {  	v0 =	vxor.u32 $0x80000000, v0  }
0x354: {  	(xrf0) =	vmax.scan.msk.u32 $0xffff, v0;
	_ =	sdelay $0x5  }
0x355: {  	v0, _, _ =	vpop (xrf0)  }
0x356: {  	(v2sf) =	vpush v0, $0xF;
	_ =	sdelay $0xc  }
0x357: {  	s22 =	sadd.s32 $0x1, s22  }
0x358: {  	p1 =	seq.s32 s22, $0x1F  }
.Ltmp8:
0x359: {  	s24 =	spop (v2sf);
	(pc) =	sbr.rel @!p1 .LBB2_12-.Ltmp8, $4  }
0x35a: {  	s24 =	sxor.u32 $0x80000000, s24  }
0x35b: {  	p0 =	slt.s32 s24, s19  }
0x35c: {  	s24 =	sadd.s32 $0xFFFFFFFF, s20;
	s20 =	smov.u32 @p0 s23  }
0x35d: {  	s21 =	smov.u32 @p0 s24;
	s23 =	smov.u32 s20  }
0x35e: {  	s21 =	simm.s32 $0x13030  }
0x35f: {  	v5 =	vld [tilespmem:s21+$0xFFFFFFD0];
	_ =	sdelay $0x1  }
0x360: {  	v6 =	vld [tilespmem:s21+$0xFFFFFFE0]  }
0x361: {  	v1 =	vld [tilespmem:s21+$0x30]  }
0x362: {  	v0 =	vmov s20;
	v7 =	vld [tilespmem:s21+$0xFFFFFFF0]  }
0x363: {  	v2 =	vld [tilespmem:s21+$0x20];
	vm0 =	vgt.s32 v5, v0  }
0x364: {  	v3 =	vimm.f32 $0.0e+00;
	v8 =	vld [tilespmem:s21+$0x0];
	v5 =	vnsel vm0, $0x0, v5  }
0x365: {  	vm2 =	vgt.s32 v6, v0;
	v5 =	vadd.f32 v5, v3  }
0x366: {  	v6 =	vnsel vm2, $0x0, v6;
	v3 =	vld [tilespmem:s21+$0x10]  }
0x367: {  	vm13 =	vgt.s32 v7, v0;
	v5 =	vadd.f32 v6, v5  }
0x368: {  	v4 =	vimm.s32 $0x0;
	vm11 =	vgt.s32 v1, v0;
	v6 =	vnsel vm13, $0x0, v7  }
0x369: {  	vm15 =	vgt.s32 v8, v0;
	vm12 =	vgt.s32 v2, v0;
	v7 =	vadd.f32 v6, v5  }
0x36a: {  	v8 =	vnsel vm15, $0x0, v8;
	v5 =	vsel vm0, $0x1, v51;
	v6 =	vsel vm2, $0x1, v51  }
0x36b: {  	s22 =	simm.s32 $0x130A0;
	s21 =	simm.s32 $0x0;
	vm14 =	vgt.s32 v3, v0;
	v5 =	vadd.s32 v5, v4;
	v4 =	vadd.f32 v8, v7  }
.LBB2_16:
0x36c: {  	v7 =	vld [tilespmem:s22+$0xFFFFFFD0];
	s21 =	sadd.s32 $0x7, s21;
	v5 =	vadd.s32 v6, v5;
	v6 =	vsel vm13, $0x1, v51;
	v3 =	vnsel vm14, $0x0, v3  }
0x36d: {  	p0 =	slt.u32 s21, $0x188;
	v5 =	vadd.s32 v6, v5;
	v6 =	vsel vm15, $0x1, v51;
	v3 =	vadd.f32 v3, v4  }
0x36e: {  	v2 =	vnsel vm12, $0x0, v2;
	v4 =	vld [tilespmem:s22+$0xFFFFFFE0];
	v5 =	vadd.s32 v6, v5;
	v6 =	vsel vm14, $0x1, v51  }
0x36f: {  	v8 =	vld [tilespmem:s22+$0x30];
	v5 =	vadd.s32 v6, v5;
	v6 =	vsel vm12, $0x1, v51;
	v3 =	vadd.f32 v2, v3  }
0x370: {  	v1 =	vnsel vm11, $0x0, v1;
	v9 =	vld [tilespmem:s22+$0xFFFFFFF0];
	v5 =	vadd.s32 v6, v5;
	v6 =	vsel vm11, $0x1, v51  }
0x371: {  	vm0 =	vgt.s32 v7, v0;
	v2 =	vld [tilespmem:s22+$0x20];
	v5 =	vadd.s32 v6, v5;
	v10 =	vadd.f32 v1, v3  }
0x372: {  	v3 =	vnsel vm0, $0x0, v7;
	v6 =	vld [tilespmem:s22+$0x0]  }
0x373: {  	v7 =	vadd.f32 v3, v10;
	vm2 =	vgt.s32 v4, v0;
	v3 =	vld [tilespmem:s22+$0x10]  }
0x374: {  	v4 =	vnsel vm2, $0x0, v4;
	v1 =	vmov v8  }
.Ltmp9:
0x375: {  	v4 =	vadd.f32 v4, v7;
	vm13 =	vgt.s32 v9, v0;
	(pc) =	sbr.rel @p0 .LBB2_16-.Ltmp9, $4  }
0x376: {  	vm11 =	vgt.s32 v1, v0;
	v7 =	vnsel vm13, $0x0, v9  }
0x377: {  	vm12 =	vgt.s32 v2, v0;
	v4 =	vadd.f32 v7, v4;
	vm15 =	vgt.s32 v6, v0  }
0x378: {  	v7 =	vsel vm0, $0x1, v51;
	v8 =	vnsel vm15, $0x0, v6;
	vm14 =	vgt.s32 v3, v0  }
0x379: {  	s22 =	sadd.s32 $0x70, s22;
	v5 =	vadd.s32 v7, v5;
	v6 =	vsel vm2, $0x1, v51;
	v4 =	vadd.f32 v8, v4  }
0x37a: {  	v0 =	vadd.s32 v6, v5;
	v53 =	vsel vm13, $0x1, v51;
	(xrf2) =	vadd.scan.msk.f32 $0xffff, v56  }
0x37b: {  	v3 =	vnsel vm14, $0x0, v3;
	v54 =	vsel vm15, $0x1, v51;
	v0 =	vadd.s32 v53, v0;
	(xrf2) =	vadd.scan.msk.f32 $0xffff, v55  }
0x37c: {  	v56 =	vsel vm14, $0x1, v51;
	v3 =	vadd.f32 v3, v4;
	v0 =	vadd.s32 v54, v0  }
0x37d: {  	v2 =	vnsel vm12, $0x0, v2;
	v57 =	vsel vm12, $0x1, v51;
	v0 =	vadd.s32 v56, v0  }
0x37e: {  	v58 =	vsel vm11, $0x1, v51;
	v2 =	vadd.f32 v2, v3;
	v0 =	vadd.s32 v57, v0  }
0x37f: {  	v1 =	vnsel vm11, $0x0, v1;
	v0 =	vadd.s32 v58, v0  }
0x380: {  	v1 =	vadd.f32 v1, v2;
	(xrf0) =	vadd.scan.msk.s32 $0xffff, v0;
	_ =	sdelay $0x1  }
0x381: {  	(xrf2) =	vadd.scan.msk.f32 $0xffff, v1;
	_ =	sdelay $0x1  }
0x382: {  	v59, _, _ =	vpop (xrf2)  }
0x383: {  	v60, _, _ =	vpop (xrf2)  }
0x384: {  	(v2sf) =	vpush v60, $0xF;
	v61, _, _ =	vpop (xrf0)  }
0x385: {  	(v2sf) =	vpush v61, $0xF;
	_ =	sdelay $0x4  }
0x386: {  	v62, _, _ =	vpop (xrf2)  }
0x387: {  	(v2sf) =	vpush v62, $0xF;
	_ =	sdelay $0x7  }
0x388: {  	s21 =	spop (v2sf)  }
0x389: {  	s22 =	spop (v2sf)  }
0x38a: {  	s23 =	ssub.s32 s19, s22  }
0x38b: {  	s23 =	scvt.s32.f32 s23;
	_ =	sdelay $0x1  }
0x38c: {  	s23 =	smul.f32 s23, s20  }
0x38d: {  	p0 =	sgt.s32 s20, $0x0  }
0x38e: {  	s31 =	spop (v2sf);
	s23 =	simm.s32 @!p0 $0x0  }
0x38f: {  	s20 =	sadd.f32 s23, s31  }
0x390: {  	s22 =	smov.u32 @p0 s19  }
0x391: {  	s19 =	scvt.s32.f32 s22;
	s20 =	sadd.f32 s20, s21  }
0x392: {  	_ = 	snop  }
0x393: {  	s18 =	sadd.f32 s19, s18;
	v63 =	vmov s20  }
0x394: {  	v0 =	vbroadcast v59, $0xF;
	v1 =	vnsel vm1, $0x0, v63  }
0x395: {  	vm0 =	vmmov $0x1;
	s17 =	sadd.s32 $0x1, s17;
	v1 =	vsel vm10, s18, v1  }
0x396: {  	p0 =	sne.s32 s17, s8;
	v0 =	vsel vm0, v0, v1  }
.Ltmp10:
0x397: {  	[tilespmem:$0x14900] =	vst v0;
	(pc) =	sbr.rel @p0 .LBB2_1-.Ltmp10, $4  }
0x398: {  	[hbm4b:s7+s1] =	stream.linear.scatter [tilespmem:s16], [sflag:$0x2], $0x80, $0x38;
	[tilespmem:$0x14980] =	vst v63  }
0x399: {  	_ =	swait.ge [sflag:s11], $0x80  }
0x39a: {  	[sflag:s11] =	ssyncset.done $0x0  }
0x39b: {  	[sflag:s11] =	ssyncadd.s32 $0xFFFFFF80  }
0x39c: {  	_ =	sfence.sel $0x180000  }
0x39d: {  	[bflag:$0x0] =	sbarrier.arrive $0xFFFF  }
0x39e: {  	p0 =	sne.s32 s2, $0x0;
	_ =	strace $0x90000047  }
0x39f: {  	s0 =	sadd.s32 @!p0 $0x100000, s0;
	[bflag:$0x2] =	sbarrier.arrive $0xFFFF  }
0x3a0: {  	[sflag:s0] =	ssyncadd.tile.s32 @!p0 $0x1;
	_ =	shalt  }
.Lfunc_end2:
_tile_overlayer_lowered:
.L_overlay_start_2:
0x3a1: {  	(tag) =	ssettag $0x2  }
0x3a2: {  	s0 =	rddreg [dreg:$0x0];
	s2 =	stileid.u32  }
0x3a3: {  	s1 =	rddreg [dreg:$0x1];
	p0 =	sne.s32 s2, $0x0  }
0x3a4: {  	s3 =	rddreg [dreg:$0x2];
	[bflag:$0x3] =	sbarrier.arrive $0xFFFF;
	s2 =	simm.s32 @!p0 $0x1C02  }
0x3a5: {  	[timem:s3], [sflag:s2] =	dma.local @!p0 [hbm:s0], s1  }
0x3a6: {  	s0 =	simm.s32 @!p0 $0x2  }
0x3a7: {  	_ =	swait.ge @!p0 [sflag:s0], s1  }
0x3a8: {  	s1 =	ssub.s32 @!p0 $0x0, s1;
	[sflag:s0] =	ssyncset.done @!p0 $0x0  }
0x3a9: {  	[sflag:s0] =	ssyncadd.s32 @!p0 s1  }
0x3aa: {  	[bflag:$0x3] =	sbarrier.arrive $0xFFFF  }
0x3ab: {  	_ =	shalt  }

</sc_bundles>
